<compile_context>
chip_gen: v7x
topology: tpu7x:2x2x1
jax: 0.10.2.dev20260603
libtpu: 0.0.44.dev20260713+nightly
codegen_flags: <defaults>
</compile_context>

<pallas_src>
import functools

import jax
import jax.numpy as jnp
from jax import lax
from jax.experimental import pallas as pl
from jax.experimental.pallas import tpu as pltpu
from jax.experimental.pallas import tpu_sc as plsc

NC = 2
NS = 16
L = 16
NW = NC * NS

ROWS = 4 * 8192
COLS = 1024
ROWS_W = ROWS // NW
RBLK = 8
NBLK = ROWS_W // RBLK
UNROLL = 8
NIN = 4
NOUT = 4

_mesh = plsc.VectorSubcoreMesh(core_axis_name="c", subcore_axis_name="s")


@functools.partial(
    pl.kernel,
    out_type=jax.ShapeDtypeStruct((ROWS, COLS), jnp.float32),
    mesh=_mesh,
    compiler_params=pltpu.CompilerParams(needs_layout_passes=False),
    scratch_types=[
        pltpu.VMEM((256,), jnp.float32),
        [pltpu.VMEM((RBLK, COLS), jnp.int32) for _ in range(NIN)],
        [pltpu.VMEM((RBLK, COLS), jnp.float32) for _ in range(NOUT)],
        pltpu.VMEM((L,), jnp.float32),
        pltpu.VMEM((L,), jnp.float32),
        [pltpu.SemaphoreType.DMA for _ in range(NIN)],
        [pltpu.SemaphoreType.DMA for _ in range(NOUT)],
    ],
)
def _sc_lut_kernel(data_hbm, scale_hbm, dscale_hbm, out_hbm,
                   table_v, idx_bufs, out_bufs, sv_v, dv_v,
                   in_sems, out_sems):
    wid = lax.axis_index("s") * NC + lax.axis_index("c")
    base = wid * ROWS_W

    pltpu.sync_copy(scale_hbm, sv_v)
    pltpu.sync_copy(dscale_hbm, dv_v)
    sv = sv_v[...]
    dv = dv_v[...]

    lane = lax.iota(jnp.int32, L)
    for i in range(256 // L):
        qx = (lane + (i * L - 128)).astype(jnp.float32)
        x = qx * dv
        y = 1.0 / (1.0 + jnp.exp(-x))
        t = y / sv
        q = jnp.minimum((t + 0.5).astype(jnp.int32), 127)
        table_v[pl.ds(i * L, L)] = q.astype(jnp.float32) * sv

    def start_in(slot, b):
        pltpu.async_copy(data_hbm.at[pl.ds(base + b * RBLK, RBLK), :],
                         idx_bufs[slot], in_sems[slot])

    for k in range(NIN):
        start_in(k, k)

    def quad_body(i, _):
        for k in range(NIN):
            b = NIN * i + k
            ko = k % NOUT
            ib, ob = idx_bufs[k], out_bufs[ko]
            pltpu.make_async_copy(data_hbm.at[pl.ds(0, RBLK), :], ib,
                                  in_sems[k]).wait()

            @pl.when(b >= NOUT)
            def _wait_out(ob=ob, ko=ko):
                pltpu.make_async_copy(ob, out_hbm.at[pl.ds(0, RBLK), :],
                                      out_sems[ko]).wait()

            def row_body(r, _, ib=ib, ob=ob):
                for g in range(COLS // (L * UNROLL)):
                    c0 = g * L * UNROLL
                    ids = [ib[r, pl.ds(c0 + u * L, L)]
                           for u in range(UNROLL)]
                    def arith(v):
                        qx = (v - 128).astype(jnp.float32)
                        x = qx * dv
                        y = 1.0 / (1.0 + jnp.exp(-x))
                        t = y / sv
                        q = jnp.minimum((t + 0.5).astype(jnp.int32), 127)
                        return q.astype(jnp.float32) * sv

                    if g == 0:
                        gs = [arith(v) for v in ids]
                    else:
                        gs = [plsc.load_gather(table_v, [v]) for v in ids]
                    for u in range(UNROLL):
                        ob[r, pl.ds(c0 + u * L, L)] = gs[u]
                return 0

            lax.fori_loop(0, RBLK, row_body, 0)

            pltpu.async_copy(ob, out_hbm.at[pl.ds(base + b * RBLK, RBLK), :],
                             out_sems[ko])

            @pl.when(b + NIN < NBLK)
            def _prefetch(k=k, b=b):
                start_in(k, b + NIN)
        return 0

    lax.fori_loop(0, NBLK // NIN, quad_body, 0)

    for ko in range(NOUT):
        pltpu.make_async_copy(out_bufs[ko], out_hbm.at[pl.ds(0, RBLK), :],
                              out_sems[ko]).wait()


def kernel(data, scale, data_scale):
    data2 = data.reshape(ROWS, COLS)
    s16 = jnp.broadcast_to(scale.astype(jnp.float32), (L,))
    d16 = jnp.broadcast_to(data_scale.astype(jnp.float32), (L,))
    out = _sc_lut_kernel(data2, s16, d16)
    return out.reshape(data.shape)

# --- scband reference (transcript-rebuilt; emitter-appended) ---
"""Pipeline reference for scband-multi-table-fit-15719580304098 (READ-ONLY COPY).

The authoritative reference and input builder live on the scoring server;
editing this copy changes nothing except your own understanding.
"""

import jax, jax.numpy as jnp
import numpy as np


def setup_inputs(seed: int = 0) -> dict:
    key = jax.random.key(seed)
    k1, k2, k3 = jax.random.split(key, 3)
    # quantized int representation stored offset-by-128 so values index the 256-entry table directly
    data = jax.random.randint(k1, (4, 8192, 1024), 0, 256, dtype=jnp.int32)
    scale = jax.random.uniform(k2, (1,), dtype=jnp.float32) * 0.01 + 0.001
    data_scale = jax.random.uniform(k3, (1,), dtype=jnp.float32) * 0.05 + 0.01
    return {"data": data, "scale": scale, "data_scale": data_scale}


def _build_table(data_scale, out_scale):
    # SingleTableGenerator: evaluate func (sigmoid) at every dequantized qint8 value
    # and requantize to the output scale (qint8 range).
    qx = jnp.arange(-128, 128, dtype=jnp.float32)
    x = qx * data_scale
    y = jax.nn.sigmoid(x)
    q = jnp.clip(jnp.round(y / out_scale), -128.0, 127.0)
    return q


def reference(data, scale, data_scale):
    ds = data_scale[0]
    s = scale[0]
    table = _build_table(ds, s)  # [256] LUT
    # lut(): gather table entries by the quantized int representation
    out_q = jnp.take(table, data, axis=0)
    # QTensor(out, scale, 'qint8') -> represent as dequantized float output
    out = out_q * s
    return out

if __name__ == "__main__":
    import jax
    _d = setup_inputs()
    print(jax.jit(kernel)(*tuple(_d.values())))

</pallas_src>

<mosaic_0001>
#map = affine_map<(d0, d1) -> (0, 0)>
#map1 = affine_map<(d0, d1) -> (0)>
module attributes {stable_mosaic.version = 14 : i64} {
  func.func @_sc_lut_kernel(%arg0: i32, %arg1: i32, %arg2: memref<32768x1024xi32, #tpu.memory_space<hbm>>, %arg3: memref<16xf32, #tpu.memory_space<hbm>>, %arg4: memref<16xf32, #tpu.memory_space<hbm>>, %arg5: memref<32768x1024xf32, #tpu.memory_space<hbm>>, %arg6: memref<256xf32, #tpu.memory_space<vmem>>, %arg7: memref<8x1024xi32, #tpu.memory_space<vmem>>, %arg8: memref<8x1024xi32, #tpu.memory_space<vmem>>, %arg9: memref<8x1024xi32, #tpu.memory_space<vmem>>, %arg10: memref<8x1024xi32, #tpu.memory_space<vmem>>, %arg11: memref<8x1024xf32, #tpu.memory_space<vmem>>, %arg12: memref<8x1024xf32, #tpu.memory_space<vmem>>, %arg13: memref<8x1024xf32, #tpu.memory_space<vmem>>, %arg14: memref<8x1024xf32, #tpu.memory_space<vmem>>, %arg15: memref<16xf32, #tpu.memory_space<vmem>>, %arg16: memref<16xf32, #tpu.memory_space<vmem>>, %arg17: memref<!tpu.dma_semaphore, #tpu.memory_space<semaphore_mem>>, %arg18: memref<!tpu.dma_semaphore, #tpu.memory_space<semaphore_mem>>, %arg19: memref<!tpu.dma_semaphore, #tpu.memory_space<semaphore_mem>>, %arg20: memref<!tpu.dma_semaphore, #tpu.memory_space<semaphore_mem>>, %arg21: memref<!tpu.dma_semaphore, #tpu.memory_space<semaphore_mem>>, %arg22: memref<!tpu.dma_semaphore, #tpu.memory_space<semaphore_mem>>, %arg23: memref<!tpu.dma_semaphore, #tpu.memory_space<semaphore_mem>>, %arg24: memref<!tpu.dma_semaphore, #tpu.memory_space<semaphore_mem>>) attributes {dimension_semantics = [#tpu.dimension_semantics<core_parallel>, #tpu.dimension_semantics<subcore_parallel>], iteration_bounds = array<i64: 2, 16>, scalar_prefetch = 0 : i64, scratch_operands = 19 : i64, tpu.core_type = #tpu.core_type<sc_vector_subcore>, window_params = [{transform_indices = #map}, {transform_indices = #map1}, {transform_indices = #map1}, {transform_indices = #map}]} {
    %mul3A = arith.constant 2 : i32
    %mul3A_0 = arith.muli %arg1, %mul3A : i32
    %add3A = arith.addi %mul3A_0, %arg0 : i32
    %mul3A_1 = arith.constant 1024 : i32
    %mul3A_2 = arith.muli %add3A, %mul3A_1 : i32
    "tpu.region"() ({
      %run_scoped3A = tpu.sem_alloc : memref<!tpu.dma_semaphore, #tpu.memory_space<semaphore_mem>>
      tpu.enqueue_dma source(%arg3 : memref<16xf32, #tpu.memory_space<hbm>>) target(%arg15 : memref<16xf32, #tpu.memory_space<vmem>>) target_semaphore(%run_scoped3A : memref<!tpu.dma_semaphore, #tpu.memory_space<semaphore_mem>>)
      tpu.wait_dma2 semaphore(%run_scoped3A : memref<!tpu.dma_semaphore, #tpu.memory_space<semaphore_mem>>) src(%arg3 : memref<16xf32, #tpu.memory_space<hbm>>) dst(%arg15 : memref<16xf32, #tpu.memory_space<vmem>>)
      tpu.yield
    }) : () -> ()
    "tpu.region"() ({
      %run_scoped3A = tpu.sem_alloc : memref<!tpu.dma_semaphore, #tpu.memory_space<semaphore_mem>>
      tpu.enqueue_dma source(%arg4 : memref<16xf32, #tpu.memory_space<hbm>>) target(%arg16 : memref<16xf32, #tpu.memory_space<vmem>>) target_semaphore(%run_scoped3A : memref<!tpu.dma_semaphore, #tpu.memory_space<semaphore_mem>>)
      tpu.wait_dma2 semaphore(%run_scoped3A : memref<!tpu.dma_semaphore, #tpu.memory_space<semaphore_mem>>) src(%arg4 : memref<16xf32, #tpu.memory_space<hbm>>) dst(%arg16 : memref<16xf32, #tpu.memory_space<vmem>>)
      tpu.yield
    }) : () -> ()
    %get3A = arith.constant 0 : index
    %get3A_3 = tpu.vector_load %arg15[%get3A] {strides = array<i32>} : memref<16xf32, #tpu.memory_space<vmem>>, vector<16xf32>,
    %get3A_4 = arith.constant 0 : index
    %get3A_5 = tpu.vector_load %arg16[%get3A_4] {strides = array<i32>} : memref<16xf32, #tpu.memory_space<vmem>>, vector<16xf32>,
    %iota3A = tpu.iota {dimensions = array<i32: 0>} : vector<16xi32>
    %add3A_6 = arith.constant -128 : i32
    %add3A_7 = vector.broadcast %add3A_6 : i32 to vector<16xi32>
    %add3A_8 = arith.addi %iota3A, %add3A_7 : vector<16xi32>
    %convert_element_type3A = arith.sitofp %add3A_8 : vector<16xi32> to vector<16xf32>
    %mul3A_9 = arith.mulf %convert_element_type3A, %get3A_5 : vector<16xf32>
    %neg3A = arith.constant 0.000000e+00 : f32
    %neg3A_10 = vector.broadcast %neg3A : f32 to vector<16xf32>
    %neg3A_11 = arith.subf %neg3A_10, %mul3A_9 : vector<16xf32>
    %exp3A = math.exp %neg3A_11 : vector<16xf32>
    %add3A_12 = arith.constant 1.000000e+00 : f32
    %add3A_13 = vector.broadcast %add3A_12 : f32 to vector<16xf32>
    %add3A_14 = arith.addf %add3A_13, %exp3A : vector<16xf32>
    %div3A = arith.constant 1.000000e+00 : f32
    %div3A_15 = vector.broadcast %div3A : f32 to vector<16xf32>
    %div3A_16 = arith.divf %div3A_15, %add3A_14 : vector<16xf32>
    %div3A_17 = arith.divf %div3A_16, %get3A_3 : vector<16xf32>
    %add3A_18 = arith.constant 5.000000e-01 : f32
    %add3A_19 = vector.broadcast %add3A_18 : f32 to vector<16xf32>
    %add3A_20 = arith.addf %div3A_17, %add3A_19 : vector<16xf32>
    %convert_element_type3A_21 = arith.fptosi %add3A_20 : vector<16xf32> to vector<16xi32>
    %min3A = arith.constant 127 : i32
    %min3A_22 = vector.broadcast %min3A : i32 to vector<16xi32>
    %min3A_23 = arith.minsi %convert_element_type3A_21, %min3A_22 : vector<16xi32>
    %convert_element_type3A_24 = arith.sitofp %min3A_23 : vector<16xi32> to vector<16xf32>
    %mul3A_25 = arith.mulf %convert_element_type3A_24, %get3A_3 : vector<16xf32>
    %swap3A = arith.constant 0 : index
    %swap3A_26 = tpu.vector_load %arg6[%swap3A] {strides = array<i32>} : memref<256xf32, #tpu.memory_space<vmem>>, vector<16xf32>,
    tpu.vector_store %arg6[%swap3A], %mul3A_25 {strides = array<i32>} : memref<256xf32, #tpu.memory_space<vmem>>, vector<16xf32>,
    %add3A_27 = arith.constant -112 : i32
    %add3A_28 = vector.broadcast %add3A_27 : i32 to vector<16xi32>
    %add3A_29 = arith.addi %iota3A, %add3A_28 : vector<16xi32>
    %convert_element_type3A_30 = arith.sitofp %add3A_29 : vector<16xi32> to vector<16xf32>
    %mul3A_31 = arith.mulf %convert_element_type3A_30, %get3A_5 : vector<16xf32>
    %neg3A_32 = arith.constant 0.000000e+00 : f32
    %neg3A_33 = vector.broadcast %neg3A_32 : f32 to vector<16xf32>
    %neg3A_34 = arith.subf %neg3A_33, %mul3A_31 : vector<16xf32>
    %exp3A_35 = math.exp %neg3A_34 : vector<16xf32>
    %add3A_36 = arith.constant 1.000000e+00 : f32
    %add3A_37 = vector.broadcast %add3A_36 : f32 to vector<16xf32>
    %add3A_38 = arith.addf %add3A_37, %exp3A_35 : vector<16xf32>
    %div3A_39 = arith.constant 1.000000e+00 : f32
    %div3A_40 = vector.broadcast %div3A_39 : f32 to vector<16xf32>
    %div3A_41 = arith.divf %div3A_40, %add3A_38 : vector<16xf32>
    %div3A_42 = arith.divf %div3A_41, %get3A_3 : vector<16xf32>
    %add3A_43 = arith.constant 5.000000e-01 : f32
    %add3A_44 = vector.broadcast %add3A_43 : f32 to vector<16xf32>
    %add3A_45 = arith.addf %div3A_42, %add3A_44 : vector<16xf32>
    %convert_element_type3A_46 = arith.fptosi %add3A_45 : vector<16xf32> to vector<16xi32>
    %min3A_47 = arith.constant 127 : i32
    %min3A_48 = vector.broadcast %min3A_47 : i32 to vector<16xi32>
    %min3A_49 = arith.minsi %convert_element_type3A_46, %min3A_48 : vector<16xi32>
    %convert_element_type3A_50 = arith.sitofp %min3A_49 : vector<16xi32> to vector<16xf32>
    %mul3A_51 = arith.mulf %convert_element_type3A_50, %get3A_3 : vector<16xf32>
    %swap3A_52 = arith.constant 16 : index
    %swap3A_53 = tpu.vector_load %arg6[%swap3A_52] {strides = array<i32>} : memref<256xf32, #tpu.memory_space<vmem>>, vector<16xf32>,
    tpu.vector_store %arg6[%swap3A_52], %mul3A_51 {strides = array<i32>} : memref<256xf32, #tpu.memory_space<vmem>>, vector<16xf32>,
    %add3A_54 = arith.constant -96 : i32
    %add3A_55 = vector.broadcast %add3A_54 : i32 to vector<16xi32>
    %add3A_56 = arith.addi %iota3A, %add3A_55 : vector<16xi32>
    %convert_element_type3A_57 = arith.sitofp %add3A_56 : vector<16xi32> to vector<16xf32>
    %mul3A_58 = arith.mulf %convert_element_type3A_57, %get3A_5 : vector<16xf32>
    %neg3A_59 = arith.constant 0.000000e+00 : f32
    %neg3A_60 = vector.broadcast %neg3A_59 : f32 to vector<16xf32>
    %neg3A_61 = arith.subf %neg3A_60, %mul3A_58 : vector<16xf32>
    %exp3A_62 = math.exp %neg3A_61 : vector<16xf32>
    %add3A_63 = arith.constant 1.000000e+00 : f32
    %add3A_64 = vector.broadcast %add3A_63 : f32 to vector<16xf32>
    %add3A_65 = arith.addf %add3A_64, %exp3A_62 : vector<16xf32>
    %div3A_66 = arith.constant 1.000000e+00 : f32
    %div3A_67 = vector.broadcast %div3A_66 : f32 to vector<16xf32>
    %div3A_68 = arith.divf %div3A_67, %add3A_65 : vector<16xf32>
    %div3A_69 = arith.divf %div3A_68, %get3A_3 : vector<16xf32>
    %add3A_70 = arith.constant 5.000000e-01 : f32
    %add3A_71 = vector.broadcast %add3A_70 : f32 to vector<16xf32>
    %add3A_72 = arith.addf %div3A_69, %add3A_71 : vector<16xf32>
    %convert_element_type3A_73 = arith.fptosi %add3A_72 : vector<16xf32> to vector<16xi32>
    %min3A_74 = arith.constant 127 : i32
    %min3A_75 = vector.broadcast %min3A_74 : i32 to vector<16xi32>
    %min3A_76 = arith.minsi %convert_element_type3A_73, %min3A_75 : vector<16xi32>
    %convert_element_type3A_77 = arith.sitofp %min3A_76 : vector<16xi32> to vector<16xf32>
    %mul3A_78 = arith.mulf %convert_element_type3A_77, %get3A_3 : vector<16xf32>
    %swap3A_79 = arith.constant 32 : index
    %swap3A_80 = tpu.vector_load %arg6[%swap3A_79] {strides = array<i32>} : memref<256xf32, #tpu.memory_space<vmem>>, vector<16xf32>,
    tpu.vector_store %arg6[%swap3A_79], %mul3A_78 {strides = array<i32>} : memref<256xf32, #tpu.memory_space<vmem>>, vector<16xf32>,
    %add3A_81 = arith.constant -80 : i32
    %add3A_82 = vector.broadcast %add3A_81 : i32 to vector<16xi32>
    %add3A_83 = arith.addi %iota3A, %add3A_82 : vector<16xi32>
    %convert_element_type3A_84 = arith.sitofp %add3A_83 : vector<16xi32> to vector<16xf32>
    %mul3A_85 = arith.mulf %convert_element_type3A_84, %get3A_5 : vector<16xf32>
    %neg3A_86 = arith.constant 0.000000e+00 : f32
    %neg3A_87 = vector.broadcast %neg3A_86 : f32 to vector<16xf32>
    %neg3A_88 = arith.subf %neg3A_87, %mul3A_85 : vector<16xf32>
    %exp3A_89 = math.exp %neg3A_88 : vector<16xf32>
    %add3A_90 = arith.constant 1.000000e+00 : f32
    %add3A_91 = vector.broadcast %add3A_90 : f32 to vector<16xf32>
    %add3A_92 = arith.addf %add3A_91, %exp3A_89 : vector<16xf32>
    %div3A_93 = arith.constant 1.000000e+00 : f32
    %div3A_94 = vector.broadcast %div3A_93 : f32 to vector<16xf32>
    %div3A_95 = arith.divf %div3A_94, %add3A_92 : vector<16xf32>
    %div3A_96 = arith.divf %div3A_95, %get3A_3 : vector<16xf32>
    %add3A_97 = arith.constant 5.000000e-01 : f32
    %add3A_98 = vector.broadcast %add3A_97 : f32 to vector<16xf32>
    %add3A_99 = arith.addf %div3A_96, %add3A_98 : vector<16xf32>
    %convert_element_type3A_100 = arith.fptosi %add3A_99 : vector<16xf32> to vector<16xi32>
    %min3A_101 = arith.constant 127 : i32
    %min3A_102 = vector.broadcast %min3A_101 : i32 to vector<16xi32>
    %min3A_103 = arith.minsi %convert_element_type3A_100, %min3A_102 : vector<16xi32>
    %convert_element_type3A_104 = arith.sitofp %min3A_103 : vector<16xi32> to vector<16xf32>
    %mul3A_105 = arith.mulf %convert_element_type3A_104, %get3A_3 : vector<16xf32>
    %swap3A_106 = arith.constant 48 : index
    %swap3A_107 = tpu.vector_load %arg6[%swap3A_106] {strides = array<i32>} : memref<256xf32, #tpu.memory_space<vmem>>, vector<16xf32>,
    tpu.vector_store %arg6[%swap3A_106], %mul3A_105 {strides = array<i32>} : memref<256xf32, #tpu.memory_space<vmem>>, vector<16xf32>,
    %add3A_108 = arith.constant -64 : i32
    %add3A_109 = vector.broadcast %add3A_108 : i32 to vector<16xi32>
    %add3A_110 = arith.addi %iota3A, %add3A_109 : vector<16xi32>
    %convert_element_type3A_111 = arith.sitofp %add3A_110 : vector<16xi32> to vector<16xf32>
    %mul3A_112 = arith.mulf %convert_element_type3A_111, %get3A_5 : vector<16xf32>
    %neg3A_113 = arith.constant 0.000000e+00 : f32
    %neg3A_114 = vector.broadcast %neg3A_113 : f32 to vector<16xf32>
    %neg3A_115 = arith.subf %neg3A_114, %mul3A_112 : vector<16xf32>
    %exp3A_116 = math.exp %neg3A_115 : vector<16xf32>
    %add3A_117 = arith.constant 1.000000e+00 : f32
    %add3A_118 = vector.broadcast %add3A_117 : f32 to vector<16xf32>
    %add3A_119 = arith.addf %add3A_118, %exp3A_116 : vector<16xf32>
    %div3A_120 = arith.constant 1.000000e+00 : f32
    %div3A_121 = vector.broadcast %div3A_120 : f32 to vector<16xf32>
    %div3A_122 = arith.divf %div3A_121, %add3A_119 : vector<16xf32>
    %div3A_123 = arith.divf %div3A_122, %get3A_3 : vector<16xf32>
    %add3A_124 = arith.constant 5.000000e-01 : f32
    %add3A_125 = vector.broadcast %add3A_124 : f32 to vector<16xf32>
    %add3A_126 = arith.addf %div3A_123, %add3A_125 : vector<16xf32>
    %convert_element_type3A_127 = arith.fptosi %add3A_126 : vector<16xf32> to vector<16xi32>
    %min3A_128 = arith.constant 127 : i32
    %min3A_129 = vector.broadcast %min3A_128 : i32 to vector<16xi32>
    %min3A_130 = arith.minsi %convert_element_type3A_127, %min3A_129 : vector<16xi32>
    %convert_element_type3A_131 = arith.sitofp %min3A_130 : vector<16xi32> to vector<16xf32>
    %mul3A_132 = arith.mulf %convert_element_type3A_131, %get3A_3 : vector<16xf32>
    %swap3A_133 = arith.constant 64 : index
    %swap3A_134 = tpu.vector_load %arg6[%swap3A_133] {strides = array<i32>} : memref<256xf32, #tpu.memory_space<vmem>>, vector<16xf32>,
    tpu.vector_store %arg6[%swap3A_133], %mul3A_132 {strides = array<i32>} : memref<256xf32, #tpu.memory_space<vmem>>, vector<16xf32>,
    %add3A_135 = arith.constant -48 : i32
    %add3A_136 = vector.broadcast %add3A_135 : i32 to vector<16xi32>
    %add3A_137 = arith.addi %iota3A, %add3A_136 : vector<16xi32>
    %convert_element_type3A_138 = arith.sitofp %add3A_137 : vector<16xi32> to vector<16xf32>
    %mul3A_139 = arith.mulf %convert_element_type3A_138, %get3A_5 : vector<16xf32>
    %neg3A_140 = arith.constant 0.000000e+00 : f32
    %neg3A_141 = vector.broadcast %neg3A_140 : f32 to vector<16xf32>
    %neg3A_142 = arith.subf %neg3A_141, %mul3A_139 : vector<16xf32>
    %exp3A_143 = math.exp %neg3A_142 : vector<16xf32>
    %add3A_144 = arith.constant 1.000000e+00 : f32
    %add3A_145 = vector.broadcast %add3A_144 : f32 to vector<16xf32>
    %add3A_146 = arith.addf %add3A_145, %exp3A_143 : vector<16xf32>
    %div3A_147 = arith.constant 1.000000e+00 : f32
    %div3A_148 = vector.broadcast %div3A_147 : f32 to vector<16xf32>
    %div3A_149 = arith.divf %div3A_148, %add3A_146 : vector<16xf32>
    %div3A_150 = arith.divf %div3A_149, %get3A_3 : vector<16xf32>
    %add3A_151 = arith.constant 5.000000e-01 : f32
    %add3A_152 = vector.broadcast %add3A_151 : f32 to vector<16xf32>
    %add3A_153 = arith.addf %div3A_150, %add3A_152 : vector<16xf32>
    %convert_element_type3A_154 = arith.fptosi %add3A_153 : vector<16xf32> to vector<16xi32>
    %min3A_155 = arith.constant 127 : i32
    %min3A_156 = vector.broadcast %min3A_155 : i32 to vector<16xi32>
    %min3A_157 = arith.minsi %convert_element_type3A_154, %min3A_156 : vector<16xi32>
    %convert_element_type3A_158 = arith.sitofp %min3A_157 : vector<16xi32> to vector<16xf32>
    %mul3A_159 = arith.mulf %convert_element_type3A_158, %get3A_3 : vector<16xf32>
    %swap3A_160 = arith.constant 80 : index
    %swap3A_161 = tpu.vector_load %arg6[%swap3A_160] {strides = array<i32>} : memref<256xf32, #tpu.memory_space<vmem>>, vector<16xf32>,
    tpu.vector_store %arg6[%swap3A_160], %mul3A_159 {strides = array<i32>} : memref<256xf32, #tpu.memory_space<vmem>>, vector<16xf32>,
    %add3A_162 = arith.constant -32 : i32
    %add3A_163 = vector.broadcast %add3A_162 : i32 to vector<16xi32>
    %add3A_164 = arith.addi %iota3A, %add3A_163 : vector<16xi32>
    %convert_element_type3A_165 = arith.sitofp %add3A_164 : vector<16xi32> to vector<16xf32>
    %mul3A_166 = arith.mulf %convert_element_type3A_165, %get3A_5 : vector<16xf32>
    %neg3A_167 = arith.constant 0.000000e+00 : f32
    %neg3A_168 = vector.broadcast %neg3A_167 : f32 to vector<16xf32>
    %neg3A_169 = arith.subf %neg3A_168, %mul3A_166 : vector<16xf32>
    %exp3A_170 = math.exp %neg3A_169 : vector<16xf32>
    %add3A_171 = arith.constant 1.000000e+00 : f32
    %add3A_172 = vector.broadcast %add3A_171 : f32 to vector<16xf32>
    %add3A_173 = arith.addf %add3A_172, %exp3A_170 : vector<16xf32>
    %div3A_174 = arith.constant 1.000000e+00 : f32
    %div3A_175 = vector.broadcast %div3A_174 : f32 to vector<16xf32>
    %div3A_176 = arith.divf %div3A_175, %add3A_173 : vector<16xf32>
    %div3A_177 = arith.divf %div3A_176, %get3A_3 : vector<16xf32>
    %add3A_178 = arith.constant 5.000000e-01 : f32
    %add3A_179 = vector.broadcast %add3A_178 : f32 to vector<16xf32>
    %add3A_180 = arith.addf %div3A_177, %add3A_179 : vector<16xf32>
    %convert_element_type3A_181 = arith.fptosi %add3A_180 : vector<16xf32> to vector<16xi32>
    %min3A_182 = arith.constant 127 : i32
    %min3A_183 = vector.broadcast %min3A_182 : i32 to vector<16xi32>
    %min3A_184 = arith.minsi %convert_element_type3A_181, %min3A_183 : vector<16xi32>
    %convert_element_type3A_185 = arith.sitofp %min3A_184 : vector<16xi32> to vector<16xf32>
    %mul3A_186 = arith.mulf %convert_element_type3A_185, %get3A_3 : vector<16xf32>
    %swap3A_187 = arith.constant 96 : index
    %swap3A_188 = tpu.vector_load %arg6[%swap3A_187] {strides = array<i32>} : memref<256xf32, #tpu.memory_space<vmem>>, vector<16xf32>,
    tpu.vector_store %arg6[%swap3A_187], %mul3A_186 {strides = array<i32>} : memref<256xf32, #tpu.memory_space<vmem>>, vector<16xf32>,
    %add3A_189 = arith.constant -16 : i32
    %add3A_190 = vector.broadcast %add3A_189 : i32 to vector<16xi32>
    %add3A_191 = arith.addi %iota3A, %add3A_190 : vector<16xi32>
    %convert_element_type3A_192 = arith.sitofp %add3A_191 : vector<16xi32> to vector<16xf32>
    %mul3A_193 = arith.mulf %convert_element_type3A_192, %get3A_5 : vector<16xf32>
    %neg3A_194 = arith.constant 0.000000e+00 : f32
    %neg3A_195 = vector.broadcast %neg3A_194 : f32 to vector<16xf32>
    %neg3A_196 = arith.subf %neg3A_195, %mul3A_193 : vector<16xf32>
    %exp3A_197 = math.exp %neg3A_196 : vector<16xf32>
    %add3A_198 = arith.constant 1.000000e+00 : f32
    %add3A_199 = vector.broadcast %add3A_198 : f32 to vector<16xf32>
    %add3A_200 = arith.addf %add3A_199, %exp3A_197 : vector<16xf32>
    %div3A_201 = arith.constant 1.000000e+00 : f32
    %div3A_202 = vector.broadcast %div3A_201 : f32 to vector<16xf32>
    %div3A_203 = arith.divf %div3A_202, %add3A_200 : vector<16xf32>
    %div3A_204 = arith.divf %div3A_203, %get3A_3 : vector<16xf32>
    %add3A_205 = arith.constant 5.000000e-01 : f32
    %add3A_206 = vector.broadcast %add3A_205 : f32 to vector<16xf32>
    %add3A_207 = arith.addf %div3A_204, %add3A_206 : vector<16xf32>
    %convert_element_type3A_208 = arith.fptosi %add3A_207 : vector<16xf32> to vector<16xi32>
    %min3A_209 = arith.constant 127 : i32
    %min3A_210 = vector.broadcast %min3A_209 : i32 to vector<16xi32>
    %min3A_211 = arith.minsi %convert_element_type3A_208, %min3A_210 : vector<16xi32>
    %convert_element_type3A_212 = arith.sitofp %min3A_211 : vector<16xi32> to vector<16xf32>
    %mul3A_213 = arith.mulf %convert_element_type3A_212, %get3A_3 : vector<16xf32>
    %swap3A_214 = arith.constant 112 : index
    %swap3A_215 = tpu.vector_load %arg6[%swap3A_214] {strides = array<i32>} : memref<256xf32, #tpu.memory_space<vmem>>, vector<16xf32>,
    tpu.vector_store %arg6[%swap3A_214], %mul3A_213 {strides = array<i32>} : memref<256xf32, #tpu.memory_space<vmem>>, vector<16xf32>,
    %add3A_216 = arith.constant 0 : i32
    %add3A_217 = vector.broadcast %add3A_216 : i32 to vector<16xi32>
    %add3A_218 = arith.addi %iota3A, %add3A_217 : vector<16xi32>
    %convert_element_type3A_219 = arith.sitofp %add3A_218 : vector<16xi32> to vector<16xf32>
    %mul3A_220 = arith.mulf %convert_element_type3A_219, %get3A_5 : vector<16xf32>
    %neg3A_221 = arith.constant 0.000000e+00 : f32
    %neg3A_222 = vector.broadcast %neg3A_221 : f32 to vector<16xf32>
    %neg3A_223 = arith.subf %neg3A_222, %mul3A_220 : vector<16xf32>
    %exp3A_224 = math.exp %neg3A_223 : vector<16xf32>
    %add3A_225 = arith.constant 1.000000e+00 : f32
    %add3A_226 = vector.broadcast %add3A_225 : f32 to vector<16xf32>
    %add3A_227 = arith.addf %add3A_226, %exp3A_224 : vector<16xf32>
    %div3A_228 = arith.constant 1.000000e+00 : f32
    %div3A_229 = vector.broadcast %div3A_228 : f32 to vector<16xf32>
    %div3A_230 = arith.divf %div3A_229, %add3A_227 : vector<16xf32>
    %div3A_231 = arith.divf %div3A_230, %get3A_3 : vector<16xf32>
    %add3A_232 = arith.constant 5.000000e-01 : f32
    %add3A_233 = vector.broadcast %add3A_232 : f32 to vector<16xf32>
    %add3A_234 = arith.addf %div3A_231, %add3A_233 : vector<16xf32>
    %convert_element_type3A_235 = arith.fptosi %add3A_234 : vector<16xf32> to vector<16xi32>
    %min3A_236 = arith.constant 127 : i32
    %min3A_237 = vector.broadcast %min3A_236 : i32 to vector<16xi32>
    %min3A_238 = arith.minsi %convert_element_type3A_235, %min3A_237 : vector<16xi32>
    %convert_element_type3A_239 = arith.sitofp %min3A_238 : vector<16xi32> to vector<16xf32>
    %mul3A_240 = arith.mulf %convert_element_type3A_239, %get3A_3 : vector<16xf32>
    %swap3A_241 = arith.constant 128 : index
    %swap3A_242 = tpu.vector_load %arg6[%swap3A_241] {strides = array<i32>} : memref<256xf32, #tpu.memory_space<vmem>>, vector<16xf32>,
    tpu.vector_store %arg6[%swap3A_241], %mul3A_240 {strides = array<i32>} : memref<256xf32, #tpu.memory_space<vmem>>, vector<16xf32>,
    %add3A_243 = arith.constant 16 : i32
    %add3A_244 = vector.broadcast %add3A_243 : i32 to vector<16xi32>
    %add3A_245 = arith.addi %iota3A, %add3A_244 : vector<16xi32>
    %convert_element_type3A_246 = arith.sitofp %add3A_245 : vector<16xi32> to vector<16xf32>
    %mul3A_247 = arith.mulf %convert_element_type3A_246, %get3A_5 : vector<16xf32>
    %neg3A_248 = arith.constant 0.000000e+00 : f32
    %neg3A_249 = vector.broadcast %neg3A_248 : f32 to vector<16xf32>
    %neg3A_250 = arith.subf %neg3A_249, %mul3A_247 : vector<16xf32>
    %exp3A_251 = math.exp %neg3A_250 : vector<16xf32>
    %add3A_252 = arith.constant 1.000000e+00 : f32
    %add3A_253 = vector.broadcast %add3A_252 : f32 to vector<16xf32>
    %add3A_254 = arith.addf %add3A_253, %exp3A_251 : vector<16xf32>
    %div3A_255 = arith.constant 1.000000e+00 : f32
    %div3A_256 = vector.broadcast %div3A_255 : f32 to vector<16xf32>
    %div3A_257 = arith.divf %div3A_256, %add3A_254 : vector<16xf32>
    %div3A_258 = arith.divf %div3A_257, %get3A_3 : vector<16xf32>
    %add3A_259 = arith.constant 5.000000e-01 : f32
    %add3A_260 = vector.broadcast %add3A_259 : f32 to vector<16xf32>
    %add3A_261 = arith.addf %div3A_258, %add3A_260 : vector<16xf32>
    %convert_element_type3A_262 = arith.fptosi %add3A_261 : vector<16xf32> to vector<16xi32>
    %min3A_263 = arith.constant 127 : i32
    %min3A_264 = vector.broadcast %min3A_263 : i32 to vector<16xi32>
    %min3A_265 = arith.minsi %convert_element_type3A_262, %min3A_264 : vector<16xi32>
    %convert_element_type3A_266 = arith.sitofp %min3A_265 : vector<16xi32> to vector<16xf32>
    %mul3A_267 = arith.mulf %convert_element_type3A_266, %get3A_3 : vector<16xf32>
    %swap3A_268 = arith.constant 144 : index
    %swap3A_269 = tpu.vector_load %arg6[%swap3A_268] {strides = array<i32>} : memref<256xf32, #tpu.memory_space<vmem>>, vector<16xf32>,
    tpu.vector_store %arg6[%swap3A_268], %mul3A_267 {strides = array<i32>} : memref<256xf32, #tpu.memory_space<vmem>>, vector<16xf32>,
    %add3A_270 = arith.constant 32 : i32
    %add3A_271 = vector.broadcast %add3A_270 : i32 to vector<16xi32>
    %add3A_272 = arith.addi %iota3A, %add3A_271 : vector<16xi32>
    %convert_element_type3A_273 = arith.sitofp %add3A_272 : vector<16xi32> to vector<16xf32>
    %mul3A_274 = arith.mulf %convert_element_type3A_273, %get3A_5 : vector<16xf32>
    %neg3A_275 = arith.constant 0.000000e+00 : f32
    %neg3A_276 = vector.broadcast %neg3A_275 : f32 to vector<16xf32>
    %neg3A_277 = arith.subf %neg3A_276, %mul3A_274 : vector<16xf32>
    %exp3A_278 = math.exp %neg3A_277 : vector<16xf32>
    %add3A_279 = arith.constant 1.000000e+00 : f32
    %add3A_280 = vector.broadcast %add3A_279 : f32 to vector<16xf32>
    %add3A_281 = arith.addf %add3A_280, %exp3A_278 : vector<16xf32>
    %div3A_282 = arith.constant 1.000000e+00 : f32
    %div3A_283 = vector.broadcast %div3A_282 : f32 to vector<16xf32>
    %div3A_284 = arith.divf %div3A_283, %add3A_281 : vector<16xf32>
    %div3A_285 = arith.divf %div3A_284, %get3A_3 : vector<16xf32>
    %add3A_286 = arith.constant 5.000000e-01 : f32
    %add3A_287 = vector.broadcast %add3A_286 : f32 to vector<16xf32>
    %add3A_288 = arith.addf %div3A_285, %add3A_287 : vector<16xf32>
    %convert_element_type3A_289 = arith.fptosi %add3A_288 : vector<16xf32> to vector<16xi32>
    %min3A_290 = arith.constant 127 : i32
    %min3A_291 = vector.broadcast %min3A_290 : i32 to vector<16xi32>
    %min3A_292 = arith.minsi %convert_element_type3A_289, %min3A_291 : vector<16xi32>
    %convert_element_type3A_293 = arith.sitofp %min3A_292 : vector<16xi32> to vector<16xf32>
    %mul3A_294 = arith.mulf %convert_element_type3A_293, %get3A_3 : vector<16xf32>
    %swap3A_295 = arith.constant 160 : index
    %swap3A_296 = tpu.vector_load %arg6[%swap3A_295] {strides = array<i32>} : memref<256xf32, #tpu.memory_space<vmem>>, vector<16xf32>,
    tpu.vector_store %arg6[%swap3A_295], %mul3A_294 {strides = array<i32>} : memref<256xf32, #tpu.memory_space<vmem>>, vector<16xf32>,
    %add3A_297 = arith.constant 48 : i32
    %add3A_298 = vector.broadcast %add3A_297 : i32 to vector<16xi32>
    %add3A_299 = arith.addi %iota3A, %add3A_298 : vector<16xi32>
    %convert_element_type3A_300 = arith.sitofp %add3A_299 : vector<16xi32> to vector<16xf32>
    %mul3A_301 = arith.mulf %convert_element_type3A_300, %get3A_5 : vector<16xf32>
    %neg3A_302 = arith.constant 0.000000e+00 : f32
    %neg3A_303 = vector.broadcast %neg3A_302 : f32 to vector<16xf32>
    %neg3A_304 = arith.subf %neg3A_303, %mul3A_301 : vector<16xf32>
    %exp3A_305 = math.exp %neg3A_304 : vector<16xf32>
    %add3A_306 = arith.constant 1.000000e+00 : f32
    %add3A_307 = vector.broadcast %add3A_306 : f32 to vector<16xf32>
    %add3A_308 = arith.addf %add3A_307, %exp3A_305 : vector<16xf32>
    %div3A_309 = arith.constant 1.000000e+00 : f32
    %div3A_310 = vector.broadcast %div3A_309 : f32 to vector<16xf32>
    %div3A_311 = arith.divf %div3A_310, %add3A_308 : vector<16xf32>
    %div3A_312 = arith.divf %div3A_311, %get3A_3 : vector<16xf32>
    %add3A_313 = arith.constant 5.000000e-01 : f32
    %add3A_314 = vector.broadcast %add3A_313 : f32 to vector<16xf32>
    %add3A_315 = arith.addf %div3A_312, %add3A_314 : vector<16xf32>
    %convert_element_type3A_316 = arith.fptosi %add3A_315 : vector<16xf32> to vector<16xi32>
    %min3A_317 = arith.constant 127 : i32
    %min3A_318 = vector.broadcast %min3A_317 : i32 to vector<16xi32>
    %min3A_319 = arith.minsi %convert_element_type3A_316, %min3A_318 : vector<16xi32>
    %convert_element_type3A_320 = arith.sitofp %min3A_319 : vector<16xi32> to vector<16xf32>
    %mul3A_321 = arith.mulf %convert_element_type3A_320, %get3A_3 : vector<16xf32>
    %swap3A_322 = arith.constant 176 : index
    %swap3A_323 = tpu.vector_load %arg6[%swap3A_322] {strides = array<i32>} : memref<256xf32, #tpu.memory_space<vmem>>, vector<16xf32>,
    tpu.vector_store %arg6[%swap3A_322], %mul3A_321 {strides = array<i32>} : memref<256xf32, #tpu.memory_space<vmem>>, vector<16xf32>,
    %add3A_324 = arith.constant 64 : i32
    %add3A_325 = vector.broadcast %add3A_324 : i32 to vector<16xi32>
    %add3A_326 = arith.addi %iota3A, %add3A_325 : vector<16xi32>
    %convert_element_type3A_327 = arith.sitofp %add3A_326 : vector<16xi32> to vector<16xf32>
    %mul3A_328 = arith.mulf %convert_element_type3A_327, %get3A_5 : vector<16xf32>
    %neg3A_329 = arith.constant 0.000000e+00 : f32
    %neg3A_330 = vector.broadcast %neg3A_329 : f32 to vector<16xf32>
    %neg3A_331 = arith.subf %neg3A_330, %mul3A_328 : vector<16xf32>
    %exp3A_332 = math.exp %neg3A_331 : vector<16xf32>
    %add3A_333 = arith.constant 1.000000e+00 : f32
    %add3A_334 = vector.broadcast %add3A_333 : f32 to vector<16xf32>
    %add3A_335 = arith.addf %add3A_334, %exp3A_332 : vector<16xf32>
    %div3A_336 = arith.constant 1.000000e+00 : f32
    %div3A_337 = vector.broadcast %div3A_336 : f32 to vector<16xf32>
    %div3A_338 = arith.divf %div3A_337, %add3A_335 : vector<16xf32>
    %div3A_339 = arith.divf %div3A_338, %get3A_3 : vector<16xf32>
    %add3A_340 = arith.constant 5.000000e-01 : f32
    %add3A_341 = vector.broadcast %add3A_340 : f32 to vector<16xf32>
    %add3A_342 = arith.addf %div3A_339, %add3A_341 : vector<16xf32>
    %convert_element_type3A_343 = arith.fptosi %add3A_342 : vector<16xf32> to vector<16xi32>
    %min3A_344 = arith.constant 127 : i32
    %min3A_345 = vector.broadcast %min3A_344 : i32 to vector<16xi32>
    %min3A_346 = arith.minsi %convert_element_type3A_343, %min3A_345 : vector<16xi32>
    %convert_element_type3A_347 = arith.sitofp %min3A_346 : vector<16xi32> to vector<16xf32>
    %mul3A_348 = arith.mulf %convert_element_type3A_347, %get3A_3 : vector<16xf32>
    %swap3A_349 = arith.constant 192 : index
    %swap3A_350 = tpu.vector_load %arg6[%swap3A_349] {strides = array<i32>} : memref<256xf32, #tpu.memory_space<vmem>>, vector<16xf32>,
    tpu.vector_store %arg6[%swap3A_349], %mul3A_348 {strides = array<i32>} : memref<256xf32, #tpu.memory_space<vmem>>, vector<16xf32>,
    %add3A_351 = arith.constant 80 : i32
    %add3A_352 = vector.broadcast %add3A_351 : i32 to vector<16xi32>
    %add3A_353 = arith.addi %iota3A, %add3A_352 : vector<16xi32>
    %convert_element_type3A_354 = arith.sitofp %add3A_353 : vector<16xi32> to vector<16xf32>
    %mul3A_355 = arith.mulf %convert_element_type3A_354, %get3A_5 : vector<16xf32>
    %neg3A_356 = arith.constant 0.000000e+00 : f32
    %neg3A_357 = vector.broadcast %neg3A_356 : f32 to vector<16xf32>
    %neg3A_358 = arith.subf %neg3A_357, %mul3A_355 : vector<16xf32>
    %exp3A_359 = math.exp %neg3A_358 : vector<16xf32>
    %add3A_360 = arith.constant 1.000000e+00 : f32
    %add3A_361 = vector.broadcast %add3A_360 : f32 to vector<16xf32>
    %add3A_362 = arith.addf %add3A_361, %exp3A_359 : vector<16xf32>
    %div3A_363 = arith.constant 1.000000e+00 : f32
    %div3A_364 = vector.broadcast %div3A_363 : f32 to vector<16xf32>
    %div3A_365 = arith.divf %div3A_364, %add3A_362 : vector<16xf32>
    %div3A_366 = arith.divf %div3A_365, %get3A_3 : vector<16xf32>
    %add3A_367 = arith.constant 5.000000e-01 : f32
    %add3A_368 = vector.broadcast %add3A_367 : f32 to vector<16xf32>
    %add3A_369 = arith.addf %div3A_366, %add3A_368 : vector<16xf32>
    %convert_element_type3A_370 = arith.fptosi %add3A_369 : vector<16xf32> to vector<16xi32>
    %min3A_371 = arith.constant 127 : i32
    %min3A_372 = vector.broadcast %min3A_371 : i32 to vector<16xi32>
    %min3A_373 = arith.minsi %convert_element_type3A_370, %min3A_372 : vector<16xi32>
    %convert_element_type3A_374 = arith.sitofp %min3A_373 : vector<16xi32> to vector<16xf32>
    %mul3A_375 = arith.mulf %convert_element_type3A_374, %get3A_3 : vector<16xf32>
    %swap3A_376 = arith.constant 208 : index
    %swap3A_377 = tpu.vector_load %arg6[%swap3A_376] {strides = array<i32>} : memref<256xf32, #tpu.memory_space<vmem>>, vector<16xf32>,
    tpu.vector_store %arg6[%swap3A_376], %mul3A_375 {strides = array<i32>} : memref<256xf32, #tpu.memory_space<vmem>>, vector<16xf32>,
    %add3A_378 = arith.constant 96 : i32
    %add3A_379 = vector.broadcast %add3A_378 : i32 to vector<16xi32>
    %add3A_380 = arith.addi %iota3A, %add3A_379 : vector<16xi32>
    %convert_element_type3A_381 = arith.sitofp %add3A_380 : vector<16xi32> to vector<16xf32>
    %mul3A_382 = arith.mulf %convert_element_type3A_381, %get3A_5 : vector<16xf32>
    %neg3A_383 = arith.constant 0.000000e+00 : f32
    %neg3A_384 = vector.broadcast %neg3A_383 : f32 to vector<16xf32>
    %neg3A_385 = arith.subf %neg3A_384, %mul3A_382 : vector<16xf32>
    %exp3A_386 = math.exp %neg3A_385 : vector<16xf32>
    %add3A_387 = arith.constant 1.000000e+00 : f32
    %add3A_388 = vector.broadcast %add3A_387 : f32 to vector<16xf32>
    %add3A_389 = arith.addf %add3A_388, %exp3A_386 : vector<16xf32>
    %div3A_390 = arith.constant 1.000000e+00 : f32
    %div3A_391 = vector.broadcast %div3A_390 : f32 to vector<16xf32>
    %div3A_392 = arith.divf %div3A_391, %add3A_389 : vector<16xf32>
    %div3A_393 = arith.divf %div3A_392, %get3A_3 : vector<16xf32>
    %add3A_394 = arith.constant 5.000000e-01 : f32
    %add3A_395 = vector.broadcast %add3A_394 : f32 to vector<16xf32>
    %add3A_396 = arith.addf %div3A_393, %add3A_395 : vector<16xf32>
    %convert_element_type3A_397 = arith.fptosi %add3A_396 : vector<16xf32> to vector<16xi32>
    %min3A_398 = arith.constant 127 : i32
    %min3A_399 = vector.broadcast %min3A_398 : i32 to vector<16xi32>
    %min3A_400 = arith.minsi %convert_element_type3A_397, %min3A_399 : vector<16xi32>
    %convert_element_type3A_401 = arith.sitofp %min3A_400 : vector<16xi32> to vector<16xf32>
    %mul3A_402 = arith.mulf %convert_element_type3A_401, %get3A_3 : vector<16xf32>
    %swap3A_403 = arith.constant 224 : index
    %swap3A_404 = tpu.vector_load %arg6[%swap3A_403] {strides = array<i32>} : memref<256xf32, #tpu.memory_space<vmem>>, vector<16xf32>,
    tpu.vector_store %arg6[%swap3A_403], %mul3A_402 {strides = array<i32>} : memref<256xf32, #tpu.memory_space<vmem>>, vector<16xf32>,
    %add3A_405 = arith.constant 112 : i32
    %add3A_406 = vector.broadcast %add3A_405 : i32 to vector<16xi32>
    %add3A_407 = arith.addi %iota3A, %add3A_406 : vector<16xi32>
    %convert_element_type3A_408 = arith.sitofp %add3A_407 : vector<16xi32> to vector<16xf32>
    %mul3A_409 = arith.mulf %convert_element_type3A_408, %get3A_5 : vector<16xf32>
    %neg3A_410 = arith.constant 0.000000e+00 : f32
    %neg3A_411 = vector.broadcast %neg3A_410 : f32 to vector<16xf32>
    %neg3A_412 = arith.subf %neg3A_411, %mul3A_409 : vector<16xf32>
    %exp3A_413 = math.exp %neg3A_412 : vector<16xf32>
    %add3A_414 = arith.constant 1.000000e+00 : f32
    %add3A_415 = vector.broadcast %add3A_414 : f32 to vector<16xf32>
    %add3A_416 = arith.addf %add3A_415, %exp3A_413 : vector<16xf32>
    %div3A_417 = arith.constant 1.000000e+00 : f32
    %div3A_418 = vector.broadcast %div3A_417 : f32 to vector<16xf32>
    %div3A_419 = arith.divf %div3A_418, %add3A_416 : vector<16xf32>
    %div3A_420 = arith.divf %div3A_419, %get3A_3 : vector<16xf32>
    %add3A_421 = arith.constant 5.000000e-01 : f32
    %add3A_422 = vector.broadcast %add3A_421 : f32 to vector<16xf32>
    %add3A_423 = arith.addf %div3A_420, %add3A_422 : vector<16xf32>
    %convert_element_type3A_424 = arith.fptosi %add3A_423 : vector<16xf32> to vector<16xi32>
    %min3A_425 = arith.constant 127 : i32
    %min3A_426 = vector.broadcast %min3A_425 : i32 to vector<16xi32>
    %min3A_427 = arith.minsi %convert_element_type3A_424, %min3A_426 : vector<16xi32>
    %convert_element_type3A_428 = arith.sitofp %min3A_427 : vector<16xi32> to vector<16xf32>
    %mul3A_429 = arith.mulf %convert_element_type3A_428, %get3A_3 : vector<16xf32>
    %swap3A_430 = arith.constant 240 : index
    %swap3A_431 = tpu.vector_load %arg6[%swap3A_430] {strides = array<i32>} : memref<256xf32, #tpu.memory_space<vmem>>, vector<16xf32>,
    tpu.vector_store %arg6[%swap3A_430], %mul3A_429 {strides = array<i32>} : memref<256xf32, #tpu.memory_space<vmem>>, vector<16xf32>,
    %add3A_432 = arith.constant 0 : i32
    %add3A_433 = arith.addi %mul3A_2, %add3A_432 : i32
    %dma_start3A = arith.constant 0 : i32
    %dma_start3A_434 = tpu.memref_slice %arg2[%add3A_433, %dma_start3A] : memref<32768x1024xi32, #tpu.memory_space<hbm>> -> memref<8x1024xi32, #tpu.memory_space<hbm>>
    %dma_start3A_435 = arith.constant 0 : i32
    %dma_start3A_436 = tpu.memref_slice %arg2[%add3A_433, %dma_start3A_435] : memref<32768x1024xi32, #tpu.memory_space<hbm>> -> memref<8x1024xi32, #tpu.memory_space<hbm>>
    tpu.enqueue_dma source(%dma_start3A_436 : memref<8x1024xi32, #tpu.memory_space<hbm>>) target(%arg7 : memref<8x1024xi32, #tpu.memory_space<vmem>>) target_semaphore(%arg17 : memref<!tpu.dma_semaphore, #tpu.memory_space<semaphore_mem>>)
    %add3A_437 = arith.constant 8 : i32
    %add3A_438 = arith.addi %mul3A_2, %add3A_437 : i32
    %dma_start3A_439 = arith.constant 0 : i32
    %dma_start3A_440 = tpu.memref_slice %arg2[%add3A_438, %dma_start3A_439] : memref<32768x1024xi32, #tpu.memory_space<hbm>> -> memref<8x1024xi32, #tpu.memory_space<hbm>>
    %dma_start3A_441 = arith.constant 0 : i32
    %dma_start3A_442 = tpu.memref_slice %arg2[%add3A_438, %dma_start3A_441] : memref<32768x1024xi32, #tpu.memory_space<hbm>> -> memref<8x1024xi32, #tpu.memory_space<hbm>>
    tpu.enqueue_dma source(%dma_start3A_442 : memref<8x1024xi32, #tpu.memory_space<hbm>>) target(%arg8 : memref<8x1024xi32, #tpu.memory_space<vmem>>) target_semaphore(%arg18 : memref<!tpu.dma_semaphore, #tpu.memory_space<semaphore_mem>>)
    %add3A_443 = arith.constant 16 : i32
    %add3A_444 = arith.addi %mul3A_2, %add3A_443 : i32
    %dma_start3A_445 = arith.constant 0 : i32
    %dma_start3A_446 = tpu.memref_slice %arg2[%add3A_444, %dma_start3A_445] : memref<32768x1024xi32, #tpu.memory_space<hbm>> -> memref<8x1024xi32, #tpu.memory_space<hbm>>
    %dma_start3A_447 = arith.constant 0 : i32
    %dma_start3A_448 = tpu.memref_slice %arg2[%add3A_444, %dma_start3A_447] : memref<32768x1024xi32, #tpu.memory_space<hbm>> -> memref<8x1024xi32, #tpu.memory_space<hbm>>
    tpu.enqueue_dma source(%dma_start3A_448 : memref<8x1024xi32, #tpu.memory_space<hbm>>) target(%arg9 : memref<8x1024xi32, #tpu.memory_space<vmem>>) target_semaphore(%arg19 : memref<!tpu.dma_semaphore, #tpu.memory_space<semaphore_mem>>)
    %add3A_449 = arith.constant 24 : i32
    %add3A_450 = arith.addi %mul3A_2, %add3A_449 : i32
    %dma_start3A_451 = arith.constant 0 : i32
    %dma_start3A_452 = tpu.memref_slice %arg2[%add3A_450, %dma_start3A_451] : memref<32768x1024xi32, #tpu.memory_space<hbm>> -> memref<8x1024xi32, #tpu.memory_space<hbm>>
    %dma_start3A_453 = arith.constant 0 : i32
    %dma_start3A_454 = tpu.memref_slice %arg2[%add3A_450, %dma_start3A_453] : memref<32768x1024xi32, #tpu.memory_space<hbm>> -> memref<8x1024xi32, #tpu.memory_space<hbm>>
    tpu.enqueue_dma source(%dma_start3A_454 : memref<8x1024xi32, #tpu.memory_space<hbm>>) target(%arg10 : memref<8x1024xi32, #tpu.memory_space<vmem>>) target_semaphore(%arg20 : memref<!tpu.dma_semaphore, #tpu.memory_space<semaphore_mem>>)
    %scan3A = arith.constant 0 : i32
    %scan3A_455 = arith.constant 0 : i32
    %scan3A_456 = arith.constant 32 : i32
    %scan3A_457 = arith.addi %scan3A_455, %scan3A_456 : i32
    %scan3A_458 = arith.constant 1 : i32
    %scan3A_459 = scf.for %scan3A_484 = %scan3A_455 to %scan3A_457 step %scan3A_458 iter_args(%scan3A_485 = %scan3A) -> (i32)  : i32 {
      %mul3A_486 = arith.constant 4 : i32
      %mul3A_487 = arith.muli %mul3A_486, %scan3A_484 : i32
      %add3A_488 = arith.constant 0 : i32
      %add3A_489 = arith.addi %mul3A_487, %add3A_488 : i32
      %dma_wait3A_490 = arith.constant 0 : i32
      %dma_wait3A_491 = arith.constant 0 : i32
      %dma_wait3A_492 = tpu.memref_slice %arg2[%dma_wait3A_490, %dma_wait3A_491] : memref<32768x1024xi32, #tpu.memory_space<hbm>> -> memref<8x1024xi32, #tpu.memory_space<hbm>>
      %dma_wait3A_493 = arith.constant 0 : i32
      %dma_wait3A_494 = arith.constant 0 : i32
      %dma_wait3A_495 = tpu.memref_slice %arg2[%dma_wait3A_493, %dma_wait3A_494] : memref<32768x1024xi32, #tpu.memory_space<hbm>> -> memref<8x1024xi32, #tpu.memory_space<hbm>>
      tpu.wait_dma2 semaphore(%arg17 : memref<!tpu.dma_semaphore, #tpu.memory_space<semaphore_mem>>) src(%dma_wait3A_495 : memref<8x1024xi32, #tpu.memory_space<hbm>>) dst(%arg7 : memref<8x1024xi32, #tpu.memory_space<vmem>>)
      %ge3A = arith.constant 4 : i32
      %ge3A_496 = arith.cmpi sge, %add3A_489, %ge3A : i32
      %convert_element_type3A_497 = arith.extui %ge3A_496 : i1 to i32
      %cond3A = arith.constant 0 : i32
      %cond3A_498 = arith.cmpi ne, %convert_element_type3A_497, %cond3A : i32
      scf.if %cond3A_498 {
        %dma_wait3A_628 = arith.constant 0 : i32
        %dma_wait3A_629 = arith.constant 0 : i32
        %dma_wait3A_630 = tpu.memref_slice %arg5[%dma_wait3A_628, %dma_wait3A_629] : memref<32768x1024xf32, #tpu.memory_space<hbm>> -> memref<8x1024xf32, #tpu.memory_space<hbm>>
        %dma_wait3A_631 = arith.constant 0 : i32
        %dma_wait3A_632 = arith.constant 0 : i32
        %dma_wait3A_633 = tpu.memref_slice %arg5[%dma_wait3A_631, %dma_wait3A_632] : memref<32768x1024xf32, #tpu.memory_space<hbm>> -> memref<8x1024xf32, #tpu.memory_space<hbm>>
        tpu.wait_dma2 semaphore(%arg21 : memref<!tpu.dma_semaphore, #tpu.memory_space<semaphore_mem>>) src(%arg11 : memref<8x1024xf32, #tpu.memory_space<vmem>>) dst(%dma_wait3A_633 : memref<8x1024xf32, #tpu.memory_space<hbm>>)
      } else {
      }
      %scan3A_499 = arith.constant 0 : i32
      %scan3A_500 = arith.constant 0 : i32
      %scan3A_501 = arith.constant 8 : i32
      %scan3A_502 = arith.addi %scan3A_500, %scan3A_501 : i32
      %scan3A_503 = arith.constant 1 : i32
      %scan3A_504 = scf.for %scan3A_628 = %scan3A_500 to %scan3A_502 step %scan3A_503 iter_args(%scan3A_629 = %scan3A_499) -> (i32)  : i32 {
        %get3A_630 = arith.index_cast %scan3A_628 : i32 to index
        %get3A_631 = arith.constant 0 : index
        %get3A_632 = tpu.vector_load %arg7[%get3A_630, %get3A_631] {strides = array<i32>} : memref<8x1024xi32, #tpu.memory_space<vmem>>, vector<16xi32>,
        %get3A_633 = arith.index_cast %scan3A_628 : i32 to index
        %get3A_634 = arith.constant 16 : index
        %get3A_635 = tpu.vector_load %arg7[%get3A_633, %get3A_634] {strides = array<i32>} : memref<8x1024xi32, #tpu.memory_space<vmem>>, vector<16xi32>,
        %get3A_636 = arith.index_cast %scan3A_628 : i32 to index
        %get3A_637 = arith.constant 32 : index
        %get3A_638 = tpu.vector_load %arg7[%get3A_636, %get3A_637] {strides = array<i32>} : memref<8x1024xi32, #tpu.memory_space<vmem>>, vector<16xi32>,
        %get3A_639 = arith.index_cast %scan3A_628 : i32 to index
        %get3A_640 = arith.constant 48 : index
        %get3A_641 = tpu.vector_load %arg7[%get3A_639, %get3A_640] {strides = array<i32>} : memref<8x1024xi32, #tpu.memory_space<vmem>>, vector<16xi32>,
        %get3A_642 = arith.index_cast %scan3A_628 : i32 to index
        %get3A_643 = arith.constant 64 : index
        %get3A_644 = tpu.vector_load %arg7[%get3A_642, %get3A_643] {strides = array<i32>} : memref<8x1024xi32, #tpu.memory_space<vmem>>, vector<16xi32>,
        %get3A_645 = arith.index_cast %scan3A_628 : i32 to index
        %get3A_646 = arith.constant 80 : index
        %get3A_647 = tpu.vector_load %arg7[%get3A_645, %get3A_646] {strides = array<i32>} : memref<8x1024xi32, #tpu.memory_space<vmem>>, vector<16xi32>,
        %get3A_648 = arith.index_cast %scan3A_628 : i32 to index
        %get3A_649 = arith.constant 96 : index
        %get3A_650 = tpu.vector_load %arg7[%get3A_648, %get3A_649] {strides = array<i32>} : memref<8x1024xi32, #tpu.memory_space<vmem>>, vector<16xi32>,
        %get3A_651 = arith.index_cast %scan3A_628 : i32 to index
        %get3A_652 = arith.constant 112 : index
        %get3A_653 = tpu.vector_load %arg7[%get3A_651, %get3A_652] {strides = array<i32>} : memref<8x1024xi32, #tpu.memory_space<vmem>>, vector<16xi32>,
        %sub3A = arith.constant 128 : i32
        %sub3A_654 = vector.broadcast %sub3A : i32 to vector<16xi32>
        %sub3A_655 = arith.subi %get3A_632, %sub3A_654 : vector<16xi32>
        %convert_element_type3A_656 = arith.sitofp %sub3A_655 : vector<16xi32> to vector<16xf32>
        %mul3A_657 = arith.mulf %convert_element_type3A_656, %get3A_5 : vector<16xf32>
        %neg3A_658 = arith.constant 0.000000e+00 : f32
        %neg3A_659 = vector.broadcast %neg3A_658 : f32 to vector<16xf32>
        %neg3A_660 = arith.subf %neg3A_659, %mul3A_657 : vector<16xf32>
        %exp3A_661 = math.exp %neg3A_660 : vector<16xf32>
        %add3A_662 = arith.constant 1.000000e+00 : f32
        %add3A_663 = vector.broadcast %add3A_662 : f32 to vector<16xf32>
        %add3A_664 = arith.addf %add3A_663, %exp3A_661 : vector<16xf32>
        %div3A_665 = arith.constant 1.000000e+00 : f32
        %div3A_666 = vector.broadcast %div3A_665 : f32 to vector<16xf32>
        %div3A_667 = arith.divf %div3A_666, %add3A_664 : vector<16xf32>
        %div3A_668 = arith.divf %div3A_667, %get3A_3 : vector<16xf32>
        %add3A_669 = arith.constant 5.000000e-01 : f32
        %add3A_670 = vector.broadcast %add3A_669 : f32 to vector<16xf32>
        %add3A_671 = arith.addf %div3A_668, %add3A_670 : vector<16xf32>
        %convert_element_type3A_672 = arith.fptosi %add3A_671 : vector<16xf32> to vector<16xi32>
        %min3A_673 = arith.constant 127 : i32
        %min3A_674 = vector.broadcast %min3A_673 : i32 to vector<16xi32>
        %min3A_675 = arith.minsi %convert_element_type3A_672, %min3A_674 : vector<16xi32>
        %convert_element_type3A_676 = arith.sitofp %min3A_675 : vector<16xi32> to vector<16xf32>
        %mul3A_677 = arith.mulf %convert_element_type3A_676, %get3A_3 : vector<16xf32>
        %sub3A_678 = arith.constant 128 : i32
        %sub3A_679 = vector.broadcast %sub3A_678 : i32 to vector<16xi32>
        %sub3A_680 = arith.subi %get3A_635, %sub3A_679 : vector<16xi32>
        %convert_element_type3A_681 = arith.sitofp %sub3A_680 : vector<16xi32> to vector<16xf32>
        %mul3A_682 = arith.mulf %convert_element_type3A_681, %get3A_5 : vector<16xf32>
        %neg3A_683 = arith.constant 0.000000e+00 : f32
        %neg3A_684 = vector.broadcast %neg3A_683 : f32 to vector<16xf32>
        %neg3A_685 = arith.subf %neg3A_684, %mul3A_682 : vector<16xf32>
        %exp3A_686 = math.exp %neg3A_685 : vector<16xf32>
        %add3A_687 = arith.constant 1.000000e+00 : f32
        %add3A_688 = vector.broadcast %add3A_687 : f32 to vector<16xf32>
        %add3A_689 = arith.addf %add3A_688, %exp3A_686 : vector<16xf32>
        %div3A_690 = arith.constant 1.000000e+00 : f32
        %div3A_691 = vector.broadcast %div3A_690 : f32 to vector<16xf32>
        %div3A_692 = arith.divf %div3A_691, %add3A_689 : vector<16xf32>
        %div3A_693 = arith.divf %div3A_692, %get3A_3 : vector<16xf32>
        %add3A_694 = arith.constant 5.000000e-01 : f32
        %add3A_695 = vector.broadcast %add3A_694 : f32 to vector<16xf32>
        %add3A_696 = arith.addf %div3A_693, %add3A_695 : vector<16xf32>
        %convert_element_type3A_697 = arith.fptosi %add3A_696 : vector<16xf32> to vector<16xi32>
        %min3A_698 = arith.constant 127 : i32
        %min3A_699 = vector.broadcast %min3A_698 : i32 to vector<16xi32>
        %min3A_700 = arith.minsi %convert_element_type3A_697, %min3A_699 : vector<16xi32>
        %convert_element_type3A_701 = arith.sitofp %min3A_700 : vector<16xi32> to vector<16xf32>
        %mul3A_702 = arith.mulf %convert_element_type3A_701, %get3A_3 : vector<16xf32>
        %sub3A_703 = arith.constant 128 : i32
        %sub3A_704 = vector.broadcast %sub3A_703 : i32 to vector<16xi32>
        %sub3A_705 = arith.subi %get3A_638, %sub3A_704 : vector<16xi32>
        %convert_element_type3A_706 = arith.sitofp %sub3A_705 : vector<16xi32> to vector<16xf32>
        %mul3A_707 = arith.mulf %convert_element_type3A_706, %get3A_5 : vector<16xf32>
        %neg3A_708 = arith.constant 0.000000e+00 : f32
        %neg3A_709 = vector.broadcast %neg3A_708 : f32 to vector<16xf32>
        %neg3A_710 = arith.subf %neg3A_709, %mul3A_707 : vector<16xf32>
        %exp3A_711 = math.exp %neg3A_710 : vector<16xf32>
        %add3A_712 = arith.constant 1.000000e+00 : f32
        %add3A_713 = vector.broadcast %add3A_712 : f32 to vector<16xf32>
        %add3A_714 = arith.addf %add3A_713, %exp3A_711 : vector<16xf32>
        %div3A_715 = arith.constant 1.000000e+00 : f32
        %div3A_716 = vector.broadcast %div3A_715 : f32 to vector<16xf32>
        %div3A_717 = arith.divf %div3A_716, %add3A_714 : vector<16xf32>
        %div3A_718 = arith.divf %div3A_717, %get3A_3 : vector<16xf32>
        %add3A_719 = arith.constant 5.000000e-01 : f32
        %add3A_720 = vector.broadcast %add3A_719 : f32 to vector<16xf32>
        %add3A_721 = arith.addf %div3A_718, %add3A_720 : vector<16xf32>
        %convert_element_type3A_722 = arith.fptosi %add3A_721 : vector<16xf32> to vector<16xi32>
        %min3A_723 = arith.constant 127 : i32
        %min3A_724 = vector.broadcast %min3A_723 : i32 to vector<16xi32>
        %min3A_725 = arith.minsi %convert_element_type3A_722, %min3A_724 : vector<16xi32>
        %convert_element_type3A_726 = arith.sitofp %min3A_725 : vector<16xi32> to vector<16xf32>
        %mul3A_727 = arith.mulf %convert_element_type3A_726, %get3A_3 : vector<16xf32>
        %sub3A_728 = arith.constant 128 : i32
        %sub3A_729 = vector.broadcast %sub3A_728 : i32 to vector<16xi32>
        %sub3A_730 = arith.subi %get3A_641, %sub3A_729 : vector<16xi32>
        %convert_element_type3A_731 = arith.sitofp %sub3A_730 : vector<16xi32> to vector<16xf32>
        %mul3A_732 = arith.mulf %convert_element_type3A_731, %get3A_5 : vector<16xf32>
        %neg3A_733 = arith.constant 0.000000e+00 : f32
        %neg3A_734 = vector.broadcast %neg3A_733 : f32 to vector<16xf32>
        %neg3A_735 = arith.subf %neg3A_734, %mul3A_732 : vector<16xf32>
        %exp3A_736 = math.exp %neg3A_735 : vector<16xf32>
        %add3A_737 = arith.constant 1.000000e+00 : f32
        %add3A_738 = vector.broadcast %add3A_737 : f32 to vector<16xf32>
        %add3A_739 = arith.addf %add3A_738, %exp3A_736 : vector<16xf32>
        %div3A_740 = arith.constant 1.000000e+00 : f32
        %div3A_741 = vector.broadcast %div3A_740 : f32 to vector<16xf32>
        %div3A_742 = arith.divf %div3A_741, %add3A_739 : vector<16xf32>
        %div3A_743 = arith.divf %div3A_742, %get3A_3 : vector<16xf32>
        %add3A_744 = arith.constant 5.000000e-01 : f32
        %add3A_745 = vector.broadcast %add3A_744 : f32 to vector<16xf32>
        %add3A_746 = arith.addf %div3A_743, %add3A_745 : vector<16xf32>
        %convert_element_type3A_747 = arith.fptosi %add3A_746 : vector<16xf32> to vector<16xi32>
        %min3A_748 = arith.constant 127 : i32
        %min3A_749 = vector.broadcast %min3A_748 : i32 to vector<16xi32>
        %min3A_750 = arith.minsi %convert_element_type3A_747, %min3A_749 : vector<16xi32>
        %convert_element_type3A_751 = arith.sitofp %min3A_750 : vector<16xi32> to vector<16xf32>
        %mul3A_752 = arith.mulf %convert_element_type3A_751, %get3A_3 : vector<16xf32>
        %sub3A_753 = arith.constant 128 : i32
        %sub3A_754 = vector.broadcast %sub3A_753 : i32 to vector<16xi32>
        %sub3A_755 = arith.subi %get3A_644, %sub3A_754 : vector<16xi32>
        %convert_element_type3A_756 = arith.sitofp %sub3A_755 : vector<16xi32> to vector<16xf32>
        %mul3A_757 = arith.mulf %convert_element_type3A_756, %get3A_5 : vector<16xf32>
        %neg3A_758 = arith.constant 0.000000e+00 : f32
        %neg3A_759 = vector.broadcast %neg3A_758 : f32 to vector<16xf32>
        %neg3A_760 = arith.subf %neg3A_759, %mul3A_757 : vector<16xf32>
        %exp3A_761 = math.exp %neg3A_760 : vector<16xf32>
        %add3A_762 = arith.constant 1.000000e+00 : f32
        %add3A_763 = vector.broadcast %add3A_762 : f32 to vector<16xf32>
        %add3A_764 = arith.addf %add3A_763, %exp3A_761 : vector<16xf32>
        %div3A_765 = arith.constant 1.000000e+00 : f32
        %div3A_766 = vector.broadcast %div3A_765 : f32 to vector<16xf32>
        %div3A_767 = arith.divf %div3A_766, %add3A_764 : vector<16xf32>
        %div3A_768 = arith.divf %div3A_767, %get3A_3 : vector<16xf32>
        %add3A_769 = arith.constant 5.000000e-01 : f32
        %add3A_770 = vector.broadcast %add3A_769 : f32 to vector<16xf32>
        %add3A_771 = arith.addf %div3A_768, %add3A_770 : vector<16xf32>
        %convert_element_type3A_772 = arith.fptosi %add3A_771 : vector<16xf32> to vector<16xi32>
        %min3A_773 = arith.constant 127 : i32
        %min3A_774 = vector.broadcast %min3A_773 : i32 to vector<16xi32>
        %min3A_775 = arith.minsi %convert_element_type3A_772, %min3A_774 : vector<16xi32>
        %convert_element_type3A_776 = arith.sitofp %min3A_775 : vector<16xi32> to vector<16xf32>
        %mul3A_777 = arith.mulf %convert_element_type3A_776, %get3A_3 : vector<16xf32>
        %sub3A_778 = arith.constant 128 : i32
        %sub3A_779 = vector.broadcast %sub3A_778 : i32 to vector<16xi32>
        %sub3A_780 = arith.subi %get3A_647, %sub3A_779 : vector<16xi32>
        %convert_element_type3A_781 = arith.sitofp %sub3A_780 : vector<16xi32> to vector<16xf32>
        %mul3A_782 = arith.mulf %convert_element_type3A_781, %get3A_5 : vector<16xf32>
        %neg3A_783 = arith.constant 0.000000e+00 : f32
        %neg3A_784 = vector.broadcast %neg3A_783 : f32 to vector<16xf32>
        %neg3A_785 = arith.subf %neg3A_784, %mul3A_782 : vector<16xf32>
        %exp3A_786 = math.exp %neg3A_785 : vector<16xf32>
        %add3A_787 = arith.constant 1.000000e+00 : f32
        %add3A_788 = vector.broadcast %add3A_787 : f32 to vector<16xf32>
        %add3A_789 = arith.addf %add3A_788, %exp3A_786 : vector<16xf32>
        %div3A_790 = arith.constant 1.000000e+00 : f32
        %div3A_791 = vector.broadcast %div3A_790 : f32 to vector<16xf32>
        %div3A_792 = arith.divf %div3A_791, %add3A_789 : vector<16xf32>
        %div3A_793 = arith.divf %div3A_792, %get3A_3 : vector<16xf32>
        %add3A_794 = arith.constant 5.000000e-01 : f32
        %add3A_795 = vector.broadcast %add3A_794 : f32 to vector<16xf32>
        %add3A_796 = arith.addf %div3A_793, %add3A_795 : vector<16xf32>
        %convert_element_type3A_797 = arith.fptosi %add3A_796 : vector<16xf32> to vector<16xi32>
        %min3A_798 = arith.constant 127 : i32
        %min3A_799 = vector.broadcast %min3A_798 : i32 to vector<16xi32>
        %min3A_800 = arith.minsi %convert_element_type3A_797, %min3A_799 : vector<16xi32>
        %convert_element_type3A_801 = arith.sitofp %min3A_800 : vector<16xi32> to vector<16xf32>
        %mul3A_802 = arith.mulf %convert_element_type3A_801, %get3A_3 : vector<16xf32>
        %sub3A_803 = arith.constant 128 : i32
        %sub3A_804 = vector.broadcast %sub3A_803 : i32 to vector<16xi32>
        %sub3A_805 = arith.subi %get3A_650, %sub3A_804 : vector<16xi32>
        %convert_element_type3A_806 = arith.sitofp %sub3A_805 : vector<16xi32> to vector<16xf32>
        %mul3A_807 = arith.mulf %convert_element_type3A_806, %get3A_5 : vector<16xf32>
        %neg3A_808 = arith.constant 0.000000e+00 : f32
        %neg3A_809 = vector.broadcast %neg3A_808 : f32 to vector<16xf32>
        %neg3A_810 = arith.subf %neg3A_809, %mul3A_807 : vector<16xf32>
        %exp3A_811 = math.exp %neg3A_810 : vector<16xf32>
        %add3A_812 = arith.constant 1.000000e+00 : f32
        %add3A_813 = vector.broadcast %add3A_812 : f32 to vector<16xf32>
        %add3A_814 = arith.addf %add3A_813, %exp3A_811 : vector<16xf32>
        %div3A_815 = arith.constant 1.000000e+00 : f32
        %div3A_816 = vector.broadcast %div3A_815 : f32 to vector<16xf32>
        %div3A_817 = arith.divf %div3A_816, %add3A_814 : vector<16xf32>
        %div3A_818 = arith.divf %div3A_817, %get3A_3 : vector<16xf32>
        %add3A_819 = arith.constant 5.000000e-01 : f32
        %add3A_820 = vector.broadcast %add3A_819 : f32 to vector<16xf32>
        %add3A_821 = arith.addf %div3A_818, %add3A_820 : vector<16xf32>
        %convert_element_type3A_822 = arith.fptosi %add3A_821 : vector<16xf32> to vector<16xi32>
        %min3A_823 = arith.constant 127 : i32
        %min3A_824 = vector.broadcast %min3A_823 : i32 to vector<16xi32>
        %min3A_825 = arith.minsi %convert_element_type3A_822, %min3A_824 : vector<16xi32>
        %convert_element_type3A_826 = arith.sitofp %min3A_825 : vector<16xi32> to vector<16xf32>
        %mul3A_827 = arith.mulf %convert_element_type3A_826, %get3A_3 : vector<16xf32>
        %sub3A_828 = arith.constant 128 : i32
        %sub3A_829 = vector.broadcast %sub3A_828 : i32 to vector<16xi32>
        %sub3A_830 = arith.subi %get3A_653, %sub3A_829 : vector<16xi32>
        %convert_element_type3A_831 = arith.sitofp %sub3A_830 : vector<16xi32> to vector<16xf32>
        %mul3A_832 = arith.mulf %convert_element_type3A_831, %get3A_5 : vector<16xf32>
        %neg3A_833 = arith.constant 0.000000e+00 : f32
        %neg3A_834 = vector.broadcast %neg3A_833 : f32 to vector<16xf32>
        %neg3A_835 = arith.subf %neg3A_834, %mul3A_832 : vector<16xf32>
        %exp3A_836 = math.exp %neg3A_835 : vector<16xf32>
        %add3A_837 = arith.constant 1.000000e+00 : f32
        %add3A_838 = vector.broadcast %add3A_837 : f32 to vector<16xf32>
        %add3A_839 = arith.addf %add3A_838, %exp3A_836 : vector<16xf32>
        %div3A_840 = arith.constant 1.000000e+00 : f32
        %div3A_841 = vector.broadcast %div3A_840 : f32 to vector<16xf32>
        %div3A_842 = arith.divf %div3A_841, %add3A_839 : vector<16xf32>
        %div3A_843 = arith.divf %div3A_842, %get3A_3 : vector<16xf32>
        %add3A_844 = arith.constant 5.000000e-01 : f32
        %add3A_845 = vector.broadcast %add3A_844 : f32 to vector<16xf32>
        %add3A_846 = arith.addf %div3A_843, %add3A_845 : vector<16xf32>
        %convert_element_type3A_847 = arith.fptosi %add3A_846 : vector<16xf32> to vector<16xi32>
        %min3A_848 = arith.constant 127 : i32
        %min3A_849 = vector.broadcast %min3A_848 : i32 to vector<16xi32>
        %min3A_850 = arith.minsi %convert_element_type3A_847, %min3A_849 : vector<16xi32>
        %convert_element_type3A_851 = arith.sitofp %min3A_850 : vector<16xi32> to vector<16xf32>
        %mul3A_852 = arith.mulf %convert_element_type3A_851, %get3A_3 : vector<16xf32>
        %swap3A_853 = arith.index_cast %scan3A_628 : i32 to index
        %swap3A_854 = arith.constant 0 : index
        %swap3A_855 = tpu.vector_load %arg11[%swap3A_853, %swap3A_854] {strides = array<i32>} : memref<8x1024xf32, #tpu.memory_space<vmem>>, vector<16xf32>,
        tpu.vector_store %arg11[%swap3A_853, %swap3A_854], %mul3A_677 {strides = array<i32>} : memref<8x1024xf32, #tpu.memory_space<vmem>>, vector<16xf32>,
        %swap3A_856 = arith.index_cast %scan3A_628 : i32 to index
        %swap3A_857 = arith.constant 16 : index
        %swap3A_858 = tpu.vector_load %arg11[%swap3A_856, %swap3A_857] {strides = array<i32>} : memref<8x1024xf32, #tpu.memory_space<vmem>>, vector<16xf32>,
        tpu.vector_store %arg11[%swap3A_856, %swap3A_857], %mul3A_702 {strides = array<i32>} : memref<8x1024xf32, #tpu.memory_space<vmem>>, vector<16xf32>,
        %swap3A_859 = arith.index_cast %scan3A_628 : i32 to index
        %swap3A_860 = arith.constant 32 : index
        %swap3A_861 = tpu.vector_load %arg11[%swap3A_859, %swap3A_860] {strides = array<i32>} : memref<8x1024xf32, #tpu.memory_space<vmem>>, vector<16xf32>,
        tpu.vector_store %arg11[%swap3A_859, %swap3A_860], %mul3A_727 {strides = array<i32>} : memref<8x1024xf32, #tpu.memory_space<vmem>>, vector<16xf32>,
        %swap3A_862 = arith.index_cast %scan3A_628 : i32 to index
        %swap3A_863 = arith.constant 48 : index
        %swap3A_864 = tpu.vector_load %arg11[%swap3A_862, %swap3A_863] {strides = array<i32>} : memref<8x1024xf32, #tpu.memory_space<vmem>>, vector<16xf32>,
        tpu.vector_store %arg11[%swap3A_862, %swap3A_863], %mul3A_752 {strides = array<i32>} : memref<8x1024xf32, #tpu.memory_space<vmem>>, vector<16xf32>,
        %swap3A_865 = arith.index_cast %scan3A_628 : i32 to index
        %swap3A_866 = arith.constant 64 : index
        %swap3A_867 = tpu.vector_load %arg11[%swap3A_865, %swap3A_866] {strides = array<i32>} : memref<8x1024xf32, #tpu.memory_space<vmem>>, vector<16xf32>,
        tpu.vector_store %arg11[%swap3A_865, %swap3A_866], %mul3A_777 {strides = array<i32>} : memref<8x1024xf32, #tpu.memory_space<vmem>>, vector<16xf32>,
        %swap3A_868 = arith.index_cast %scan3A_628 : i32 to index
        %swap3A_869 = arith.constant 80 : index
        %swap3A_870 = tpu.vector_load %arg11[%swap3A_868, %swap3A_869] {strides = array<i32>} : memref<8x1024xf32, #tpu.memory_space<vmem>>, vector<16xf32>,
        tpu.vector_store %arg11[%swap3A_868, %swap3A_869], %mul3A_802 {strides = array<i32>} : memref<8x1024xf32, #tpu.memory_space<vmem>>, vector<16xf32>,
        %swap3A_871 = arith.index_cast %scan3A_628 : i32 to index
        %swap3A_872 = arith.constant 96 : index
        %swap3A_873 = tpu.vector_load %arg11[%swap3A_871, %swap3A_872] {strides = array<i32>} : memref<8x1024xf32, #tpu.memory_space<vmem>>, vector<16xf32>,
        tpu.vector_store %arg11[%swap3A_871, %swap3A_872], %mul3A_827 {strides = array<i32>} : memref<8x1024xf32, #tpu.memory_space<vmem>>, vector<16xf32>,
        %swap3A_874 = arith.index_cast %scan3A_628 : i32 to index
        %swap3A_875 = arith.constant 112 : index
        %swap3A_876 = tpu.vector_load %arg11[%swap3A_874, %swap3A_875] {strides = array<i32>} : memref<8x1024xf32, #tpu.memory_space<vmem>>, vector<16xf32>,
        tpu.vector_store %arg11[%swap3A_874, %swap3A_875], %mul3A_852 {strides = array<i32>} : memref<8x1024xf32, #tpu.memory_space<vmem>>, vector<16xf32>,
        %get3A_877 = arith.index_cast %scan3A_628 : i32 to index
        %get3A_878 = arith.constant 128 : index
        %get3A_879 = tpu.vector_load %arg7[%get3A_877, %get3A_878] {strides = array<i32>} : memref<8x1024xi32, #tpu.memory_space<vmem>>, vector<16xi32>,
        %get3A_880 = arith.index_cast %scan3A_628 : i32 to index
        %get3A_881 = arith.constant 144 : index
        %get3A_882 = tpu.vector_load %arg7[%get3A_880, %get3A_881] {strides = array<i32>} : memref<8x1024xi32, #tpu.memory_space<vmem>>, vector<16xi32>,
        %get3A_883 = arith.index_cast %scan3A_628 : i32 to index
        %get3A_884 = arith.constant 160 : index
        %get3A_885 = tpu.vector_load %arg7[%get3A_883, %get3A_884] {strides = array<i32>} : memref<8x1024xi32, #tpu.memory_space<vmem>>, vector<16xi32>,
        %get3A_886 = arith.index_cast %scan3A_628 : i32 to index
        %get3A_887 = arith.constant 176 : index
        %get3A_888 = tpu.vector_load %arg7[%get3A_886, %get3A_887] {strides = array<i32>} : memref<8x1024xi32, #tpu.memory_space<vmem>>, vector<16xi32>,
        %get3A_889 = arith.index_cast %scan3A_628 : i32 to index
        %get3A_890 = arith.constant 192 : index
        %get3A_891 = tpu.vector_load %arg7[%get3A_889, %get3A_890] {strides = array<i32>} : memref<8x1024xi32, #tpu.memory_space<vmem>>, vector<16xi32>,
        %get3A_892 = arith.index_cast %scan3A_628 : i32 to index
        %get3A_893 = arith.constant 208 : index
        %get3A_894 = tpu.vector_load %arg7[%get3A_892, %get3A_893] {strides = array<i32>} : memref<8x1024xi32, #tpu.memory_space<vmem>>, vector<16xi32>,
        %get3A_895 = arith.index_cast %scan3A_628 : i32 to index
        %get3A_896 = arith.constant 224 : index
        %get3A_897 = tpu.vector_load %arg7[%get3A_895, %get3A_896] {strides = array<i32>} : memref<8x1024xi32, #tpu.memory_space<vmem>>, vector<16xi32>,
        %get3A_898 = arith.index_cast %scan3A_628 : i32 to index
        %get3A_899 = arith.constant 240 : index
        %get3A_900 = tpu.vector_load %arg7[%get3A_898, %get3A_899] {strides = array<i32>} : memref<8x1024xi32, #tpu.memory_space<vmem>>, vector<16xi32>,
        %gather3A = tpu.vector_load_idx %arg6[%get3A_879] : memref<256xf32, #tpu.memory_space<vmem>>[vector<16xi32>], vector<16xf32>,
        %gather3A_901 = tpu.vector_load_idx %arg6[%get3A_882] : memref<256xf32, #tpu.memory_space<vmem>>[vector<16xi32>], vector<16xf32>,
        %gather3A_902 = tpu.vector_load_idx %arg6[%get3A_885] : memref<256xf32, #tpu.memory_space<vmem>>[vector<16xi32>], vector<16xf32>,
        %gather3A_903 = tpu.vector_load_idx %arg6[%get3A_888] : memref<256xf32, #tpu.memory_space<vmem>>[vector<16xi32>], vector<16xf32>,
        %gather3A_904 = tpu.vector_load_idx %arg6[%get3A_891] : memref<256xf32, #tpu.memory_space<vmem>>[vector<16xi32>], vector<16xf32>,
        %gather3A_905 = tpu.vector_load_idx %arg6[%get3A_894] : memref<256xf32, #tpu.memory_space<vmem>>[vector<16xi32>], vector<16xf32>,
        %gather3A_906 = tpu.vector_load_idx %arg6[%get3A_897] : memref<256xf32, #tpu.memory_space<vmem>>[vector<16xi32>], vector<16xf32>,
        %gather3A_907 = tpu.vector_load_idx %arg6[%get3A_900] : memref<256xf32, #tpu.memory_space<vmem>>[vector<16xi32>], vector<16xf32>,
        %swap3A_908 = arith.index_cast %scan3A_628 : i32 to index
        %swap3A_909 = arith.constant 128 : index
        %swap3A_910 = tpu.vector_load %arg11[%swap3A_908, %swap3A_909] {strides = array<i32>} : memref<8x1024xf32, #tpu.memory_space<vmem>>, vector<16xf32>,
        tpu.vector_store %arg11[%swap3A_908, %swap3A_909], %gather3A {strides = array<i32>} : memref<8x1024xf32, #tpu.memory_space<vmem>>, vector<16xf32>,
        %swap3A_911 = arith.index_cast %scan3A_628 : i32 to index
        %swap3A_912 = arith.constant 144 : index
        %swap3A_913 = tpu.vector_load %arg11[%swap3A_911, %swap3A_912] {strides = array<i32>} : memref<8x1024xf32, #tpu.memory_space<vmem>>, vector<16xf32>,
        tpu.vector_store %arg11[%swap3A_911, %swap3A_912], %gather3A_901 {strides = array<i32>} : memref<8x1024xf32, #tpu.memory_space<vmem>>, vector<16xf32>,
        %swap3A_914 = arith.index_cast %scan3A_628 : i32 to index
        %swap3A_915 = arith.constant 160 : index
        %swap3A_916 = tpu.vector_load %arg11[%swap3A_914, %swap3A_915] {strides = array<i32>} : memref<8x1024xf32, #tpu.memory_space<vmem>>, vector<16xf32>,
        tpu.vector_store %arg11[%swap3A_914, %swap3A_915], %gather3A_902 {strides = array<i32>} : memref<8x1024xf32, #tpu.memory_space<vmem>>, vector<16xf32>,
        %swap3A_917 = arith.index_cast %scan3A_628 : i32 to index
        %swap3A_918 = arith.constant 176 : index
        %swap3A_919 = tpu.vector_load %arg11[%swap3A_917, %swap3A_918] {strides = array<i32>} : memref<8x1024xf32, #tpu.memory_space<vmem>>, vector<16xf32>,
        tpu.vector_store %arg11[%swap3A_917, %swap3A_918], %gather3A_903 {strides = array<i32>} : memref<8x1024xf32, #tpu.memory_space<vmem>>, vector<16xf32>,
        %swap3A_920 = arith.index_cast %scan3A_628 : i32 to index
        %swap3A_921 = arith.constant 192 : index
        %swap3A_922 = tpu.vector_load %arg11[%swap3A_920, %swap3A_921] {strides = array<i32>} : memref<8x1024xf32, #tpu.memory_space<vmem>>, vector<16xf32>,
        tpu.vector_store %arg11[%swap3A_920, %swap3A_921], %gather3A_904 {strides = array<i32>} : memref<8x1024xf32, #tpu.memory_space<vmem>>, vector<16xf32>,
        %swap3A_923 = arith.index_cast %scan3A_628 : i32 to index
        %swap3A_924 = arith.constant 208 : index
        %swap3A_925 = tpu.vector_load %arg11[%swap3A_923, %swap3A_924] {strides = array<i32>} : memref<8x1024xf32, #tpu.memory_space<vmem>>, vector<16xf32>,
        tpu.vector_store %arg11[%swap3A_923, %swap3A_924], %gather3A_905 {strides = array<i32>} : memref<8x1024xf32, #tpu.memory_space<vmem>>, vector<16xf32>,
        %swap3A_926 = arith.index_cast %scan3A_628 : i32 to index
        %swap3A_927 = arith.constant 224 : index
        %swap3A_928 = tpu.vector_load %arg11[%swap3A_926, %swap3A_927] {strides = array<i32>} : memref<8x1024xf32, #tpu.memory_space<vmem>>, vector<16xf32>,
        tpu.vector_store %arg11[%swap3A_926, %swap3A_927], %gather3A_906 {strides = array<i32>} : memref<8x1024xf32, #tpu.memory_space<vmem>>, vector<16xf32>,
        %swap3A_929 = arith.index_cast %scan3A_628 : i32 to index
        %swap3A_930 = arith.constant 240 : index
        %swap3A_931 = tpu.vector_load %arg11[%swap3A_929, %swap3A_930] {strides = array<i32>} : memref<8x1024xf32, #tpu.memory_space<vmem>>, vector<16xf32>,
        tpu.vector_store %arg11[%swap3A_929, %swap3A_930], %gather3A_907 {strides = array<i32>} : memref<8x1024xf32, #tpu.memory_space<vmem>>, vector<16xf32>,
        %get3A_932 = arith.index_cast %scan3A_628 : i32 to index
        %get3A_933 = arith.constant 256 : index
        %get3A_934 = tpu.vector_load %arg7[%get3A_932, %get3A_933] {strides = array<i32>} : memref<8x1024xi32, #tpu.memory_space<vmem>>, vector<16xi32>,
        %get3A_935 = arith.index_cast %scan3A_628 : i32 to index
        %get3A_936 = arith.constant 272 : index
        %get3A_937 = tpu.vector_load %arg7[%get3A_935, %get3A_936] {strides = array<i32>} : memref<8x1024xi32, #tpu.memory_space<vmem>>, vector<16xi32>,
        %get3A_938 = arith.index_cast %scan3A_628 : i32 to index
        %get3A_939 = arith.constant 288 : index
        %get3A_940 = tpu.vector_load %arg7[%get3A_938, %get3A_939] {strides = array<i32>} : memref<8x1024xi32, #tpu.memory_space<vmem>>, vector<16xi32>,
        %get3A_941 = arith.index_cast %scan3A_628 : i32 to index
        %get3A_942 = arith.constant 304 : index
        %get3A_943 = tpu.vector_load %arg7[%get3A_941, %get3A_942] {strides = array<i32>} : memref<8x1024xi32, #tpu.memory_space<vmem>>, vector<16xi32>,
        %get3A_944 = arith.index_cast %scan3A_628 : i32 to index
        %get3A_945 = arith.constant 320 : index
        %get3A_946 = tpu.vector_load %arg7[%get3A_944, %get3A_945] {strides = array<i32>} : memref<8x1024xi32, #tpu.memory_space<vmem>>, vector<16xi32>,
        %get3A_947 = arith.index_cast %scan3A_628 : i32 to index
        %get3A_948 = arith.constant 336 : index
        %get3A_949 = tpu.vector_load %arg7[%get3A_947, %get3A_948] {strides = array<i32>} : memref<8x1024xi32, #tpu.memory_space<vmem>>, vector<16xi32>,
        %get3A_950 = arith.index_cast %scan3A_628 : i32 to index
        %get3A_951 = arith.constant 352 : index
        %get3A_952 = tpu.vector_load %arg7[%get3A_950, %get3A_951] {strides = array<i32>} : memref<8x1024xi32, #tpu.memory_space<vmem>>, vector<16xi32>,
        %get3A_953 = arith.index_cast %scan3A_628 : i32 to index
        %get3A_954 = arith.constant 368 : index
        %get3A_955 = tpu.vector_load %arg7[%get3A_953, %get3A_954] {strides = array<i32>} : memref<8x1024xi32, #tpu.memory_space<vmem>>, vector<16xi32>,
        %gather3A_956 = tpu.vector_load_idx %arg6[%get3A_934] : memref<256xf32, #tpu.memory_space<vmem>>[vector<16xi32>], vector<16xf32>,
        %gather3A_957 = tpu.vector_load_idx %arg6[%get3A_937] : memref<256xf32, #tpu.memory_space<vmem>>[vector<16xi32>], vector<16xf32>,
        %gather3A_958 = tpu.vector_load_idx %arg6[%get3A_940] : memref<256xf32, #tpu.memory_space<vmem>>[vector<16xi32>], vector<16xf32>,
        %gather3A_959 = tpu.vector_load_idx %arg6[%get3A_943] : memref<256xf32, #tpu.memory_space<vmem>>[vector<16xi32>], vector<16xf32>,
        %gather3A_960 = tpu.vector_load_idx %arg6[%get3A_946] : memref<256xf32, #tpu.memory_space<vmem>>[vector<16xi32>], vector<16xf32>,
        %gather3A_961 = tpu.vector_load_idx %arg6[%get3A_949] : memref<256xf32, #tpu.memory_space<vmem>>[vector<16xi32>], vector<16xf32>,
        %gather3A_962 = tpu.vector_load_idx %arg6[%get3A_952] : memref<256xf32, #tpu.memory_space<vmem>>[vector<16xi32>], vector<16xf32>,
        %gather3A_963 = tpu.vector_load_idx %arg6[%get3A_955] : memref<256xf32, #tpu.memory_space<vmem>>[vector<16xi32>], vector<16xf32>,
        %swap3A_964 = arith.index_cast %scan3A_628 : i32 to index
        %swap3A_965 = arith.constant 256 : index
        %swap3A_966 = tpu.vector_load %arg11[%swap3A_964, %swap3A_965] {strides = array<i32>} : memref<8x1024xf32, #tpu.memory_space<vmem>>, vector<16xf32>,
        tpu.vector_store %arg11[%swap3A_964, %swap3A_965], %gather3A_956 {strides = array<i32>} : memref<8x1024xf32, #tpu.memory_space<vmem>>, vector<16xf32>,
        %swap3A_967 = arith.index_cast %scan3A_628 : i32 to index
        %swap3A_968 = arith.constant 272 : index
        %swap3A_969 = tpu.vector_load %arg11[%swap3A_967, %swap3A_968] {strides = array<i32>} : memref<8x1024xf32, #tpu.memory_space<vmem>>, vector<16xf32>,
        tpu.vector_store %arg11[%swap3A_967, %swap3A_968], %gather3A_957 {strides = array<i32>} : memref<8x1024xf32, #tpu.memory_space<vmem>>, vector<16xf32>,
        %swap3A_970 = arith.index_cast %scan3A_628 : i32 to index
        %swap3A_971 = arith.constant 288 : index
        %swap3A_972 = tpu.vector_load %arg11[%swap3A_970, %swap3A_971] {strides = array<i32>} : memref<8x1024xf32, #tpu.memory_space<vmem>>, vector<16xf32>,
        tpu.vector_store %arg11[%swap3A_970, %swap3A_971], %gather3A_958 {strides = array<i32>} : memref<8x1024xf32, #tpu.memory_space<vmem>>, vector<16xf32>,
        %swap3A_973 = arith.index_cast %scan3A_628 : i32 to index
        %swap3A_974 = arith.constant 304 : index
        %swap3A_975 = tpu.vector_load %arg11[%swap3A_973, %swap3A_974] {strides = array<i32>} : memref<8x1024xf32, #tpu.memory_space<vmem>>, vector<16xf32>,
        tpu.vector_store %arg11[%swap3A_973, %swap3A_974], %gather3A_959 {strides = array<i32>} : memref<8x1024xf32, #tpu.memory_space<vmem>>, vector<16xf32>,
        %swap3A_976 = arith.index_cast %scan3A_628 : i32 to index
        %swap3A_977 = arith.constant 320 : index
        %swap3A_978 = tpu.vector_load %arg11[%swap3A_976, %swap3A_977] {strides = array<i32>} : memref<8x1024xf32, #tpu.memory_space<vmem>>, vector<16xf32>,
        tpu.vector_store %arg11[%swap3A_976, %swap3A_977], %gather3A_960 {strides = array<i32>} : memref<8x1024xf32, #tpu.memory_space<vmem>>, vector<16xf32>,
        %swap3A_979 = arith.index_cast %scan3A_628 : i32 to index
        %swap3A_980 = arith.constant 336 : index
        %swap3A_981 = tpu.vector_load %arg11[%swap3A_979, %swap3A_980] {strides = array<i32>} : memref<8x1024xf32, #tpu.memory_space<vmem>>, vector<16xf32>,
        tpu.vector_store %arg11[%swap3A_979, %swap3A_980], %gather3A_961 {strides = array<i32>} : memref<8x1024xf32, #tpu.memory_space<vmem>>, vector<16xf32>,
        %swap3A_982 = arith.index_cast %scan3A_628 : i32 to index
        %swap3A_983 = arith.constant 352 : index
        %swap3A_984 = tpu.vector_load %arg11[%swap3A_982, %swap3A_983] {strides = array<i32>} : memref<8x1024xf32, #tpu.memory_space<vmem>>, vector<16xf32>,
        tpu.vector_store %arg11[%swap3A_982, %swap3A_983], %gather3A_962 {strides = array<i32>} : memref<8x1024xf32, #tpu.memory_space<vmem>>, vector<16xf32>,
        %swap3A_985 = arith.index_cast %scan3A_628 : i32 to index
        %swap3A_986 = arith.constant 368 : index
        %swap3A_987 = tpu.vector_load %arg11[%swap3A_985, %swap3A_986] {strides = array<i32>} : memref<8x1024xf32, #tpu.memory_space<vmem>>, vector<16xf32>,
        tpu.vector_store %arg11[%swap3A_985, %swap3A_986], %gather3A_963 {strides = array<i32>} : memref<8x1024xf32, #tpu.memory_space<vmem>>, vector<16xf32>,
        %get3A_988 = arith.index_cast %scan3A_628 : i32 to index
        %get3A_989 = arith.constant 384 : index
        %get3A_990 = tpu.vector_load %arg7[%get3A_988, %get3A_989] {strides = array<i32>} : memref<8x1024xi32, #tpu.memory_space<vmem>>, vector<16xi32>,
        %get3A_991 = arith.index_cast %scan3A_628 : i32 to index
        %get3A_992 = arith.constant 400 : index
        %get3A_993 = tpu.vector_load %arg7[%get3A_991, %get3A_992] {strides = array<i32>} : memref<8x1024xi32, #tpu.memory_space<vmem>>, vector<16xi32>,
        %get3A_994 = arith.index_cast %scan3A_628 : i32 to index
        %get3A_995 = arith.constant 416 : index
        %get3A_996 = tpu.vector_load %arg7[%get3A_994, %get3A_995] {strides = array<i32>} : memref<8x1024xi32, #tpu.memory_space<vmem>>, vector<16xi32>,
        %get3A_997 = arith.index_cast %scan3A_628 : i32 to index
        %get3A_998 = arith.constant 432 : index
        %get3A_999 = tpu.vector_load %arg7[%get3A_997, %get3A_998] {strides = array<i32>} : memref<8x1024xi32, #tpu.memory_space<vmem>>, vector<16xi32>,
        %get3A_1000 = arith.index_cast %scan3A_628 : i32 to index
        %get3A_1001 = arith.constant 448 : index
        %get3A_1002 = tpu.vector_load %arg7[%get3A_1000, %get3A_1001] {strides = array<i32>} : memref<8x1024xi32, #tpu.memory_space<vmem>>, vector<16xi32>,
        %get3A_1003 = arith.index_cast %scan3A_628 : i32 to index
        %get3A_1004 = arith.constant 464 : index
        %get3A_1005 = tpu.vector_load %arg7[%get3A_1003, %get3A_1004] {strides = array<i32>} : memref<8x1024xi32, #tpu.memory_space<vmem>>, vector<16xi32>,
        %get3A_1006 = arith.index_cast %scan3A_628 : i32 to index
        %get3A_1007 = arith.constant 480 : index
        %get3A_1008 = tpu.vector_load %arg7[%get3A_1006, %get3A_1007] {strides = array<i32>} : memref<8x1024xi32, #tpu.memory_space<vmem>>, vector<16xi32>,
        %get3A_1009 = arith.index_cast %scan3A_628 : i32 to index
        %get3A_1010 = arith.constant 496 : index
        %get3A_1011 = tpu.vector_load %arg7[%get3A_1009, %get3A_1010] {strides = array<i32>} : memref<8x1024xi32, #tpu.memory_space<vmem>>, vector<16xi32>,
        %gather3A_1012 = tpu.vector_load_idx %arg6[%get3A_990] : memref<256xf32, #tpu.memory_space<vmem>>[vector<16xi32>], vector<16xf32>,
        %gather3A_1013 = tpu.vector_load_idx %arg6[%get3A_993] : memref<256xf32, #tpu.memory_space<vmem>>[vector<16xi32>], vector<16xf32>,
        %gather3A_1014 = tpu.vector_load_idx %arg6[%get3A_996] : memref<256xf32, #tpu.memory_space<vmem>>[vector<16xi32>], vector<16xf32>,
        %gather3A_1015 = tpu.vector_load_idx %arg6[%get3A_999] : memref<256xf32, #tpu.memory_space<vmem>>[vector<16xi32>], vector<16xf32>,
        %gather3A_1016 = tpu.vector_load_idx %arg6[%get3A_1002] : memref<256xf32, #tpu.memory_space<vmem>>[vector<16xi32>], vector<16xf32>,
        %gather3A_1017 = tpu.vector_load_idx %arg6[%get3A_1005] : memref<256xf32, #tpu.memory_space<vmem>>[vector<16xi32>], vector<16xf32>,
        %gather3A_1018 = tpu.vector_load_idx %arg6[%get3A_1008] : memref<256xf32, #tpu.memory_space<vmem>>[vector<16xi32>], vector<16xf32>,
        %gather3A_1019 = tpu.vector_load_idx %arg6[%get3A_1011] : memref<256xf32, #tpu.memory_space<vmem>>[vector<16xi32>], vector<16xf32>,
        %swap3A_1020 = arith.index_cast %scan3A_628 : i32 to index
        %swap3A_1021 = arith.constant 384 : index
        %swap3A_1022 = tpu.vector_load %arg11[%swap3A_1020, %swap3A_1021] {strides = array<i32>} : memref<8x1024xf32, #tpu.memory_space<vmem>>, vector<16xf32>,
        tpu.vector_store %arg11[%swap3A_1020, %swap3A_1021], %gather3A_1012 {strides = array<i32>} : memref<8x1024xf32, #tpu.memory_space<vmem>>, vector<16xf32>,
        %swap3A_1023 = arith.index_cast %scan3A_628 : i32 to index
        %swap3A_1024 = arith.constant 400 : index
        %swap3A_1025 = tpu.vector_load %arg11[%swap3A_1023, %swap3A_1024] {strides = array<i32>} : memref<8x1024xf32, #tpu.memory_space<vmem>>, vector<16xf32>,
        tpu.vector_store %arg11[%swap3A_1023, %swap3A_1024], %gather3A_1013 {strides = array<i32>} : memref<8x1024xf32, #tpu.memory_space<vmem>>, vector<16xf32>,
        %swap3A_1026 = arith.index_cast %scan3A_628 : i32 to index
        %swap3A_1027 = arith.constant 416 : index
        %swap3A_1028 = tpu.vector_load %arg11[%swap3A_1026, %swap3A_1027] {strides = array<i32>} : memref<8x1024xf32, #tpu.memory_space<vmem>>, vector<16xf32>,
        tpu.vector_store %arg11[%swap3A_1026, %swap3A_1027], %gather3A_1014 {strides = array<i32>} : memref<8x1024xf32, #tpu.memory_space<vmem>>, vector<16xf32>,
        %swap3A_1029 = arith.index_cast %scan3A_628 : i32 to index
        %swap3A_1030 = arith.constant 432 : index
        %swap3A_1031 = tpu.vector_load %arg11[%swap3A_1029, %swap3A_1030] {strides = array<i32>} : memref<8x1024xf32, #tpu.memory_space<vmem>>, vector<16xf32>,
        tpu.vector_store %arg11[%swap3A_1029, %swap3A_1030], %gather3A_1015 {strides = array<i32>} : memref<8x1024xf32, #tpu.memory_space<vmem>>, vector<16xf32>,
        %swap3A_1032 = arith.index_cast %scan3A_628 : i32 to index
        %swap3A_1033 = arith.constant 448 : index
        %swap3A_1034 = tpu.vector_load %arg11[%swap3A_1032, %swap3A_1033] {strides = array<i32>} : memref<8x1024xf32, #tpu.memory_space<vmem>>, vector<16xf32>,
        tpu.vector_store %arg11[%swap3A_1032, %swap3A_1033], %gather3A_1016 {strides = array<i32>} : memref<8x1024xf32, #tpu.memory_space<vmem>>, vector<16xf32>,
        %swap3A_1035 = arith.index_cast %scan3A_628 : i32 to index
        %swap3A_1036 = arith.constant 464 : index
        %swap3A_1037 = tpu.vector_load %arg11[%swap3A_1035, %swap3A_1036] {strides = array<i32>} : memref<8x1024xf32, #tpu.memory_space<vmem>>, vector<16xf32>,
        tpu.vector_store %arg11[%swap3A_1035, %swap3A_1036], %gather3A_1017 {strides = array<i32>} : memref<8x1024xf32, #tpu.memory_space<vmem>>, vector<16xf32>,
        %swap3A_1038 = arith.index_cast %scan3A_628 : i32 to index
        %swap3A_1039 = arith.constant 480 : index
        %swap3A_1040 = tpu.vector_load %arg11[%swap3A_1038, %swap3A_1039] {strides = array<i32>} : memref<8x1024xf32, #tpu.memory_space<vmem>>, vector<16xf32>,
        tpu.vector_store %arg11[%swap3A_1038, %swap3A_1039], %gather3A_1018 {strides = array<i32>} : memref<8x1024xf32, #tpu.memory_space<vmem>>, vector<16xf32>,
        %swap3A_1041 = arith.index_cast %scan3A_628 : i32 to index
        %swap3A_1042 = arith.constant 496 : index
        %swap3A_1043 = tpu.vector_load %arg11[%swap3A_1041, %swap3A_1042] {strides = array<i32>} : memref<8x1024xf32, #tpu.memory_space<vmem>>, vector<16xf32>,
        tpu.vector_store %arg11[%swap3A_1041, %swap3A_1042], %gather3A_1019 {strides = array<i32>} : memref<8x1024xf32, #tpu.memory_space<vmem>>, vector<16xf32>,
        %get3A_1044 = arith.index_cast %scan3A_628 : i32 to index
        %get3A_1045 = arith.constant 512 : index
        %get3A_1046 = tpu.vector_load %arg7[%get3A_1044, %get3A_1045] {strides = array<i32>} : memref<8x1024xi32, #tpu.memory_space<vmem>>, vector<16xi32>,
        %get3A_1047 = arith.index_cast %scan3A_628 : i32 to index
        %get3A_1048 = arith.constant 528 : index
        %get3A_1049 = tpu.vector_load %arg7[%get3A_1047, %get3A_1048] {strides = array<i32>} : memref<8x1024xi32, #tpu.memory_space<vmem>>, vector<16xi32>,
        %get3A_1050 = arith.index_cast %scan3A_628 : i32 to index
        %get3A_1051 = arith.constant 544 : index
        %get3A_1052 = tpu.vector_load %arg7[%get3A_1050, %get3A_1051] {strides = array<i32>} : memref<8x1024xi32, #tpu.memory_space<vmem>>, vector<16xi32>,
        %get3A_1053 = arith.index_cast %scan3A_628 : i32 to index
        %get3A_1054 = arith.constant 560 : index
        %get3A_1055 = tpu.vector_load %arg7[%get3A_1053, %get3A_1054] {strides = array<i32>} : memref<8x1024xi32, #tpu.memory_space<vmem>>, vector<16xi32>,
        %get3A_1056 = arith.index_cast %scan3A_628 : i32 to index
        %get3A_1057 = arith.constant 576 : index
        %get3A_1058 = tpu.vector_load %arg7[%get3A_1056, %get3A_1057] {strides = array<i32>} : memref<8x1024xi32, #tpu.memory_space<vmem>>, vector<16xi32>,
        %get3A_1059 = arith.index_cast %scan3A_628 : i32 to index
        %get3A_1060 = arith.constant 592 : index
        %get3A_1061 = tpu.vector_load %arg7[%get3A_1059, %get3A_1060] {strides = array<i32>} : memref<8x1024xi32, #tpu.memory_space<vmem>>, vector<16xi32>,
        %get3A_1062 = arith.index_cast %scan3A_628 : i32 to index
        %get3A_1063 = arith.constant 608 : index
        %get3A_1064 = tpu.vector_load %arg7[%get3A_1062, %get3A_1063] {strides = array<i32>} : memref<8x1024xi32, #tpu.memory_space<vmem>>, vector<16xi32>,
        %get3A_1065 = arith.index_cast %scan3A_628 : i32 to index
        %get3A_1066 = arith.constant 624 : index
        %get3A_1067 = tpu.vector_load %arg7[%get3A_1065, %get3A_1066] {strides = array<i32>} : memref<8x1024xi32, #tpu.memory_space<vmem>>, vector<16xi32>,
        %gather3A_1068 = tpu.vector_load_idx %arg6[%get3A_1046] : memref<256xf32, #tpu.memory_space<vmem>>[vector<16xi32>], vector<16xf32>,
        %gather3A_1069 = tpu.vector_load_idx %arg6[%get3A_1049] : memref<256xf32, #tpu.memory_space<vmem>>[vector<16xi32>], vector<16xf32>,
        %gather3A_1070 = tpu.vector_load_idx %arg6[%get3A_1052] : memref<256xf32, #tpu.memory_space<vmem>>[vector<16xi32>], vector<16xf32>,
        %gather3A_1071 = tpu.vector_load_idx %arg6[%get3A_1055] : memref<256xf32, #tpu.memory_space<vmem>>[vector<16xi32>], vector<16xf32>,
        %gather3A_1072 = tpu.vector_load_idx %arg6[%get3A_1058] : memref<256xf32, #tpu.memory_space<vmem>>[vector<16xi32>], vector<16xf32>,
        %gather3A_1073 = tpu.vector_load_idx %arg6[%get3A_1061] : memref<256xf32, #tpu.memory_space<vmem>>[vector<16xi32>], vector<16xf32>,
        %gather3A_1074 = tpu.vector_load_idx %arg6[%get3A_1064] : memref<256xf32, #tpu.memory_space<vmem>>[vector<16xi32>], vector<16xf32>,
        %gather3A_1075 = tpu.vector_load_idx %arg6[%get3A_1067] : memref<256xf32, #tpu.memory_space<vmem>>[vector<16xi32>], vector<16xf32>,
        %swap3A_1076 = arith.index_cast %scan3A_628 : i32 to index
        %swap3A_1077 = arith.constant 512 : index
        %swap3A_1078 = tpu.vector_load %arg11[%swap3A_1076, %swap3A_1077] {strides = array<i32>} : memref<8x1024xf32, #tpu.memory_space<vmem>>, vector<16xf32>,
        tpu.vector_store %arg11[%swap3A_1076, %swap3A_1077], %gather3A_1068 {strides = array<i32>} : memref<8x1024xf32, #tpu.memory_space<vmem>>, vector<16xf32>,
        %swap3A_1079 = arith.index_cast %scan3A_628 : i32 to index
        %swap3A_1080 = arith.constant 528 : index
        %swap3A_1081 = tpu.vector_load %arg11[%swap3A_1079, %swap3A_1080] {strides = array<i32>} : memref<8x1024xf32, #tpu.memory_space<vmem>>, vector<16xf32>,
        tpu.vector_store %arg11[%swap3A_1079, %swap3A_1080], %gather3A_1069 {strides = array<i32>} : memref<8x1024xf32, #tpu.memory_space<vmem>>, vector<16xf32>,
        %swap3A_1082 = arith.index_cast %scan3A_628 : i32 to index
        %swap3A_1083 = arith.constant 544 : index
        %swap3A_1084 = tpu.vector_load %arg11[%swap3A_1082, %swap3A_1083] {strides = array<i32>} : memref<8x1024xf32, #tpu.memory_space<vmem>>, vector<16xf32>,
        tpu.vector_store %arg11[%swap3A_1082, %swap3A_1083], %gather3A_1070 {strides = array<i32>} : memref<8x1024xf32, #tpu.memory_space<vmem>>, vector<16xf32>,
        %swap3A_1085 = arith.index_cast %scan3A_628 : i32 to index
        %swap3A_1086 = arith.constant 560 : index
        %swap3A_1087 = tpu.vector_load %arg11[%swap3A_1085, %swap3A_1086] {strides = array<i32>} : memref<8x1024xf32, #tpu.memory_space<vmem>>, vector<16xf32>,
        tpu.vector_store %arg11[%swap3A_1085, %swap3A_1086], %gather3A_1071 {strides = array<i32>} : memref<8x1024xf32, #tpu.memory_space<vmem>>, vector<16xf32>,
        %swap3A_1088 = arith.index_cast %scan3A_628 : i32 to index
        %swap3A_1089 = arith.constant 576 : index
        %swap3A_1090 = tpu.vector_load %arg11[%swap3A_1088, %swap3A_1089] {strides = array<i32>} : memref<8x1024xf32, #tpu.memory_space<vmem>>, vector<16xf32>,
        tpu.vector_store %arg11[%swap3A_1088, %swap3A_1089], %gather3A_1072 {strides = array<i32>} : memref<8x1024xf32, #tpu.memory_space<vmem>>, vector<16xf32>,
        %swap3A_1091 = arith.index_cast %scan3A_628 : i32 to index
        %swap3A_1092 = arith.constant 592 : index
        %swap3A_1093 = tpu.vector_load %arg11[%swap3A_1091, %swap3A_1092] {strides = array<i32>} : memref<8x1024xf32, #tpu.memory_space<vmem>>, vector<16xf32>,
        tpu.vector_store %arg11[%swap3A_1091, %swap3A_1092], %gather3A_1073 {strides = array<i32>} : memref<8x1024xf32, #tpu.memory_space<vmem>>, vector<16xf32>,
        %swap3A_1094 = arith.index_cast %scan3A_628 : i32 to index
        %swap3A_1095 = arith.constant 608 : index
        %swap3A_1096 = tpu.vector_load %arg11[%swap3A_1094, %swap3A_1095] {strides = array<i32>} : memref<8x1024xf32, #tpu.memory_space<vmem>>, vector<16xf32>,
        tpu.vector_store %arg11[%swap3A_1094, %swap3A_1095], %gather3A_1074 {strides = array<i32>} : memref<8x1024xf32, #tpu.memory_space<vmem>>, vector<16xf32>,
        %swap3A_1097 = arith.index_cast %scan3A_628 : i32 to index
        %swap3A_1098 = arith.constant 624 : index
        %swap3A_1099 = tpu.vector_load %arg11[%swap3A_1097, %swap3A_1098] {strides = array<i32>} : memref<8x1024xf32, #tpu.memory_space<vmem>>, vector<16xf32>,
        tpu.vector_store %arg11[%swap3A_1097, %swap3A_1098], %gather3A_1075 {strides = array<i32>} : memref<8x1024xf32, #tpu.memory_space<vmem>>, vector<16xf32>,
        %get3A_1100 = arith.index_cast %scan3A_628 : i32 to index
        %get3A_1101 = arith.constant 640 : index
        %get3A_1102 = tpu.vector_load %arg7[%get3A_1100, %get3A_1101] {strides = array<i32>} : memref<8x1024xi32, #tpu.memory_space<vmem>>, vector<16xi32>,
        %get3A_1103 = arith.index_cast %scan3A_628 : i32 to index
        %get3A_1104 = arith.constant 656 : index
        %get3A_1105 = tpu.vector_load %arg7[%get3A_1103, %get3A_1104] {strides = array<i32>} : memref<8x1024xi32, #tpu.memory_space<vmem>>, vector<16xi32>,
        %get3A_1106 = arith.index_cast %scan3A_628 : i32 to index
        %get3A_1107 = arith.constant 672 : index
        %get3A_1108 = tpu.vector_load %arg7[%get3A_1106, %get3A_1107] {strides = array<i32>} : memref<8x1024xi32, #tpu.memory_space<vmem>>, vector<16xi32>,
        %get3A_1109 = arith.index_cast %scan3A_628 : i32 to index
        %get3A_1110 = arith.constant 688 : index
        %get3A_1111 = tpu.vector_load %arg7[%get3A_1109, %get3A_1110] {strides = array<i32>} : memref<8x1024xi32, #tpu.memory_space<vmem>>, vector<16xi32>,
        %get3A_1112 = arith.index_cast %scan3A_628 : i32 to index
        %get3A_1113 = arith.constant 704 : index
        %get3A_1114 = tpu.vector_load %arg7[%get3A_1112, %get3A_1113] {strides = array<i32>} : memref<8x1024xi32, #tpu.memory_space<vmem>>, vector<16xi32>,
        %get3A_1115 = arith.index_cast %scan3A_628 : i32 to index
        %get3A_1116 = arith.constant 720 : index
        %get3A_1117 = tpu.vector_load %arg7[%get3A_1115, %get3A_1116] {strides = array<i32>} : memref<8x1024xi32, #tpu.memory_space<vmem>>, vector<16xi32>,
        %get3A_1118 = arith.index_cast %scan3A_628 : i32 to index
        %get3A_1119 = arith.constant 736 : index
        %get3A_1120 = tpu.vector_load %arg7[%get3A_1118, %get3A_1119] {strides = array<i32>} : memref<8x1024xi32, #tpu.memory_space<vmem>>, vector<16xi32>,
        %get3A_1121 = arith.index_cast %scan3A_628 : i32 to index
        %get3A_1122 = arith.constant 752 : index
        %get3A_1123 = tpu.vector_load %arg7[%get3A_1121, %get3A_1122] {strides = array<i32>} : memref<8x1024xi32, #tpu.memory_space<vmem>>, vector<16xi32>,
        %gather3A_1124 = tpu.vector_load_idx %arg6[%get3A_1102] : memref<256xf32, #tpu.memory_space<vmem>>[vector<16xi32>], vector<16xf32>,
        %gather3A_1125 = tpu.vector_load_idx %arg6[%get3A_1105] : memref<256xf32, #tpu.memory_space<vmem>>[vector<16xi32>], vector<16xf32>,
        %gather3A_1126 = tpu.vector_load_idx %arg6[%get3A_1108] : memref<256xf32, #tpu.memory_space<vmem>>[vector<16xi32>], vector<16xf32>,
        %gather3A_1127 = tpu.vector_load_idx %arg6[%get3A_1111] : memref<256xf32, #tpu.memory_space<vmem>>[vector<16xi32>], vector<16xf32>,
        %gather3A_1128 = tpu.vector_load_idx %arg6[%get3A_1114] : memref<256xf32, #tpu.memory_space<vmem>>[vector<16xi32>], vector<16xf32>,
        %gather3A_1129 = tpu.vector_load_idx %arg6[%get3A_1117] : memref<256xf32, #tpu.memory_space<vmem>>[vector<16xi32>], vector<16xf32>,
        %gather3A_1130 = tpu.vector_load_idx %arg6[%get3A_1120] : memref<256xf32, #tpu.memory_space<vmem>>[vector<16xi32>], vector<16xf32>,
        %gather3A_1131 = tpu.vector_load_idx %arg6[%get3A_1123] : memref<256xf32, #tpu.memory_space<vmem>>[vector<16xi32>], vector<16xf32>,
        %swap3A_1132 = arith.index_cast %scan3A_628 : i32 to index
        %swap3A_1133 = arith.constant 640 : index
        %swap3A_1134 = tpu.vector_load %arg11[%swap3A_1132, %swap3A_1133] {strides = array<i32>} : memref<8x1024xf32, #tpu.memory_space<vmem>>, vector<16xf32>,
        tpu.vector_store %arg11[%swap3A_1132, %swap3A_1133], %gather3A_1124 {strides = array<i32>} : memref<8x1024xf32, #tpu.memory_space<vmem>>, vector<16xf32>,
        %swap3A_1135 = arith.index_cast %scan3A_628 : i32 to index
        %swap3A_1136 = arith.constant 656 : index
        %swap3A_1137 = tpu.vector_load %arg11[%swap3A_1135, %swap3A_1136] {strides = array<i32>} : memref<8x1024xf32, #tpu.memory_space<vmem>>, vector<16xf32>,
        tpu.vector_store %arg11[%swap3A_1135, %swap3A_1136], %gather3A_1125 {strides = array<i32>} : memref<8x1024xf32, #tpu.memory_space<vmem>>, vector<16xf32>,
        %swap3A_1138 = arith.index_cast %scan3A_628 : i32 to index
        %swap3A_1139 = arith.constant 672 : index
        %swap3A_1140 = tpu.vector_load %arg11[%swap3A_1138, %swap3A_1139] {strides = array<i32>} : memref<8x1024xf32, #tpu.memory_space<vmem>>, vector<16xf32>,
        tpu.vector_store %arg11[%swap3A_1138, %swap3A_1139], %gather3A_1126 {strides = array<i32>} : memref<8x1024xf32, #tpu.memory_space<vmem>>, vector<16xf32>,
        %swap3A_1141 = arith.index_cast %scan3A_628 : i32 to index
        %swap3A_1142 = arith.constant 688 : index
        %swap3A_1143 = tpu.vector_load %arg11[%swap3A_1141, %swap3A_1142] {strides = array<i32>} : memref<8x1024xf32, #tpu.memory_space<vmem>>, vector<16xf32>,
        tpu.vector_store %arg11[%swap3A_1141, %swap3A_1142], %gather3A_1127 {strides = array<i32>} : memref<8x1024xf32, #tpu.memory_space<vmem>>, vector<16xf32>,
        %swap3A_1144 = arith.index_cast %scan3A_628 : i32 to index
        %swap3A_1145 = arith.constant 704 : index
        %swap3A_1146 = tpu.vector_load %arg11[%swap3A_1144, %swap3A_1145] {strides = array<i32>} : memref<8x1024xf32, #tpu.memory_space<vmem>>, vector<16xf32>,
        tpu.vector_store %arg11[%swap3A_1144, %swap3A_1145], %gather3A_1128 {strides = array<i32>} : memref<8x1024xf32, #tpu.memory_space<vmem>>, vector<16xf32>,
        %swap3A_1147 = arith.index_cast %scan3A_628 : i32 to index
        %swap3A_1148 = arith.constant 720 : index
        %swap3A_1149 = tpu.vector_load %arg11[%swap3A_1147, %swap3A_1148] {strides = array<i32>} : memref<8x1024xf32, #tpu.memory_space<vmem>>, vector<16xf32>,
        tpu.vector_store %arg11[%swap3A_1147, %swap3A_1148], %gather3A_1129 {strides = array<i32>} : memref<8x1024xf32, #tpu.memory_space<vmem>>, vector<16xf32>,
        %swap3A_1150 = arith.index_cast %scan3A_628 : i32 to index
        %swap3A_1151 = arith.constant 736 : index
        %swap3A_1152 = tpu.vector_load %arg11[%swap3A_1150, %swap3A_1151] {strides = array<i32>} : memref<8x1024xf32, #tpu.memory_space<vmem>>, vector<16xf32>,
        tpu.vector_store %arg11[%swap3A_1150, %swap3A_1151], %gather3A_1130 {strides = array<i32>} : memref<8x1024xf32, #tpu.memory_space<vmem>>, vector<16xf32>,
        %swap3A_1153 = arith.index_cast %scan3A_628 : i32 to index
        %swap3A_1154 = arith.constant 752 : index
        %swap3A_1155 = tpu.vector_load %arg11[%swap3A_1153, %swap3A_1154] {strides = array<i32>} : memref<8x1024xf32, #tpu.memory_space<vmem>>, vector<16xf32>,
        tpu.vector_store %arg11[%swap3A_1153, %swap3A_1154], %gather3A_1131 {strides = array<i32>} : memref<8x1024xf32, #tpu.memory_space<vmem>>, vector<16xf32>,
        %get3A_1156 = arith.index_cast %scan3A_628 : i32 to index
        %get3A_1157 = arith.constant 768 : index
        %get3A_1158 = tpu.vector_load %arg7[%get3A_1156, %get3A_1157] {strides = array<i32>} : memref<8x1024xi32, #tpu.memory_space<vmem>>, vector<16xi32>,
        %get3A_1159 = arith.index_cast %scan3A_628 : i32 to index
        %get3A_1160 = arith.constant 784 : index
        %get3A_1161 = tpu.vector_load %arg7[%get3A_1159, %get3A_1160] {strides = array<i32>} : memref<8x1024xi32, #tpu.memory_space<vmem>>, vector<16xi32>,
        %get3A_1162 = arith.index_cast %scan3A_628 : i32 to index
        %get3A_1163 = arith.constant 800 : index
        %get3A_1164 = tpu.vector_load %arg7[%get3A_1162, %get3A_1163] {strides = array<i32>} : memref<8x1024xi32, #tpu.memory_space<vmem>>, vector<16xi32>,
        %get3A_1165 = arith.index_cast %scan3A_628 : i32 to index
        %get3A_1166 = arith.constant 816 : index
        %get3A_1167 = tpu.vector_load %arg7[%get3A_1165, %get3A_1166] {strides = array<i32>} : memref<8x1024xi32, #tpu.memory_space<vmem>>, vector<16xi32>,
        %get3A_1168 = arith.index_cast %scan3A_628 : i32 to index
        %get3A_1169 = arith.constant 832 : index
        %get3A_1170 = tpu.vector_load %arg7[%get3A_1168, %get3A_1169] {strides = array<i32>} : memref<8x1024xi32, #tpu.memory_space<vmem>>, vector<16xi32>,
        %get3A_1171 = arith.index_cast %scan3A_628 : i32 to index
        %get3A_1172 = arith.constant 848 : index
        %get3A_1173 = tpu.vector_load %arg7[%get3A_1171, %get3A_1172] {strides = array<i32>} : memref<8x1024xi32, #tpu.memory_space<vmem>>, vector<16xi32>,
        %get3A_1174 = arith.index_cast %scan3A_628 : i32 to index
        %get3A_1175 = arith.constant 864 : index
        %get3A_1176 = tpu.vector_load %arg7[%get3A_1174, %get3A_1175] {strides = array<i32>} : memref<8x1024xi32, #tpu.memory_space<vmem>>, vector<16xi32>,
        %get3A_1177 = arith.index_cast %scan3A_628 : i32 to index
        %get3A_1178 = arith.constant 880 : index
        %get3A_1179 = tpu.vector_load %arg7[%get3A_1177, %get3A_1178] {strides = array<i32>} : memref<8x1024xi32, #tpu.memory_space<vmem>>, vector<16xi32>,
        %gather3A_1180 = tpu.vector_load_idx %arg6[%get3A_1158] : memref<256xf32, #tpu.memory_space<vmem>>[vector<16xi32>], vector<16xf32>,
        %gather3A_1181 = tpu.vector_load_idx %arg6[%get3A_1161] : memref<256xf32, #tpu.memory_space<vmem>>[vector<16xi32>], vector<16xf32>,
        %gather3A_1182 = tpu.vector_load_idx %arg6[%get3A_1164] : memref<256xf32, #tpu.memory_space<vmem>>[vector<16xi32>], vector<16xf32>,
        %gather3A_1183 = tpu.vector_load_idx %arg6[%get3A_1167] : memref<256xf32, #tpu.memory_space<vmem>>[vector<16xi32>], vector<16xf32>,
        %gather3A_1184 = tpu.vector_load_idx %arg6[%get3A_1170] : memref<256xf32, #tpu.memory_space<vmem>>[vector<16xi32>], vector<16xf32>,
        %gather3A_1185 = tpu.vector_load_idx %arg6[%get3A_1173] : memref<256xf32, #tpu.memory_space<vmem>>[vector<16xi32>], vector<16xf32>,
        %gather3A_1186 = tpu.vector_load_idx %arg6[%get3A_1176] : memref<256xf32, #tpu.memory_space<vmem>>[vector<16xi32>], vector<16xf32>,
        %gather3A_1187 = tpu.vector_load_idx %arg6[%get3A_1179] : memref<256xf32, #tpu.memory_space<vmem>>[vector<16xi32>], vector<16xf32>,
        %swap3A_1188 = arith.index_cast %scan3A_628 : i32 to index
        %swap3A_1189 = arith.constant 768 : index
        %swap3A_1190 = tpu.vector_load %arg11[%swap3A_1188, %swap3A_1189] {strides = array<i32>} : memref<8x1024xf32, #tpu.memory_space<vmem>>, vector<16xf32>,
        tpu.vector_store %arg11[%swap3A_1188, %swap3A_1189], %gather3A_1180 {strides = array<i32>} : memref<8x1024xf32, #tpu.memory_space<vmem>>, vector<16xf32>,
        %swap3A_1191 = arith.index_cast %scan3A_628 : i32 to index
        %swap3A_1192 = arith.constant 784 : index
        %swap3A_1193 = tpu.vector_load %arg11[%swap3A_1191, %swap3A_1192] {strides = array<i32>} : memref<8x1024xf32, #tpu.memory_space<vmem>>, vector<16xf32>,
        tpu.vector_store %arg11[%swap3A_1191, %swap3A_1192], %gather3A_1181 {strides = array<i32>} : memref<8x1024xf32, #tpu.memory_space<vmem>>, vector<16xf32>,
        %swap3A_1194 = arith.index_cast %scan3A_628 : i32 to index
        %swap3A_1195 = arith.constant 800 : index
        %swap3A_1196 = tpu.vector_load %arg11[%swap3A_1194, %swap3A_1195] {strides = array<i32>} : memref<8x1024xf32, #tpu.memory_space<vmem>>, vector<16xf32>,
        tpu.vector_store %arg11[%swap3A_1194, %swap3A_1195], %gather3A_1182 {strides = array<i32>} : memref<8x1024xf32, #tpu.memory_space<vmem>>, vector<16xf32>,
        %swap3A_1197 = arith.index_cast %scan3A_628 : i32 to index
        %swap3A_1198 = arith.constant 816 : index
        %swap3A_1199 = tpu.vector_load %arg11[%swap3A_1197, %swap3A_1198] {strides = array<i32>} : memref<8x1024xf32, #tpu.memory_space<vmem>>, vector<16xf32>,
        tpu.vector_store %arg11[%swap3A_1197, %swap3A_1198], %gather3A_1183 {strides = array<i32>} : memref<8x1024xf32, #tpu.memory_space<vmem>>, vector<16xf32>,
        %swap3A_1200 = arith.index_cast %scan3A_628 : i32 to index
        %swap3A_1201 = arith.constant 832 : index
        %swap3A_1202 = tpu.vector_load %arg11[%swap3A_1200, %swap3A_1201] {strides = array<i32>} : memref<8x1024xf32, #tpu.memory_space<vmem>>, vector<16xf32>,
        tpu.vector_store %arg11[%swap3A_1200, %swap3A_1201], %gather3A_1184 {strides = array<i32>} : memref<8x1024xf32, #tpu.memory_space<vmem>>, vector<16xf32>,
        %swap3A_1203 = arith.index_cast %scan3A_628 : i32 to index
        %swap3A_1204 = arith.constant 848 : index
        %swap3A_1205 = tpu.vector_load %arg11[%swap3A_1203, %swap3A_1204] {strides = array<i32>} : memref<8x1024xf32, #tpu.memory_space<vmem>>, vector<16xf32>,
        tpu.vector_store %arg11[%swap3A_1203, %swap3A_1204], %gather3A_1185 {strides = array<i32>} : memref<8x1024xf32, #tpu.memory_space<vmem>>, vector<16xf32>,
        %swap3A_1206 = arith.index_cast %scan3A_628 : i32 to index
        %swap3A_1207 = arith.constant 864 : index
        %swap3A_1208 = tpu.vector_load %arg11[%swap3A_1206, %swap3A_1207] {strides = array<i32>} : memref<8x1024xf32, #tpu.memory_space<vmem>>, vector<16xf32>,
        tpu.vector_store %arg11[%swap3A_1206, %swap3A_1207], %gather3A_1186 {strides = array<i32>} : memref<8x1024xf32, #tpu.memory_space<vmem>>, vector<16xf32>,
        %swap3A_1209 = arith.index_cast %scan3A_628 : i32 to index
        %swap3A_1210 = arith.constant 880 : index
        %swap3A_1211 = tpu.vector_load %arg11[%swap3A_1209, %swap3A_1210] {strides = array<i32>} : memref<8x1024xf32, #tpu.memory_space<vmem>>, vector<16xf32>,
        tpu.vector_store %arg11[%swap3A_1209, %swap3A_1210], %gather3A_1187 {strides = array<i32>} : memref<8x1024xf32, #tpu.memory_space<vmem>>, vector<16xf32>,
        %get3A_1212 = arith.index_cast %scan3A_628 : i32 to index
        %get3A_1213 = arith.constant 896 : index
        %get3A_1214 = tpu.vector_load %arg7[%get3A_1212, %get3A_1213] {strides = array<i32>} : memref<8x1024xi32, #tpu.memory_space<vmem>>, vector<16xi32>,
        %get3A_1215 = arith.index_cast %scan3A_628 : i32 to index
        %get3A_1216 = arith.constant 912 : index
        %get3A_1217 = tpu.vector_load %arg7[%get3A_1215, %get3A_1216] {strides = array<i32>} : memref<8x1024xi32, #tpu.memory_space<vmem>>, vector<16xi32>,
        %get3A_1218 = arith.index_cast %scan3A_628 : i32 to index
        %get3A_1219 = arith.constant 928 : index
        %get3A_1220 = tpu.vector_load %arg7[%get3A_1218, %get3A_1219] {strides = array<i32>} : memref<8x1024xi32, #tpu.memory_space<vmem>>, vector<16xi32>,
        %get3A_1221 = arith.index_cast %scan3A_628 : i32 to index
        %get3A_1222 = arith.constant 944 : index
        %get3A_1223 = tpu.vector_load %arg7[%get3A_1221, %get3A_1222] {strides = array<i32>} : memref<8x1024xi32, #tpu.memory_space<vmem>>, vector<16xi32>,
        %get3A_1224 = arith.index_cast %scan3A_628 : i32 to index
        %get3A_1225 = arith.constant 960 : index
        %get3A_1226 = tpu.vector_load %arg7[%get3A_1224, %get3A_1225] {strides = array<i32>} : memref<8x1024xi32, #tpu.memory_space<vmem>>, vector<16xi32>,
        %get3A_1227 = arith.index_cast %scan3A_628 : i32 to index
        %get3A_1228 = arith.constant 976 : index
        %get3A_1229 = tpu.vector_load %arg7[%get3A_1227, %get3A_1228] {strides = array<i32>} : memref<8x1024xi32, #tpu.memory_space<vmem>>, vector<16xi32>,
        %get3A_1230 = arith.index_cast %scan3A_628 : i32 to index
        %get3A_1231 = arith.constant 992 : index
        %get3A_1232 = tpu.vector_load %arg7[%get3A_1230, %get3A_1231] {strides = array<i32>} : memref<8x1024xi32, #tpu.memory_space<vmem>>, vector<16xi32>,
        %get3A_1233 = arith.index_cast %scan3A_628 : i32 to index
        %get3A_1234 = arith.constant 1008 : index
        %get3A_1235 = tpu.vector_load %arg7[%get3A_1233, %get3A_1234] {strides = array<i32>} : memref<8x1024xi32, #tpu.memory_space<vmem>>, vector<16xi32>,
        %gather3A_1236 = tpu.vector_load_idx %arg6[%get3A_1214] : memref<256xf32, #tpu.memory_space<vmem>>[vector<16xi32>], vector<16xf32>,
        %gather3A_1237 = tpu.vector_load_idx %arg6[%get3A_1217] : memref<256xf32, #tpu.memory_space<vmem>>[vector<16xi32>], vector<16xf32>,
        %gather3A_1238 = tpu.vector_load_idx %arg6[%get3A_1220] : memref<256xf32, #tpu.memory_space<vmem>>[vector<16xi32>], vector<16xf32>,
        %gather3A_1239 = tpu.vector_load_idx %arg6[%get3A_1223] : memref<256xf32, #tpu.memory_space<vmem>>[vector<16xi32>], vector<16xf32>,
        %gather3A_1240 = tpu.vector_load_idx %arg6[%get3A_1226] : memref<256xf32, #tpu.memory_space<vmem>>[vector<16xi32>], vector<16xf32>,
        %gather3A_1241 = tpu.vector_load_idx %arg6[%get3A_1229] : memref<256xf32, #tpu.memory_space<vmem>>[vector<16xi32>], vector<16xf32>,
        %gather3A_1242 = tpu.vector_load_idx %arg6[%get3A_1232] : memref<256xf32, #tpu.memory_space<vmem>>[vector<16xi32>], vector<16xf32>,
        %gather3A_1243 = tpu.vector_load_idx %arg6[%get3A_1235] : memref<256xf32, #tpu.memory_space<vmem>>[vector<16xi32>], vector<16xf32>,
        %swap3A_1244 = arith.index_cast %scan3A_628 : i32 to index
        %swap3A_1245 = arith.constant 896 : index
        %swap3A_1246 = tpu.vector_load %arg11[%swap3A_1244, %swap3A_1245] {strides = array<i32>} : memref<8x1024xf32, #tpu.memory_space<vmem>>, vector<16xf32>,
        tpu.vector_store %arg11[%swap3A_1244, %swap3A_1245], %gather3A_1236 {strides = array<i32>} : memref<8x1024xf32, #tpu.memory_space<vmem>>, vector<16xf32>,
        %swap3A_1247 = arith.index_cast %scan3A_628 : i32 to index
        %swap3A_1248 = arith.constant 912 : index
        %swap3A_1249 = tpu.vector_load %arg11[%swap3A_1247, %swap3A_1248] {strides = array<i32>} : memref<8x1024xf32, #tpu.memory_space<vmem>>, vector<16xf32>,
        tpu.vector_store %arg11[%swap3A_1247, %swap3A_1248], %gather3A_1237 {strides = array<i32>} : memref<8x1024xf32, #tpu.memory_space<vmem>>, vector<16xf32>,
        %swap3A_1250 = arith.index_cast %scan3A_628 : i32 to index
        %swap3A_1251 = arith.constant 928 : index
        %swap3A_1252 = tpu.vector_load %arg11[%swap3A_1250, %swap3A_1251] {strides = array<i32>} : memref<8x1024xf32, #tpu.memory_space<vmem>>, vector<16xf32>,
        tpu.vector_store %arg11[%swap3A_1250, %swap3A_1251], %gather3A_1238 {strides = array<i32>} : memref<8x1024xf32, #tpu.memory_space<vmem>>, vector<16xf32>,
        %swap3A_1253 = arith.index_cast %scan3A_628 : i32 to index
        %swap3A_1254 = arith.constant 944 : index
        %swap3A_1255 = tpu.vector_load %arg11[%swap3A_1253, %swap3A_1254] {strides = array<i32>} : memref<8x1024xf32, #tpu.memory_space<vmem>>, vector<16xf32>,
        tpu.vector_store %arg11[%swap3A_1253, %swap3A_1254], %gather3A_1239 {strides = array<i32>} : memref<8x1024xf32, #tpu.memory_space<vmem>>, vector<16xf32>,
        %swap3A_1256 = arith.index_cast %scan3A_628 : i32 to index
        %swap3A_1257 = arith.constant 960 : index
        %swap3A_1258 = tpu.vector_load %arg11[%swap3A_1256, %swap3A_1257] {strides = array<i32>} : memref<8x1024xf32, #tpu.memory_space<vmem>>, vector<16xf32>,
        tpu.vector_store %arg11[%swap3A_1256, %swap3A_1257], %gather3A_1240 {strides = array<i32>} : memref<8x1024xf32, #tpu.memory_space<vmem>>, vector<16xf32>,
        %swap3A_1259 = arith.index_cast %scan3A_628 : i32 to index
        %swap3A_1260 = arith.constant 976 : index
        %swap3A_1261 = tpu.vector_load %arg11[%swap3A_1259, %swap3A_1260] {strides = array<i32>} : memref<8x1024xf32, #tpu.memory_space<vmem>>, vector<16xf32>,
        tpu.vector_store %arg11[%swap3A_1259, %swap3A_1260], %gather3A_1241 {strides = array<i32>} : memref<8x1024xf32, #tpu.memory_space<vmem>>, vector<16xf32>,
        %swap3A_1262 = arith.index_cast %scan3A_628 : i32 to index
        %swap3A_1263 = arith.constant 992 : index
        %swap3A_1264 = tpu.vector_load %arg11[%swap3A_1262, %swap3A_1263] {strides = array<i32>} : memref<8x1024xf32, #tpu.memory_space<vmem>>, vector<16xf32>,
        tpu.vector_store %arg11[%swap3A_1262, %swap3A_1263], %gather3A_1242 {strides = array<i32>} : memref<8x1024xf32, #tpu.memory_space<vmem>>, vector<16xf32>,
        %swap3A_1265 = arith.index_cast %scan3A_628 : i32 to index
        %swap3A_1266 = arith.constant 1008 : index
        %swap3A_1267 = tpu.vector_load %arg11[%swap3A_1265, %swap3A_1266] {strides = array<i32>} : memref<8x1024xf32, #tpu.memory_space<vmem>>, vector<16xf32>,
        tpu.vector_store %arg11[%swap3A_1265, %swap3A_1266], %gather3A_1243 {strides = array<i32>} : memref<8x1024xf32, #tpu.memory_space<vmem>>, vector<16xf32>,
        %scan3A_1268 = arith.constant 0 : i32
        scf.yield %scan3A_1268 : i32
      }
      %scan3A_505 = arith.constant 8 : i32
      %mul3A_506 = arith.constant 8 : i32
      %mul3A_507 = arith.muli %add3A_489, %mul3A_506 : i32
      %add3A_508 = arith.addi %mul3A_2, %mul3A_507 : i32
      %dma_start3A_509 = arith.constant 0 : i32
      %dma_start3A_510 = tpu.memref_slice %arg5[%add3A_508, %dma_start3A_509] : memref<32768x1024xf32, #tpu.memory_space<hbm>> -> memref<8x1024xf32, #tpu.memory_space<hbm>>
      %dma_start3A_511 = arith.constant 0 : i32
      %dma_start3A_512 = tpu.memref_slice %arg5[%add3A_508, %dma_start3A_511] : memref<32768x1024xf32, #tpu.memory_space<hbm>> -> memref<8x1024xf32, #tpu.memory_space<hbm>>
      tpu.enqueue_dma source(%arg11 : memref<8x1024xf32, #tpu.memory_space<vmem>>) target(%dma_start3A_512 : memref<8x1024xf32, #tpu.memory_space<hbm>>) target_semaphore(%arg21 : memref<!tpu.dma_semaphore, #tpu.memory_space<semaphore_mem>>)
      %add3A_513 = arith.constant 4 : i32
      %add3A_514 = arith.addi %add3A_489, %add3A_513 : i32
      %lt3A = arith.constant 128 : i32
      %lt3A_515 = arith.cmpi slt, %add3A_514, %lt3A : i32
      %convert_element_type3A_516 = arith.extui %lt3A_515 : i1 to i32
      %cond3A_517 = arith.constant 0 : i32
      %cond3A_518 = arith.cmpi ne, %convert_element_type3A_516, %cond3A_517 : i32
      scf.if %cond3A_518 {
        %add3A_628 = arith.constant 4 : i32
        %add3A_629 = arith.addi %add3A_489, %add3A_628 : i32
        %mul3A_630 = arith.constant 8 : i32
        %mul3A_631 = arith.muli %add3A_629, %mul3A_630 : i32
        %add3A_632 = arith.addi %mul3A_2, %mul3A_631 : i32
        %dma_start3A_633 = arith.constant 0 : i32
        %dma_start3A_634 = tpu.memref_slice %arg2[%add3A_632, %dma_start3A_633] : memref<32768x1024xi32, #tpu.memory_space<hbm>> -> memref<8x1024xi32, #tpu.memory_space<hbm>>
        %dma_start3A_635 = arith.constant 0 : i32
        %dma_start3A_636 = tpu.memref_slice %arg2[%add3A_632, %dma_start3A_635] : memref<32768x1024xi32, #tpu.memory_space<hbm>> -> memref<8x1024xi32, #tpu.memory_space<hbm>>
        tpu.enqueue_dma source(%dma_start3A_636 : memref<8x1024xi32, #tpu.memory_space<hbm>>) target(%arg7 : memref<8x1024xi32, #tpu.memory_space<vmem>>) target_semaphore(%arg17 : memref<!tpu.dma_semaphore, #tpu.memory_space<semaphore_mem>>)
      } else {
      }
      %mul3A_519 = arith.constant 4 : i32
      %mul3A_520 = arith.muli %mul3A_519, %scan3A_484 : i32
      %add3A_521 = arith.constant 1 : i32
      %add3A_522 = arith.addi %mul3A_520, %add3A_521 : i32
      %dma_wait3A_523 = arith.constant 0 : i32
      %dma_wait3A_524 = arith.constant 0 : i32
      %dma_wait3A_525 = tpu.memref_slice %arg2[%dma_wait3A_523, %dma_wait3A_524] : memref<32768x1024xi32, #tpu.memory_space<hbm>> -> memref<8x1024xi32, #tpu.memory_space<hbm>>
      %dma_wait3A_526 = arith.constant 0 : i32
      %dma_wait3A_527 = arith.constant 0 : i32
      %dma_wait3A_528 = tpu.memref_slice %arg2[%dma_wait3A_526, %dma_wait3A_527] : memref<32768x1024xi32, #tpu.memory_space<hbm>> -> memref<8x1024xi32, #tpu.memory_space<hbm>>
      tpu.wait_dma2 semaphore(%arg18 : memref<!tpu.dma_semaphore, #tpu.memory_space<semaphore_mem>>) src(%dma_wait3A_528 : memref<8x1024xi32, #tpu.memory_space<hbm>>) dst(%arg8 : memref<8x1024xi32, #tpu.memory_space<vmem>>)
      %ge3A_529 = arith.constant 4 : i32
      %ge3A_530 = arith.cmpi sge, %add3A_522, %ge3A_529 : i32
      %convert_element_type3A_531 = arith.extui %ge3A_530 : i1 to i32
      %cond3A_532 = arith.constant 0 : i32
      %cond3A_533 = arith.cmpi ne, %convert_element_type3A_531, %cond3A_532 : i32
      scf.if %cond3A_533 {
        %dma_wait3A_628 = arith.constant 0 : i32
        %dma_wait3A_629 = arith.constant 0 : i32
        %dma_wait3A_630 = tpu.memref_slice %arg5[%dma_wait3A_628, %dma_wait3A_629] : memref<32768x1024xf32, #tpu.memory_space<hbm>> -> memref<8x1024xf32, #tpu.memory_space<hbm>>
        %dma_wait3A_631 = arith.constant 0 : i32
        %dma_wait3A_632 = arith.constant 0 : i32
        %dma_wait3A_633 = tpu.memref_slice %arg5[%dma_wait3A_631, %dma_wait3A_632] : memref<32768x1024xf32, #tpu.memory_space<hbm>> -> memref<8x1024xf32, #tpu.memory_space<hbm>>
        tpu.wait_dma2 semaphore(%arg22 : memref<!tpu.dma_semaphore, #tpu.memory_space<semaphore_mem>>) src(%arg12 : memref<8x1024xf32, #tpu.memory_space<vmem>>) dst(%dma_wait3A_633 : memref<8x1024xf32, #tpu.memory_space<hbm>>)
      } else {
      }
      %scan3A_534 = arith.constant 0 : i32
      %scan3A_535 = arith.constant 0 : i32
      %scan3A_536 = arith.constant 8 : i32
      %scan3A_537 = arith.addi %scan3A_535, %scan3A_536 : i32
      %scan3A_538 = arith.constant 1 : i32
      %scan3A_539 = scf.for %scan3A_628 = %scan3A_535 to %scan3A_537 step %scan3A_538 iter_args(%scan3A_629 = %scan3A_534) -> (i32)  : i32 {
        %get3A_630 = arith.index_cast %scan3A_628 : i32 to index
        %get3A_631 = arith.constant 0 : index
        %get3A_632 = tpu.vector_load %arg8[%get3A_630, %get3A_631] {strides = array<i32>} : memref<8x1024xi32, #tpu.memory_space<vmem>>, vector<16xi32>,
        %get3A_633 = arith.index_cast %scan3A_628 : i32 to index
        %get3A_634 = arith.constant 16 : index
        %get3A_635 = tpu.vector_load %arg8[%get3A_633, %get3A_634] {strides = array<i32>} : memref<8x1024xi32, #tpu.memory_space<vmem>>, vector<16xi32>,
        %get3A_636 = arith.index_cast %scan3A_628 : i32 to index
        %get3A_637 = arith.constant 32 : index
        %get3A_638 = tpu.vector_load %arg8[%get3A_636, %get3A_637] {strides = array<i32>} : memref<8x1024xi32, #tpu.memory_space<vmem>>, vector<16xi32>,
        %get3A_639 = arith.index_cast %scan3A_628 : i32 to index
        %get3A_640 = arith.constant 48 : index
        %get3A_641 = tpu.vector_load %arg8[%get3A_639, %get3A_640] {strides = array<i32>} : memref<8x1024xi32, #tpu.memory_space<vmem>>, vector<16xi32>,
        %get3A_642 = arith.index_cast %scan3A_628 : i32 to index
        %get3A_643 = arith.constant 64 : index
        %get3A_644 = tpu.vector_load %arg8[%get3A_642, %get3A_643] {strides = array<i32>} : memref<8x1024xi32, #tpu.memory_space<vmem>>, vector<16xi32>,
        %get3A_645 = arith.index_cast %scan3A_628 : i32 to index
        %get3A_646 = arith.constant 80 : index
        %get3A_647 = tpu.vector_load %arg8[%get3A_645, %get3A_646] {strides = array<i32>} : memref<8x1024xi32, #tpu.memory_space<vmem>>, vector<16xi32>,
        %get3A_648 = arith.index_cast %scan3A_628 : i32 to index
        %get3A_649 = arith.constant 96 : index
        %get3A_650 = tpu.vector_load %arg8[%get3A_648, %get3A_649] {strides = array<i32>} : memref<8x1024xi32, #tpu.memory_space<vmem>>, vector<16xi32>,
        %get3A_651 = arith.index_cast %scan3A_628 : i32 to index
        %get3A_652 = arith.constant 112 : index
        %get3A_653 = tpu.vector_load %arg8[%get3A_651, %get3A_652] {strides = array<i32>} : memref<8x1024xi32, #tpu.memory_space<vmem>>, vector<16xi32>,
        %sub3A = arith.constant 128 : i32
        %sub3A_654 = vector.broadcast %sub3A : i32 to vector<16xi32>
        %sub3A_655 = arith.subi %get3A_632, %sub3A_654 : vector<16xi32>
        %convert_element_type3A_656 = arith.sitofp %sub3A_655 : vector<16xi32> to vector<16xf32>
        %mul3A_657 = arith.mulf %convert_element_type3A_656, %get3A_5 : vector<16xf32>
        %neg3A_658 = arith.constant 0.000000e+00 : f32
        %neg3A_659 = vector.broadcast %neg3A_658 : f32 to vector<16xf32>
        %neg3A_660 = arith.subf %neg3A_659, %mul3A_657 : vector<16xf32>
        %exp3A_661 = math.exp %neg3A_660 : vector<16xf32>
        %add3A_662 = arith.constant 1.000000e+00 : f32
        %add3A_663 = vector.broadcast %add3A_662 : f32 to vector<16xf32>
        %add3A_664 = arith.addf %add3A_663, %exp3A_661 : vector<16xf32>
        %div3A_665 = arith.constant 1.000000e+00 : f32
        %div3A_666 = vector.broadcast %div3A_665 : f32 to vector<16xf32>
        %div3A_667 = arith.divf %div3A_666, %add3A_664 : vector<16xf32>
        %div3A_668 = arith.divf %div3A_667, %get3A_3 : vector<16xf32>
        %add3A_669 = arith.constant 5.000000e-01 : f32
        %add3A_670 = vector.broadcast %add3A_669 : f32 to vector<16xf32>
        %add3A_671 = arith.addf %div3A_668, %add3A_670 : vector<16xf32>
        %convert_element_type3A_672 = arith.fptosi %add3A_671 : vector<16xf32> to vector<16xi32>
        %min3A_673 = arith.constant 127 : i32
        %min3A_674 = vector.broadcast %min3A_673 : i32 to vector<16xi32>
        %min3A_675 = arith.minsi %convert_element_type3A_672, %min3A_674 : vector<16xi32>
        %convert_element_type3A_676 = arith.sitofp %min3A_675 : vector<16xi32> to vector<16xf32>
        %mul3A_677 = arith.mulf %convert_element_type3A_676, %get3A_3 : vector<16xf32>
        %sub3A_678 = arith.constant 128 : i32
        %sub3A_679 = vector.broadcast %sub3A_678 : i32 to vector<16xi32>
        %sub3A_680 = arith.subi %get3A_635, %sub3A_679 : vector<16xi32>
        %convert_element_type3A_681 = arith.sitofp %sub3A_680 : vector<16xi32> to vector<16xf32>
        %mul3A_682 = arith.mulf %convert_element_type3A_681, %get3A_5 : vector<16xf32>
        %neg3A_683 = arith.constant 0.000000e+00 : f32
        %neg3A_684 = vector.broadcast %neg3A_683 : f32 to vector<16xf32>
        %neg3A_685 = arith.subf %neg3A_684, %mul3A_682 : vector<16xf32>
        %exp3A_686 = math.exp %neg3A_685 : vector<16xf32>
        %add3A_687 = arith.constant 1.000000e+00 : f32
        %add3A_688 = vector.broadcast %add3A_687 : f32 to vector<16xf32>
        %add3A_689 = arith.addf %add3A_688, %exp3A_686 : vector<16xf32>
        %div3A_690 = arith.constant 1.000000e+00 : f32
        %div3A_691 = vector.broadcast %div3A_690 : f32 to vector<16xf32>
        %div3A_692 = arith.divf %div3A_691, %add3A_689 : vector<16xf32>
        %div3A_693 = arith.divf %div3A_692, %get3A_3 : vector<16xf32>
        %add3A_694 = arith.constant 5.000000e-01 : f32
        %add3A_695 = vector.broadcast %add3A_694 : f32 to vector<16xf32>
        %add3A_696 = arith.addf %div3A_693, %add3A_695 : vector<16xf32>
        %convert_element_type3A_697 = arith.fptosi %add3A_696 : vector<16xf32> to vector<16xi32>
        %min3A_698 = arith.constant 127 : i32
        %min3A_699 = vector.broadcast %min3A_698 : i32 to vector<16xi32>
        %min3A_700 = arith.minsi %convert_element_type3A_697, %min3A_699 : vector<16xi32>
        %convert_element_type3A_701 = arith.sitofp %min3A_700 : vector<16xi32> to vector<16xf32>
        %mul3A_702 = arith.mulf %convert_element_type3A_701, %get3A_3 : vector<16xf32>
        %sub3A_703 = arith.constant 128 : i32
        %sub3A_704 = vector.broadcast %sub3A_703 : i32 to vector<16xi32>
        %sub3A_705 = arith.subi %get3A_638, %sub3A_704 : vector<16xi32>
        %convert_element_type3A_706 = arith.sitofp %sub3A_705 : vector<16xi32> to vector<16xf32>
        %mul3A_707 = arith.mulf %convert_element_type3A_706, %get3A_5 : vector<16xf32>
        %neg3A_708 = arith.constant 0.000000e+00 : f32
        %neg3A_709 = vector.broadcast %neg3A_708 : f32 to vector<16xf32>
        %neg3A_710 = arith.subf %neg3A_709, %mul3A_707 : vector<16xf32>
        %exp3A_711 = math.exp %neg3A_710 : vector<16xf32>
        %add3A_712 = arith.constant 1.000000e+00 : f32
        %add3A_713 = vector.broadcast %add3A_712 : f32 to vector<16xf32>
        %add3A_714 = arith.addf %add3A_713, %exp3A_711 : vector<16xf32>
        %div3A_715 = arith.constant 1.000000e+00 : f32
        %div3A_716 = vector.broadcast %div3A_715 : f32 to vector<16xf32>
        %div3A_717 = arith.divf %div3A_716, %add3A_714 : vector<16xf32>
        %div3A_718 = arith.divf %div3A_717, %get3A_3 : vector<16xf32>
        %add3A_719 = arith.constant 5.000000e-01 : f32
        %add3A_720 = vector.broadcast %add3A_719 : f32 to vector<16xf32>
        %add3A_721 = arith.addf %div3A_718, %add3A_720 : vector<16xf32>
        %convert_element_type3A_722 = arith.fptosi %add3A_721 : vector<16xf32> to vector<16xi32>
        %min3A_723 = arith.constant 127 : i32
        %min3A_724 = vector.broadcast %min3A_723 : i32 to vector<16xi32>
        %min3A_725 = arith.minsi %convert_element_type3A_722, %min3A_724 : vector<16xi32>
        %convert_element_type3A_726 = arith.sitofp %min3A_725 : vector<16xi32> to vector<16xf32>
        %mul3A_727 = arith.mulf %convert_element_type3A_726, %get3A_3 : vector<16xf32>
        %sub3A_728 = arith.constant 128 : i32
        %sub3A_729 = vector.broadcast %sub3A_728 : i32 to vector<16xi32>
        %sub3A_730 = arith.subi %get3A_641, %sub3A_729 : vector<16xi32>
        %convert_element_type3A_731 = arith.sitofp %sub3A_730 : vector<16xi32> to vector<16xf32>
        %mul3A_732 = arith.mulf %convert_element_type3A_731, %get3A_5 : vector<16xf32>
        %neg3A_733 = arith.constant 0.000000e+00 : f32
        %neg3A_734 = vector.broadcast %neg3A_733 : f32 to vector<16xf32>
        %neg3A_735 = arith.subf %neg3A_734, %mul3A_732 : vector<16xf32>
        %exp3A_736 = math.exp %neg3A_735 : vector<16xf32>
        %add3A_737 = arith.constant 1.000000e+00 : f32
        %add3A_738 = vector.broadcast %add3A_737 : f32 to vector<16xf32>
        %add3A_739 = arith.addf %add3A_738, %exp3A_736 : vector<16xf32>
        %div3A_740 = arith.constant 1.000000e+00 : f32
        %div3A_741 = vector.broadcast %div3A_740 : f32 to vector<16xf32>
        %div3A_742 = arith.divf %div3A_741, %add3A_739 : vector<16xf32>
        %div3A_743 = arith.divf %div3A_742, %get3A_3 : vector<16xf32>
        %add3A_744 = arith.constant 5.000000e-01 : f32
        %add3A_745 = vector.broadcast %add3A_744 : f32 to vector<16xf32>
        %add3A_746 = arith.addf %div3A_743, %add3A_745 : vector<16xf32>
        %convert_element_type3A_747 = arith.fptosi %add3A_746 : vector<16xf32> to vector<16xi32>
        %min3A_748 = arith.constant 127 : i32
        %min3A_749 = vector.broadcast %min3A_748 : i32 to vector<16xi32>
        %min3A_750 = arith.minsi %convert_element_type3A_747, %min3A_749 : vector<16xi32>
        %convert_element_type3A_751 = arith.sitofp %min3A_750 : vector<16xi32> to vector<16xf32>
        %mul3A_752 = arith.mulf %convert_element_type3A_751, %get3A_3 : vector<16xf32>
        %sub3A_753 = arith.constant 128 : i32
        %sub3A_754 = vector.broadcast %sub3A_753 : i32 to vector<16xi32>
        %sub3A_755 = arith.subi %get3A_644, %sub3A_754 : vector<16xi32>
        %convert_element_type3A_756 = arith.sitofp %sub3A_755 : vector<16xi32> to vector<16xf32>
        %mul3A_757 = arith.mulf %convert_element_type3A_756, %get3A_5 : vector<16xf32>
        %neg3A_758 = arith.constant 0.000000e+00 : f32
        %neg3A_759 = vector.broadcast %neg3A_758 : f32 to vector<16xf32>
        %neg3A_760 = arith.subf %neg3A_759, %mul3A_757 : vector<16xf32>
        %exp3A_761 = math.exp %neg3A_760 : vector<16xf32>
        %add3A_762 = arith.constant 1.000000e+00 : f32
        %add3A_763 = vector.broadcast %add3A_762 : f32 to vector<16xf32>
        %add3A_764 = arith.addf %add3A_763, %exp3A_761 : vector<16xf32>
        %div3A_765 = arith.constant 1.000000e+00 : f32
        %div3A_766 = vector.broadcast %div3A_765 : f32 to vector<16xf32>
        %div3A_767 = arith.divf %div3A_766, %add3A_764 : vector<16xf32>
        %div3A_768 = arith.divf %div3A_767, %get3A_3 : vector<16xf32>
        %add3A_769 = arith.constant 5.000000e-01 : f32
        %add3A_770 = vector.broadcast %add3A_769 : f32 to vector<16xf32>
        %add3A_771 = arith.addf %div3A_768, %add3A_770 : vector<16xf32>
        %convert_element_type3A_772 = arith.fptosi %add3A_771 : vector<16xf32> to vector<16xi32>
        %min3A_773 = arith.constant 127 : i32
        %min3A_774 = vector.broadcast %min3A_773 : i32 to vector<16xi32>
        %min3A_775 = arith.minsi %convert_element_type3A_772, %min3A_774 : vector<16xi32>
        %convert_element_type3A_776 = arith.sitofp %min3A_775 : vector<16xi32> to vector<16xf32>
        %mul3A_777 = arith.mulf %convert_element_type3A_776, %get3A_3 : vector<16xf32>
        %sub3A_778 = arith.constant 128 : i32
        %sub3A_779 = vector.broadcast %sub3A_778 : i32 to vector<16xi32>
        %sub3A_780 = arith.subi %get3A_647, %sub3A_779 : vector<16xi32>
        %convert_element_type3A_781 = arith.sitofp %sub3A_780 : vector<16xi32> to vector<16xf32>
        %mul3A_782 = arith.mulf %convert_element_type3A_781, %get3A_5 : vector<16xf32>
        %neg3A_783 = arith.constant 0.000000e+00 : f32
        %neg3A_784 = vector.broadcast %neg3A_783 : f32 to vector<16xf32>
        %neg3A_785 = arith.subf %neg3A_784, %mul3A_782 : vector<16xf32>
        %exp3A_786 = math.exp %neg3A_785 : vector<16xf32>
        %add3A_787 = arith.constant 1.000000e+00 : f32
        %add3A_788 = vector.broadcast %add3A_787 : f32 to vector<16xf32>
        %add3A_789 = arith.addf %add3A_788, %exp3A_786 : vector<16xf32>
        %div3A_790 = arith.constant 1.000000e+00 : f32
        %div3A_791 = vector.broadcast %div3A_790 : f32 to vector<16xf32>
        %div3A_792 = arith.divf %div3A_791, %add3A_789 : vector<16xf32>
        %div3A_793 = arith.divf %div3A_792, %get3A_3 : vector<16xf32>
        %add3A_794 = arith.constant 5.000000e-01 : f32
        %add3A_795 = vector.broadcast %add3A_794 : f32 to vector<16xf32>
        %add3A_796 = arith.addf %div3A_793, %add3A_795 : vector<16xf32>
        %convert_element_type3A_797 = arith.fptosi %add3A_796 : vector<16xf32> to vector<16xi32>
        %min3A_798 = arith.constant 127 : i32
        %min3A_799 = vector.broadcast %min3A_798 : i32 to vector<16xi32>
        %min3A_800 = arith.minsi %convert_element_type3A_797, %min3A_799 : vector<16xi32>
        %convert_element_type3A_801 = arith.sitofp %min3A_800 : vector<16xi32> to vector<16xf32>
        %mul3A_802 = arith.mulf %convert_element_type3A_801, %get3A_3 : vector<16xf32>
        %sub3A_803 = arith.constant 128 : i32
        %sub3A_804 = vector.broadcast %sub3A_803 : i32 to vector<16xi32>
        %sub3A_805 = arith.subi %get3A_650, %sub3A_804 : vector<16xi32>
        %convert_element_type3A_806 = arith.sitofp %sub3A_805 : vector<16xi32> to vector<16xf32>
        %mul3A_807 = arith.mulf %convert_element_type3A_806, %get3A_5 : vector<16xf32>
        %neg3A_808 = arith.constant 0.000000e+00 : f32
        %neg3A_809 = vector.broadcast %neg3A_808 : f32 to vector<16xf32>
        %neg3A_810 = arith.subf %neg3A_809, %mul3A_807 : vector<16xf32>
        %exp3A_811 = math.exp %neg3A_810 : vector<16xf32>
        %add3A_812 = arith.constant 1.000000e+00 : f32
        %add3A_813 = vector.broadcast %add3A_812 : f32 to vector<16xf32>
        %add3A_814 = arith.addf %add3A_813, %exp3A_811 : vector<16xf32>
        %div3A_815 = arith.constant 1.000000e+00 : f32
        %div3A_816 = vector.broadcast %div3A_815 : f32 to vector<16xf32>
        %div3A_817 = arith.divf %div3A_816, %add3A_814 : vector<16xf32>
        %div3A_818 = arith.divf %div3A_817, %get3A_3 : vector<16xf32>
        %add3A_819 = arith.constant 5.000000e-01 : f32
        %add3A_820 = vector.broadcast %add3A_819 : f32 to vector<16xf32>
        %add3A_821 = arith.addf %div3A_818, %add3A_820 : vector<16xf32>
        %convert_element_type3A_822 = arith.fptosi %add3A_821 : vector<16xf32> to vector<16xi32>
        %min3A_823 = arith.constant 127 : i32
        %min3A_824 = vector.broadcast %min3A_823 : i32 to vector<16xi32>
        %min3A_825 = arith.minsi %convert_element_type3A_822, %min3A_824 : vector<16xi32>
        %convert_element_type3A_826 = arith.sitofp %min3A_825 : vector<16xi32> to vector<16xf32>
        %mul3A_827 = arith.mulf %convert_element_type3A_826, %get3A_3 : vector<16xf32>
        %sub3A_828 = arith.constant 128 : i32
        %sub3A_829 = vector.broadcast %sub3A_828 : i32 to vector<16xi32>
        %sub3A_830 = arith.subi %get3A_653, %sub3A_829 : vector<16xi32>
        %convert_element_type3A_831 = arith.sitofp %sub3A_830 : vector<16xi32> to vector<16xf32>
        %mul3A_832 = arith.mulf %convert_element_type3A_831, %get3A_5 : vector<16xf32>
        %neg3A_833 = arith.constant 0.000000e+00 : f32
        %neg3A_834 = vector.broadcast %neg3A_833 : f32 to vector<16xf32>
        %neg3A_835 = arith.subf %neg3A_834, %mul3A_832 : vector<16xf32>
        %exp3A_836 = math.exp %neg3A_835 : vector<16xf32>
        %add3A_837 = arith.constant 1.000000e+00 : f32
        %add3A_838 = vector.broadcast %add3A_837 : f32 to vector<16xf32>
        %add3A_839 = arith.addf %add3A_838, %exp3A_836 : vector<16xf32>
        %div3A_840 = arith.constant 1.000000e+00 : f32
        %div3A_841 = vector.broadcast %div3A_840 : f32 to vector<16xf32>
        %div3A_842 = arith.divf %div3A_841, %add3A_839 : vector<16xf32>
        %div3A_843 = arith.divf %div3A_842, %get3A_3 : vector<16xf32>
        %add3A_844 = arith.constant 5.000000e-01 : f32
        %add3A_845 = vector.broadcast %add3A_844 : f32 to vector<16xf32>
        %add3A_846 = arith.addf %div3A_843, %add3A_845 : vector<16xf32>
        %convert_element_type3A_847 = arith.fptosi %add3A_846 : vector<16xf32> to vector<16xi32>
        %min3A_848 = arith.constant 127 : i32
        %min3A_849 = vector.broadcast %min3A_848 : i32 to vector<16xi32>
        %min3A_850 = arith.minsi %convert_element_type3A_847, %min3A_849 : vector<16xi32>
        %convert_element_type3A_851 = arith.sitofp %min3A_850 : vector<16xi32> to vector<16xf32>
        %mul3A_852 = arith.mulf %convert_element_type3A_851, %get3A_3 : vector<16xf32>
        %swap3A_853 = arith.index_cast %scan3A_628 : i32 to index
        %swap3A_854 = arith.constant 0 : index
        %swap3A_855 = tpu.vector_load %arg12[%swap3A_853, %swap3A_854] {strides = array<i32>} : memref<8x1024xf32, #tpu.memory_space<vmem>>, vector<16xf32>,
        tpu.vector_store %arg12[%swap3A_853, %swap3A_854], %mul3A_677 {strides = array<i32>} : memref<8x1024xf32, #tpu.memory_space<vmem>>, vector<16xf32>,
        %swap3A_856 = arith.index_cast %scan3A_628 : i32 to index
        %swap3A_857 = arith.constant 16 : index
        %swap3A_858 = tpu.vector_load %arg12[%swap3A_856, %swap3A_857] {strides = array<i32>} : memref<8x1024xf32, #tpu.memory_space<vmem>>, vector<16xf32>,
        tpu.vector_store %arg12[%swap3A_856, %swap3A_857], %mul3A_702 {strides = array<i32>} : memref<8x1024xf32, #tpu.memory_space<vmem>>, vector<16xf32>,
        %swap3A_859 = arith.index_cast %scan3A_628 : i32 to index
        %swap3A_860 = arith.constant 32 : index
        %swap3A_861 = tpu.vector_load %arg12[%swap3A_859, %swap3A_860] {strides = array<i32>} : memref<8x1024xf32, #tpu.memory_space<vmem>>, vector<16xf32>,
        tpu.vector_store %arg12[%swap3A_859, %swap3A_860], %mul3A_727 {strides = array<i32>} : memref<8x1024xf32, #tpu.memory_space<vmem>>, vector<16xf32>,
        %swap3A_862 = arith.index_cast %scan3A_628 : i32 to index
        %swap3A_863 = arith.constant 48 : index
        %swap3A_864 = tpu.vector_load %arg12[%swap3A_862, %swap3A_863] {strides = array<i32>} : memref<8x1024xf32, #tpu.memory_space<vmem>>, vector<16xf32>,
        tpu.vector_store %arg12[%swap3A_862, %swap3A_863], %mul3A_752 {strides = array<i32>} : memref<8x1024xf32, #tpu.memory_space<vmem>>, vector<16xf32>,
        %swap3A_865 = arith.index_cast %scan3A_628 : i32 to index
        %swap3A_866 = arith.constant 64 : index
        %swap3A_867 = tpu.vector_load %arg12[%swap3A_865, %swap3A_866] {strides = array<i32>} : memref<8x1024xf32, #tpu.memory_space<vmem>>, vector<16xf32>,
        tpu.vector_store %arg12[%swap3A_865, %swap3A_866], %mul3A_777 {strides = array<i32>} : memref<8x1024xf32, #tpu.memory_space<vmem>>, vector<16xf32>,
        %swap3A_868 = arith.index_cast %scan3A_628 : i32 to index
        %swap3A_869 = arith.constant 80 : index
        %swap3A_870 = tpu.vector_load %arg12[%swap3A_868, %swap3A_869] {strides = array<i32>} : memref<8x1024xf32, #tpu.memory_space<vmem>>, vector<16xf32>,
        tpu.vector_store %arg12[%swap3A_868, %swap3A_869], %mul3A_802 {strides = array<i32>} : memref<8x1024xf32, #tpu.memory_space<vmem>>, vector<16xf32>,
        %swap3A_871 = arith.index_cast %scan3A_628 : i32 to index
        %swap3A_872 = arith.constant 96 : index
        %swap3A_873 = tpu.vector_load %arg12[%swap3A_871, %swap3A_872] {strides = array<i32>} : memref<8x1024xf32, #tpu.memory_space<vmem>>, vector<16xf32>,
        tpu.vector_store %arg12[%swap3A_871, %swap3A_872], %mul3A_827 {strides = array<i32>} : memref<8x1024xf32, #tpu.memory_space<vmem>>, vector<16xf32>,
        %swap3A_874 = arith.index_cast %scan3A_628 : i32 to index
        %swap3A_875 = arith.constant 112 : index
        %swap3A_876 = tpu.vector_load %arg12[%swap3A_874, %swap3A_875] {strides = array<i32>} : memref<8x1024xf32, #tpu.memory_space<vmem>>, vector<16xf32>,
        tpu.vector_store %arg12[%swap3A_874, %swap3A_875], %mul3A_852 {strides = array<i32>} : memref<8x1024xf32, #tpu.memory_space<vmem>>, vector<16xf32>,
        %get3A_877 = arith.index_cast %scan3A_628 : i32 to index
        %get3A_878 = arith.constant 128 : index
        %get3A_879 = tpu.vector_load %arg8[%get3A_877, %get3A_878] {strides = array<i32>} : memref<8x1024xi32, #tpu.memory_space<vmem>>, vector<16xi32>,
        %get3A_880 = arith.index_cast %scan3A_628 : i32 to index
        %get3A_881 = arith.constant 144 : index
        %get3A_882 = tpu.vector_load %arg8[%get3A_880, %get3A_881] {strides = array<i32>} : memref<8x1024xi32, #tpu.memory_space<vmem>>, vector<16xi32>,
        %get3A_883 = arith.index_cast %scan3A_628 : i32 to index
        %get3A_884 = arith.constant 160 : index
        %get3A_885 = tpu.vector_load %arg8[%get3A_883, %get3A_884] {strides = array<i32>} : memref<8x1024xi32, #tpu.memory_space<vmem>>, vector<16xi32>,
        %get3A_886 = arith.index_cast %scan3A_628 : i32 to index
        %get3A_887 = arith.constant 176 : index
        %get3A_888 = tpu.vector_load %arg8[%get3A_886, %get3A_887] {strides = array<i32>} : memref<8x1024xi32, #tpu.memory_space<vmem>>, vector<16xi32>,
        %get3A_889 = arith.index_cast %scan3A_628 : i32 to index
        %get3A_890 = arith.constant 192 : index
        %get3A_891 = tpu.vector_load %arg8[%get3A_889, %get3A_890] {strides = array<i32>} : memref<8x1024xi32, #tpu.memory_space<vmem>>, vector<16xi32>,
        %get3A_892 = arith.index_cast %scan3A_628 : i32 to index
        %get3A_893 = arith.constant 208 : index
        %get3A_894 = tpu.vector_load %arg8[%get3A_892, %get3A_893] {strides = array<i32>} : memref<8x1024xi32, #tpu.memory_space<vmem>>, vector<16xi32>,
        %get3A_895 = arith.index_cast %scan3A_628 : i32 to index
        %get3A_896 = arith.constant 224 : index
        %get3A_897 = tpu.vector_load %arg8[%get3A_895, %get3A_896] {strides = array<i32>} : memref<8x1024xi32, #tpu.memory_space<vmem>>, vector<16xi32>,
        %get3A_898 = arith.index_cast %scan3A_628 : i32 to index
        %get3A_899 = arith.constant 240 : index
        %get3A_900 = tpu.vector_load %arg8[%get3A_898, %get3A_899] {strides = array<i32>} : memref<8x1024xi32, #tpu.memory_space<vmem>>, vector<16xi32>,
        %gather3A = tpu.vector_load_idx %arg6[%get3A_879] : memref<256xf32, #tpu.memory_space<vmem>>[vector<16xi32>], vector<16xf32>,
        %gather3A_901 = tpu.vector_load_idx %arg6[%get3A_882] : memref<256xf32, #tpu.memory_space<vmem>>[vector<16xi32>], vector<16xf32>,
        %gather3A_902 = tpu.vector_load_idx %arg6[%get3A_885] : memref<256xf32, #tpu.memory_space<vmem>>[vector<16xi32>], vector<16xf32>,
        %gather3A_903 = tpu.vector_load_idx %arg6[%get3A_888] : memref<256xf32, #tpu.memory_space<vmem>>[vector<16xi32>], vector<16xf32>,
        %gather3A_904 = tpu.vector_load_idx %arg6[%get3A_891] : memref<256xf32, #tpu.memory_space<vmem>>[vector<16xi32>], vector<16xf32>,
        %gather3A_905 = tpu.vector_load_idx %arg6[%get3A_894] : memref<256xf32, #tpu.memory_space<vmem>>[vector<16xi32>], vector<16xf32>,
        %gather3A_906 = tpu.vector_load_idx %arg6[%get3A_897] : memref<256xf32, #tpu.memory_space<vmem>>[vector<16xi32>], vector<16xf32>,
        %gather3A_907 = tpu.vector_load_idx %arg6[%get3A_900] : memref<256xf32, #tpu.memory_space<vmem>>[vector<16xi32>], vector<16xf32>,
        %swap3A_908 = arith.index_cast %scan3A_628 : i32 to index
        %swap3A_909 = arith.constant 128 : index
        %swap3A_910 = tpu.vector_load %arg12[%swap3A_908, %swap3A_909] {strides = array<i32>} : memref<8x1024xf32, #tpu.memory_space<vmem>>, vector<16xf32>,
        tpu.vector_store %arg12[%swap3A_908, %swap3A_909], %gather3A {strides = array<i32>} : memref<8x1024xf32, #tpu.memory_space<vmem>>, vector<16xf32>,
        %swap3A_911 = arith.index_cast %scan3A_628 : i32 to index
        %swap3A_912 = arith.constant 144 : index
        %swap3A_913 = tpu.vector_load %arg12[%swap3A_911, %swap3A_912] {strides = array<i32>} : memref<8x1024xf32, #tpu.memory_space<vmem>>, vector<16xf32>,
        tpu.vector_store %arg12[%swap3A_911, %swap3A_912], %gather3A_901 {strides = array<i32>} : memref<8x1024xf32, #tpu.memory_space<vmem>>, vector<16xf32>,
        %swap3A_914 = arith.index_cast %scan3A_628 : i32 to index
        %swap3A_915 = arith.constant 160 : index
        %swap3A_916 = tpu.vector_load %arg12[%swap3A_914, %swap3A_915] {strides = array<i32>} : memref<8x1024xf32, #tpu.memory_space<vmem>>, vector<16xf32>,
        tpu.vector_store %arg12[%swap3A_914, %swap3A_915], %gather3A_902 {strides = array<i32>} : memref<8x1024xf32, #tpu.memory_space<vmem>>, vector<16xf32>,
        %swap3A_917 = arith.index_cast %scan3A_628 : i32 to index
        %swap3A_918 = arith.constant 176 : index
        %swap3A_919 = tpu.vector_load %arg12[%swap3A_917, %swap3A_918] {strides = array<i32>} : memref<8x1024xf32, #tpu.memory_space<vmem>>, vector<16xf32>,
        tpu.vector_store %arg12[%swap3A_917, %swap3A_918], %gather3A_903 {strides = array<i32>} : memref<8x1024xf32, #tpu.memory_space<vmem>>, vector<16xf32>,
        %swap3A_920 = arith.index_cast %scan3A_628 : i32 to index
        %swap3A_921 = arith.constant 192 : index
        %swap3A_922 = tpu.vector_load %arg12[%swap3A_920, %swap3A_921] {strides = array<i32>} : memref<8x1024xf32, #tpu.memory_space<vmem>>, vector<16xf32>,
        tpu.vector_store %arg12[%swap3A_920, %swap3A_921], %gather3A_904 {strides = array<i32>} : memref<8x1024xf32, #tpu.memory_space<vmem>>, vector<16xf32>,
        %swap3A_923 = arith.index_cast %scan3A_628 : i32 to index
        %swap3A_924 = arith.constant 208 : index
        %swap3A_925 = tpu.vector_load %arg12[%swap3A_923, %swap3A_924] {strides = array<i32>} : memref<8x1024xf32, #tpu.memory_space<vmem>>, vector<16xf32>,
        tpu.vector_store %arg12[%swap3A_923, %swap3A_924], %gather3A_905 {strides = array<i32>} : memref<8x1024xf32, #tpu.memory_space<vmem>>, vector<16xf32>,
        %swap3A_926 = arith.index_cast %scan3A_628 : i32 to index
        %swap3A_927 = arith.constant 224 : index
        %swap3A_928 = tpu.vector_load %arg12[%swap3A_926, %swap3A_927] {strides = array<i32>} : memref<8x1024xf32, #tpu.memory_space<vmem>>, vector<16xf32>,
        tpu.vector_store %arg12[%swap3A_926, %swap3A_927], %gather3A_906 {strides = array<i32>} : memref<8x1024xf32, #tpu.memory_space<vmem>>, vector<16xf32>,
        %swap3A_929 = arith.index_cast %scan3A_628 : i32 to index
        %swap3A_930 = arith.constant 240 : index
        %swap3A_931 = tpu.vector_load %arg12[%swap3A_929, %swap3A_930] {strides = array<i32>} : memref<8x1024xf32, #tpu.memory_space<vmem>>, vector<16xf32>,
        tpu.vector_store %arg12[%swap3A_929, %swap3A_930], %gather3A_907 {strides = array<i32>} : memref<8x1024xf32, #tpu.memory_space<vmem>>, vector<16xf32>,
        %get3A_932 = arith.index_cast %scan3A_628 : i32 to index
        %get3A_933 = arith.constant 256 : index
        %get3A_934 = tpu.vector_load %arg8[%get3A_932, %get3A_933] {strides = array<i32>} : memref<8x1024xi32, #tpu.memory_space<vmem>>, vector<16xi32>,
        %get3A_935 = arith.index_cast %scan3A_628 : i32 to index
        %get3A_936 = arith.constant 272 : index
        %get3A_937 = tpu.vector_load %arg8[%get3A_935, %get3A_936] {strides = array<i32>} : memref<8x1024xi32, #tpu.memory_space<vmem>>, vector<16xi32>,
        %get3A_938 = arith.index_cast %scan3A_628 : i32 to index
        %get3A_939 = arith.constant 288 : index
        %get3A_940 = tpu.vector_load %arg8[%get3A_938, %get3A_939] {strides = array<i32>} : memref<8x1024xi32, #tpu.memory_space<vmem>>, vector<16xi32>,
        %get3A_941 = arith.index_cast %scan3A_628 : i32 to index
        %get3A_942 = arith.constant 304 : index
        %get3A_943 = tpu.vector_load %arg8[%get3A_941, %get3A_942] {strides = array<i32>} : memref<8x1024xi32, #tpu.memory_space<vmem>>, vector<16xi32>,
        %get3A_944 = arith.index_cast %scan3A_628 : i32 to index
        %get3A_945 = arith.constant 320 : index
        %get3A_946 = tpu.vector_load %arg8[%get3A_944, %get3A_945] {strides = array<i32>} : memref<8x1024xi32, #tpu.memory_space<vmem>>, vector<16xi32>,
        %get3A_947 = arith.index_cast %scan3A_628 : i32 to index
        %get3A_948 = arith.constant 336 : index
        %get3A_949 = tpu.vector_load %arg8[%get3A_947, %get3A_948] {strides = array<i32>} : memref<8x1024xi32, #tpu.memory_space<vmem>>, vector<16xi32>,
        %get3A_950 = arith.index_cast %scan3A_628 : i32 to index
        %get3A_951 = arith.constant 352 : index
        %get3A_952 = tpu.vector_load %arg8[%get3A_950, %get3A_951] {strides = array<i32>} : memref<8x1024xi32, #tpu.memory_space<vmem>>, vector<16xi32>,
        %get3A_953 = arith.index_cast %scan3A_628 : i32 to index
        %get3A_954 = arith.constant 368 : index
        %get3A_955 = tpu.vector_load %arg8[%get3A_953, %get3A_954] {strides = array<i32>} : memref<8x1024xi32, #tpu.memory_space<vmem>>, vector<16xi32>,
        %gather3A_956 = tpu.vector_load_idx %arg6[%get3A_934] : memref<256xf32, #tpu.memory_space<vmem>>[vector<16xi32>], vector<16xf32>,
        %gather3A_957 = tpu.vector_load_idx %arg6[%get3A_937] : memref<256xf32, #tpu.memory_space<vmem>>[vector<16xi32>], vector<16xf32>,
        %gather3A_958 = tpu.vector_load_idx %arg6[%get3A_940] : memref<256xf32, #tpu.memory_space<vmem>>[vector<16xi32>], vector<16xf32>,
        %gather3A_959 = tpu.vector_load_idx %arg6[%get3A_943] : memref<256xf32, #tpu.memory_space<vmem>>[vector<16xi32>], vector<16xf32>,
        %gather3A_960 = tpu.vector_load_idx %arg6[%get3A_946] : memref<256xf32, #tpu.memory_space<vmem>>[vector<16xi32>], vector<16xf32>,
        %gather3A_961 = tpu.vector_load_idx %arg6[%get3A_949] : memref<256xf32, #tpu.memory_space<vmem>>[vector<16xi32>], vector<16xf32>,
        %gather3A_962 = tpu.vector_load_idx %arg6[%get3A_952] : memref<256xf32, #tpu.memory_space<vmem>>[vector<16xi32>], vector<16xf32>,
        %gather3A_963 = tpu.vector_load_idx %arg6[%get3A_955] : memref<256xf32, #tpu.memory_space<vmem>>[vector<16xi32>], vector<16xf32>,
        %swap3A_964 = arith.index_cast %scan3A_628 : i32 to index
        %swap3A_965 = arith.constant 256 : index
        %swap3A_966 = tpu.vector_load %arg12[%swap3A_964, %swap3A_965] {strides = array<i32>} : memref<8x1024xf32, #tpu.memory_space<vmem>>, vector<16xf32>,
        tpu.vector_store %arg12[%swap3A_964, %swap3A_965], %gather3A_956 {strides = array<i32>} : memref<8x1024xf32, #tpu.memory_space<vmem>>, vector<16xf32>,
        %swap3A_967 = arith.index_cast %scan3A_628 : i32 to index
        %swap3A_968 = arith.constant 272 : index
        %swap3A_969 = tpu.vector_load %arg12[%swap3A_967, %swap3A_968] {strides = array<i32>} : memref<8x1024xf32, #tpu.memory_space<vmem>>, vector<16xf32>,
        tpu.vector_store %arg12[%swap3A_967, %swap3A_968], %gather3A_957 {strides = array<i32>} : memref<8x1024xf32, #tpu.memory_space<vmem>>, vector<16xf32>,
        %swap3A_970 = arith.index_cast %scan3A_628 : i32 to index
        %swap3A_971 = arith.constant 288 : index
        %swap3A_972 = tpu.vector_load %arg12[%swap3A_970, %swap3A_971] {strides = array<i32>} : memref<8x1024xf32, #tpu.memory_space<vmem>>, vector<16xf32>,
        tpu.vector_store %arg12[%swap3A_970, %swap3A_971], %gather3A_958 {strides = array<i32>} : memref<8x1024xf32, #tpu.memory_space<vmem>>, vector<16xf32>,
        %swap3A_973 = arith.index_cast %scan3A_628 : i32 to index
        %swap3A_974 = arith.constant 304 : index
        %swap3A_975 = tpu.vector_load %arg12[%swap3A_973, %swap3A_974] {strides = array<i32>} : memref<8x1024xf32, #tpu.memory_space<vmem>>, vector<16xf32>,
        tpu.vector_store %arg12[%swap3A_973, %swap3A_974], %gather3A_959 {strides = array<i32>} : memref<8x1024xf32, #tpu.memory_space<vmem>>, vector<16xf32>,
        %swap3A_976 = arith.index_cast %scan3A_628 : i32 to index
        %swap3A_977 = arith.constant 320 : index
        %swap3A_978 = tpu.vector_load %arg12[%swap3A_976, %swap3A_977] {strides = array<i32>} : memref<8x1024xf32, #tpu.memory_space<vmem>>, vector<16xf32>,
        tpu.vector_store %arg12[%swap3A_976, %swap3A_977], %gather3A_960 {strides = array<i32>} : memref<8x1024xf32, #tpu.memory_space<vmem>>, vector<16xf32>,
        %swap3A_979 = arith.index_cast %scan3A_628 : i32 to index
        %swap3A_980 = arith.constant 336 : index
        %swap3A_981 = tpu.vector_load %arg12[%swap3A_979, %swap3A_980] {strides = array<i32>} : memref<8x1024xf32, #tpu.memory_space<vmem>>, vector<16xf32>,
        tpu.vector_store %arg12[%swap3A_979, %swap3A_980], %gather3A_961 {strides = array<i32>} : memref<8x1024xf32, #tpu.memory_space<vmem>>, vector<16xf32>,
        %swap3A_982 = arith.index_cast %scan3A_628 : i32 to index
        %swap3A_983 = arith.constant 352 : index
        %swap3A_984 = tpu.vector_load %arg12[%swap3A_982, %swap3A_983] {strides = array<i32>} : memref<8x1024xf32, #tpu.memory_space<vmem>>, vector<16xf32>,
        tpu.vector_store %arg12[%swap3A_982, %swap3A_983], %gather3A_962 {strides = array<i32>} : memref<8x1024xf32, #tpu.memory_space<vmem>>, vector<16xf32>,
        %swap3A_985 = arith.index_cast %scan3A_628 : i32 to index
        %swap3A_986 = arith.constant 368 : index
        %swap3A_987 = tpu.vector_load %arg12[%swap3A_985, %swap3A_986] {strides = array<i32>} : memref<8x1024xf32, #tpu.memory_space<vmem>>, vector<16xf32>,
        tpu.vector_store %arg12[%swap3A_985, %swap3A_986], %gather3A_963 {strides = array<i32>} : memref<8x1024xf32, #tpu.memory_space<vmem>>, vector<16xf32>,
        %get3A_988 = arith.index_cast %scan3A_628 : i32 to index
        %get3A_989 = arith.constant 384 : index
        %get3A_990 = tpu.vector_load %arg8[%get3A_988, %get3A_989] {strides = array<i32>} : memref<8x1024xi32, #tpu.memory_space<vmem>>, vector<16xi32>,
        %get3A_991 = arith.index_cast %scan3A_628 : i32 to index
        %get3A_992 = arith.constant 400 : index
        %get3A_993 = tpu.vector_load %arg8[%get3A_991, %get3A_992] {strides = array<i32>} : memref<8x1024xi32, #tpu.memory_space<vmem>>, vector<16xi32>,
        %get3A_994 = arith.index_cast %scan3A_628 : i32 to index
        %get3A_995 = arith.constant 416 : index
        %get3A_996 = tpu.vector_load %arg8[%get3A_994, %get3A_995] {strides = array<i32>} : memref<8x1024xi32, #tpu.memory_space<vmem>>, vector<16xi32>,
        %get3A_997 = arith.index_cast %scan3A_628 : i32 to index
        %get3A_998 = arith.constant 432 : index
        %get3A_999 = tpu.vector_load %arg8[%get3A_997, %get3A_998] {strides = array<i32>} : memref<8x1024xi32, #tpu.memory_space<vmem>>, vector<16xi32>,
        %get3A_1000 = arith.index_cast %scan3A_628 : i32 to index
        %get3A_1001 = arith.constant 448 : index
        %get3A_1002 = tpu.vector_load %arg8[%get3A_1000, %get3A_1001] {strides = array<i32>} : memref<8x1024xi32, #tpu.memory_space<vmem>>, vector<16xi32>,
        %get3A_1003 = arith.index_cast %scan3A_628 : i32 to index
        %get3A_1004 = arith.constant 464 : index
        %get3A_1005 = tpu.vector_load %arg8[%get3A_1003, %get3A_1004] {strides = array<i32>} : memref<8x1024xi32, #tpu.memory_space<vmem>>, vector<16xi32>,
        %get3A_1006 = arith.index_cast %scan3A_628 : i32 to index
        %get3A_1007 = arith.constant 480 : index
        %get3A_1008 = tpu.vector_load %arg8[%get3A_1006, %get3A_1007] {strides = array<i32>} : memref<8x1024xi32, #tpu.memory_space<vmem>>, vector<16xi32>,
        %get3A_1009 = arith.index_cast %scan3A_628 : i32 to index
        %get3A_1010 = arith.constant 496 : index
        %get3A_1011 = tpu.vector_load %arg8[%get3A_1009, %get3A_1010] {strides = array<i32>} : memref<8x1024xi32, #tpu.memory_space<vmem>>, vector<16xi32>,
        %gather3A_1012 = tpu.vector_load_idx %arg6[%get3A_990] : memref<256xf32, #tpu.memory_space<vmem>>[vector<16xi32>], vector<16xf32>,
        %gather3A_1013 = tpu.vector_load_idx %arg6[%get3A_993] : memref<256xf32, #tpu.memory_space<vmem>>[vector<16xi32>], vector<16xf32>,
        %gather3A_1014 = tpu.vector_load_idx %arg6[%get3A_996] : memref<256xf32, #tpu.memory_space<vmem>>[vector<16xi32>], vector<16xf32>,
        %gather3A_1015 = tpu.vector_load_idx %arg6[%get3A_999] : memref<256xf32, #tpu.memory_space<vmem>>[vector<16xi32>], vector<16xf32>,
        %gather3A_1016 = tpu.vector_load_idx %arg6[%get3A_1002] : memref<256xf32, #tpu.memory_space<vmem>>[vector<16xi32>], vector<16xf32>,
        %gather3A_1017 = tpu.vector_load_idx %arg6[%get3A_1005] : memref<256xf32, #tpu.memory_space<vmem>>[vector<16xi32>], vector<16xf32>,
        %gather3A_1018 = tpu.vector_load_idx %arg6[%get3A_1008] : memref<256xf32, #tpu.memory_space<vmem>>[vector<16xi32>], vector<16xf32>,
        %gather3A_1019 = tpu.vector_load_idx %arg6[%get3A_1011] : memref<256xf32, #tpu.memory_space<vmem>>[vector<16xi32>], vector<16xf32>,
        %swap3A_1020 = arith.index_cast %scan3A_628 : i32 to index
        %swap3A_1021 = arith.constant 384 : index
        %swap3A_1022 = tpu.vector_load %arg12[%swap3A_1020, %swap3A_1021] {strides = array<i32>} : memref<8x1024xf32, #tpu.memory_space<vmem>>, vector<16xf32>,
        tpu.vector_store %arg12[%swap3A_1020, %swap3A_1021], %gather3A_1012 {strides = array<i32>} : memref<8x1024xf32, #tpu.memory_space<vmem>>, vector<16xf32>,
        %swap3A_1023 = arith.index_cast %scan3A_628 : i32 to index
        %swap3A_1024 = arith.constant 400 : index
        %swap3A_1025 = tpu.vector_load %arg12[%swap3A_1023, %swap3A_1024] {strides = array<i32>} : memref<8x1024xf32, #tpu.memory_space<vmem>>, vector<16xf32>,
        tpu.vector_store %arg12[%swap3A_1023, %swap3A_1024], %gather3A_1013 {strides = array<i32>} : memref<8x1024xf32, #tpu.memory_space<vmem>>, vector<16xf32>,
        %swap3A_1026 = arith.index_cast %scan3A_628 : i32 to index
        %swap3A_1027 = arith.constant 416 : index
        %swap3A_1028 = tpu.vector_load %arg12[%swap3A_1026, %swap3A_1027] {strides = array<i32>} : memref<8x1024xf32, #tpu.memory_space<vmem>>, vector<16xf32>,
        tpu.vector_store %arg12[%swap3A_1026, %swap3A_1027], %gather3A_1014 {strides = array<i32>} : memref<8x1024xf32, #tpu.memory_space<vmem>>, vector<16xf32>,
        %swap3A_1029 = arith.index_cast %scan3A_628 : i32 to index
        %swap3A_1030 = arith.constant 432 : index
        %swap3A_1031 = tpu.vector_load %arg12[%swap3A_1029, %swap3A_1030] {strides = array<i32>} : memref<8x1024xf32, #tpu.memory_space<vmem>>, vector<16xf32>,
        tpu.vector_store %arg12[%swap3A_1029, %swap3A_1030], %gather3A_1015 {strides = array<i32>} : memref<8x1024xf32, #tpu.memory_space<vmem>>, vector<16xf32>,
        %swap3A_1032 = arith.index_cast %scan3A_628 : i32 to index
        %swap3A_1033 = arith.constant 448 : index
        %swap3A_1034 = tpu.vector_load %arg12[%swap3A_1032, %swap3A_1033] {strides = array<i32>} : memref<8x1024xf32, #tpu.memory_space<vmem>>, vector<16xf32>,
        tpu.vector_store %arg12[%swap3A_1032, %swap3A_1033], %gather3A_1016 {strides = array<i32>} : memref<8x1024xf32, #tpu.memory_space<vmem>>, vector<16xf32>,
        %swap3A_1035 = arith.index_cast %scan3A_628 : i32 to index
        %swap3A_1036 = arith.constant 464 : index
        %swap3A_1037 = tpu.vector_load %arg12[%swap3A_1035, %swap3A_1036] {strides = array<i32>} : memref<8x1024xf32, #tpu.memory_space<vmem>>, vector<16xf32>,
        tpu.vector_store %arg12[%swap3A_1035, %swap3A_1036], %gather3A_1017 {strides = array<i32>} : memref<8x1024xf32, #tpu.memory_space<vmem>>, vector<16xf32>,
        %swap3A_1038 = arith.index_cast %scan3A_628 : i32 to index
        %swap3A_1039 = arith.constant 480 : index
        %swap3A_1040 = tpu.vector_load %arg12[%swap3A_1038, %swap3A_1039] {strides = array<i32>} : memref<8x1024xf32, #tpu.memory_space<vmem>>, vector<16xf32>,
        tpu.vector_store %arg12[%swap3A_1038, %swap3A_1039], %gather3A_1018 {strides = array<i32>} : memref<8x1024xf32, #tpu.memory_space<vmem>>, vector<16xf32>,
        %swap3A_1041 = arith.index_cast %scan3A_628 : i32 to index
        %swap3A_1042 = arith.constant 496 : index
        %swap3A_1043 = tpu.vector_load %arg12[%swap3A_1041, %swap3A_1042] {strides = array<i32>} : memref<8x1024xf32, #tpu.memory_space<vmem>>, vector<16xf32>,
        tpu.vector_store %arg12[%swap3A_1041, %swap3A_1042], %gather3A_1019 {strides = array<i32>} : memref<8x1024xf32, #tpu.memory_space<vmem>>, vector<16xf32>,
        %get3A_1044 = arith.index_cast %scan3A_628 : i32 to index
        %get3A_1045 = arith.constant 512 : index
        %get3A_1046 = tpu.vector_load %arg8[%get3A_1044, %get3A_1045] {strides = array<i32>} : memref<8x1024xi32, #tpu.memory_space<vmem>>, vector<16xi32>,
        %get3A_1047 = arith.index_cast %scan3A_628 : i32 to index
        %get3A_1048 = arith.constant 528 : index
        %get3A_1049 = tpu.vector_load %arg8[%get3A_1047, %get3A_1048] {strides = array<i32>} : memref<8x1024xi32, #tpu.memory_space<vmem>>, vector<16xi32>,
        %get3A_1050 = arith.index_cast %scan3A_628 : i32 to index
        %get3A_1051 = arith.constant 544 : index
        %get3A_1052 = tpu.vector_load %arg8[%get3A_1050, %get3A_1051] {strides = array<i32>} : memref<8x1024xi32, #tpu.memory_space<vmem>>, vector<16xi32>,
        %get3A_1053 = arith.index_cast %scan3A_628 : i32 to index
        %get3A_1054 = arith.constant 560 : index
        %get3A_1055 = tpu.vector_load %arg8[%get3A_1053, %get3A_1054] {strides = array<i32>} : memref<8x1024xi32, #tpu.memory_space<vmem>>, vector<16xi32>,
        %get3A_1056 = arith.index_cast %scan3A_628 : i32 to index
        %get3A_1057 = arith.constant 576 : index
        %get3A_1058 = tpu.vector_load %arg8[%get3A_1056, %get3A_1057] {strides = array<i32>} : memref<8x1024xi32, #tpu.memory_space<vmem>>, vector<16xi32>,
        %get3A_1059 = arith.index_cast %scan3A_628 : i32 to index
        %get3A_1060 = arith.constant 592 : index
        %get3A_1061 = tpu.vector_load %arg8[%get3A_1059, %get3A_1060] {strides = array<i32>} : memref<8x1024xi32, #tpu.memory_space<vmem>>, vector<16xi32>,
        %get3A_1062 = arith.index_cast %scan3A_628 : i32 to index
        %get3A_1063 = arith.constant 608 : index
        %get3A_1064 = tpu.vector_load %arg8[%get3A_1062, %get3A_1063] {strides = array<i32>} : memref<8x1024xi32, #tpu.memory_space<vmem>>, vector<16xi32>,
        %get3A_1065 = arith.index_cast %scan3A_628 : i32 to index
        %get3A_1066 = arith.constant 624 : index
        %get3A_1067 = tpu.vector_load %arg8[%get3A_1065, %get3A_1066] {strides = array<i32>} : memref<8x1024xi32, #tpu.memory_space<vmem>>, vector<16xi32>,
        %gather3A_1068 = tpu.vector_load_idx %arg6[%get3A_1046] : memref<256xf32, #tpu.memory_space<vmem>>[vector<16xi32>], vector<16xf32>,
        %gather3A_1069 = tpu.vector_load_idx %arg6[%get3A_1049] : memref<256xf32, #tpu.memory_space<vmem>>[vector<16xi32>], vector<16xf32>,
        %gather3A_1070 = tpu.vector_load_idx %arg6[%get3A_1052] : memref<256xf32, #tpu.memory_space<vmem>>[vector<16xi32>], vector<16xf32>,
        %gather3A_1071 = tpu.vector_load_idx %arg6[%get3A_1055] : memref<256xf32, #tpu.memory_space<vmem>>[vector<16xi32>], vector<16xf32>,
        %gather3A_1072 = tpu.vector_load_idx %arg6[%get3A_1058] : memref<256xf32, #tpu.memory_space<vmem>>[vector<16xi32>], vector<16xf32>,
        %gather3A_1073 = tpu.vector_load_idx %arg6[%get3A_1061] : memref<256xf32, #tpu.memory_space<vmem>>[vector<16xi32>], vector<16xf32>,
        %gather3A_1074 = tpu.vector_load_idx %arg6[%get3A_1064] : memref<256xf32, #tpu.memory_space<vmem>>[vector<16xi32>], vector<16xf32>,
        %gather3A_1075 = tpu.vector_load_idx %arg6[%get3A_1067] : memref<256xf32, #tpu.memory_space<vmem>>[vector<16xi32>], vector<16xf32>,
        %swap3A_1076 = arith.index_cast %scan3A_628 : i32 to index
        %swap3A_1077 = arith.constant 512 : index
        %swap3A_1078 = tpu.vector_load %arg12[%swap3A_1076, %swap3A_1077] {strides = array<i32>} : memref<8x1024xf32, #tpu.memory_space<vmem>>, vector<16xf32>,
        tpu.vector_store %arg12[%swap3A_1076, %swap3A_1077], %gather3A_1068 {strides = array<i32>} : memref<8x1024xf32, #tpu.memory_space<vmem>>, vector<16xf32>,
        %swap3A_1079 = arith.index_cast %scan3A_628 : i32 to index
        %swap3A_1080 = arith.constant 528 : index
        %swap3A_1081 = tpu.vector_load %arg12[%swap3A_1079, %swap3A_1080] {strides = array<i32>} : memref<8x1024xf32, #tpu.memory_space<vmem>>, vector<16xf32>,
        tpu.vector_store %arg12[%swap3A_1079, %swap3A_1080], %gather3A_1069 {strides = array<i32>} : memref<8x1024xf32, #tpu.memory_space<vmem>>, vector<16xf32>,
        %swap3A_1082 = arith.index_cast %scan3A_628 : i32 to index
        %swap3A_1083 = arith.constant 544 : index
        %swap3A_1084 = tpu.vector_load %arg12[%swap3A_1082, %swap3A_1083] {strides = array<i32>} : memref<8x1024xf32, #tpu.memory_space<vmem>>, vector<16xf32>,
        tpu.vector_store %arg12[%swap3A_1082, %swap3A_1083], %gather3A_1070 {strides = array<i32>} : memref<8x1024xf32, #tpu.memory_space<vmem>>, vector<16xf32>,
        %swap3A_1085 = arith.index_cast %scan3A_628 : i32 to index
        %swap3A_1086 = arith.constant 560 : index
        %swap3A_1087 = tpu.vector_load %arg12[%swap3A_1085, %swap3A_1086] {strides = array<i32>} : memref<8x1024xf32, #tpu.memory_space<vmem>>, vector<16xf32>,
        tpu.vector_store %arg12[%swap3A_1085, %swap3A_1086], %gather3A_1071 {strides = array<i32>} : memref<8x1024xf32, #tpu.memory_space<vmem>>, vector<16xf32>,
        %swap3A_1088 = arith.index_cast %scan3A_628 : i32 to index
        %swap3A_1089 = arith.constant 576 : index
        %swap3A_1090 = tpu.vector_load %arg12[%swap3A_1088, %swap3A_1089] {strides = array<i32>} : memref<8x1024xf32, #tpu.memory_space<vmem>>, vector<16xf32>,
        tpu.vector_store %arg12[%swap3A_1088, %swap3A_1089], %gather3A_1072 {strides = array<i32>} : memref<8x1024xf32, #tpu.memory_space<vmem>>, vector<16xf32>,
        %swap3A_1091 = arith.index_cast %scan3A_628 : i32 to index
        %swap3A_1092 = arith.constant 592 : index
        %swap3A_1093 = tpu.vector_load %arg12[%swap3A_1091, %swap3A_1092] {strides = array<i32>} : memref<8x1024xf32, #tpu.memory_space<vmem>>, vector<16xf32>,
        tpu.vector_store %arg12[%swap3A_1091, %swap3A_1092], %gather3A_1073 {strides = array<i32>} : memref<8x1024xf32, #tpu.memory_space<vmem>>, vector<16xf32>,
        %swap3A_1094 = arith.index_cast %scan3A_628 : i32 to index
        %swap3A_1095 = arith.constant 608 : index
        %swap3A_1096 = tpu.vector_load %arg12[%swap3A_1094, %swap3A_1095] {strides = array<i32>} : memref<8x1024xf32, #tpu.memory_space<vmem>>, vector<16xf32>,
        tpu.vector_store %arg12[%swap3A_1094, %swap3A_1095], %gather3A_1074 {strides = array<i32>} : memref<8x1024xf32, #tpu.memory_space<vmem>>, vector<16xf32>,
        %swap3A_1097 = arith.index_cast %scan3A_628 : i32 to index
        %swap3A_1098 = arith.constant 624 : index
        %swap3A_1099 = tpu.vector_load %arg12[%swap3A_1097, %swap3A_1098] {strides = array<i32>} : memref<8x1024xf32, #tpu.memory_space<vmem>>, vector<16xf32>,
        tpu.vector_store %arg12[%swap3A_1097, %swap3A_1098], %gather3A_1075 {strides = array<i32>} : memref<8x1024xf32, #tpu.memory_space<vmem>>, vector<16xf32>,
        %get3A_1100 = arith.index_cast %scan3A_628 : i32 to index
        %get3A_1101 = arith.constant 640 : index
        %get3A_1102 = tpu.vector_load %arg8[%get3A_1100, %get3A_1101] {strides = array<i32>} : memref<8x1024xi32, #tpu.memory_space<vmem>>, vector<16xi32>,
        %get3A_1103 = arith.index_cast %scan3A_628 : i32 to index
        %get3A_1104 = arith.constant 656 : index
        %get3A_1105 = tpu.vector_load %arg8[%get3A_1103, %get3A_1104] {strides = array<i32>} : memref<8x1024xi32, #tpu.memory_space<vmem>>, vector<16xi32>,
        %get3A_1106 = arith.index_cast %scan3A_628 : i32 to index
        %get3A_1107 = arith.constant 672 : index
        %get3A_1108 = tpu.vector_load %arg8[%get3A_1106, %get3A_1107] {strides = array<i32>} : memref<8x1024xi32, #tpu.memory_space<vmem>>, vector<16xi32>,
        %get3A_1109 = arith.index_cast %scan3A_628 : i32 to index
        %get3A_1110 = arith.constant 688 : index
        %get3A_1111 = tpu.vector_load %arg8[%get3A_1109, %get3A_1110] {strides = array<i32>} : memref<8x1024xi32, #tpu.memory_space<vmem>>, vector<16xi32>,
        %get3A_1112 = arith.index_cast %scan3A_628 : i32 to index
        %get3A_1113 = arith.constant 704 : index
        %get3A_1114 = tpu.vector_load %arg8[%get3A_1112, %get3A_1113] {strides = array<i32>} : memref<8x1024xi32, #tpu.memory_space<vmem>>, vector<16xi32>,
        %get3A_1115 = arith.index_cast %scan3A_628 : i32 to index
        %get3A_1116 = arith.constant 720 : index
        %get3A_1117 = tpu.vector_load %arg8[%get3A_1115, %get3A_1116] {strides = array<i32>} : memref<8x1024xi32, #tpu.memory_space<vmem>>, vector<16xi32>,
        %get3A_1118 = arith.index_cast %scan3A_628 : i32 to index
        %get3A_1119 = arith.constant 736 : index
        %get3A_1120 = tpu.vector_load %arg8[%get3A_1118, %get3A_1119] {strides = array<i32>} : memref<8x1024xi32, #tpu.memory_space<vmem>>, vector<16xi32>,
        %get3A_1121 = arith.index_cast %scan3A_628 : i32 to index
        %get3A_1122 = arith.constant 752 : index
        %get3A_1123 = tpu.vector_load %arg8[%get3A_1121, %get3A_1122] {strides = array<i32>} : memref<8x1024xi32, #tpu.memory_space<vmem>>, vector<16xi32>,
        %gather3A_1124 = tpu.vector_load_idx %arg6[%get3A_1102] : memref<256xf32, #tpu.memory_space<vmem>>[vector<16xi32>], vector<16xf32>,
        %gather3A_1125 = tpu.vector_load_idx %arg6[%get3A_1105] : memref<256xf32, #tpu.memory_space<vmem>>[vector<16xi32>], vector<16xf32>,
        %gather3A_1126 = tpu.vector_load_idx %arg6[%get3A_1108] : memref<256xf32, #tpu.memory_space<vmem>>[vector<16xi32>], vector<16xf32>,
        %gather3A_1127 = tpu.vector_load_idx %arg6[%get3A_1111] : memref<256xf32, #tpu.memory_space<vmem>>[vector<16xi32>], vector<16xf32>,
        %gather3A_1128 = tpu.vector_load_idx %arg6[%get3A_1114] : memref<256xf32, #tpu.memory_space<vmem>>[vector<16xi32>], vector<16xf32>,
        %gather3A_1129 = tpu.vector_load_idx %arg6[%get3A_1117] : memref<256xf32, #tpu.memory_space<vmem>>[vector<16xi32>], vector<16xf32>,
        %gather3A_1130 = tpu.vector_load_idx %arg6[%get3A_1120] : memref<256xf32, #tpu.memory_space<vmem>>[vector<16xi32>], vector<16xf32>,
        %gather3A_1131 = tpu.vector_load_idx %arg6[%get3A_1123] : memref<256xf32, #tpu.memory_space<vmem>>[vector<16xi32>], vector<16xf32>,
        %swap3A_1132 = arith.index_cast %scan3A_628 : i32 to index
        %swap3A_1133 = arith.constant 640 : index
        %swap3A_1134 = tpu.vector_load %arg12[%swap3A_1132, %swap3A_1133] {strides = array<i32>} : memref<8x1024xf32, #tpu.memory_space<vmem>>, vector<16xf32>,
        tpu.vector_store %arg12[%swap3A_1132, %swap3A_1133], %gather3A_1124 {strides = array<i32>} : memref<8x1024xf32, #tpu.memory_space<vmem>>, vector<16xf32>,
        %swap3A_1135 = arith.index_cast %scan3A_628 : i32 to index
        %swap3A_1136 = arith.constant 656 : index
        %swap3A_1137 = tpu.vector_load %arg12[%swap3A_1135, %swap3A_1136] {strides = array<i32>} : memref<8x1024xf32, #tpu.memory_space<vmem>>, vector<16xf32>,
        tpu.vector_store %arg12[%swap3A_1135, %swap3A_1136], %gather3A_1125 {strides = array<i32>} : memref<8x1024xf32, #tpu.memory_space<vmem>>, vector<16xf32>,
        %swap3A_1138 = arith.index_cast %scan3A_628 : i32 to index
        %swap3A_1139 = arith.constant 672 : index
        %swap3A_1140 = tpu.vector_load %arg12[%swap3A_1138, %swap3A_1139] {strides = array<i32>} : memref<8x1024xf32, #tpu.memory_space<vmem>>, vector<16xf32>,
        tpu.vector_store %arg12[%swap3A_1138, %swap3A_1139], %gather3A_1126 {strides = array<i32>} : memref<8x1024xf32, #tpu.memory_space<vmem>>, vector<16xf32>,
        %swap3A_1141 = arith.index_cast %scan3A_628 : i32 to index
        %swap3A_1142 = arith.constant 688 : index
        %swap3A_1143 = tpu.vector_load %arg12[%swap3A_1141, %swap3A_1142] {strides = array<i32>} : memref<8x1024xf32, #tpu.memory_space<vmem>>, vector<16xf32>,
        tpu.vector_store %arg12[%swap3A_1141, %swap3A_1142], %gather3A_1127 {strides = array<i32>} : memref<8x1024xf32, #tpu.memory_space<vmem>>, vector<16xf32>,
        %swap3A_1144 = arith.index_cast %scan3A_628 : i32 to index
        %swap3A_1145 = arith.constant 704 : index
        %swap3A_1146 = tpu.vector_load %arg12[%swap3A_1144, %swap3A_1145] {strides = array<i32>} : memref<8x1024xf32, #tpu.memory_space<vmem>>, vector<16xf32>,
        tpu.vector_store %arg12[%swap3A_1144, %swap3A_1145], %gather3A_1128 {strides = array<i32>} : memref<8x1024xf32, #tpu.memory_space<vmem>>, vector<16xf32>,
        %swap3A_1147 = arith.index_cast %scan3A_628 : i32 to index
        %swap3A_1148 = arith.constant 720 : index
        %swap3A_1149 = tpu.vector_load %arg12[%swap3A_1147, %swap3A_1148] {strides = array<i32>} : memref<8x1024xf32, #tpu.memory_space<vmem>>, vector<16xf32>,
        tpu.vector_store %arg12[%swap3A_1147, %swap3A_1148], %gather3A_1129 {strides = array<i32>} : memref<8x1024xf32, #tpu.memory_space<vmem>>, vector<16xf32>,
        %swap3A_1150 = arith.index_cast %scan3A_628 : i32 to index
        %swap3A_1151 = arith.constant 736 : index
        %swap3A_1152 = tpu.vector_load %arg12[%swap3A_1150, %swap3A_1151] {strides = array<i32>} : memref<8x1024xf32, #tpu.memory_space<vmem>>, vector<16xf32>,
        tpu.vector_store %arg12[%swap3A_1150, %swap3A_1151], %gather3A_1130 {strides = array<i32>} : memref<8x1024xf32, #tpu.memory_space<vmem>>, vector<16xf32>,
        %swap3A_1153 = arith.index_cast %scan3A_628 : i32 to index
        %swap3A_1154 = arith.constant 752 : index
        %swap3A_1155 = tpu.vector_load %arg12[%swap3A_1153, %swap3A_1154] {strides = array<i32>} : memref<8x1024xf32, #tpu.memory_space<vmem>>, vector<16xf32>,
        tpu.vector_store %arg12[%swap3A_1153, %swap3A_1154], %gather3A_1131 {strides = array<i32>} : memref<8x1024xf32, #tpu.memory_space<vmem>>, vector<16xf32>,
        %get3A_1156 = arith.index_cast %scan3A_628 : i32 to index
        %get3A_1157 = arith.constant 768 : index
        %get3A_1158 = tpu.vector_load %arg8[%get3A_1156, %get3A_1157] {strides = array<i32>} : memref<8x1024xi32, #tpu.memory_space<vmem>>, vector<16xi32>,
        %get3A_1159 = arith.index_cast %scan3A_628 : i32 to index
        %get3A_1160 = arith.constant 784 : index
        %get3A_1161 = tpu.vector_load %arg8[%get3A_1159, %get3A_1160] {strides = array<i32>} : memref<8x1024xi32, #tpu.memory_space<vmem>>, vector<16xi32>,
        %get3A_1162 = arith.index_cast %scan3A_628 : i32 to index
        %get3A_1163 = arith.constant 800 : index
        %get3A_1164 = tpu.vector_load %arg8[%get3A_1162, %get3A_1163] {strides = array<i32>} : memref<8x1024xi32, #tpu.memory_space<vmem>>, vector<16xi32>,
        %get3A_1165 = arith.index_cast %scan3A_628 : i32 to index
        %get3A_1166 = arith.constant 816 : index
        %get3A_1167 = tpu.vector_load %arg8[%get3A_1165, %get3A_1166] {strides = array<i32>} : memref<8x1024xi32, #tpu.memory_space<vmem>>, vector<16xi32>,
        %get3A_1168 = arith.index_cast %scan3A_628 : i32 to index
        %get3A_1169 = arith.constant 832 : index
        %get3A_1170 = tpu.vector_load %arg8[%get3A_1168, %get3A_1169] {strides = array<i32>} : memref<8x1024xi32, #tpu.memory_space<vmem>>, vector<16xi32>,
        %get3A_1171 = arith.index_cast %scan3A_628 : i32 to index
        %get3A_1172 = arith.constant 848 : index
        %get3A_1173 = tpu.vector_load %arg8[%get3A_1171, %get3A_1172] {strides = array<i32>} : memref<8x1024xi32, #tpu.memory_space<vmem>>, vector<16xi32>,
        %get3A_1174 = arith.index_cast %scan3A_628 : i32 to index
        %get3A_1175 = arith.constant 864 : index
        %get3A_1176 = tpu.vector_load %arg8[%get3A_1174, %get3A_1175] {strides = array<i32>} : memref<8x1024xi32, #tpu.memory_space<vmem>>, vector<16xi32>,
        %get3A_1177 = arith.index_cast %scan3A_628 : i32 to index
        %get3A_1178 = arith.constant 880 : index
        %get3A_1179 = tpu.vector_load %arg8[%get3A_1177, %get3A_1178] {strides = array<i32>} : memref<8x1024xi32, #tpu.memory_space<vmem>>, vector<16xi32>,
        %gather3A_1180 = tpu.vector_load_idx %arg6[%get3A_1158] : memref<256xf32, #tpu.memory_space<vmem>>[vector<16xi32>], vector<16xf32>,
        %gather3A_1181 = tpu.vector_load_idx %arg6[%get3A_1161] : memref<256xf32, #tpu.memory_space<vmem>>[vector<16xi32>], vector<16xf32>,
        %gather3A_1182 = tpu.vector_load_idx %arg6[%get3A_1164] : memref<256xf32, #tpu.memory_space<vmem>>[vector<16xi32>], vector<16xf32>,
        %gather3A_1183 = tpu.vector_load_idx %arg6[%get3A_1167] : memref<256xf32, #tpu.memory_space<vmem>>[vector<16xi32>], vector<16xf32>,
        %gather3A_1184 = tpu.vector_load_idx %arg6[%get3A_1170] : memref<256xf32, #tpu.memory_space<vmem>>[vector<16xi32>], vector<16xf32>,
        %gather3A_1185 = tpu.vector_load_idx %arg6[%get3A_1173] : memref<256xf32, #tpu.memory_space<vmem>>[vector<16xi32>], vector<16xf32>,
        %gather3A_1186 = tpu.vector_load_idx %arg6[%get3A_1176] : memref<256xf32, #tpu.memory_space<vmem>>[vector<16xi32>], vector<16xf32>,
        %gather3A_1187 = tpu.vector_load_idx %arg6[%get3A_1179] : memref<256xf32, #tpu.memory_space<vmem>>[vector<16xi32>], vector<16xf32>,
        %swap3A_1188 = arith.index_cast %scan3A_628 : i32 to index
        %swap3A_1189 = arith.constant 768 : index
        %swap3A_1190 = tpu.vector_load %arg12[%swap3A_1188, %swap3A_1189] {strides = array<i32>} : memref<8x1024xf32, #tpu.memory_space<vmem>>, vector<16xf32>,
        tpu.vector_store %arg12[%swap3A_1188, %swap3A_1189], %gather3A_1180 {strides = array<i32>} : memref<8x1024xf32, #tpu.memory_space<vmem>>, vector<16xf32>,
        %swap3A_1191 = arith.index_cast %scan3A_628 : i32 to index
        %swap3A_1192 = arith.constant 784 : index
        %swap3A_1193 = tpu.vector_load %arg12[%swap3A_1191, %swap3A_1192] {strides = array<i32>} : memref<8x1024xf32, #tpu.memory_space<vmem>>, vector<16xf32>,
        tpu.vector_store %arg12[%swap3A_1191, %swap3A_1192], %gather3A_1181 {strides = array<i32>} : memref<8x1024xf32, #tpu.memory_space<vmem>>, vector<16xf32>,
        %swap3A_1194 = arith.index_cast %scan3A_628 : i32 to index
        %swap3A_1195 = arith.constant 800 : index
        %swap3A_1196 = tpu.vector_load %arg12[%swap3A_1194, %swap3A_1195] {strides = array<i32>} : memref<8x1024xf32, #tpu.memory_space<vmem>>, vector<16xf32>,
        tpu.vector_store %arg12[%swap3A_1194, %swap3A_1195], %gather3A_1182 {strides = array<i32>} : memref<8x1024xf32, #tpu.memory_space<vmem>>, vector<16xf32>,
        %swap3A_1197 = arith.index_cast %scan3A_628 : i32 to index
        %swap3A_1198 = arith.constant 816 : index
        %swap3A_1199 = tpu.vector_load %arg12[%swap3A_1197, %swap3A_1198] {strides = array<i32>} : memref<8x1024xf32, #tpu.memory_space<vmem>>, vector<16xf32>,
        tpu.vector_store %arg12[%swap3A_1197, %swap3A_1198], %gather3A_1183 {strides = array<i32>} : memref<8x1024xf32, #tpu.memory_space<vmem>>, vector<16xf32>,
        %swap3A_1200 = arith.index_cast %scan3A_628 : i32 to index
        %swap3A_1201 = arith.constant 832 : index
        %swap3A_1202 = tpu.vector_load %arg12[%swap3A_1200, %swap3A_1201] {strides = array<i32>} : memref<8x1024xf32, #tpu.memory_space<vmem>>, vector<16xf32>,
        tpu.vector_store %arg12[%swap3A_1200, %swap3A_1201], %gather3A_1184 {strides = array<i32>} : memref<8x1024xf32, #tpu.memory_space<vmem>>, vector<16xf32>,
        %swap3A_1203 = arith.index_cast %scan3A_628 : i32 to index
        %swap3A_1204 = arith.constant 848 : index
        %swap3A_1205 = tpu.vector_load %arg12[%swap3A_1203, %swap3A_1204] {strides = array<i32>} : memref<8x1024xf32, #tpu.memory_space<vmem>>, vector<16xf32>,
        tpu.vector_store %arg12[%swap3A_1203, %swap3A_1204], %gather3A_1185 {strides = array<i32>} : memref<8x1024xf32, #tpu.memory_space<vmem>>, vector<16xf32>,
        %swap3A_1206 = arith.index_cast %scan3A_628 : i32 to index
        %swap3A_1207 = arith.constant 864 : index
        %swap3A_1208 = tpu.vector_load %arg12[%swap3A_1206, %swap3A_1207] {strides = array<i32>} : memref<8x1024xf32, #tpu.memory_space<vmem>>, vector<16xf32>,
        tpu.vector_store %arg12[%swap3A_1206, %swap3A_1207], %gather3A_1186 {strides = array<i32>} : memref<8x1024xf32, #tpu.memory_space<vmem>>, vector<16xf32>,
        %swap3A_1209 = arith.index_cast %scan3A_628 : i32 to index
        %swap3A_1210 = arith.constant 880 : index
        %swap3A_1211 = tpu.vector_load %arg12[%swap3A_1209, %swap3A_1210] {strides = array<i32>} : memref<8x1024xf32, #tpu.memory_space<vmem>>, vector<16xf32>,
        tpu.vector_store %arg12[%swap3A_1209, %swap3A_1210], %gather3A_1187 {strides = array<i32>} : memref<8x1024xf32, #tpu.memory_space<vmem>>, vector<16xf32>,
        %get3A_1212 = arith.index_cast %scan3A_628 : i32 to index
        %get3A_1213 = arith.constant 896 : index
        %get3A_1214 = tpu.vector_load %arg8[%get3A_1212, %get3A_1213] {strides = array<i32>} : memref<8x1024xi32, #tpu.memory_space<vmem>>, vector<16xi32>,
        %get3A_1215 = arith.index_cast %scan3A_628 : i32 to index
        %get3A_1216 = arith.constant 912 : index
        %get3A_1217 = tpu.vector_load %arg8[%get3A_1215, %get3A_1216] {strides = array<i32>} : memref<8x1024xi32, #tpu.memory_space<vmem>>, vector<16xi32>,
        %get3A_1218 = arith.index_cast %scan3A_628 : i32 to index
        %get3A_1219 = arith.constant 928 : index
        %get3A_1220 = tpu.vector_load %arg8[%get3A_1218, %get3A_1219] {strides = array<i32>} : memref<8x1024xi32, #tpu.memory_space<vmem>>, vector<16xi32>,
        %get3A_1221 = arith.index_cast %scan3A_628 : i32 to index
        %get3A_1222 = arith.constant 944 : index
        %get3A_1223 = tpu.vector_load %arg8[%get3A_1221, %get3A_1222] {strides = array<i32>} : memref<8x1024xi32, #tpu.memory_space<vmem>>, vector<16xi32>,
        %get3A_1224 = arith.index_cast %scan3A_628 : i32 to index
        %get3A_1225 = arith.constant 960 : index
        %get3A_1226 = tpu.vector_load %arg8[%get3A_1224, %get3A_1225] {strides = array<i32>} : memref<8x1024xi32, #tpu.memory_space<vmem>>, vector<16xi32>,
        %get3A_1227 = arith.index_cast %scan3A_628 : i32 to index
        %get3A_1228 = arith.constant 976 : index
        %get3A_1229 = tpu.vector_load %arg8[%get3A_1227, %get3A_1228] {strides = array<i32>} : memref<8x1024xi32, #tpu.memory_space<vmem>>, vector<16xi32>,
        %get3A_1230 = arith.index_cast %scan3A_628 : i32 to index
        %get3A_1231 = arith.constant 992 : index
        %get3A_1232 = tpu.vector_load %arg8[%get3A_1230, %get3A_1231] {strides = array<i32>} : memref<8x1024xi32, #tpu.memory_space<vmem>>, vector<16xi32>,
        %get3A_1233 = arith.index_cast %scan3A_628 : i32 to index
        %get3A_1234 = arith.constant 1008 : index
        %get3A_1235 = tpu.vector_load %arg8[%get3A_1233, %get3A_1234] {strides = array<i32>} : memref<8x1024xi32, #tpu.memory_space<vmem>>, vector<16xi32>,
        %gather3A_1236 = tpu.vector_load_idx %arg6[%get3A_1214] : memref<256xf32, #tpu.memory_space<vmem>>[vector<16xi32>], vector<16xf32>,
        %gather3A_1237 = tpu.vector_load_idx %arg6[%get3A_1217] : memref<256xf32, #tpu.memory_space<vmem>>[vector<16xi32>], vector<16xf32>,
        %gather3A_1238 = tpu.vector_load_idx %arg6[%get3A_1220] : memref<256xf32, #tpu.memory_space<vmem>>[vector<16xi32>], vector<16xf32>,
        %gather3A_1239 = tpu.vector_load_idx %arg6[%get3A_1223] : memref<256xf32, #tpu.memory_space<vmem>>[vector<16xi32>], vector<16xf32>,
        %gather3A_1240 = tpu.vector_load_idx %arg6[%get3A_1226] : memref<256xf32, #tpu.memory_space<vmem>>[vector<16xi32>], vector<16xf32>,
        %gather3A_1241 = tpu.vector_load_idx %arg6[%get3A_1229] : memref<256xf32, #tpu.memory_space<vmem>>[vector<16xi32>], vector<16xf32>,
        %gather3A_1242 = tpu.vector_load_idx %arg6[%get3A_1232] : memref<256xf32, #tpu.memory_space<vmem>>[vector<16xi32>], vector<16xf32>,
        %gather3A_1243 = tpu.vector_load_idx %arg6[%get3A_1235] : memref<256xf32, #tpu.memory_space<vmem>>[vector<16xi32>], vector<16xf32>,
        %swap3A_1244 = arith.index_cast %scan3A_628 : i32 to index
        %swap3A_1245 = arith.constant 896 : index
        %swap3A_1246 = tpu.vector_load %arg12[%swap3A_1244, %swap3A_1245] {strides = array<i32>} : memref<8x1024xf32, #tpu.memory_space<vmem>>, vector<16xf32>,
        tpu.vector_store %arg12[%swap3A_1244, %swap3A_1245], %gather3A_1236 {strides = array<i32>} : memref<8x1024xf32, #tpu.memory_space<vmem>>, vector<16xf32>,
        %swap3A_1247 = arith.index_cast %scan3A_628 : i32 to index
        %swap3A_1248 = arith.constant 912 : index
        %swap3A_1249 = tpu.vector_load %arg12[%swap3A_1247, %swap3A_1248] {strides = array<i32>} : memref<8x1024xf32, #tpu.memory_space<vmem>>, vector<16xf32>,
        tpu.vector_store %arg12[%swap3A_1247, %swap3A_1248], %gather3A_1237 {strides = array<i32>} : memref<8x1024xf32, #tpu.memory_space<vmem>>, vector<16xf32>,
        %swap3A_1250 = arith.index_cast %scan3A_628 : i32 to index
        %swap3A_1251 = arith.constant 928 : index
        %swap3A_1252 = tpu.vector_load %arg12[%swap3A_1250, %swap3A_1251] {strides = array<i32>} : memref<8x1024xf32, #tpu.memory_space<vmem>>, vector<16xf32>,
        tpu.vector_store %arg12[%swap3A_1250, %swap3A_1251], %gather3A_1238 {strides = array<i32>} : memref<8x1024xf32, #tpu.memory_space<vmem>>, vector<16xf32>,
        %swap3A_1253 = arith.index_cast %scan3A_628 : i32 to index
        %swap3A_1254 = arith.constant 944 : index
        %swap3A_1255 = tpu.vector_load %arg12[%swap3A_1253, %swap3A_1254] {strides = array<i32>} : memref<8x1024xf32, #tpu.memory_space<vmem>>, vector<16xf32>,
        tpu.vector_store %arg12[%swap3A_1253, %swap3A_1254], %gather3A_1239 {strides = array<i32>} : memref<8x1024xf32, #tpu.memory_space<vmem>>, vector<16xf32>,
        %swap3A_1256 = arith.index_cast %scan3A_628 : i32 to index
        %swap3A_1257 = arith.constant 960 : index
        %swap3A_1258 = tpu.vector_load %arg12[%swap3A_1256, %swap3A_1257] {strides = array<i32>} : memref<8x1024xf32, #tpu.memory_space<vmem>>, vector<16xf32>,
        tpu.vector_store %arg12[%swap3A_1256, %swap3A_1257], %gather3A_1240 {strides = array<i32>} : memref<8x1024xf32, #tpu.memory_space<vmem>>, vector<16xf32>,
        %swap3A_1259 = arith.index_cast %scan3A_628 : i32 to index
        %swap3A_1260 = arith.constant 976 : index
        %swap3A_1261 = tpu.vector_load %arg12[%swap3A_1259, %swap3A_1260] {strides = array<i32>} : memref<8x1024xf32, #tpu.memory_space<vmem>>, vector<16xf32>,
        tpu.vector_store %arg12[%swap3A_1259, %swap3A_1260], %gather3A_1241 {strides = array<i32>} : memref<8x1024xf32, #tpu.memory_space<vmem>>, vector<16xf32>,
        %swap3A_1262 = arith.index_cast %scan3A_628 : i32 to index
        %swap3A_1263 = arith.constant 992 : index
        %swap3A_1264 = tpu.vector_load %arg12[%swap3A_1262, %swap3A_1263] {strides = array<i32>} : memref<8x1024xf32, #tpu.memory_space<vmem>>, vector<16xf32>,
        tpu.vector_store %arg12[%swap3A_1262, %swap3A_1263], %gather3A_1242 {strides = array<i32>} : memref<8x1024xf32, #tpu.memory_space<vmem>>, vector<16xf32>,
        %swap3A_1265 = arith.index_cast %scan3A_628 : i32 to index
        %swap3A_1266 = arith.constant 1008 : index
        %swap3A_1267 = tpu.vector_load %arg12[%swap3A_1265, %swap3A_1266] {strides = array<i32>} : memref<8x1024xf32, #tpu.memory_space<vmem>>, vector<16xf32>,
        tpu.vector_store %arg12[%swap3A_1265, %swap3A_1266], %gather3A_1243 {strides = array<i32>} : memref<8x1024xf32, #tpu.memory_space<vmem>>, vector<16xf32>,
        %scan3A_1268 = arith.constant 0 : i32
        scf.yield %scan3A_1268 : i32
      }
      %scan3A_540 = arith.constant 8 : i32
      %mul3A_541 = arith.constant 8 : i32
      %mul3A_542 = arith.muli %add3A_522, %mul3A_541 : i32
      %add3A_543 = arith.addi %mul3A_2, %mul3A_542 : i32
      %dma_start3A_544 = arith.constant 0 : i32
      %dma_start3A_545 = tpu.memref_slice %arg5[%add3A_543, %dma_start3A_544] : memref<32768x1024xf32, #tpu.memory_space<hbm>> -> memref<8x1024xf32, #tpu.memory_space<hbm>>
      %dma_start3A_546 = arith.constant 0 : i32
      %dma_start3A_547 = tpu.memref_slice %arg5[%add3A_543, %dma_start3A_546] : memref<32768x1024xf32, #tpu.memory_space<hbm>> -> memref<8x1024xf32, #tpu.memory_space<hbm>>
      tpu.enqueue_dma source(%arg12 : memref<8x1024xf32, #tpu.memory_space<vmem>>) target(%dma_start3A_547 : memref<8x1024xf32, #tpu.memory_space<hbm>>) target_semaphore(%arg22 : memref<!tpu.dma_semaphore, #tpu.memory_space<semaphore_mem>>)
      %add3A_548 = arith.constant 4 : i32
      %add3A_549 = arith.addi %add3A_522, %add3A_548 : i32
      %lt3A_550 = arith.constant 128 : i32
      %lt3A_551 = arith.cmpi slt, %add3A_549, %lt3A_550 : i32
      %convert_element_type3A_552 = arith.extui %lt3A_551 : i1 to i32
      %cond3A_553 = arith.constant 0 : i32
      %cond3A_554 = arith.cmpi ne, %convert_element_type3A_552, %cond3A_553 : i32
      scf.if %cond3A_554 {
        %add3A_628 = arith.constant 4 : i32
        %add3A_629 = arith.addi %add3A_522, %add3A_628 : i32
        %mul3A_630 = arith.constant 8 : i32
        %mul3A_631 = arith.muli %add3A_629, %mul3A_630 : i32
        %add3A_632 = arith.addi %mul3A_2, %mul3A_631 : i32
        %dma_start3A_633 = arith.constant 0 : i32
        %dma_start3A_634 = tpu.memref_slice %arg2[%add3A_632, %dma_start3A_633] : memref<32768x1024xi32, #tpu.memory_space<hbm>> -> memref<8x1024xi32, #tpu.memory_space<hbm>>
        %dma_start3A_635 = arith.constant 0 : i32
        %dma_start3A_636 = tpu.memref_slice %arg2[%add3A_632, %dma_start3A_635] : memref<32768x1024xi32, #tpu.memory_space<hbm>> -> memref<8x1024xi32, #tpu.memory_space<hbm>>
        tpu.enqueue_dma source(%dma_start3A_636 : memref<8x1024xi32, #tpu.memory_space<hbm>>) target(%arg8 : memref<8x1024xi32, #tpu.memory_space<vmem>>) target_semaphore(%arg18 : memref<!tpu.dma_semaphore, #tpu.memory_space<semaphore_mem>>)
      } else {
      }
      %mul3A_555 = arith.constant 4 : i32
      %mul3A_556 = arith.muli %mul3A_555, %scan3A_484 : i32
      %add3A_557 = arith.constant 2 : i32
      %add3A_558 = arith.addi %mul3A_556, %add3A_557 : i32
      %dma_wait3A_559 = arith.constant 0 : i32
      %dma_wait3A_560 = arith.constant 0 : i32
      %dma_wait3A_561 = tpu.memref_slice %arg2[%dma_wait3A_559, %dma_wait3A_560] : memref<32768x1024xi32, #tpu.memory_space<hbm>> -> memref<8x1024xi32, #tpu.memory_space<hbm>>
      %dma_wait3A_562 = arith.constant 0 : i32
      %dma_wait3A_563 = arith.constant 0 : i32
      %dma_wait3A_564 = tpu.memref_slice %arg2[%dma_wait3A_562, %dma_wait3A_563] : memref<32768x1024xi32, #tpu.memory_space<hbm>> -> memref<8x1024xi32, #tpu.memory_space<hbm>>
      tpu.wait_dma2 semaphore(%arg19 : memref<!tpu.dma_semaphore, #tpu.memory_space<semaphore_mem>>) src(%dma_wait3A_564 : memref<8x1024xi32, #tpu.memory_space<hbm>>) dst(%arg9 : memref<8x1024xi32, #tpu.memory_space<vmem>>)
      %ge3A_565 = arith.constant 4 : i32
      %ge3A_566 = arith.cmpi sge, %add3A_558, %ge3A_565 : i32
      %convert_element_type3A_567 = arith.extui %ge3A_566 : i1 to i32
      %cond3A_568 = arith.constant 0 : i32
      %cond3A_569 = arith.cmpi ne, %convert_element_type3A_567, %cond3A_568 : i32
      scf.if %cond3A_569 {
        %dma_wait3A_628 = arith.constant 0 : i32
        %dma_wait3A_629 = arith.constant 0 : i32
        %dma_wait3A_630 = tpu.memref_slice %arg5[%dma_wait3A_628, %dma_wait3A_629] : memref<32768x1024xf32, #tpu.memory_space<hbm>> -> memref<8x1024xf32, #tpu.memory_space<hbm>>
        %dma_wait3A_631 = arith.constant 0 : i32
        %dma_wait3A_632 = arith.constant 0 : i32
        %dma_wait3A_633 = tpu.memref_slice %arg5[%dma_wait3A_631, %dma_wait3A_632] : memref<32768x1024xf32, #tpu.memory_space<hbm>> -> memref<8x1024xf32, #tpu.memory_space<hbm>>
        tpu.wait_dma2 semaphore(%arg23 : memref<!tpu.dma_semaphore, #tpu.memory_space<semaphore_mem>>) src(%arg13 : memref<8x1024xf32, #tpu.memory_space<vmem>>) dst(%dma_wait3A_633 : memref<8x1024xf32, #tpu.memory_space<hbm>>)
      } else {
      }
      %scan3A_570 = arith.constant 0 : i32
      %scan3A_571 = arith.constant 0 : i32
      %scan3A_572 = arith.constant 8 : i32
      %scan3A_573 = arith.addi %scan3A_571, %scan3A_572 : i32
      %scan3A_574 = arith.constant 1 : i32
      %scan3A_575 = scf.for %scan3A_628 = %scan3A_571 to %scan3A_573 step %scan3A_574 iter_args(%scan3A_629 = %scan3A_570) -> (i32)  : i32 {
        %get3A_630 = arith.index_cast %scan3A_628 : i32 to index
        %get3A_631 = arith.constant 0 : index
        %get3A_632 = tpu.vector_load %arg9[%get3A_630, %get3A_631] {strides = array<i32>} : memref<8x1024xi32, #tpu.memory_space<vmem>>, vector<16xi32>,
        %get3A_633 = arith.index_cast %scan3A_628 : i32 to index
        %get3A_634 = arith.constant 16 : index
        %get3A_635 = tpu.vector_load %arg9[%get3A_633, %get3A_634] {strides = array<i32>} : memref<8x1024xi32, #tpu.memory_space<vmem>>, vector<16xi32>,
        %get3A_636 = arith.index_cast %scan3A_628 : i32 to index
        %get3A_637 = arith.constant 32 : index
        %get3A_638 = tpu.vector_load %arg9[%get3A_636, %get3A_637] {strides = array<i32>} : memref<8x1024xi32, #tpu.memory_space<vmem>>, vector<16xi32>,
        %get3A_639 = arith.index_cast %scan3A_628 : i32 to index
        %get3A_640 = arith.constant 48 : index
        %get3A_641 = tpu.vector_load %arg9[%get3A_639, %get3A_640] {strides = array<i32>} : memref<8x1024xi32, #tpu.memory_space<vmem>>, vector<16xi32>,
        %get3A_642 = arith.index_cast %scan3A_628 : i32 to index
        %get3A_643 = arith.constant 64 : index
        %get3A_644 = tpu.vector_load %arg9[%get3A_642, %get3A_643] {strides = array<i32>} : memref<8x1024xi32, #tpu.memory_space<vmem>>, vector<16xi32>,
        %get3A_645 = arith.index_cast %scan3A_628 : i32 to index
        %get3A_646 = arith.constant 80 : index
        %get3A_647 = tpu.vector_load %arg9[%get3A_645, %get3A_646] {strides = array<i32>} : memref<8x1024xi32, #tpu.memory_space<vmem>>, vector<16xi32>,
        %get3A_648 = arith.index_cast %scan3A_628 : i32 to index
        %get3A_649 = arith.constant 96 : index
        %get3A_650 = tpu.vector_load %arg9[%get3A_648, %get3A_649] {strides = array<i32>} : memref<8x1024xi32, #tpu.memory_space<vmem>>, vector<16xi32>,
        %get3A_651 = arith.index_cast %scan3A_628 : i32 to index
        %get3A_652 = arith.constant 112 : index
        %get3A_653 = tpu.vector_load %arg9[%get3A_651, %get3A_652] {strides = array<i32>} : memref<8x1024xi32, #tpu.memory_space<vmem>>, vector<16xi32>,
        %sub3A = arith.constant 128 : i32
        %sub3A_654 = vector.broadcast %sub3A : i32 to vector<16xi32>
        %sub3A_655 = arith.subi %get3A_632, %sub3A_654 : vector<16xi32>
        %convert_element_type3A_656 = arith.sitofp %sub3A_655 : vector<16xi32> to vector<16xf32>
        %mul3A_657 = arith.mulf %convert_element_type3A_656, %get3A_5 : vector<16xf32>
        %neg3A_658 = arith.constant 0.000000e+00 : f32
        %neg3A_659 = vector.broadcast %neg3A_658 : f32 to vector<16xf32>
        %neg3A_660 = arith.subf %neg3A_659, %mul3A_657 : vector<16xf32>
        %exp3A_661 = math.exp %neg3A_660 : vector<16xf32>
        %add3A_662 = arith.constant 1.000000e+00 : f32
        %add3A_663 = vector.broadcast %add3A_662 : f32 to vector<16xf32>
        %add3A_664 = arith.addf %add3A_663, %exp3A_661 : vector<16xf32>
        %div3A_665 = arith.constant 1.000000e+00 : f32
        %div3A_666 = vector.broadcast %div3A_665 : f32 to vector<16xf32>
        %div3A_667 = arith.divf %div3A_666, %add3A_664 : vector<16xf32>
        %div3A_668 = arith.divf %div3A_667, %get3A_3 : vector<16xf32>
        %add3A_669 = arith.constant 5.000000e-01 : f32
        %add3A_670 = vector.broadcast %add3A_669 : f32 to vector<16xf32>
        %add3A_671 = arith.addf %div3A_668, %add3A_670 : vector<16xf32>
        %convert_element_type3A_672 = arith.fptosi %add3A_671 : vector<16xf32> to vector<16xi32>
        %min3A_673 = arith.constant 127 : i32
        %min3A_674 = vector.broadcast %min3A_673 : i32 to vector<16xi32>
        %min3A_675 = arith.minsi %convert_element_type3A_672, %min3A_674 : vector<16xi32>
        %convert_element_type3A_676 = arith.sitofp %min3A_675 : vector<16xi32> to vector<16xf32>
        %mul3A_677 = arith.mulf %convert_element_type3A_676, %get3A_3 : vector<16xf32>
        %sub3A_678 = arith.constant 128 : i32
        %sub3A_679 = vector.broadcast %sub3A_678 : i32 to vector<16xi32>
        %sub3A_680 = arith.subi %get3A_635, %sub3A_679 : vector<16xi32>
        %convert_element_type3A_681 = arith.sitofp %sub3A_680 : vector<16xi32> to vector<16xf32>
        %mul3A_682 = arith.mulf %convert_element_type3A_681, %get3A_5 : vector<16xf32>
        %neg3A_683 = arith.constant 0.000000e+00 : f32
        %neg3A_684 = vector.broadcast %neg3A_683 : f32 to vector<16xf32>
        %neg3A_685 = arith.subf %neg3A_684, %mul3A_682 : vector<16xf32>
        %exp3A_686 = math.exp %neg3A_685 : vector<16xf32>
        %add3A_687 = arith.constant 1.000000e+00 : f32
        %add3A_688 = vector.broadcast %add3A_687 : f32 to vector<16xf32>
        %add3A_689 = arith.addf %add3A_688, %exp3A_686 : vector<16xf32>
        %div3A_690 = arith.constant 1.000000e+00 : f32
        %div3A_691 = vector.broadcast %div3A_690 : f32 to vector<16xf32>
        %div3A_692 = arith.divf %div3A_691, %add3A_689 : vector<16xf32>
        %div3A_693 = arith.divf %div3A_692, %get3A_3 : vector<16xf32>
        %add3A_694 = arith.constant 5.000000e-01 : f32
        %add3A_695 = vector.broadcast %add3A_694 : f32 to vector<16xf32>
        %add3A_696 = arith.addf %div3A_693, %add3A_695 : vector<16xf32>
        %convert_element_type3A_697 = arith.fptosi %add3A_696 : vector<16xf32> to vector<16xi32>
        %min3A_698 = arith.constant 127 : i32
        %min3A_699 = vector.broadcast %min3A_698 : i32 to vector<16xi32>
        %min3A_700 = arith.minsi %convert_element_type3A_697, %min3A_699 : vector<16xi32>
        %convert_element_type3A_701 = arith.sitofp %min3A_700 : vector<16xi32> to vector<16xf32>
        %mul3A_702 = arith.mulf %convert_element_type3A_701, %get3A_3 : vector<16xf32>
        %sub3A_703 = arith.constant 128 : i32
        %sub3A_704 = vector.broadcast %sub3A_703 : i32 to vector<16xi32>
        %sub3A_705 = arith.subi %get3A_638, %sub3A_704 : vector<16xi32>
        %convert_element_type3A_706 = arith.sitofp %sub3A_705 : vector<16xi32> to vector<16xf32>
        %mul3A_707 = arith.mulf %convert_element_type3A_706, %get3A_5 : vector<16xf32>
        %neg3A_708 = arith.constant 0.000000e+00 : f32
        %neg3A_709 = vector.broadcast %neg3A_708 : f32 to vector<16xf32>
        %neg3A_710 = arith.subf %neg3A_709, %mul3A_707 : vector<16xf32>
        %exp3A_711 = math.exp %neg3A_710 : vector<16xf32>
        %add3A_712 = arith.constant 1.000000e+00 : f32
        %add3A_713 = vector.broadcast %add3A_712 : f32 to vector<16xf32>
        %add3A_714 = arith.addf %add3A_713, %exp3A_711 : vector<16xf32>
        %div3A_715 = arith.constant 1.000000e+00 : f32
        %div3A_716 = vector.broadcast %div3A_715 : f32 to vector<16xf32>
        %div3A_717 = arith.divf %div3A_716, %add3A_714 : vector<16xf32>
        %div3A_718 = arith.divf %div3A_717, %get3A_3 : vector<16xf32>
        %add3A_719 = arith.constant 5.000000e-01 : f32
        %add3A_720 = vector.broadcast %add3A_719 : f32 to vector<16xf32>
        %add3A_721 = arith.addf %div3A_718, %add3A_720 : vector<16xf32>
        %convert_element_type3A_722 = arith.fptosi %add3A_721 : vector<16xf32> to vector<16xi32>
        %min3A_723 = arith.constant 127 : i32
        %min3A_724 = vector.broadcast %min3A_723 : i32 to vector<16xi32>
        %min3A_725 = arith.minsi %convert_element_type3A_722, %min3A_724 : vector<16xi32>
        %convert_element_type3A_726 = arith.sitofp %min3A_725 : vector<16xi32> to vector<16xf32>
        %mul3A_727 = arith.mulf %convert_element_type3A_726, %get3A_3 : vector<16xf32>
        %sub3A_728 = arith.constant 128 : i32
        %sub3A_729 = vector.broadcast %sub3A_728 : i32 to vector<16xi32>
        %sub3A_730 = arith.subi %get3A_641, %sub3A_729 : vector<16xi32>
        %convert_element_type3A_731 = arith.sitofp %sub3A_730 : vector<16xi32> to vector<16xf32>
        %mul3A_732 = arith.mulf %convert_element_type3A_731, %get3A_5 : vector<16xf32>
        %neg3A_733 = arith.constant 0.000000e+00 : f32
        %neg3A_734 = vector.broadcast %neg3A_733 : f32 to vector<16xf32>
        %neg3A_735 = arith.subf %neg3A_734, %mul3A_732 : vector<16xf32>
        %exp3A_736 = math.exp %neg3A_735 : vector<16xf32>
        %add3A_737 = arith.constant 1.000000e+00 : f32
        %add3A_738 = vector.broadcast %add3A_737 : f32 to vector<16xf32>
        %add3A_739 = arith.addf %add3A_738, %exp3A_736 : vector<16xf32>
        %div3A_740 = arith.constant 1.000000e+00 : f32
        %div3A_741 = vector.broadcast %div3A_740 : f32 to vector<16xf32>
        %div3A_742 = arith.divf %div3A_741, %add3A_739 : vector<16xf32>
        %div3A_743 = arith.divf %div3A_742, %get3A_3 : vector<16xf32>
        %add3A_744 = arith.constant 5.000000e-01 : f32
        %add3A_745 = vector.broadcast %add3A_744 : f32 to vector<16xf32>
        %add3A_746 = arith.addf %div3A_743, %add3A_745 : vector<16xf32>
        %convert_element_type3A_747 = arith.fptosi %add3A_746 : vector<16xf32> to vector<16xi32>
        %min3A_748 = arith.constant 127 : i32
        %min3A_749 = vector.broadcast %min3A_748 : i32 to vector<16xi32>
        %min3A_750 = arith.minsi %convert_element_type3A_747, %min3A_749 : vector<16xi32>
        %convert_element_type3A_751 = arith.sitofp %min3A_750 : vector<16xi32> to vector<16xf32>
        %mul3A_752 = arith.mulf %convert_element_type3A_751, %get3A_3 : vector<16xf32>
        %sub3A_753 = arith.constant 128 : i32
        %sub3A_754 = vector.broadcast %sub3A_753 : i32 to vector<16xi32>
        %sub3A_755 = arith.subi %get3A_644, %sub3A_754 : vector<16xi32>
        %convert_element_type3A_756 = arith.sitofp %sub3A_755 : vector<16xi32> to vector<16xf32>
        %mul3A_757 = arith.mulf %convert_element_type3A_756, %get3A_5 : vector<16xf32>
        %neg3A_758 = arith.constant 0.000000e+00 : f32
        %neg3A_759 = vector.broadcast %neg3A_758 : f32 to vector<16xf32>
        %neg3A_760 = arith.subf %neg3A_759, %mul3A_757 : vector<16xf32>
        %exp3A_761 = math.exp %neg3A_760 : vector<16xf32>
        %add3A_762 = arith.constant 1.000000e+00 : f32
        %add3A_763 = vector.broadcast %add3A_762 : f32 to vector<16xf32>
        %add3A_764 = arith.addf %add3A_763, %exp3A_761 : vector<16xf32>
        %div3A_765 = arith.constant 1.000000e+00 : f32
        %div3A_766 = vector.broadcast %div3A_765 : f32 to vector<16xf32>
        %div3A_767 = arith.divf %div3A_766, %add3A_764 : vector<16xf32>
        %div3A_768 = arith.divf %div3A_767, %get3A_3 : vector<16xf32>
        %add3A_769 = arith.constant 5.000000e-01 : f32
        %add3A_770 = vector.broadcast %add3A_769 : f32 to vector<16xf32>
        %add3A_771 = arith.addf %div3A_768, %add3A_770 : vector<16xf32>
        %convert_element_type3A_772 = arith.fptosi %add3A_771 : vector<16xf32> to vector<16xi32>
        %min3A_773 = arith.constant 127 : i32
        %min3A_774 = vector.broadcast %min3A_773 : i32 to vector<16xi32>
        %min3A_775 = arith.minsi %convert_element_type3A_772, %min3A_774 : vector<16xi32>
        %convert_element_type3A_776 = arith.sitofp %min3A_775 : vector<16xi32> to vector<16xf32>
        %mul3A_777 = arith.mulf %convert_element_type3A_776, %get3A_3 : vector<16xf32>
        %sub3A_778 = arith.constant 128 : i32
        %sub3A_779 = vector.broadcast %sub3A_778 : i32 to vector<16xi32>
        %sub3A_780 = arith.subi %get3A_647, %sub3A_779 : vector<16xi32>
        %convert_element_type3A_781 = arith.sitofp %sub3A_780 : vector<16xi32> to vector<16xf32>
        %mul3A_782 = arith.mulf %convert_element_type3A_781, %get3A_5 : vector<16xf32>
        %neg3A_783 = arith.constant 0.000000e+00 : f32
        %neg3A_784 = vector.broadcast %neg3A_783 : f32 to vector<16xf32>
        %neg3A_785 = arith.subf %neg3A_784, %mul3A_782 : vector<16xf32>
        %exp3A_786 = math.exp %neg3A_785 : vector<16xf32>
        %add3A_787 = arith.constant 1.000000e+00 : f32
        %add3A_788 = vector.broadcast %add3A_787 : f32 to vector<16xf32>
        %add3A_789 = arith.addf %add3A_788, %exp3A_786 : vector<16xf32>
        %div3A_790 = arith.constant 1.000000e+00 : f32
        %div3A_791 = vector.broadcast %div3A_790 : f32 to vector<16xf32>
        %div3A_792 = arith.divf %div3A_791, %add3A_789 : vector<16xf32>
        %div3A_793 = arith.divf %div3A_792, %get3A_3 : vector<16xf32>
        %add3A_794 = arith.constant 5.000000e-01 : f32
        %add3A_795 = vector.broadcast %add3A_794 : f32 to vector<16xf32>
        %add3A_796 = arith.addf %div3A_793, %add3A_795 : vector<16xf32>
        %convert_element_type3A_797 = arith.fptosi %add3A_796 : vector<16xf32> to vector<16xi32>
        %min3A_798 = arith.constant 127 : i32
        %min3A_799 = vector.broadcast %min3A_798 : i32 to vector<16xi32>
        %min3A_800 = arith.minsi %convert_element_type3A_797, %min3A_799 : vector<16xi32>
        %convert_element_type3A_801 = arith.sitofp %min3A_800 : vector<16xi32> to vector<16xf32>
        %mul3A_802 = arith.mulf %convert_element_type3A_801, %get3A_3 : vector<16xf32>
        %sub3A_803 = arith.constant 128 : i32
        %sub3A_804 = vector.broadcast %sub3A_803 : i32 to vector<16xi32>
        %sub3A_805 = arith.subi %get3A_650, %sub3A_804 : vector<16xi32>
        %convert_element_type3A_806 = arith.sitofp %sub3A_805 : vector<16xi32> to vector<16xf32>
        %mul3A_807 = arith.mulf %convert_element_type3A_806, %get3A_5 : vector<16xf32>
        %neg3A_808 = arith.constant 0.000000e+00 : f32
        %neg3A_809 = vector.broadcast %neg3A_808 : f32 to vector<16xf32>
        %neg3A_810 = arith.subf %neg3A_809, %mul3A_807 : vector<16xf32>
        %exp3A_811 = math.exp %neg3A_810 : vector<16xf32>
        %add3A_812 = arith.constant 1.000000e+00 : f32
        %add3A_813 = vector.broadcast %add3A_812 : f32 to vector<16xf32>
        %add3A_814 = arith.addf %add3A_813, %exp3A_811 : vector<16xf32>
        %div3A_815 = arith.constant 1.000000e+00 : f32
        %div3A_816 = vector.broadcast %div3A_815 : f32 to vector<16xf32>
        %div3A_817 = arith.divf %div3A_816, %add3A_814 : vector<16xf32>
        %div3A_818 = arith.divf %div3A_817, %get3A_3 : vector<16xf32>
        %add3A_819 = arith.constant 5.000000e-01 : f32
        %add3A_820 = vector.broadcast %add3A_819 : f32 to vector<16xf32>
        %add3A_821 = arith.addf %div3A_818, %add3A_820 : vector<16xf32>
        %convert_element_type3A_822 = arith.fptosi %add3A_821 : vector<16xf32> to vector<16xi32>
        %min3A_823 = arith.constant 127 : i32
        %min3A_824 = vector.broadcast %min3A_823 : i32 to vector<16xi32>
        %min3A_825 = arith.minsi %convert_element_type3A_822, %min3A_824 : vector<16xi32>
        %convert_element_type3A_826 = arith.sitofp %min3A_825 : vector<16xi32> to vector<16xf32>
        %mul3A_827 = arith.mulf %convert_element_type3A_826, %get3A_3 : vector<16xf32>
        %sub3A_828 = arith.constant 128 : i32
        %sub3A_829 = vector.broadcast %sub3A_828 : i32 to vector<16xi32>
        %sub3A_830 = arith.subi %get3A_653, %sub3A_829 : vector<16xi32>
        %convert_element_type3A_831 = arith.sitofp %sub3A_830 : vector<16xi32> to vector<16xf32>
        %mul3A_832 = arith.mulf %convert_element_type3A_831, %get3A_5 : vector<16xf32>
        %neg3A_833 = arith.constant 0.000000e+00 : f32
        %neg3A_834 = vector.broadcast %neg3A_833 : f32 to vector<16xf32>
        %neg3A_835 = arith.subf %neg3A_834, %mul3A_832 : vector<16xf32>
        %exp3A_836 = math.exp %neg3A_835 : vector<16xf32>
        %add3A_837 = arith.constant 1.000000e+00 : f32
        %add3A_838 = vector.broadcast %add3A_837 : f32 to vector<16xf32>
        %add3A_839 = arith.addf %add3A_838, %exp3A_836 : vector<16xf32>
        %div3A_840 = arith.constant 1.000000e+00 : f32
        %div3A_841 = vector.broadcast %div3A_840 : f32 to vector<16xf32>
        %div3A_842 = arith.divf %div3A_841, %add3A_839 : vector<16xf32>
        %div3A_843 = arith.divf %div3A_842, %get3A_3 : vector<16xf32>
        %add3A_844 = arith.constant 5.000000e-01 : f32
        %add3A_845 = vector.broadcast %add3A_844 : f32 to vector<16xf32>
        %add3A_846 = arith.addf %div3A_843, %add3A_845 : vector<16xf32>
        %convert_element_type3A_847 = arith.fptosi %add3A_846 : vector<16xf32> to vector<16xi32>
        %min3A_848 = arith.constant 127 : i32
        %min3A_849 = vector.broadcast %min3A_848 : i32 to vector<16xi32>
        %min3A_850 = arith.minsi %convert_element_type3A_847, %min3A_849 : vector<16xi32>
        %convert_element_type3A_851 = arith.sitofp %min3A_850 : vector<16xi32> to vector<16xf32>
        %mul3A_852 = arith.mulf %convert_element_type3A_851, %get3A_3 : vector<16xf32>
        %swap3A_853 = arith.index_cast %scan3A_628 : i32 to index
        %swap3A_854 = arith.constant 0 : index
        %swap3A_855 = tpu.vector_load %arg13[%swap3A_853, %swap3A_854] {strides = array<i32>} : memref<8x1024xf32, #tpu.memory_space<vmem>>, vector<16xf32>,
        tpu.vector_store %arg13[%swap3A_853, %swap3A_854], %mul3A_677 {strides = array<i32>} : memref<8x1024xf32, #tpu.memory_space<vmem>>, vector<16xf32>,
        %swap3A_856 = arith.index_cast %scan3A_628 : i32 to index
        %swap3A_857 = arith.constant 16 : index
        %swap3A_858 = tpu.vector_load %arg13[%swap3A_856, %swap3A_857] {strides = array<i32>} : memref<8x1024xf32, #tpu.memory_space<vmem>>, vector<16xf32>,
        tpu.vector_store %arg13[%swap3A_856, %swap3A_857], %mul3A_702 {strides = array<i32>} : memref<8x1024xf32, #tpu.memory_space<vmem>>, vector<16xf32>,
        %swap3A_859 = arith.index_cast %scan3A_628 : i32 to index
        %swap3A_860 = arith.constant 32 : index
        %swap3A_861 = tpu.vector_load %arg13[%swap3A_859, %swap3A_860] {strides = array<i32>} : memref<8x1024xf32, #tpu.memory_space<vmem>>, vector<16xf32>,
        tpu.vector_store %arg13[%swap3A_859, %swap3A_860], %mul3A_727 {strides = array<i32>} : memref<8x1024xf32, #tpu.memory_space<vmem>>, vector<16xf32>,
        %swap3A_862 = arith.index_cast %scan3A_628 : i32 to index
        %swap3A_863 = arith.constant 48 : index
        %swap3A_864 = tpu.vector_load %arg13[%swap3A_862, %swap3A_863] {strides = array<i32>} : memref<8x1024xf32, #tpu.memory_space<vmem>>, vector<16xf32>,
        tpu.vector_store %arg13[%swap3A_862, %swap3A_863], %mul3A_752 {strides = array<i32>} : memref<8x1024xf32, #tpu.memory_space<vmem>>, vector<16xf32>,
        %swap3A_865 = arith.index_cast %scan3A_628 : i32 to index
        %swap3A_866 = arith.constant 64 : index
        %swap3A_867 = tpu.vector_load %arg13[%swap3A_865, %swap3A_866] {strides = array<i32>} : memref<8x1024xf32, #tpu.memory_space<vmem>>, vector<16xf32>,
        tpu.vector_store %arg13[%swap3A_865, %swap3A_866], %mul3A_777 {strides = array<i32>} : memref<8x1024xf32, #tpu.memory_space<vmem>>, vector<16xf32>,
        %swap3A_868 = arith.index_cast %scan3A_628 : i32 to index
        %swap3A_869 = arith.constant 80 : index
        %swap3A_870 = tpu.vector_load %arg13[%swap3A_868, %swap3A_869] {strides = array<i32>} : memref<8x1024xf32, #tpu.memory_space<vmem>>, vector<16xf32>,
        tpu.vector_store %arg13[%swap3A_868, %swap3A_869], %mul3A_802 {strides = array<i32>} : memref<8x1024xf32, #tpu.memory_space<vmem>>, vector<16xf32>,
        %swap3A_871 = arith.index_cast %scan3A_628 : i32 to index
        %swap3A_872 = arith.constant 96 : index
        %swap3A_873 = tpu.vector_load %arg13[%swap3A_871, %swap3A_872] {strides = array<i32>} : memref<8x1024xf32, #tpu.memory_space<vmem>>, vector<16xf32>,
        tpu.vector_store %arg13[%swap3A_871, %swap3A_872], %mul3A_827 {strides = array<i32>} : memref<8x1024xf32, #tpu.memory_space<vmem>>, vector<16xf32>,
        %swap3A_874 = arith.index_cast %scan3A_628 : i32 to index
        %swap3A_875 = arith.constant 112 : index
        %swap3A_876 = tpu.vector_load %arg13[%swap3A_874, %swap3A_875] {strides = array<i32>} : memref<8x1024xf32, #tpu.memory_space<vmem>>, vector<16xf32>,
        tpu.vector_store %arg13[%swap3A_874, %swap3A_875], %mul3A_852 {strides = array<i32>} : memref<8x1024xf32, #tpu.memory_space<vmem>>, vector<16xf32>,
        %get3A_877 = arith.index_cast %scan3A_628 : i32 to index
        %get3A_878 = arith.constant 128 : index
        %get3A_879 = tpu.vector_load %arg9[%get3A_877, %get3A_878] {strides = array<i32>} : memref<8x1024xi32, #tpu.memory_space<vmem>>, vector<16xi32>,
        %get3A_880 = arith.index_cast %scan3A_628 : i32 to index
        %get3A_881 = arith.constant 144 : index
        %get3A_882 = tpu.vector_load %arg9[%get3A_880, %get3A_881] {strides = array<i32>} : memref<8x1024xi32, #tpu.memory_space<vmem>>, vector<16xi32>,
        %get3A_883 = arith.index_cast %scan3A_628 : i32 to index
        %get3A_884 = arith.constant 160 : index
        %get3A_885 = tpu.vector_load %arg9[%get3A_883, %get3A_884] {strides = array<i32>} : memref<8x1024xi32, #tpu.memory_space<vmem>>, vector<16xi32>,
        %get3A_886 = arith.index_cast %scan3A_628 : i32 to index
        %get3A_887 = arith.constant 176 : index
        %get3A_888 = tpu.vector_load %arg9[%get3A_886, %get3A_887] {strides = array<i32>} : memref<8x1024xi32, #tpu.memory_space<vmem>>, vector<16xi32>,
        %get3A_889 = arith.index_cast %scan3A_628 : i32 to index
        %get3A_890 = arith.constant 192 : index
        %get3A_891 = tpu.vector_load %arg9[%get3A_889, %get3A_890] {strides = array<i32>} : memref<8x1024xi32, #tpu.memory_space<vmem>>, vector<16xi32>,
        %get3A_892 = arith.index_cast %scan3A_628 : i32 to index
        %get3A_893 = arith.constant 208 : index
        %get3A_894 = tpu.vector_load %arg9[%get3A_892, %get3A_893] {strides = array<i32>} : memref<8x1024xi32, #tpu.memory_space<vmem>>, vector<16xi32>,
        %get3A_895 = arith.index_cast %scan3A_628 : i32 to index
        %get3A_896 = arith.constant 224 : index
        %get3A_897 = tpu.vector_load %arg9[%get3A_895, %get3A_896] {strides = array<i32>} : memref<8x1024xi32, #tpu.memory_space<vmem>>, vector<16xi32>,
        %get3A_898 = arith.index_cast %scan3A_628 : i32 to index
        %get3A_899 = arith.constant 240 : index
        %get3A_900 = tpu.vector_load %arg9[%get3A_898, %get3A_899] {strides = array<i32>} : memref<8x1024xi32, #tpu.memory_space<vmem>>, vector<16xi32>,
        %gather3A = tpu.vector_load_idx %arg6[%get3A_879] : memref<256xf32, #tpu.memory_space<vmem>>[vector<16xi32>], vector<16xf32>,
        %gather3A_901 = tpu.vector_load_idx %arg6[%get3A_882] : memref<256xf32, #tpu.memory_space<vmem>>[vector<16xi32>], vector<16xf32>,
        %gather3A_902 = tpu.vector_load_idx %arg6[%get3A_885] : memref<256xf32, #tpu.memory_space<vmem>>[vector<16xi32>], vector<16xf32>,
        %gather3A_903 = tpu.vector_load_idx %arg6[%get3A_888] : memref<256xf32, #tpu.memory_space<vmem>>[vector<16xi32>], vector<16xf32>,
        %gather3A_904 = tpu.vector_load_idx %arg6[%get3A_891] : memref<256xf32, #tpu.memory_space<vmem>>[vector<16xi32>], vector<16xf32>,
        %gather3A_905 = tpu.vector_load_idx %arg6[%get3A_894] : memref<256xf32, #tpu.memory_space<vmem>>[vector<16xi32>], vector<16xf32>,
        %gather3A_906 = tpu.vector_load_idx %arg6[%get3A_897] : memref<256xf32, #tpu.memory_space<vmem>>[vector<16xi32>], vector<16xf32>,
        %gather3A_907 = tpu.vector_load_idx %arg6[%get3A_900] : memref<256xf32, #tpu.memory_space<vmem>>[vector<16xi32>], vector<16xf32>,
        %swap3A_908 = arith.index_cast %scan3A_628 : i32 to index
        %swap3A_909 = arith.constant 128 : index
        %swap3A_910 = tpu.vector_load %arg13[%swap3A_908, %swap3A_909] {strides = array<i32>} : memref<8x1024xf32, #tpu.memory_space<vmem>>, vector<16xf32>,
        tpu.vector_store %arg13[%swap3A_908, %swap3A_909], %gather3A {strides = array<i32>} : memref<8x1024xf32, #tpu.memory_space<vmem>>, vector<16xf32>,
        %swap3A_911 = arith.index_cast %scan3A_628 : i32 to index
        %swap3A_912 = arith.constant 144 : index
        %swap3A_913 = tpu.vector_load %arg13[%swap3A_911, %swap3A_912] {strides = array<i32>} : memref<8x1024xf32, #tpu.memory_space<vmem>>, vector<16xf32>,
        tpu.vector_store %arg13[%swap3A_911, %swap3A_912], %gather3A_901 {strides = array<i32>} : memref<8x1024xf32, #tpu.memory_space<vmem>>, vector<16xf32>,
        %swap3A_914 = arith.index_cast %scan3A_628 : i32 to index
        %swap3A_915 = arith.constant 160 : index
        %swap3A_916 = tpu.vector_load %arg13[%swap3A_914, %swap3A_915] {strides = array<i32>} : memref<8x1024xf32, #tpu.memory_space<vmem>>, vector<16xf32>,
        tpu.vector_store %arg13[%swap3A_914, %swap3A_915], %gather3A_902 {strides = array<i32>} : memref<8x1024xf32, #tpu.memory_space<vmem>>, vector<16xf32>,
        %swap3A_917 = arith.index_cast %scan3A_628 : i32 to index
        %swap3A_918 = arith.constant 176 : index
        %swap3A_919 = tpu.vector_load %arg13[%swap3A_917, %swap3A_918] {strides = array<i32>} : memref<8x1024xf32, #tpu.memory_space<vmem>>, vector<16xf32>,
        tpu.vector_store %arg13[%swap3A_917, %swap3A_918], %gather3A_903 {strides = array<i32>} : memref<8x1024xf32, #tpu.memory_space<vmem>>, vector<16xf32>,
        %swap3A_920 = arith.index_cast %scan3A_628 : i32 to index
        %swap3A_921 = arith.constant 192 : index
        %swap3A_922 = tpu.vector_load %arg13[%swap3A_920, %swap3A_921] {strides = array<i32>} : memref<8x1024xf32, #tpu.memory_space<vmem>>, vector<16xf32>,
        tpu.vector_store %arg13[%swap3A_920, %swap3A_921], %gather3A_904 {strides = array<i32>} : memref<8x1024xf32, #tpu.memory_space<vmem>>, vector<16xf32>,
        %swap3A_923 = arith.index_cast %scan3A_628 : i32 to index
        %swap3A_924 = arith.constant 208 : index
        %swap3A_925 = tpu.vector_load %arg13[%swap3A_923, %swap3A_924] {strides = array<i32>} : memref<8x1024xf32, #tpu.memory_space<vmem>>, vector<16xf32>,
        tpu.vector_store %arg13[%swap3A_923, %swap3A_924], %gather3A_905 {strides = array<i32>} : memref<8x1024xf32, #tpu.memory_space<vmem>>, vector<16xf32>,
        %swap3A_926 = arith.index_cast %scan3A_628 : i32 to index
        %swap3A_927 = arith.constant 224 : index
        %swap3A_928 = tpu.vector_load %arg13[%swap3A_926, %swap3A_927] {strides = array<i32>} : memref<8x1024xf32, #tpu.memory_space<vmem>>, vector<16xf32>,
        tpu.vector_store %arg13[%swap3A_926, %swap3A_927], %gather3A_906 {strides = array<i32>} : memref<8x1024xf32, #tpu.memory_space<vmem>>, vector<16xf32>,
        %swap3A_929 = arith.index_cast %scan3A_628 : i32 to index
        %swap3A_930 = arith.constant 240 : index
        %swap3A_931 = tpu.vector_load %arg13[%swap3A_929, %swap3A_930] {strides = array<i32>} : memref<8x1024xf32, #tpu.memory_space<vmem>>, vector<16xf32>,
        tpu.vector_store %arg13[%swap3A_929, %swap3A_930], %gather3A_907 {strides = array<i32>} : memref<8x1024xf32, #tpu.memory_space<vmem>>, vector<16xf32>,
        %get3A_932 = arith.index_cast %scan3A_628 : i32 to index
        %get3A_933 = arith.constant 256 : index
        %get3A_934 = tpu.vector_load %arg9[%get3A_932, %get3A_933] {strides = array<i32>} : memref<8x1024xi32, #tpu.memory_space<vmem>>, vector<16xi32>,
        %get3A_935 = arith.index_cast %scan3A_628 : i32 to index
        %get3A_936 = arith.constant 272 : index
        %get3A_937 = tpu.vector_load %arg9[%get3A_935, %get3A_936] {strides = array<i32>} : memref<8x1024xi32, #tpu.memory_space<vmem>>, vector<16xi32>,
        %get3A_938 = arith.index_cast %scan3A_628 : i32 to index
        %get3A_939 = arith.constant 288 : index
        %get3A_940 = tpu.vector_load %arg9[%get3A_938, %get3A_939] {strides = array<i32>} : memref<8x1024xi32, #tpu.memory_space<vmem>>, vector<16xi32>,
        %get3A_941 = arith.index_cast %scan3A_628 : i32 to index
        %get3A_942 = arith.constant 304 : index
        %get3A_943 = tpu.vector_load %arg9[%get3A_941, %get3A_942] {strides = array<i32>} : memref<8x1024xi32, #tpu.memory_space<vmem>>, vector<16xi32>,
        %get3A_944 = arith.index_cast %scan3A_628 : i32 to index
        %get3A_945 = arith.constant 320 : index
        %get3A_946 = tpu.vector_load %arg9[%get3A_944, %get3A_945] {strides = array<i32>} : memref<8x1024xi32, #tpu.memory_space<vmem>>, vector<16xi32>,
        %get3A_947 = arith.index_cast %scan3A_628 : i32 to index
        %get3A_948 = arith.constant 336 : index
        %get3A_949 = tpu.vector_load %arg9[%get3A_947, %get3A_948] {strides = array<i32>} : memref<8x1024xi32, #tpu.memory_space<vmem>>, vector<16xi32>,
        %get3A_950 = arith.index_cast %scan3A_628 : i32 to index
        %get3A_951 = arith.constant 352 : index
        %get3A_952 = tpu.vector_load %arg9[%get3A_950, %get3A_951] {strides = array<i32>} : memref<8x1024xi32, #tpu.memory_space<vmem>>, vector<16xi32>,
        %get3A_953 = arith.index_cast %scan3A_628 : i32 to index
        %get3A_954 = arith.constant 368 : index
        %get3A_955 = tpu.vector_load %arg9[%get3A_953, %get3A_954] {strides = array<i32>} : memref<8x1024xi32, #tpu.memory_space<vmem>>, vector<16xi32>,
        %gather3A_956 = tpu.vector_load_idx %arg6[%get3A_934] : memref<256xf32, #tpu.memory_space<vmem>>[vector<16xi32>], vector<16xf32>,
        %gather3A_957 = tpu.vector_load_idx %arg6[%get3A_937] : memref<256xf32, #tpu.memory_space<vmem>>[vector<16xi32>], vector<16xf32>,
        %gather3A_958 = tpu.vector_load_idx %arg6[%get3A_940] : memref<256xf32, #tpu.memory_space<vmem>>[vector<16xi32>], vector<16xf32>,
        %gather3A_959 = tpu.vector_load_idx %arg6[%get3A_943] : memref<256xf32, #tpu.memory_space<vmem>>[vector<16xi32>], vector<16xf32>,
        %gather3A_960 = tpu.vector_load_idx %arg6[%get3A_946] : memref<256xf32, #tpu.memory_space<vmem>>[vector<16xi32>], vector<16xf32>,
        %gather3A_961 = tpu.vector_load_idx %arg6[%get3A_949] : memref<256xf32, #tpu.memory_space<vmem>>[vector<16xi32>], vector<16xf32>,
        %gather3A_962 = tpu.vector_load_idx %arg6[%get3A_952] : memref<256xf32, #tpu.memory_space<vmem>>[vector<16xi32>], vector<16xf32>,
        %gather3A_963 = tpu.vector_load_idx %arg6[%get3A_955] : memref<256xf32, #tpu.memory_space<vmem>>[vector<16xi32>], vector<16xf32>,
        %swap3A_964 = arith.index_cast %scan3A_628 : i32 to index
        %swap3A_965 = arith.constant 256 : index
        %swap3A_966 = tpu.vector_load %arg13[%swap3A_964, %swap3A_965] {strides = array<i32>} : memref<8x1024xf32, #tpu.memory_space<vmem>>, vector<16xf32>,
        tpu.vector_store %arg13[%swap3A_964, %swap3A_965], %gather3A_956 {strides = array<i32>} : memref<8x1024xf32, #tpu.memory_space<vmem>>, vector<16xf32>,
        %swap3A_967 = arith.index_cast %scan3A_628 : i32 to index
        %swap3A_968 = arith.constant 272 : index
        %swap3A_969 = tpu.vector_load %arg13[%swap3A_967, %swap3A_968] {strides = array<i32>} : memref<8x1024xf32, #tpu.memory_space<vmem>>, vector<16xf32>,
        tpu.vector_store %arg13[%swap3A_967, %swap3A_968], %gather3A_957 {strides = array<i32>} : memref<8x1024xf32, #tpu.memory_space<vmem>>, vector<16xf32>,
        %swap3A_970 = arith.index_cast %scan3A_628 : i32 to index
        %swap3A_971 = arith.constant 288 : index
        %swap3A_972 = tpu.vector_load %arg13[%swap3A_970, %swap3A_971] {strides = array<i32>} : memref<8x1024xf32, #tpu.memory_space<vmem>>, vector<16xf32>,
        tpu.vector_store %arg13[%swap3A_970, %swap3A_971], %gather3A_958 {strides = array<i32>} : memref<8x1024xf32, #tpu.memory_space<vmem>>, vector<16xf32>,
        %swap3A_973 = arith.index_cast %scan3A_628 : i32 to index
        %swap3A_974 = arith.constant 304 : index
        %swap3A_975 = tpu.vector_load %arg13[%swap3A_973, %swap3A_974] {strides = array<i32>} : memref<8x1024xf32, #tpu.memory_space<vmem>>, vector<16xf32>,
        tpu.vector_store %arg13[%swap3A_973, %swap3A_974], %gather3A_959 {strides = array<i32>} : memref<8x1024xf32, #tpu.memory_space<vmem>>, vector<16xf32>,
        %swap3A_976 = arith.index_cast %scan3A_628 : i32 to index
        %swap3A_977 = arith.constant 320 : index
        %swap3A_978 = tpu.vector_load %arg13[%swap3A_976, %swap3A_977] {strides = array<i32>} : memref<8x1024xf32, #tpu.memory_space<vmem>>, vector<16xf32>,
        tpu.vector_store %arg13[%swap3A_976, %swap3A_977], %gather3A_960 {strides = array<i32>} : memref<8x1024xf32, #tpu.memory_space<vmem>>, vector<16xf32>,
        %swap3A_979 = arith.index_cast %scan3A_628 : i32 to index
        %swap3A_980 = arith.constant 336 : index
        %swap3A_981 = tpu.vector_load %arg13[%swap3A_979, %swap3A_980] {strides = array<i32>} : memref<8x1024xf32, #tpu.memory_space<vmem>>, vector<16xf32>,
        tpu.vector_store %arg13[%swap3A_979, %swap3A_980], %gather3A_961 {strides = array<i32>} : memref<8x1024xf32, #tpu.memory_space<vmem>>, vector<16xf32>,
        %swap3A_982 = arith.index_cast %scan3A_628 : i32 to index
        %swap3A_983 = arith.constant 352 : index
        %swap3A_984 = tpu.vector_load %arg13[%swap3A_982, %swap3A_983] {strides = array<i32>} : memref<8x1024xf32, #tpu.memory_space<vmem>>, vector<16xf32>,
        tpu.vector_store %arg13[%swap3A_982, %swap3A_983], %gather3A_962 {strides = array<i32>} : memref<8x1024xf32, #tpu.memory_space<vmem>>, vector<16xf32>,
        %swap3A_985 = arith.index_cast %scan3A_628 : i32 to index
        %swap3A_986 = arith.constant 368 : index
        %swap3A_987 = tpu.vector_load %arg13[%swap3A_985, %swap3A_986] {strides = array<i32>} : memref<8x1024xf32, #tpu.memory_space<vmem>>, vector<16xf32>,
        tpu.vector_store %arg13[%swap3A_985, %swap3A_986], %gather3A_963 {strides = array<i32>} : memref<8x1024xf32, #tpu.memory_space<vmem>>, vector<16xf32>,
        %get3A_988 = arith.index_cast %scan3A_628 : i32 to index
        %get3A_989 = arith.constant 384 : index
        %get3A_990 = tpu.vector_load %arg9[%get3A_988, %get3A_989] {strides = array<i32>} : memref<8x1024xi32, #tpu.memory_space<vmem>>, vector<16xi32>,
        %get3A_991 = arith.index_cast %scan3A_628 : i32 to index
        %get3A_992 = arith.constant 400 : index
        %get3A_993 = tpu.vector_load %arg9[%get3A_991, %get3A_992] {strides = array<i32>} : memref<8x1024xi32, #tpu.memory_space<vmem>>, vector<16xi32>,
        %get3A_994 = arith.index_cast %scan3A_628 : i32 to index
        %get3A_995 = arith.constant 416 : index
        %get3A_996 = tpu.vector_load %arg9[%get3A_994, %get3A_995] {strides = array<i32>} : memref<8x1024xi32, #tpu.memory_space<vmem>>, vector<16xi32>,
        %get3A_997 = arith.index_cast %scan3A_628 : i32 to index
        %get3A_998 = arith.constant 432 : index
        %get3A_999 = tpu.vector_load %arg9[%get3A_997, %get3A_998] {strides = array<i32>} : memref<8x1024xi32, #tpu.memory_space<vmem>>, vector<16xi32>,
        %get3A_1000 = arith.index_cast %scan3A_628 : i32 to index
        %get3A_1001 = arith.constant 448 : index
        %get3A_1002 = tpu.vector_load %arg9[%get3A_1000, %get3A_1001] {strides = array<i32>} : memref<8x1024xi32, #tpu.memory_space<vmem>>, vector<16xi32>,
        %get3A_1003 = arith.index_cast %scan3A_628 : i32 to index
        %get3A_1004 = arith.constant 464 : index
        %get3A_1005 = tpu.vector_load %arg9[%get3A_1003, %get3A_1004] {strides = array<i32>} : memref<8x1024xi32, #tpu.memory_space<vmem>>, vector<16xi32>,
        %get3A_1006 = arith.index_cast %scan3A_628 : i32 to index
        %get3A_1007 = arith.constant 480 : index
        %get3A_1008 = tpu.vector_load %arg9[%get3A_1006, %get3A_1007] {strides = array<i32>} : memref<8x1024xi32, #tpu.memory_space<vmem>>, vector<16xi32>,
        %get3A_1009 = arith.index_cast %scan3A_628 : i32 to index
        %get3A_1010 = arith.constant 496 : index
        %get3A_1011 = tpu.vector_load %arg9[%get3A_1009, %get3A_1010] {strides = array<i32>} : memref<8x1024xi32, #tpu.memory_space<vmem>>, vector<16xi32>,
        %gather3A_1012 = tpu.vector_load_idx %arg6[%get3A_990] : memref<256xf32, #tpu.memory_space<vmem>>[vector<16xi32>], vector<16xf32>,
        %gather3A_1013 = tpu.vector_load_idx %arg6[%get3A_993] : memref<256xf32, #tpu.memory_space<vmem>>[vector<16xi32>], vector<16xf32>,
        %gather3A_1014 = tpu.vector_load_idx %arg6[%get3A_996] : memref<256xf32, #tpu.memory_space<vmem>>[vector<16xi32>], vector<16xf32>,
        %gather3A_1015 = tpu.vector_load_idx %arg6[%get3A_999] : memref<256xf32, #tpu.memory_space<vmem>>[vector<16xi32>], vector<16xf32>,
        %gather3A_1016 = tpu.vector_load_idx %arg6[%get3A_1002] : memref<256xf32, #tpu.memory_space<vmem>>[vector<16xi32>], vector<16xf32>,
        %gather3A_1017 = tpu.vector_load_idx %arg6[%get3A_1005] : memref<256xf32, #tpu.memory_space<vmem>>[vector<16xi32>], vector<16xf32>,
        %gather3A_1018 = tpu.vector_load_idx %arg6[%get3A_1008] : memref<256xf32, #tpu.memory_space<vmem>>[vector<16xi32>], vector<16xf32>,
        %gather3A_1019 = tpu.vector_load_idx %arg6[%get3A_1011] : memref<256xf32, #tpu.memory_space<vmem>>[vector<16xi32>], vector<16xf32>,
        %swap3A_1020 = arith.index_cast %scan3A_628 : i32 to index
        %swap3A_1021 = arith.constant 384 : index
        %swap3A_1022 = tpu.vector_load %arg13[%swap3A_1020, %swap3A_1021] {strides = array<i32>} : memref<8x1024xf32, #tpu.memory_space<vmem>>, vector<16xf32>,
        tpu.vector_store %arg13[%swap3A_1020, %swap3A_1021], %gather3A_1012 {strides = array<i32>} : memref<8x1024xf32, #tpu.memory_space<vmem>>, vector<16xf32>,
        %swap3A_1023 = arith.index_cast %scan3A_628 : i32 to index
        %swap3A_1024 = arith.constant 400 : index
        %swap3A_1025 = tpu.vector_load %arg13[%swap3A_1023, %swap3A_1024] {strides = array<i32>} : memref<8x1024xf32, #tpu.memory_space<vmem>>, vector<16xf32>,
        tpu.vector_store %arg13[%swap3A_1023, %swap3A_1024], %gather3A_1013 {strides = array<i32>} : memref<8x1024xf32, #tpu.memory_space<vmem>>, vector<16xf32>,
        %swap3A_1026 = arith.index_cast %scan3A_628 : i32 to index
        %swap3A_1027 = arith.constant 416 : index
        %swap3A_1028 = tpu.vector_load %arg13[%swap3A_1026, %swap3A_1027] {strides = array<i32>} : memref<8x1024xf32, #tpu.memory_space<vmem>>, vector<16xf32>,
        tpu.vector_store %arg13[%swap3A_1026, %swap3A_1027], %gather3A_1014 {strides = array<i32>} : memref<8x1024xf32, #tpu.memory_space<vmem>>, vector<16xf32>,
        %swap3A_1029 = arith.index_cast %scan3A_628 : i32 to index
        %swap3A_1030 = arith.constant 432 : index
        %swap3A_1031 = tpu.vector_load %arg13[%swap3A_1029, %swap3A_1030] {strides = array<i32>} : memref<8x1024xf32, #tpu.memory_space<vmem>>, vector<16xf32>,
        tpu.vector_store %arg13[%swap3A_1029, %swap3A_1030], %gather3A_1015 {strides = array<i32>} : memref<8x1024xf32, #tpu.memory_space<vmem>>, vector<16xf32>,
        %swap3A_1032 = arith.index_cast %scan3A_628 : i32 to index
        %swap3A_1033 = arith.constant 448 : index
        %swap3A_1034 = tpu.vector_load %arg13[%swap3A_1032, %swap3A_1033] {strides = array<i32>} : memref<8x1024xf32, #tpu.memory_space<vmem>>, vector<16xf32>,
        tpu.vector_store %arg13[%swap3A_1032, %swap3A_1033], %gather3A_1016 {strides = array<i32>} : memref<8x1024xf32, #tpu.memory_space<vmem>>, vector<16xf32>,
        %swap3A_1035 = arith.index_cast %scan3A_628 : i32 to index
        %swap3A_1036 = arith.constant 464 : index
        %swap3A_1037 = tpu.vector_load %arg13[%swap3A_1035, %swap3A_1036] {strides = array<i32>} : memref<8x1024xf32, #tpu.memory_space<vmem>>, vector<16xf32>,
        tpu.vector_store %arg13[%swap3A_1035, %swap3A_1036], %gather3A_1017 {strides = array<i32>} : memref<8x1024xf32, #tpu.memory_space<vmem>>, vector<16xf32>,
        %swap3A_1038 = arith.index_cast %scan3A_628 : i32 to index
        %swap3A_1039 = arith.constant 480 : index
        %swap3A_1040 = tpu.vector_load %arg13[%swap3A_1038, %swap3A_1039] {strides = array<i32>} : memref<8x1024xf32, #tpu.memory_space<vmem>>, vector<16xf32>,
        tpu.vector_store %arg13[%swap3A_1038, %swap3A_1039], %gather3A_1018 {strides = array<i32>} : memref<8x1024xf32, #tpu.memory_space<vmem>>, vector<16xf32>,
        %swap3A_1041 = arith.index_cast %scan3A_628 : i32 to index
        %swap3A_1042 = arith.constant 496 : index
        %swap3A_1043 = tpu.vector_load %arg13[%swap3A_1041, %swap3A_1042] {strides = array<i32>} : memref<8x1024xf32, #tpu.memory_space<vmem>>, vector<16xf32>,
        tpu.vector_store %arg13[%swap3A_1041, %swap3A_1042], %gather3A_1019 {strides = array<i32>} : memref<8x1024xf32, #tpu.memory_space<vmem>>, vector<16xf32>,
        %get3A_1044 = arith.index_cast %scan3A_628 : i32 to index
        %get3A_1045 = arith.constant 512 : index
        %get3A_1046 = tpu.vector_load %arg9[%get3A_1044, %get3A_1045] {strides = array<i32>} : memref<8x1024xi32, #tpu.memory_space<vmem>>, vector<16xi32>,
        %get3A_1047 = arith.index_cast %scan3A_628 : i32 to index
        %get3A_1048 = arith.constant 528 : index
        %get3A_1049 = tpu.vector_load %arg9[%get3A_1047, %get3A_1048] {strides = array<i32>} : memref<8x1024xi32, #tpu.memory_space<vmem>>, vector<16xi32>,
        %get3A_1050 = arith.index_cast %scan3A_628 : i32 to index
        %get3A_1051 = arith.constant 544 : index
        %get3A_1052 = tpu.vector_load %arg9[%get3A_1050, %get3A_1051] {strides = array<i32>} : memref<8x1024xi32, #tpu.memory_space<vmem>>, vector<16xi32>,
        %get3A_1053 = arith.index_cast %scan3A_628 : i32 to index
        %get3A_1054 = arith.constant 560 : index
        %get3A_1055 = tpu.vector_load %arg9[%get3A_1053, %get3A_1054] {strides = array<i32>} : memref<8x1024xi32, #tpu.memory_space<vmem>>, vector<16xi32>,
        %get3A_1056 = arith.index_cast %scan3A_628 : i32 to index
        %get3A_1057 = arith.constant 576 : index
        %get3A_1058 = tpu.vector_load %arg9[%get3A_1056, %get3A_1057] {strides = array<i32>} : memref<8x1024xi32, #tpu.memory_space<vmem>>, vector<16xi32>,
        %get3A_1059 = arith.index_cast %scan3A_628 : i32 to index
        %get3A_1060 = arith.constant 592 : index
        %get3A_1061 = tpu.vector_load %arg9[%get3A_1059, %get3A_1060] {strides = array<i32>} : memref<8x1024xi32, #tpu.memory_space<vmem>>, vector<16xi32>,
        %get3A_1062 = arith.index_cast %scan3A_628 : i32 to index
        %get3A_1063 = arith.constant 608 : index
        %get3A_1064 = tpu.vector_load %arg9[%get3A_1062, %get3A_1063] {strides = array<i32>} : memref<8x1024xi32, #tpu.memory_space<vmem>>, vector<16xi32>,
        %get3A_1065 = arith.index_cast %scan3A_628 : i32 to index
        %get3A_1066 = arith.constant 624 : index
        %get3A_1067 = tpu.vector_load %arg9[%get3A_1065, %get3A_1066] {strides = array<i32>} : memref<8x1024xi32, #tpu.memory_space<vmem>>, vector<16xi32>,
        %gather3A_1068 = tpu.vector_load_idx %arg6[%get3A_1046] : memref<256xf32, #tpu.memory_space<vmem>>[vector<16xi32>], vector<16xf32>,
        %gather3A_1069 = tpu.vector_load_idx %arg6[%get3A_1049] : memref<256xf32, #tpu.memory_space<vmem>>[vector<16xi32>], vector<16xf32>,
        %gather3A_1070 = tpu.vector_load_idx %arg6[%get3A_1052] : memref<256xf32, #tpu.memory_space<vmem>>[vector<16xi32>], vector<16xf32>,
        %gather3A_1071 = tpu.vector_load_idx %arg6[%get3A_1055] : memref<256xf32, #tpu.memory_space<vmem>>[vector<16xi32>], vector<16xf32>,
        %gather3A_1072 = tpu.vector_load_idx %arg6[%get3A_1058] : memref<256xf32, #tpu.memory_space<vmem>>[vector<16xi32>], vector<16xf32>,
        %gather3A_1073 = tpu.vector_load_idx %arg6[%get3A_1061] : memref<256xf32, #tpu.memory_space<vmem>>[vector<16xi32>], vector<16xf32>,
        %gather3A_1074 = tpu.vector_load_idx %arg6[%get3A_1064] : memref<256xf32, #tpu.memory_space<vmem>>[vector<16xi32>], vector<16xf32>,
        %gather3A_1075 = tpu.vector_load_idx %arg6[%get3A_1067] : memref<256xf32, #tpu.memory_space<vmem>>[vector<16xi32>], vector<16xf32>,
        %swap3A_1076 = arith.index_cast %scan3A_628 : i32 to index
        %swap3A_1077 = arith.constant 512 : index
        %swap3A_1078 = tpu.vector_load %arg13[%swap3A_1076, %swap3A_1077] {strides = array<i32>} : memref<8x1024xf32, #tpu.memory_space<vmem>>, vector<16xf32>,
        tpu.vector_store %arg13[%swap3A_1076, %swap3A_1077], %gather3A_1068 {strides = array<i32>} : memref<8x1024xf32, #tpu.memory_space<vmem>>, vector<16xf32>,
        %swap3A_1079 = arith.index_cast %scan3A_628 : i32 to index
        %swap3A_1080 = arith.constant 528 : index
        %swap3A_1081 = tpu.vector_load %arg13[%swap3A_1079, %swap3A_1080] {strides = array<i32>} : memref<8x1024xf32, #tpu.memory_space<vmem>>, vector<16xf32>,
        tpu.vector_store %arg13[%swap3A_1079, %swap3A_1080], %gather3A_1069 {strides = array<i32>} : memref<8x1024xf32, #tpu.memory_space<vmem>>, vector<16xf32>,
        %swap3A_1082 = arith.index_cast %scan3A_628 : i32 to index
        %swap3A_1083 = arith.constant 544 : index
        %swap3A_1084 = tpu.vector_load %arg13[%swap3A_1082, %swap3A_1083] {strides = array<i32>} : memref<8x1024xf32, #tpu.memory_space<vmem>>, vector<16xf32>,
        tpu.vector_store %arg13[%swap3A_1082, %swap3A_1083], %gather3A_1070 {strides = array<i32>} : memref<8x1024xf32, #tpu.memory_space<vmem>>, vector<16xf32>,
        %swap3A_1085 = arith.index_cast %scan3A_628 : i32 to index
        %swap3A_1086 = arith.constant 560 : index
        %swap3A_1087 = tpu.vector_load %arg13[%swap3A_1085, %swap3A_1086] {strides = array<i32>} : memref<8x1024xf32, #tpu.memory_space<vmem>>, vector<16xf32>,
        tpu.vector_store %arg13[%swap3A_1085, %swap3A_1086], %gather3A_1071 {strides = array<i32>} : memref<8x1024xf32, #tpu.memory_space<vmem>>, vector<16xf32>,
        %swap3A_1088 = arith.index_cast %scan3A_628 : i32 to index
        %swap3A_1089 = arith.constant 576 : index
        %swap3A_1090 = tpu.vector_load %arg13[%swap3A_1088, %swap3A_1089] {strides = array<i32>} : memref<8x1024xf32, #tpu.memory_space<vmem>>, vector<16xf32>,
        tpu.vector_store %arg13[%swap3A_1088, %swap3A_1089], %gather3A_1072 {strides = array<i32>} : memref<8x1024xf32, #tpu.memory_space<vmem>>, vector<16xf32>,
        %swap3A_1091 = arith.index_cast %scan3A_628 : i32 to index
        %swap3A_1092 = arith.constant 592 : index
        %swap3A_1093 = tpu.vector_load %arg13[%swap3A_1091, %swap3A_1092] {strides = array<i32>} : memref<8x1024xf32, #tpu.memory_space<vmem>>, vector<16xf32>,
        tpu.vector_store %arg13[%swap3A_1091, %swap3A_1092], %gather3A_1073 {strides = array<i32>} : memref<8x1024xf32, #tpu.memory_space<vmem>>, vector<16xf32>,
        %swap3A_1094 = arith.index_cast %scan3A_628 : i32 to index
        %swap3A_1095 = arith.constant 608 : index
        %swap3A_1096 = tpu.vector_load %arg13[%swap3A_1094, %swap3A_1095] {strides = array<i32>} : memref<8x1024xf32, #tpu.memory_space<vmem>>, vector<16xf32>,
        tpu.vector_store %arg13[%swap3A_1094, %swap3A_1095], %gather3A_1074 {strides = array<i32>} : memref<8x1024xf32, #tpu.memory_space<vmem>>, vector<16xf32>,
        %swap3A_1097 = arith.index_cast %scan3A_628 : i32 to index
        %swap3A_1098 = arith.constant 624 : index
        %swap3A_1099 = tpu.vector_load %arg13[%swap3A_1097, %swap3A_1098] {strides = array<i32>} : memref<8x1024xf32, #tpu.memory_space<vmem>>, vector<16xf32>,
        tpu.vector_store %arg13[%swap3A_1097, %swap3A_1098], %gather3A_1075 {strides = array<i32>} : memref<8x1024xf32, #tpu.memory_space<vmem>>, vector<16xf32>,
        %get3A_1100 = arith.index_cast %scan3A_628 : i32 to index
        %get3A_1101 = arith.constant 640 : index
        %get3A_1102 = tpu.vector_load %arg9[%get3A_1100, %get3A_1101] {strides = array<i32>} : memref<8x1024xi32, #tpu.memory_space<vmem>>, vector<16xi32>,
        %get3A_1103 = arith.index_cast %scan3A_628 : i32 to index
        %get3A_1104 = arith.constant 656 : index
        %get3A_1105 = tpu.vector_load %arg9[%get3A_1103, %get3A_1104] {strides = array<i32>} : memref<8x1024xi32, #tpu.memory_space<vmem>>, vector<16xi32>,
        %get3A_1106 = arith.index_cast %scan3A_628 : i32 to index
        %get3A_1107 = arith.constant 672 : index
        %get3A_1108 = tpu.vector_load %arg9[%get3A_1106, %get3A_1107] {strides = array<i32>} : memref<8x1024xi32, #tpu.memory_space<vmem>>, vector<16xi32>,
        %get3A_1109 = arith.index_cast %scan3A_628 : i32 to index
        %get3A_1110 = arith.constant 688 : index
        %get3A_1111 = tpu.vector_load %arg9[%get3A_1109, %get3A_1110] {strides = array<i32>} : memref<8x1024xi32, #tpu.memory_space<vmem>>, vector<16xi32>,
        %get3A_1112 = arith.index_cast %scan3A_628 : i32 to index
        %get3A_1113 = arith.constant 704 : index
        %get3A_1114 = tpu.vector_load %arg9[%get3A_1112, %get3A_1113] {strides = array<i32>} : memref<8x1024xi32, #tpu.memory_space<vmem>>, vector<16xi32>,
        %get3A_1115 = arith.index_cast %scan3A_628 : i32 to index
        %get3A_1116 = arith.constant 720 : index
        %get3A_1117 = tpu.vector_load %arg9[%get3A_1115, %get3A_1116] {strides = array<i32>} : memref<8x1024xi32, #tpu.memory_space<vmem>>, vector<16xi32>,
        %get3A_1118 = arith.index_cast %scan3A_628 : i32 to index
        %get3A_1119 = arith.constant 736 : index
        %get3A_1120 = tpu.vector_load %arg9[%get3A_1118, %get3A_1119] {strides = array<i32>} : memref<8x1024xi32, #tpu.memory_space<vmem>>, vector<16xi32>,
        %get3A_1121 = arith.index_cast %scan3A_628 : i32 to index
        %get3A_1122 = arith.constant 752 : index
        %get3A_1123 = tpu.vector_load %arg9[%get3A_1121, %get3A_1122] {strides = array<i32>} : memref<8x1024xi32, #tpu.memory_space<vmem>>, vector<16xi32>,
        %gather3A_1124 = tpu.vector_load_idx %arg6[%get3A_1102] : memref<256xf32, #tpu.memory_space<vmem>>[vector<16xi32>], vector<16xf32>,
        %gather3A_1125 = tpu.vector_load_idx %arg6[%get3A_1105] : memref<256xf32, #tpu.memory_space<vmem>>[vector<16xi32>], vector<16xf32>,
        %gather3A_1126 = tpu.vector_load_idx %arg6[%get3A_1108] : memref<256xf32, #tpu.memory_space<vmem>>[vector<16xi32>], vector<16xf32>,
        %gather3A_1127 = tpu.vector_load_idx %arg6[%get3A_1111] : memref<256xf32, #tpu.memory_space<vmem>>[vector<16xi32>], vector<16xf32>,
        %gather3A_1128 = tpu.vector_load_idx %arg6[%get3A_1114] : memref<256xf32, #tpu.memory_space<vmem>>[vector<16xi32>], vector<16xf32>,
        %gather3A_1129 = tpu.vector_load_idx %arg6[%get3A_1117] : memref<256xf32, #tpu.memory_space<vmem>>[vector<16xi32>], vector<16xf32>,
        %gather3A_1130 = tpu.vector_load_idx %arg6[%get3A_1120] : memref<256xf32, #tpu.memory_space<vmem>>[vector<16xi32>], vector<16xf32>,
        %gather3A_1131 = tpu.vector_load_idx %arg6[%get3A_1123] : memref<256xf32, #tpu.memory_space<vmem>>[vector<16xi32>], vector<16xf32>,
        %swap3A_1132 = arith.index_cast %scan3A_628 : i32 to index
        %swap3A_1133 = arith.constant 640 : index
        %swap3A_1134 = tpu.vector_load %arg13[%swap3A_1132, %swap3A_1133] {strides = array<i32>} : memref<8x1024xf32, #tpu.memory_space<vmem>>, vector<16xf32>,
        tpu.vector_store %arg13[%swap3A_1132, %swap3A_1133], %gather3A_1124 {strides = array<i32>} : memref<8x1024xf32, #tpu.memory_space<vmem>>, vector<16xf32>,
        %swap3A_1135 = arith.index_cast %scan3A_628 : i32 to index
        %swap3A_1136 = arith.constant 656 : index
        %swap3A_1137 = tpu.vector_load %arg13[%swap3A_1135, %swap3A_1136] {strides = array<i32>} : memref<8x1024xf32, #tpu.memory_space<vmem>>, vector<16xf32>,
        tpu.vector_store %arg13[%swap3A_1135, %swap3A_1136], %gather3A_1125 {strides = array<i32>} : memref<8x1024xf32, #tpu.memory_space<vmem>>, vector<16xf32>,
        %swap3A_1138 = arith.index_cast %scan3A_628 : i32 to index
        %swap3A_1139 = arith.constant 672 : index
        %swap3A_1140 = tpu.vector_load %arg13[%swap3A_1138, %swap3A_1139] {strides = array<i32>} : memref<8x1024xf32, #tpu.memory_space<vmem>>, vector<16xf32>,
        tpu.vector_store %arg13[%swap3A_1138, %swap3A_1139], %gather3A_1126 {strides = array<i32>} : memref<8x1024xf32, #tpu.memory_space<vmem>>, vector<16xf32>,
        %swap3A_1141 = arith.index_cast %scan3A_628 : i32 to index
        %swap3A_1142 = arith.constant 688 : index
        %swap3A_1143 = tpu.vector_load %arg13[%swap3A_1141, %swap3A_1142] {strides = array<i32>} : memref<8x1024xf32, #tpu.memory_space<vmem>>, vector<16xf32>,
        tpu.vector_store %arg13[%swap3A_1141, %swap3A_1142], %gather3A_1127 {strides = array<i32>} : memref<8x1024xf32, #tpu.memory_space<vmem>>, vector<16xf32>,
        %swap3A_1144 = arith.index_cast %scan3A_628 : i32 to index
        %swap3A_1145 = arith.constant 704 : index
        %swap3A_1146 = tpu.vector_load %arg13[%swap3A_1144, %swap3A_1145] {strides = array<i32>} : memref<8x1024xf32, #tpu.memory_space<vmem>>, vector<16xf32>,
        tpu.vector_store %arg13[%swap3A_1144, %swap3A_1145], %gather3A_1128 {strides = array<i32>} : memref<8x1024xf32, #tpu.memory_space<vmem>>, vector<16xf32>,
        %swap3A_1147 = arith.index_cast %scan3A_628 : i32 to index
        %swap3A_1148 = arith.constant 720 : index
        %swap3A_1149 = tpu.vector_load %arg13[%swap3A_1147, %swap3A_1148] {strides = array<i32>} : memref<8x1024xf32, #tpu.memory_space<vmem>>, vector<16xf32>,
        tpu.vector_store %arg13[%swap3A_1147, %swap3A_1148], %gather3A_1129 {strides = array<i32>} : memref<8x1024xf32, #tpu.memory_space<vmem>>, vector<16xf32>,
        %swap3A_1150 = arith.index_cast %scan3A_628 : i32 to index
        %swap3A_1151 = arith.constant 736 : index
        %swap3A_1152 = tpu.vector_load %arg13[%swap3A_1150, %swap3A_1151] {strides = array<i32>} : memref<8x1024xf32, #tpu.memory_space<vmem>>, vector<16xf32>,
        tpu.vector_store %arg13[%swap3A_1150, %swap3A_1151], %gather3A_1130 {strides = array<i32>} : memref<8x1024xf32, #tpu.memory_space<vmem>>, vector<16xf32>,
        %swap3A_1153 = arith.index_cast %scan3A_628 : i32 to index
        %swap3A_1154 = arith.constant 752 : index
        %swap3A_1155 = tpu.vector_load %arg13[%swap3A_1153, %swap3A_1154] {strides = array<i32>} : memref<8x1024xf32, #tpu.memory_space<vmem>>, vector<16xf32>,
        tpu.vector_store %arg13[%swap3A_1153, %swap3A_1154], %gather3A_1131 {strides = array<i32>} : memref<8x1024xf32, #tpu.memory_space<vmem>>, vector<16xf32>,
        %get3A_1156 = arith.index_cast %scan3A_628 : i32 to index
        %get3A_1157 = arith.constant 768 : index
        %get3A_1158 = tpu.vector_load %arg9[%get3A_1156, %get3A_1157] {strides = array<i32>} : memref<8x1024xi32, #tpu.memory_space<vmem>>, vector<16xi32>,
        %get3A_1159 = arith.index_cast %scan3A_628 : i32 to index
        %get3A_1160 = arith.constant 784 : index
        %get3A_1161 = tpu.vector_load %arg9[%get3A_1159, %get3A_1160] {strides = array<i32>} : memref<8x1024xi32, #tpu.memory_space<vmem>>, vector<16xi32>,
        %get3A_1162 = arith.index_cast %scan3A_628 : i32 to index
        %get3A_1163 = arith.constant 800 : index
        %get3A_1164 = tpu.vector_load %arg9[%get3A_1162, %get3A_1163] {strides = array<i32>} : memref<8x1024xi32, #tpu.memory_space<vmem>>, vector<16xi32>,
        %get3A_1165 = arith.index_cast %scan3A_628 : i32 to index
        %get3A_1166 = arith.constant 816 : index
        %get3A_1167 = tpu.vector_load %arg9[%get3A_1165, %get3A_1166] {strides = array<i32>} : memref<8x1024xi32, #tpu.memory_space<vmem>>, vector<16xi32>,
        %get3A_1168 = arith.index_cast %scan3A_628 : i32 to index
        %get3A_1169 = arith.constant 832 : index
        %get3A_1170 = tpu.vector_load %arg9[%get3A_1168, %get3A_1169] {strides = array<i32>} : memref<8x1024xi32, #tpu.memory_space<vmem>>, vector<16xi32>,
        %get3A_1171 = arith.index_cast %scan3A_628 : i32 to index
        %get3A_1172 = arith.constant 848 : index
        %get3A_1173 = tpu.vector_load %arg9[%get3A_1171, %get3A_1172] {strides = array<i32>} : memref<8x1024xi32, #tpu.memory_space<vmem>>, vector<16xi32>,
        %get3A_1174 = arith.index_cast %scan3A_628 : i32 to index
        %get3A_1175 = arith.constant 864 : index
        %get3A_1176 = tpu.vector_load %arg9[%get3A_1174, %get3A_1175] {strides = array<i32>} : memref<8x1024xi32, #tpu.memory_space<vmem>>, vector<16xi32>,
        %get3A_1177 = arith.index_cast %scan3A_628 : i32 to index
        %get3A_1178 = arith.constant 880 : index
        %get3A_1179 = tpu.vector_load %arg9[%get3A_1177, %get3A_1178] {strides = array<i32>} : memref<8x1024xi32, #tpu.memory_space<vmem>>, vector<16xi32>,
        %gather3A_1180 = tpu.vector_load_idx %arg6[%get3A_1158] : memref<256xf32, #tpu.memory_space<vmem>>[vector<16xi32>], vector<16xf32>,
        %gather3A_1181 = tpu.vector_load_idx %arg6[%get3A_1161] : memref<256xf32, #tpu.memory_space<vmem>>[vector<16xi32>], vector<16xf32>,
        %gather3A_1182 = tpu.vector_load_idx %arg6[%get3A_1164] : memref<256xf32, #tpu.memory_space<vmem>>[vector<16xi32>], vector<16xf32>,
        %gather3A_1183 = tpu.vector_load_idx %arg6[%get3A_1167] : memref<256xf32, #tpu.memory_space<vmem>>[vector<16xi32>], vector<16xf32>,
        %gather3A_1184 = tpu.vector_load_idx %arg6[%get3A_1170] : memref<256xf32, #tpu.memory_space<vmem>>[vector<16xi32>], vector<16xf32>,
        %gather3A_1185 = tpu.vector_load_idx %arg6[%get3A_1173] : memref<256xf32, #tpu.memory_space<vmem>>[vector<16xi32>], vector<16xf32>,
        %gather3A_1186 = tpu.vector_load_idx %arg6[%get3A_1176] : memref<256xf32, #tpu.memory_space<vmem>>[vector<16xi32>], vector<16xf32>,
        %gather3A_1187 = tpu.vector_load_idx %arg6[%get3A_1179] : memref<256xf32, #tpu.memory_space<vmem>>[vector<16xi32>], vector<16xf32>,
        %swap3A_1188 = arith.index_cast %scan3A_628 : i32 to index
        %swap3A_1189 = arith.constant 768 : index
        %swap3A_1190 = tpu.vector_load %arg13[%swap3A_1188, %swap3A_1189] {strides = array<i32>} : memref<8x1024xf32, #tpu.memory_space<vmem>>, vector<16xf32>,
        tpu.vector_store %arg13[%swap3A_1188, %swap3A_1189], %gather3A_1180 {strides = array<i32>} : memref<8x1024xf32, #tpu.memory_space<vmem>>, vector<16xf32>,
        %swap3A_1191 = arith.index_cast %scan3A_628 : i32 to index
        %swap3A_1192 = arith.constant 784 : index
        %swap3A_1193 = tpu.vector_load %arg13[%swap3A_1191, %swap3A_1192] {strides = array<i32>} : memref<8x1024xf32, #tpu.memory_space<vmem>>, vector<16xf32>,
        tpu.vector_store %arg13[%swap3A_1191, %swap3A_1192], %gather3A_1181 {strides = array<i32>} : memref<8x1024xf32, #tpu.memory_space<vmem>>, vector<16xf32>,
        %swap3A_1194 = arith.index_cast %scan3A_628 : i32 to index
        %swap3A_1195 = arith.constant 800 : index
        %swap3A_1196 = tpu.vector_load %arg13[%swap3A_1194, %swap3A_1195] {strides = array<i32>} : memref<8x1024xf32, #tpu.memory_space<vmem>>, vector<16xf32>,
        tpu.vector_store %arg13[%swap3A_1194, %swap3A_1195], %gather3A_1182 {strides = array<i32>} : memref<8x1024xf32, #tpu.memory_space<vmem>>, vector<16xf32>,
        %swap3A_1197 = arith.index_cast %scan3A_628 : i32 to index
        %swap3A_1198 = arith.constant 816 : index
        %swap3A_1199 = tpu.vector_load %arg13[%swap3A_1197, %swap3A_1198] {strides = array<i32>} : memref<8x1024xf32, #tpu.memory_space<vmem>>, vector<16xf32>,
        tpu.vector_store %arg13[%swap3A_1197, %swap3A_1198], %gather3A_1183 {strides = array<i32>} : memref<8x1024xf32, #tpu.memory_space<vmem>>, vector<16xf32>,
        %swap3A_1200 = arith.index_cast %scan3A_628 : i32 to index
        %swap3A_1201 = arith.constant 832 : index
        %swap3A_1202 = tpu.vector_load %arg13[%swap3A_1200, %swap3A_1201] {strides = array<i32>} : memref<8x1024xf32, #tpu.memory_space<vmem>>, vector<16xf32>,
        tpu.vector_store %arg13[%swap3A_1200, %swap3A_1201], %gather3A_1184 {strides = array<i32>} : memref<8x1024xf32, #tpu.memory_space<vmem>>, vector<16xf32>,
        %swap3A_1203 = arith.index_cast %scan3A_628 : i32 to index
        %swap3A_1204 = arith.constant 848 : index
        %swap3A_1205 = tpu.vector_load %arg13[%swap3A_1203, %swap3A_1204] {strides = array<i32>} : memref<8x1024xf32, #tpu.memory_space<vmem>>, vector<16xf32>,
        tpu.vector_store %arg13[%swap3A_1203, %swap3A_1204], %gather3A_1185 {strides = array<i32>} : memref<8x1024xf32, #tpu.memory_space<vmem>>, vector<16xf32>,
        %swap3A_1206 = arith.index_cast %scan3A_628 : i32 to index
        %swap3A_1207 = arith.constant 864 : index
        %swap3A_1208 = tpu.vector_load %arg13[%swap3A_1206, %swap3A_1207] {strides = array<i32>} : memref<8x1024xf32, #tpu.memory_space<vmem>>, vector<16xf32>,
        tpu.vector_store %arg13[%swap3A_1206, %swap3A_1207], %gather3A_1186 {strides = array<i32>} : memref<8x1024xf32, #tpu.memory_space<vmem>>, vector<16xf32>,
        %swap3A_1209 = arith.index_cast %scan3A_628 : i32 to index
        %swap3A_1210 = arith.constant 880 : index
        %swap3A_1211 = tpu.vector_load %arg13[%swap3A_1209, %swap3A_1210] {strides = array<i32>} : memref<8x1024xf32, #tpu.memory_space<vmem>>, vector<16xf32>,
        tpu.vector_store %arg13[%swap3A_1209, %swap3A_1210], %gather3A_1187 {strides = array<i32>} : memref<8x1024xf32, #tpu.memory_space<vmem>>, vector<16xf32>,
        %get3A_1212 = arith.index_cast %scan3A_628 : i32 to index
        %get3A_1213 = arith.constant 896 : index
        %get3A_1214 = tpu.vector_load %arg9[%get3A_1212, %get3A_1213] {strides = array<i32>} : memref<8x1024xi32, #tpu.memory_space<vmem>>, vector<16xi32>,
        %get3A_1215 = arith.index_cast %scan3A_628 : i32 to index
        %get3A_1216 = arith.constant 912 : index
        %get3A_1217 = tpu.vector_load %arg9[%get3A_1215, %get3A_1216] {strides = array<i32>} : memref<8x1024xi32, #tpu.memory_space<vmem>>, vector<16xi32>,
        %get3A_1218 = arith.index_cast %scan3A_628 : i32 to index
        %get3A_1219 = arith.constant 928 : index
        %get3A_1220 = tpu.vector_load %arg9[%get3A_1218, %get3A_1219] {strides = array<i32>} : memref<8x1024xi32, #tpu.memory_space<vmem>>, vector<16xi32>,
        %get3A_1221 = arith.index_cast %scan3A_628 : i32 to index
        %get3A_1222 = arith.constant 944 : index
        %get3A_1223 = tpu.vector_load %arg9[%get3A_1221, %get3A_1222] {strides = array<i32>} : memref<8x1024xi32, #tpu.memory_space<vmem>>, vector<16xi32>,
        %get3A_1224 = arith.index_cast %scan3A_628 : i32 to index
        %get3A_1225 = arith.constant 960 : index
        %get3A_1226 = tpu.vector_load %arg9[%get3A_1224, %get3A_1225] {strides = array<i32>} : memref<8x1024xi32, #tpu.memory_space<vmem>>, vector<16xi32>,
        %get3A_1227 = arith.index_cast %scan3A_628 : i32 to index
        %get3A_1228 = arith.constant 976 : index
        %get3A_1229 = tpu.vector_load %arg9[%get3A_1227, %get3A_1228] {strides = array<i32>} : memref<8x1024xi32, #tpu.memory_space<vmem>>, vector<16xi32>,
        %get3A_1230 = arith.index_cast %scan3A_628 : i32 to index
        %get3A_1231 = arith.constant 992 : index
        %get3A_1232 = tpu.vector_load %arg9[%get3A_1230, %get3A_1231] {strides = array<i32>} : memref<8x1024xi32, #tpu.memory_space<vmem>>, vector<16xi32>,
        %get3A_1233 = arith.index_cast %scan3A_628 : i32 to index
        %get3A_1234 = arith.constant 1008 : index
        %get3A_1235 = tpu.vector_load %arg9[%get3A_1233, %get3A_1234] {strides = array<i32>} : memref<8x1024xi32, #tpu.memory_space<vmem>>, vector<16xi32>,
        %gather3A_1236 = tpu.vector_load_idx %arg6[%get3A_1214] : memref<256xf32, #tpu.memory_space<vmem>>[vector<16xi32>], vector<16xf32>,
        %gather3A_1237 = tpu.vector_load_idx %arg6[%get3A_1217] : memref<256xf32, #tpu.memory_space<vmem>>[vector<16xi32>], vector<16xf32>,
        %gather3A_1238 = tpu.vector_load_idx %arg6[%get3A_1220] : memref<256xf32, #tpu.memory_space<vmem>>[vector<16xi32>], vector<16xf32>,
        %gather3A_1239 = tpu.vector_load_idx %arg6[%get3A_1223] : memref<256xf32, #tpu.memory_space<vmem>>[vector<16xi32>], vector<16xf32>,
        %gather3A_1240 = tpu.vector_load_idx %arg6[%get3A_1226] : memref<256xf32, #tpu.memory_space<vmem>>[vector<16xi32>], vector<16xf32>,
        %gather3A_1241 = tpu.vector_load_idx %arg6[%get3A_1229] : memref<256xf32, #tpu.memory_space<vmem>>[vector<16xi32>], vector<16xf32>,
        %gather3A_1242 = tpu.vector_load_idx %arg6[%get3A_1232] : memref<256xf32, #tpu.memory_space<vmem>>[vector<16xi32>], vector<16xf32>,
        %gather3A_1243 = tpu.vector_load_idx %arg6[%get3A_1235] : memref<256xf32, #tpu.memory_space<vmem>>[vector<16xi32>], vector<16xf32>,
        %swap3A_1244 = arith.index_cast %scan3A_628 : i32 to index
        %swap3A_1245 = arith.constant 896 : index
        %swap3A_1246 = tpu.vector_load %arg13[%swap3A_1244, %swap3A_1245] {strides = array<i32>} : memref<8x1024xf32, #tpu.memory_space<vmem>>, vector<16xf32>,
        tpu.vector_store %arg13[%swap3A_1244, %swap3A_1245], %gather3A_1236 {strides = array<i32>} : memref<8x1024xf32, #tpu.memory_space<vmem>>, vector<16xf32>,
        %swap3A_1247 = arith.index_cast %scan3A_628 : i32 to index
        %swap3A_1248 = arith.constant 912 : index
        %swap3A_1249 = tpu.vector_load %arg13[%swap3A_1247, %swap3A_1248] {strides = array<i32>} : memref<8x1024xf32, #tpu.memory_space<vmem>>, vector<16xf32>,
        tpu.vector_store %arg13[%swap3A_1247, %swap3A_1248], %gather3A_1237 {strides = array<i32>} : memref<8x1024xf32, #tpu.memory_space<vmem>>, vector<16xf32>,
        %swap3A_1250 = arith.index_cast %scan3A_628 : i32 to index
        %swap3A_1251 = arith.constant 928 : index
        %swap3A_1252 = tpu.vector_load %arg13[%swap3A_1250, %swap3A_1251] {strides = array<i32>} : memref<8x1024xf32, #tpu.memory_space<vmem>>, vector<16xf32>,
        tpu.vector_store %arg13[%swap3A_1250, %swap3A_1251], %gather3A_1238 {strides = array<i32>} : memref<8x1024xf32, #tpu.memory_space<vmem>>, vector<16xf32>,
        %swap3A_1253 = arith.index_cast %scan3A_628 : i32 to index
        %swap3A_1254 = arith.constant 944 : index
        %swap3A_1255 = tpu.vector_load %arg13[%swap3A_1253, %swap3A_1254] {strides = array<i32>} : memref<8x1024xf32, #tpu.memory_space<vmem>>, vector<16xf32>,
        tpu.vector_store %arg13[%swap3A_1253, %swap3A_1254], %gather3A_1239 {strides = array<i32>} : memref<8x1024xf32, #tpu.memory_space<vmem>>, vector<16xf32>,
        %swap3A_1256 = arith.index_cast %scan3A_628 : i32 to index
        %swap3A_1257 = arith.constant 960 : index
        %swap3A_1258 = tpu.vector_load %arg13[%swap3A_1256, %swap3A_1257] {strides = array<i32>} : memref<8x1024xf32, #tpu.memory_space<vmem>>, vector<16xf32>,
        tpu.vector_store %arg13[%swap3A_1256, %swap3A_1257], %gather3A_1240 {strides = array<i32>} : memref<8x1024xf32, #tpu.memory_space<vmem>>, vector<16xf32>,
        %swap3A_1259 = arith.index_cast %scan3A_628 : i32 to index
        %swap3A_1260 = arith.constant 976 : index
        %swap3A_1261 = tpu.vector_load %arg13[%swap3A_1259, %swap3A_1260] {strides = array<i32>} : memref<8x1024xf32, #tpu.memory_space<vmem>>, vector<16xf32>,
        tpu.vector_store %arg13[%swap3A_1259, %swap3A_1260], %gather3A_1241 {strides = array<i32>} : memref<8x1024xf32, #tpu.memory_space<vmem>>, vector<16xf32>,
        %swap3A_1262 = arith.index_cast %scan3A_628 : i32 to index
        %swap3A_1263 = arith.constant 992 : index
        %swap3A_1264 = tpu.vector_load %arg13[%swap3A_1262, %swap3A_1263] {strides = array<i32>} : memref<8x1024xf32, #tpu.memory_space<vmem>>, vector<16xf32>,
        tpu.vector_store %arg13[%swap3A_1262, %swap3A_1263], %gather3A_1242 {strides = array<i32>} : memref<8x1024xf32, #tpu.memory_space<vmem>>, vector<16xf32>,
        %swap3A_1265 = arith.index_cast %scan3A_628 : i32 to index
        %swap3A_1266 = arith.constant 1008 : index
        %swap3A_1267 = tpu.vector_load %arg13[%swap3A_1265, %swap3A_1266] {strides = array<i32>} : memref<8x1024xf32, #tpu.memory_space<vmem>>, vector<16xf32>,
        tpu.vector_store %arg13[%swap3A_1265, %swap3A_1266], %gather3A_1243 {strides = array<i32>} : memref<8x1024xf32, #tpu.memory_space<vmem>>, vector<16xf32>,
        %scan3A_1268 = arith.constant 0 : i32
        scf.yield %scan3A_1268 : i32
      }
      %scan3A_576 = arith.constant 8 : i32
      %mul3A_577 = arith.constant 8 : i32
      %mul3A_578 = arith.muli %add3A_558, %mul3A_577 : i32
      %add3A_579 = arith.addi %mul3A_2, %mul3A_578 : i32
      %dma_start3A_580 = arith.constant 0 : i32
      %dma_start3A_581 = tpu.memref_slice %arg5[%add3A_579, %dma_start3A_580] : memref<32768x1024xf32, #tpu.memory_space<hbm>> -> memref<8x1024xf32, #tpu.memory_space<hbm>>
      %dma_start3A_582 = arith.constant 0 : i32
      %dma_start3A_583 = tpu.memref_slice %arg5[%add3A_579, %dma_start3A_582] : memref<32768x1024xf32, #tpu.memory_space<hbm>> -> memref<8x1024xf32, #tpu.memory_space<hbm>>
      tpu.enqueue_dma source(%arg13 : memref<8x1024xf32, #tpu.memory_space<vmem>>) target(%dma_start3A_583 : memref<8x1024xf32, #tpu.memory_space<hbm>>) target_semaphore(%arg23 : memref<!tpu.dma_semaphore, #tpu.memory_space<semaphore_mem>>)
      %add3A_584 = arith.constant 4 : i32
      %add3A_585 = arith.addi %add3A_558, %add3A_584 : i32
      %lt3A_586 = arith.constant 128 : i32
      %lt3A_587 = arith.cmpi slt, %add3A_585, %lt3A_586 : i32
      %convert_element_type3A_588 = arith.extui %lt3A_587 : i1 to i32
      %cond3A_589 = arith.constant 0 : i32
      %cond3A_590 = arith.cmpi ne, %convert_element_type3A_588, %cond3A_589 : i32
      scf.if %cond3A_590 {
        %add3A_628 = arith.constant 4 : i32
        %add3A_629 = arith.addi %add3A_558, %add3A_628 : i32
        %mul3A_630 = arith.constant 8 : i32
        %mul3A_631 = arith.muli %add3A_629, %mul3A_630 : i32
        %add3A_632 = arith.addi %mul3A_2, %mul3A_631 : i32
        %dma_start3A_633 = arith.constant 0 : i32
        %dma_start3A_634 = tpu.memref_slice %arg2[%add3A_632, %dma_start3A_633] : memref<32768x1024xi32, #tpu.memory_space<hbm>> -> memref<8x1024xi32, #tpu.memory_space<hbm>>
        %dma_start3A_635 = arith.constant 0 : i32
        %dma_start3A_636 = tpu.memref_slice %arg2[%add3A_632, %dma_start3A_635] : memref<32768x1024xi32, #tpu.memory_space<hbm>> -> memref<8x1024xi32, #tpu.memory_space<hbm>>
        tpu.enqueue_dma source(%dma_start3A_636 : memref<8x1024xi32, #tpu.memory_space<hbm>>) target(%arg9 : memref<8x1024xi32, #tpu.memory_space<vmem>>) target_semaphore(%arg19 : memref<!tpu.dma_semaphore, #tpu.memory_space<semaphore_mem>>)
      } else {
      }
      %mul3A_591 = arith.constant 4 : i32
      %mul3A_592 = arith.muli %mul3A_591, %scan3A_484 : i32
      %add3A_593 = arith.constant 3 : i32
      %add3A_594 = arith.addi %mul3A_592, %add3A_593 : i32
      %dma_wait3A_595 = arith.constant 0 : i32
      %dma_wait3A_596 = arith.constant 0 : i32
      %dma_wait3A_597 = tpu.memref_slice %arg2[%dma_wait3A_595, %dma_wait3A_596] : memref<32768x1024xi32, #tpu.memory_space<hbm>> -> memref<8x1024xi32, #tpu.memory_space<hbm>>
      %dma_wait3A_598 = arith.constant 0 : i32
      %dma_wait3A_599 = arith.constant 0 : i32
      %dma_wait3A_600 = tpu.memref_slice %arg2[%dma_wait3A_598, %dma_wait3A_599] : memref<32768x1024xi32, #tpu.memory_space<hbm>> -> memref<8x1024xi32, #tpu.memory_space<hbm>>
      tpu.wait_dma2 semaphore(%arg20 : memref<!tpu.dma_semaphore, #tpu.memory_space<semaphore_mem>>) src(%dma_wait3A_600 : memref<8x1024xi32, #tpu.memory_space<hbm>>) dst(%arg10 : memref<8x1024xi32, #tpu.memory_space<vmem>>)
      %ge3A_601 = arith.constant 4 : i32
      %ge3A_602 = arith.cmpi sge, %add3A_594, %ge3A_601 : i32
      %convert_element_type3A_603 = arith.extui %ge3A_602 : i1 to i32
      %cond3A_604 = arith.constant 0 : i32
      %cond3A_605 = arith.cmpi ne, %convert_element_type3A_603, %cond3A_604 : i32
      scf.if %cond3A_605 {
        %dma_wait3A_628 = arith.constant 0 : i32
        %dma_wait3A_629 = arith.constant 0 : i32
        %dma_wait3A_630 = tpu.memref_slice %arg5[%dma_wait3A_628, %dma_wait3A_629] : memref<32768x1024xf32, #tpu.memory_space<hbm>> -> memref<8x1024xf32, #tpu.memory_space<hbm>>
        %dma_wait3A_631 = arith.constant 0 : i32
        %dma_wait3A_632 = arith.constant 0 : i32
        %dma_wait3A_633 = tpu.memref_slice %arg5[%dma_wait3A_631, %dma_wait3A_632] : memref<32768x1024xf32, #tpu.memory_space<hbm>> -> memref<8x1024xf32, #tpu.memory_space<hbm>>
        tpu.wait_dma2 semaphore(%arg24 : memref<!tpu.dma_semaphore, #tpu.memory_space<semaphore_mem>>) src(%arg14 : memref<8x1024xf32, #tpu.memory_space<vmem>>) dst(%dma_wait3A_633 : memref<8x1024xf32, #tpu.memory_space<hbm>>)
      } else {
      }
      %scan3A_606 = arith.constant 0 : i32
      %scan3A_607 = arith.constant 0 : i32
      %scan3A_608 = arith.constant 8 : i32
      %scan3A_609 = arith.addi %scan3A_607, %scan3A_608 : i32
      %scan3A_610 = arith.constant 1 : i32
      %scan3A_611 = scf.for %scan3A_628 = %scan3A_607 to %scan3A_609 step %scan3A_610 iter_args(%scan3A_629 = %scan3A_606) -> (i32)  : i32 {
        %get3A_630 = arith.index_cast %scan3A_628 : i32 to index
        %get3A_631 = arith.constant 0 : index
        %get3A_632 = tpu.vector_load %arg10[%get3A_630, %get3A_631] {strides = array<i32>} : memref<8x1024xi32, #tpu.memory_space<vmem>>, vector<16xi32>,
        %get3A_633 = arith.index_cast %scan3A_628 : i32 to index
        %get3A_634 = arith.constant 16 : index
        %get3A_635 = tpu.vector_load %arg10[%get3A_633, %get3A_634] {strides = array<i32>} : memref<8x1024xi32, #tpu.memory_space<vmem>>, vector<16xi32>,
        %get3A_636 = arith.index_cast %scan3A_628 : i32 to index
        %get3A_637 = arith.constant 32 : index
        %get3A_638 = tpu.vector_load %arg10[%get3A_636, %get3A_637] {strides = array<i32>} : memref<8x1024xi32, #tpu.memory_space<vmem>>, vector<16xi32>,
        %get3A_639 = arith.index_cast %scan3A_628 : i32 to index
        %get3A_640 = arith.constant 48 : index
        %get3A_641 = tpu.vector_load %arg10[%get3A_639, %get3A_640] {strides = array<i32>} : memref<8x1024xi32, #tpu.memory_space<vmem>>, vector<16xi32>,
        %get3A_642 = arith.index_cast %scan3A_628 : i32 to index
        %get3A_643 = arith.constant 64 : index
        %get3A_644 = tpu.vector_load %arg10[%get3A_642, %get3A_643] {strides = array<i32>} : memref<8x1024xi32, #tpu.memory_space<vmem>>, vector<16xi32>,
        %get3A_645 = arith.index_cast %scan3A_628 : i32 to index
        %get3A_646 = arith.constant 80 : index
        %get3A_647 = tpu.vector_load %arg10[%get3A_645, %get3A_646] {strides = array<i32>} : memref<8x1024xi32, #tpu.memory_space<vmem>>, vector<16xi32>,
        %get3A_648 = arith.index_cast %scan3A_628 : i32 to index
        %get3A_649 = arith.constant 96 : index
        %get3A_650 = tpu.vector_load %arg10[%get3A_648, %get3A_649] {strides = array<i32>} : memref<8x1024xi32, #tpu.memory_space<vmem>>, vector<16xi32>,
        %get3A_651 = arith.index_cast %scan3A_628 : i32 to index
        %get3A_652 = arith.constant 112 : index
        %get3A_653 = tpu.vector_load %arg10[%get3A_651, %get3A_652] {strides = array<i32>} : memref<8x1024xi32, #tpu.memory_space<vmem>>, vector<16xi32>,
        %sub3A = arith.constant 128 : i32
        %sub3A_654 = vector.broadcast %sub3A : i32 to vector<16xi32>
        %sub3A_655 = arith.subi %get3A_632, %sub3A_654 : vector<16xi32>
        %convert_element_type3A_656 = arith.sitofp %sub3A_655 : vector<16xi32> to vector<16xf32>
        %mul3A_657 = arith.mulf %convert_element_type3A_656, %get3A_5 : vector<16xf32>
        %neg3A_658 = arith.constant 0.000000e+00 : f32
        %neg3A_659 = vector.broadcast %neg3A_658 : f32 to vector<16xf32>
        %neg3A_660 = arith.subf %neg3A_659, %mul3A_657 : vector<16xf32>
        %exp3A_661 = math.exp %neg3A_660 : vector<16xf32>
        %add3A_662 = arith.constant 1.000000e+00 : f32
        %add3A_663 = vector.broadcast %add3A_662 : f32 to vector<16xf32>
        %add3A_664 = arith.addf %add3A_663, %exp3A_661 : vector<16xf32>
        %div3A_665 = arith.constant 1.000000e+00 : f32
        %div3A_666 = vector.broadcast %div3A_665 : f32 to vector<16xf32>
        %div3A_667 = arith.divf %div3A_666, %add3A_664 : vector<16xf32>
        %div3A_668 = arith.divf %div3A_667, %get3A_3 : vector<16xf32>
        %add3A_669 = arith.constant 5.000000e-01 : f32
        %add3A_670 = vector.broadcast %add3A_669 : f32 to vector<16xf32>
        %add3A_671 = arith.addf %div3A_668, %add3A_670 : vector<16xf32>
        %convert_element_type3A_672 = arith.fptosi %add3A_671 : vector<16xf32> to vector<16xi32>
        %min3A_673 = arith.constant 127 : i32
        %min3A_674 = vector.broadcast %min3A_673 : i32 to vector<16xi32>
        %min3A_675 = arith.minsi %convert_element_type3A_672, %min3A_674 : vector<16xi32>
        %convert_element_type3A_676 = arith.sitofp %min3A_675 : vector<16xi32> to vector<16xf32>
        %mul3A_677 = arith.mulf %convert_element_type3A_676, %get3A_3 : vector<16xf32>
        %sub3A_678 = arith.constant 128 : i32
        %sub3A_679 = vector.broadcast %sub3A_678 : i32 to vector<16xi32>
        %sub3A_680 = arith.subi %get3A_635, %sub3A_679 : vector<16xi32>
        %convert_element_type3A_681 = arith.sitofp %sub3A_680 : vector<16xi32> to vector<16xf32>
        %mul3A_682 = arith.mulf %convert_element_type3A_681, %get3A_5 : vector<16xf32>
        %neg3A_683 = arith.constant 0.000000e+00 : f32
        %neg3A_684 = vector.broadcast %neg3A_683 : f32 to vector<16xf32>
        %neg3A_685 = arith.subf %neg3A_684, %mul3A_682 : vector<16xf32>
        %exp3A_686 = math.exp %neg3A_685 : vector<16xf32>
        %add3A_687 = arith.constant 1.000000e+00 : f32
        %add3A_688 = vector.broadcast %add3A_687 : f32 to vector<16xf32>
        %add3A_689 = arith.addf %add3A_688, %exp3A_686 : vector<16xf32>
        %div3A_690 = arith.constant 1.000000e+00 : f32
        %div3A_691 = vector.broadcast %div3A_690 : f32 to vector<16xf32>
        %div3A_692 = arith.divf %div3A_691, %add3A_689 : vector<16xf32>
        %div3A_693 = arith.divf %div3A_692, %get3A_3 : vector<16xf32>
        %add3A_694 = arith.constant 5.000000e-01 : f32
        %add3A_695 = vector.broadcast %add3A_694 : f32 to vector<16xf32>
        %add3A_696 = arith.addf %div3A_693, %add3A_695 : vector<16xf32>
        %convert_element_type3A_697 = arith.fptosi %add3A_696 : vector<16xf32> to vector<16xi32>
        %min3A_698 = arith.constant 127 : i32
        %min3A_699 = vector.broadcast %min3A_698 : i32 to vector<16xi32>
        %min3A_700 = arith.minsi %convert_element_type3A_697, %min3A_699 : vector<16xi32>
        %convert_element_type3A_701 = arith.sitofp %min3A_700 : vector<16xi32> to vector<16xf32>
        %mul3A_702 = arith.mulf %convert_element_type3A_701, %get3A_3 : vector<16xf32>
        %sub3A_703 = arith.constant 128 : i32
        %sub3A_704 = vector.broadcast %sub3A_703 : i32 to vector<16xi32>
        %sub3A_705 = arith.subi %get3A_638, %sub3A_704 : vector<16xi32>
        %convert_element_type3A_706 = arith.sitofp %sub3A_705 : vector<16xi32> to vector<16xf32>
        %mul3A_707 = arith.mulf %convert_element_type3A_706, %get3A_5 : vector<16xf32>
        %neg3A_708 = arith.constant 0.000000e+00 : f32
        %neg3A_709 = vector.broadcast %neg3A_708 : f32 to vector<16xf32>
        %neg3A_710 = arith.subf %neg3A_709, %mul3A_707 : vector<16xf32>
        %exp3A_711 = math.exp %neg3A_710 : vector<16xf32>
        %add3A_712 = arith.constant 1.000000e+00 : f32
        %add3A_713 = vector.broadcast %add3A_712 : f32 to vector<16xf32>
        %add3A_714 = arith.addf %add3A_713, %exp3A_711 : vector<16xf32>
        %div3A_715 = arith.constant 1.000000e+00 : f32
        %div3A_716 = vector.broadcast %div3A_715 : f32 to vector<16xf32>
        %div3A_717 = arith.divf %div3A_716, %add3A_714 : vector<16xf32>
        %div3A_718 = arith.divf %div3A_717, %get3A_3 : vector<16xf32>
        %add3A_719 = arith.constant 5.000000e-01 : f32
        %add3A_720 = vector.broadcast %add3A_719 : f32 to vector<16xf32>
        %add3A_721 = arith.addf %div3A_718, %add3A_720 : vector<16xf32>
        %convert_element_type3A_722 = arith.fptosi %add3A_721 : vector<16xf32> to vector<16xi32>
        %min3A_723 = arith.constant 127 : i32
        %min3A_724 = vector.broadcast %min3A_723 : i32 to vector<16xi32>
        %min3A_725 = arith.minsi %convert_element_type3A_722, %min3A_724 : vector<16xi32>
        %convert_element_type3A_726 = arith.sitofp %min3A_725 : vector<16xi32> to vector<16xf32>
        %mul3A_727 = arith.mulf %convert_element_type3A_726, %get3A_3 : vector<16xf32>
        %sub3A_728 = arith.constant 128 : i32
        %sub3A_729 = vector.broadcast %sub3A_728 : i32 to vector<16xi32>
        %sub3A_730 = arith.subi %get3A_641, %sub3A_729 : vector<16xi32>
        %convert_element_type3A_731 = arith.sitofp %sub3A_730 : vector<16xi32> to vector<16xf32>
        %mul3A_732 = arith.mulf %convert_element_type3A_731, %get3A_5 : vector<16xf32>
        %neg3A_733 = arith.constant 0.000000e+00 : f32
        %neg3A_734 = vector.broadcast %neg3A_733 : f32 to vector<16xf32>
        %neg3A_735 = arith.subf %neg3A_734, %mul3A_732 : vector<16xf32>
        %exp3A_736 = math.exp %neg3A_735 : vector<16xf32>
        %add3A_737 = arith.constant 1.000000e+00 : f32
        %add3A_738 = vector.broadcast %add3A_737 : f32 to vector<16xf32>
        %add3A_739 = arith.addf %add3A_738, %exp3A_736 : vector<16xf32>
        %div3A_740 = arith.constant 1.000000e+00 : f32
        %div3A_741 = vector.broadcast %div3A_740 : f32 to vector<16xf32>
        %div3A_742 = arith.divf %div3A_741, %add3A_739 : vector<16xf32>
        %div3A_743 = arith.divf %div3A_742, %get3A_3 : vector<16xf32>
        %add3A_744 = arith.constant 5.000000e-01 : f32
        %add3A_745 = vector.broadcast %add3A_744 : f32 to vector<16xf32>
        %add3A_746 = arith.addf %div3A_743, %add3A_745 : vector<16xf32>
        %convert_element_type3A_747 = arith.fptosi %add3A_746 : vector<16xf32> to vector<16xi32>
        %min3A_748 = arith.constant 127 : i32
        %min3A_749 = vector.broadcast %min3A_748 : i32 to vector<16xi32>
        %min3A_750 = arith.minsi %convert_element_type3A_747, %min3A_749 : vector<16xi32>
        %convert_element_type3A_751 = arith.sitofp %min3A_750 : vector<16xi32> to vector<16xf32>
        %mul3A_752 = arith.mulf %convert_element_type3A_751, %get3A_3 : vector<16xf32>
        %sub3A_753 = arith.constant 128 : i32
        %sub3A_754 = vector.broadcast %sub3A_753 : i32 to vector<16xi32>
        %sub3A_755 = arith.subi %get3A_644, %sub3A_754 : vector<16xi32>
        %convert_element_type3A_756 = arith.sitofp %sub3A_755 : vector<16xi32> to vector<16xf32>
        %mul3A_757 = arith.mulf %convert_element_type3A_756, %get3A_5 : vector<16xf32>
        %neg3A_758 = arith.constant 0.000000e+00 : f32
        %neg3A_759 = vector.broadcast %neg3A_758 : f32 to vector<16xf32>
        %neg3A_760 = arith.subf %neg3A_759, %mul3A_757 : vector<16xf32>
        %exp3A_761 = math.exp %neg3A_760 : vector<16xf32>
        %add3A_762 = arith.constant 1.000000e+00 : f32
        %add3A_763 = vector.broadcast %add3A_762 : f32 to vector<16xf32>
        %add3A_764 = arith.addf %add3A_763, %exp3A_761 : vector<16xf32>
        %div3A_765 = arith.constant 1.000000e+00 : f32
        %div3A_766 = vector.broadcast %div3A_765 : f32 to vector<16xf32>
        %div3A_767 = arith.divf %div3A_766, %add3A_764 : vector<16xf32>
        %div3A_768 = arith.divf %div3A_767, %get3A_3 : vector<16xf32>
        %add3A_769 = arith.constant 5.000000e-01 : f32
        %add3A_770 = vector.broadcast %add3A_769 : f32 to vector<16xf32>
        %add3A_771 = arith.addf %div3A_768, %add3A_770 : vector<16xf32>
        %convert_element_type3A_772 = arith.fptosi %add3A_771 : vector<16xf32> to vector<16xi32>
        %min3A_773 = arith.constant 127 : i32
        %min3A_774 = vector.broadcast %min3A_773 : i32 to vector<16xi32>
        %min3A_775 = arith.minsi %convert_element_type3A_772, %min3A_774 : vector<16xi32>
        %convert_element_type3A_776 = arith.sitofp %min3A_775 : vector<16xi32> to vector<16xf32>
        %mul3A_777 = arith.mulf %convert_element_type3A_776, %get3A_3 : vector<16xf32>
        %sub3A_778 = arith.constant 128 : i32
        %sub3A_779 = vector.broadcast %sub3A_778 : i32 to vector<16xi32>
        %sub3A_780 = arith.subi %get3A_647, %sub3A_779 : vector<16xi32>
        %convert_element_type3A_781 = arith.sitofp %sub3A_780 : vector<16xi32> to vector<16xf32>
        %mul3A_782 = arith.mulf %convert_element_type3A_781, %get3A_5 : vector<16xf32>
        %neg3A_783 = arith.constant 0.000000e+00 : f32
        %neg3A_784 = vector.broadcast %neg3A_783 : f32 to vector<16xf32>
        %neg3A_785 = arith.subf %neg3A_784, %mul3A_782 : vector<16xf32>
        %exp3A_786 = math.exp %neg3A_785 : vector<16xf32>
        %add3A_787 = arith.constant 1.000000e+00 : f32
        %add3A_788 = vector.broadcast %add3A_787 : f32 to vector<16xf32>
        %add3A_789 = arith.addf %add3A_788, %exp3A_786 : vector<16xf32>
        %div3A_790 = arith.constant 1.000000e+00 : f32
        %div3A_791 = vector.broadcast %div3A_790 : f32 to vector<16xf32>
        %div3A_792 = arith.divf %div3A_791, %add3A_789 : vector<16xf32>
        %div3A_793 = arith.divf %div3A_792, %get3A_3 : vector<16xf32>
        %add3A_794 = arith.constant 5.000000e-01 : f32
        %add3A_795 = vector.broadcast %add3A_794 : f32 to vector<16xf32>
        %add3A_796 = arith.addf %div3A_793, %add3A_795 : vector<16xf32>
        %convert_element_type3A_797 = arith.fptosi %add3A_796 : vector<16xf32> to vector<16xi32>
        %min3A_798 = arith.constant 127 : i32
        %min3A_799 = vector.broadcast %min3A_798 : i32 to vector<16xi32>
        %min3A_800 = arith.minsi %convert_element_type3A_797, %min3A_799 : vector<16xi32>
        %convert_element_type3A_801 = arith.sitofp %min3A_800 : vector<16xi32> to vector<16xf32>
        %mul3A_802 = arith.mulf %convert_element_type3A_801, %get3A_3 : vector<16xf32>
        %sub3A_803 = arith.constant 128 : i32
        %sub3A_804 = vector.broadcast %sub3A_803 : i32 to vector<16xi32>
        %sub3A_805 = arith.subi %get3A_650, %sub3A_804 : vector<16xi32>
        %convert_element_type3A_806 = arith.sitofp %sub3A_805 : vector<16xi32> to vector<16xf32>
        %mul3A_807 = arith.mulf %convert_element_type3A_806, %get3A_5 : vector<16xf32>
        %neg3A_808 = arith.constant 0.000000e+00 : f32
        %neg3A_809 = vector.broadcast %neg3A_808 : f32 to vector<16xf32>
        %neg3A_810 = arith.subf %neg3A_809, %mul3A_807 : vector<16xf32>
        %exp3A_811 = math.exp %neg3A_810 : vector<16xf32>
        %add3A_812 = arith.constant 1.000000e+00 : f32
        %add3A_813 = vector.broadcast %add3A_812 : f32 to vector<16xf32>
        %add3A_814 = arith.addf %add3A_813, %exp3A_811 : vector<16xf32>
        %div3A_815 = arith.constant 1.000000e+00 : f32
        %div3A_816 = vector.broadcast %div3A_815 : f32 to vector<16xf32>
        %div3A_817 = arith.divf %div3A_816, %add3A_814 : vector<16xf32>
        %div3A_818 = arith.divf %div3A_817, %get3A_3 : vector<16xf32>
        %add3A_819 = arith.constant 5.000000e-01 : f32
        %add3A_820 = vector.broadcast %add3A_819 : f32 to vector<16xf32>
        %add3A_821 = arith.addf %div3A_818, %add3A_820 : vector<16xf32>
        %convert_element_type3A_822 = arith.fptosi %add3A_821 : vector<16xf32> to vector<16xi32>
        %min3A_823 = arith.constant 127 : i32
        %min3A_824 = vector.broadcast %min3A_823 : i32 to vector<16xi32>
        %min3A_825 = arith.minsi %convert_element_type3A_822, %min3A_824 : vector<16xi32>
        %convert_element_type3A_826 = arith.sitofp %min3A_825 : vector<16xi32> to vector<16xf32>
        %mul3A_827 = arith.mulf %convert_element_type3A_826, %get3A_3 : vector<16xf32>
        %sub3A_828 = arith.constant 128 : i32
        %sub3A_829 = vector.broadcast %sub3A_828 : i32 to vector<16xi32>
        %sub3A_830 = arith.subi %get3A_653, %sub3A_829 : vector<16xi32>
        %convert_element_type3A_831 = arith.sitofp %sub3A_830 : vector<16xi32> to vector<16xf32>
        %mul3A_832 = arith.mulf %convert_element_type3A_831, %get3A_5 : vector<16xf32>
        %neg3A_833 = arith.constant 0.000000e+00 : f32
        %neg3A_834 = vector.broadcast %neg3A_833 : f32 to vector<16xf32>
        %neg3A_835 = arith.subf %neg3A_834, %mul3A_832 : vector<16xf32>
        %exp3A_836 = math.exp %neg3A_835 : vector<16xf32>
        %add3A_837 = arith.constant 1.000000e+00 : f32
        %add3A_838 = vector.broadcast %add3A_837 : f32 to vector<16xf32>
        %add3A_839 = arith.addf %add3A_838, %exp3A_836 : vector<16xf32>
        %div3A_840 = arith.constant 1.000000e+00 : f32
        %div3A_841 = vector.broadcast %div3A_840 : f32 to vector<16xf32>
        %div3A_842 = arith.divf %div3A_841, %add3A_839 : vector<16xf32>
        %div3A_843 = arith.divf %div3A_842, %get3A_3 : vector<16xf32>
        %add3A_844 = arith.constant 5.000000e-01 : f32
        %add3A_845 = vector.broadcast %add3A_844 : f32 to vector<16xf32>
        %add3A_846 = arith.addf %div3A_843, %add3A_845 : vector<16xf32>
        %convert_element_type3A_847 = arith.fptosi %add3A_846 : vector<16xf32> to vector<16xi32>
        %min3A_848 = arith.constant 127 : i32
        %min3A_849 = vector.broadcast %min3A_848 : i32 to vector<16xi32>
        %min3A_850 = arith.minsi %convert_element_type3A_847, %min3A_849 : vector<16xi32>
        %convert_element_type3A_851 = arith.sitofp %min3A_850 : vector<16xi32> to vector<16xf32>
        %mul3A_852 = arith.mulf %convert_element_type3A_851, %get3A_3 : vector<16xf32>
        %swap3A_853 = arith.index_cast %scan3A_628 : i32 to index
        %swap3A_854 = arith.constant 0 : index
        %swap3A_855 = tpu.vector_load %arg14[%swap3A_853, %swap3A_854] {strides = array<i32>} : memref<8x1024xf32, #tpu.memory_space<vmem>>, vector<16xf32>,
        tpu.vector_store %arg14[%swap3A_853, %swap3A_854], %mul3A_677 {strides = array<i32>} : memref<8x1024xf32, #tpu.memory_space<vmem>>, vector<16xf32>,
        %swap3A_856 = arith.index_cast %scan3A_628 : i32 to index
        %swap3A_857 = arith.constant 16 : index
        %swap3A_858 = tpu.vector_load %arg14[%swap3A_856, %swap3A_857] {strides = array<i32>} : memref<8x1024xf32, #tpu.memory_space<vmem>>, vector<16xf32>,
        tpu.vector_store %arg14[%swap3A_856, %swap3A_857], %mul3A_702 {strides = array<i32>} : memref<8x1024xf32, #tpu.memory_space<vmem>>, vector<16xf32>,
        %swap3A_859 = arith.index_cast %scan3A_628 : i32 to index
        %swap3A_860 = arith.constant 32 : index
        %swap3A_861 = tpu.vector_load %arg14[%swap3A_859, %swap3A_860] {strides = array<i32>} : memref<8x1024xf32, #tpu.memory_space<vmem>>, vector<16xf32>,
        tpu.vector_store %arg14[%swap3A_859, %swap3A_860], %mul3A_727 {strides = array<i32>} : memref<8x1024xf32, #tpu.memory_space<vmem>>, vector<16xf32>,
        %swap3A_862 = arith.index_cast %scan3A_628 : i32 to index
        %swap3A_863 = arith.constant 48 : index
        %swap3A_864 = tpu.vector_load %arg14[%swap3A_862, %swap3A_863] {strides = array<i32>} : memref<8x1024xf32, #tpu.memory_space<vmem>>, vector<16xf32>,
        tpu.vector_store %arg14[%swap3A_862, %swap3A_863], %mul3A_752 {strides = array<i32>} : memref<8x1024xf32, #tpu.memory_space<vmem>>, vector<16xf32>,
        %swap3A_865 = arith.index_cast %scan3A_628 : i32 to index
        %swap3A_866 = arith.constant 64 : index
        %swap3A_867 = tpu.vector_load %arg14[%swap3A_865, %swap3A_866] {strides = array<i32>} : memref<8x1024xf32, #tpu.memory_space<vmem>>, vector<16xf32>,
        tpu.vector_store %arg14[%swap3A_865, %swap3A_866], %mul3A_777 {strides = array<i32>} : memref<8x1024xf32, #tpu.memory_space<vmem>>, vector<16xf32>,
        %swap3A_868 = arith.index_cast %scan3A_628 : i32 to index
        %swap3A_869 = arith.constant 80 : index
        %swap3A_870 = tpu.vector_load %arg14[%swap3A_868, %swap3A_869] {strides = array<i32>} : memref<8x1024xf32, #tpu.memory_space<vmem>>, vector<16xf32>,
        tpu.vector_store %arg14[%swap3A_868, %swap3A_869], %mul3A_802 {strides = array<i32>} : memref<8x1024xf32, #tpu.memory_space<vmem>>, vector<16xf32>,
        %swap3A_871 = arith.index_cast %scan3A_628 : i32 to index
        %swap3A_872 = arith.constant 96 : index
        %swap3A_873 = tpu.vector_load %arg14[%swap3A_871, %swap3A_872] {strides = array<i32>} : memref<8x1024xf32, #tpu.memory_space<vmem>>, vector<16xf32>,
        tpu.vector_store %arg14[%swap3A_871, %swap3A_872], %mul3A_827 {strides = array<i32>} : memref<8x1024xf32, #tpu.memory_space<vmem>>, vector<16xf32>,
        %swap3A_874 = arith.index_cast %scan3A_628 : i32 to index
        %swap3A_875 = arith.constant 112 : index
        %swap3A_876 = tpu.vector_load %arg14[%swap3A_874, %swap3A_875] {strides = array<i32>} : memref<8x1024xf32, #tpu.memory_space<vmem>>, vector<16xf32>,
        tpu.vector_store %arg14[%swap3A_874, %swap3A_875], %mul3A_852 {strides = array<i32>} : memref<8x1024xf32, #tpu.memory_space<vmem>>, vector<16xf32>,
        %get3A_877 = arith.index_cast %scan3A_628 : i32 to index
        %get3A_878 = arith.constant 128 : index
        %get3A_879 = tpu.vector_load %arg10[%get3A_877, %get3A_878] {strides = array<i32>} : memref<8x1024xi32, #tpu.memory_space<vmem>>, vector<16xi32>,
        %get3A_880 = arith.index_cast %scan3A_628 : i32 to index
        %get3A_881 = arith.constant 144 : index
        %get3A_882 = tpu.vector_load %arg10[%get3A_880, %get3A_881] {strides = array<i32>} : memref<8x1024xi32, #tpu.memory_space<vmem>>, vector<16xi32>,
        %get3A_883 = arith.index_cast %scan3A_628 : i32 to index
        %get3A_884 = arith.constant 160 : index
        %get3A_885 = tpu.vector_load %arg10[%get3A_883, %get3A_884] {strides = array<i32>} : memref<8x1024xi32, #tpu.memory_space<vmem>>, vector<16xi32>,
        %get3A_886 = arith.index_cast %scan3A_628 : i32 to index
        %get3A_887 = arith.constant 176 : index
        %get3A_888 = tpu.vector_load %arg10[%get3A_886, %get3A_887] {strides = array<i32>} : memref<8x1024xi32, #tpu.memory_space<vmem>>, vector<16xi32>,
        %get3A_889 = arith.index_cast %scan3A_628 : i32 to index
        %get3A_890 = arith.constant 192 : index
        %get3A_891 = tpu.vector_load %arg10[%get3A_889, %get3A_890] {strides = array<i32>} : memref<8x1024xi32, #tpu.memory_space<vmem>>, vector<16xi32>,
        %get3A_892 = arith.index_cast %scan3A_628 : i32 to index
        %get3A_893 = arith.constant 208 : index
        %get3A_894 = tpu.vector_load %arg10[%get3A_892, %get3A_893] {strides = array<i32>} : memref<8x1024xi32, #tpu.memory_space<vmem>>, vector<16xi32>,
        %get3A_895 = arith.index_cast %scan3A_628 : i32 to index
        %get3A_896 = arith.constant 224 : index
        %get3A_897 = tpu.vector_load %arg10[%get3A_895, %get3A_896] {strides = array<i32>} : memref<8x1024xi32, #tpu.memory_space<vmem>>, vector<16xi32>,
        %get3A_898 = arith.index_cast %scan3A_628 : i32 to index
        %get3A_899 = arith.constant 240 : index
        %get3A_900 = tpu.vector_load %arg10[%get3A_898, %get3A_899] {strides = array<i32>} : memref<8x1024xi32, #tpu.memory_space<vmem>>, vector<16xi32>,
        %gather3A = tpu.vector_load_idx %arg6[%get3A_879] : memref<256xf32, #tpu.memory_space<vmem>>[vector<16xi32>], vector<16xf32>,
        %gather3A_901 = tpu.vector_load_idx %arg6[%get3A_882] : memref<256xf32, #tpu.memory_space<vmem>>[vector<16xi32>], vector<16xf32>,
        %gather3A_902 = tpu.vector_load_idx %arg6[%get3A_885] : memref<256xf32, #tpu.memory_space<vmem>>[vector<16xi32>], vector<16xf32>,
        %gather3A_903 = tpu.vector_load_idx %arg6[%get3A_888] : memref<256xf32, #tpu.memory_space<vmem>>[vector<16xi32>], vector<16xf32>,
        %gather3A_904 = tpu.vector_load_idx %arg6[%get3A_891] : memref<256xf32, #tpu.memory_space<vmem>>[vector<16xi32>], vector<16xf32>,
        %gather3A_905 = tpu.vector_load_idx %arg6[%get3A_894] : memref<256xf32, #tpu.memory_space<vmem>>[vector<16xi32>], vector<16xf32>,
        %gather3A_906 = tpu.vector_load_idx %arg6[%get3A_897] : memref<256xf32, #tpu.memory_space<vmem>>[vector<16xi32>], vector<16xf32>,
        %gather3A_907 = tpu.vector_load_idx %arg6[%get3A_900] : memref<256xf32, #tpu.memory_space<vmem>>[vector<16xi32>], vector<16xf32>,
        %swap3A_908 = arith.index_cast %scan3A_628 : i32 to index
        %swap3A_909 = arith.constant 128 : index
        %swap3A_910 = tpu.vector_load %arg14[%swap3A_908, %swap3A_909] {strides = array<i32>} : memref<8x1024xf32, #tpu.memory_space<vmem>>, vector<16xf32>,
        tpu.vector_store %arg14[%swap3A_908, %swap3A_909], %gather3A {strides = array<i32>} : memref<8x1024xf32, #tpu.memory_space<vmem>>, vector<16xf32>,
        %swap3A_911 = arith.index_cast %scan3A_628 : i32 to index
        %swap3A_912 = arith.constant 144 : index
        %swap3A_913 = tpu.vector_load %arg14[%swap3A_911, %swap3A_912] {strides = array<i32>} : memref<8x1024xf32, #tpu.memory_space<vmem>>, vector<16xf32>,
        tpu.vector_store %arg14[%swap3A_911, %swap3A_912], %gather3A_901 {strides = array<i32>} : memref<8x1024xf32, #tpu.memory_space<vmem>>, vector<16xf32>,
        %swap3A_914 = arith.index_cast %scan3A_628 : i32 to index
        %swap3A_915 = arith.constant 160 : index
        %swap3A_916 = tpu.vector_load %arg14[%swap3A_914, %swap3A_915] {strides = array<i32>} : memref<8x1024xf32, #tpu.memory_space<vmem>>, vector<16xf32>,
        tpu.vector_store %arg14[%swap3A_914, %swap3A_915], %gather3A_902 {strides = array<i32>} : memref<8x1024xf32, #tpu.memory_space<vmem>>, vector<16xf32>,
        %swap3A_917 = arith.index_cast %scan3A_628 : i32 to index
        %swap3A_918 = arith.constant 176 : index
        %swap3A_919 = tpu.vector_load %arg14[%swap3A_917, %swap3A_918] {strides = array<i32>} : memref<8x1024xf32, #tpu.memory_space<vmem>>, vector<16xf32>,
        tpu.vector_store %arg14[%swap3A_917, %swap3A_918], %gather3A_903 {strides = array<i32>} : memref<8x1024xf32, #tpu.memory_space<vmem>>, vector<16xf32>,
        %swap3A_920 = arith.index_cast %scan3A_628 : i32 to index
        %swap3A_921 = arith.constant 192 : index
        %swap3A_922 = tpu.vector_load %arg14[%swap3A_920, %swap3A_921] {strides = array<i32>} : memref<8x1024xf32, #tpu.memory_space<vmem>>, vector<16xf32>,
        tpu.vector_store %arg14[%swap3A_920, %swap3A_921], %gather3A_904 {strides = array<i32>} : memref<8x1024xf32, #tpu.memory_space<vmem>>, vector<16xf32>,
        %swap3A_923 = arith.index_cast %scan3A_628 : i32 to index
        %swap3A_924 = arith.constant 208 : index
        %swap3A_925 = tpu.vector_load %arg14[%swap3A_923, %swap3A_924] {strides = array<i32>} : memref<8x1024xf32, #tpu.memory_space<vmem>>, vector<16xf32>,
        tpu.vector_store %arg14[%swap3A_923, %swap3A_924], %gather3A_905 {strides = array<i32>} : memref<8x1024xf32, #tpu.memory_space<vmem>>, vector<16xf32>,
        %swap3A_926 = arith.index_cast %scan3A_628 : i32 to index
        %swap3A_927 = arith.constant 224 : index
        %swap3A_928 = tpu.vector_load %arg14[%swap3A_926, %swap3A_927] {strides = array<i32>} : memref<8x1024xf32, #tpu.memory_space<vmem>>, vector<16xf32>,
        tpu.vector_store %arg14[%swap3A_926, %swap3A_927], %gather3A_906 {strides = array<i32>} : memref<8x1024xf32, #tpu.memory_space<vmem>>, vector<16xf32>,
        %swap3A_929 = arith.index_cast %scan3A_628 : i32 to index
        %swap3A_930 = arith.constant 240 : index
        %swap3A_931 = tpu.vector_load %arg14[%swap3A_929, %swap3A_930] {strides = array<i32>} : memref<8x1024xf32, #tpu.memory_space<vmem>>, vector<16xf32>,
        tpu.vector_store %arg14[%swap3A_929, %swap3A_930], %gather3A_907 {strides = array<i32>} : memref<8x1024xf32, #tpu.memory_space<vmem>>, vector<16xf32>,
        %get3A_932 = arith.index_cast %scan3A_628 : i32 to index
        %get3A_933 = arith.constant 256 : index
        %get3A_934 = tpu.vector_load %arg10[%get3A_932, %get3A_933] {strides = array<i32>} : memref<8x1024xi32, #tpu.memory_space<vmem>>, vector<16xi32>,
        %get3A_935 = arith.index_cast %scan3A_628 : i32 to index
        %get3A_936 = arith.constant 272 : index
        %get3A_937 = tpu.vector_load %arg10[%get3A_935, %get3A_936] {strides = array<i32>} : memref<8x1024xi32, #tpu.memory_space<vmem>>, vector<16xi32>,
        %get3A_938 = arith.index_cast %scan3A_628 : i32 to index
        %get3A_939 = arith.constant 288 : index
        %get3A_940 = tpu.vector_load %arg10[%get3A_938, %get3A_939] {strides = array<i32>} : memref<8x1024xi32, #tpu.memory_space<vmem>>, vector<16xi32>,
        %get3A_941 = arith.index_cast %scan3A_628 : i32 to index
        %get3A_942 = arith.constant 304 : index
        %get3A_943 = tpu.vector_load %arg10[%get3A_941, %get3A_942] {strides = array<i32>} : memref<8x1024xi32, #tpu.memory_space<vmem>>, vector<16xi32>,
        %get3A_944 = arith.index_cast %scan3A_628 : i32 to index
        %get3A_945 = arith.constant 320 : index
        %get3A_946 = tpu.vector_load %arg10[%get3A_944, %get3A_945] {strides = array<i32>} : memref<8x1024xi32, #tpu.memory_space<vmem>>, vector<16xi32>,
        %get3A_947 = arith.index_cast %scan3A_628 : i32 to index
        %get3A_948 = arith.constant 336 : index
        %get3A_949 = tpu.vector_load %arg10[%get3A_947, %get3A_948] {strides = array<i32>} : memref<8x1024xi32, #tpu.memory_space<vmem>>, vector<16xi32>,
        %get3A_950 = arith.index_cast %scan3A_628 : i32 to index
        %get3A_951 = arith.constant 352 : index
        %get3A_952 = tpu.vector_load %arg10[%get3A_950, %get3A_951] {strides = array<i32>} : memref<8x1024xi32, #tpu.memory_space<vmem>>, vector<16xi32>,
        %get3A_953 = arith.index_cast %scan3A_628 : i32 to index
        %get3A_954 = arith.constant 368 : index
        %get3A_955 = tpu.vector_load %arg10[%get3A_953, %get3A_954] {strides = array<i32>} : memref<8x1024xi32, #tpu.memory_space<vmem>>, vector<16xi32>,
        %gather3A_956 = tpu.vector_load_idx %arg6[%get3A_934] : memref<256xf32, #tpu.memory_space<vmem>>[vector<16xi32>], vector<16xf32>,
        %gather3A_957 = tpu.vector_load_idx %arg6[%get3A_937] : memref<256xf32, #tpu.memory_space<vmem>>[vector<16xi32>], vector<16xf32>,
        %gather3A_958 = tpu.vector_load_idx %arg6[%get3A_940] : memref<256xf32, #tpu.memory_space<vmem>>[vector<16xi32>], vector<16xf32>,
        %gather3A_959 = tpu.vector_load_idx %arg6[%get3A_943] : memref<256xf32, #tpu.memory_space<vmem>>[vector<16xi32>], vector<16xf32>,
        %gather3A_960 = tpu.vector_load_idx %arg6[%get3A_946] : memref<256xf32, #tpu.memory_space<vmem>>[vector<16xi32>], vector<16xf32>,
        %gather3A_961 = tpu.vector_load_idx %arg6[%get3A_949] : memref<256xf32, #tpu.memory_space<vmem>>[vector<16xi32>], vector<16xf32>,
        %gather3A_962 = tpu.vector_load_idx %arg6[%get3A_952] : memref<256xf32, #tpu.memory_space<vmem>>[vector<16xi32>], vector<16xf32>,
        %gather3A_963 = tpu.vector_load_idx %arg6[%get3A_955] : memref<256xf32, #tpu.memory_space<vmem>>[vector<16xi32>], vector<16xf32>,
        %swap3A_964 = arith.index_cast %scan3A_628 : i32 to index
        %swap3A_965 = arith.constant 256 : index
        %swap3A_966 = tpu.vector_load %arg14[%swap3A_964, %swap3A_965] {strides = array<i32>} : memref<8x1024xf32, #tpu.memory_space<vmem>>, vector<16xf32>,
        tpu.vector_store %arg14[%swap3A_964, %swap3A_965], %gather3A_956 {strides = array<i32>} : memref<8x1024xf32, #tpu.memory_space<vmem>>, vector<16xf32>,
        %swap3A_967 = arith.index_cast %scan3A_628 : i32 to index
        %swap3A_968 = arith.constant 272 : index
        %swap3A_969 = tpu.vector_load %arg14[%swap3A_967, %swap3A_968] {strides = array<i32>} : memref<8x1024xf32, #tpu.memory_space<vmem>>, vector<16xf32>,
        tpu.vector_store %arg14[%swap3A_967, %swap3A_968], %gather3A_957 {strides = array<i32>} : memref<8x1024xf32, #tpu.memory_space<vmem>>, vector<16xf32>,
        %swap3A_970 = arith.index_cast %scan3A_628 : i32 to index
        %swap3A_971 = arith.constant 288 : index
        %swap3A_972 = tpu.vector_load %arg14[%swap3A_970, %swap3A_971] {strides = array<i32>} : memref<8x1024xf32, #tpu.memory_space<vmem>>, vector<16xf32>,
        tpu.vector_store %arg14[%swap3A_970, %swap3A_971], %gather3A_958 {strides = array<i32>} : memref<8x1024xf32, #tpu.memory_space<vmem>>, vector<16xf32>,
        %swap3A_973 = arith.index_cast %scan3A_628 : i32 to index
        %swap3A_974 = arith.constant 304 : index
        %swap3A_975 = tpu.vector_load %arg14[%swap3A_973, %swap3A_974] {strides = array<i32>} : memref<8x1024xf32, #tpu.memory_space<vmem>>, vector<16xf32>,
        tpu.vector_store %arg14[%swap3A_973, %swap3A_974], %gather3A_959 {strides = array<i32>} : memref<8x1024xf32, #tpu.memory_space<vmem>>, vector<16xf32>,
        %swap3A_976 = arith.index_cast %scan3A_628 : i32 to index
        %swap3A_977 = arith.constant 320 : index
        %swap3A_978 = tpu.vector_load %arg14[%swap3A_976, %swap3A_977] {strides = array<i32>} : memref<8x1024xf32, #tpu.memory_space<vmem>>, vector<16xf32>,
        tpu.vector_store %arg14[%swap3A_976, %swap3A_977], %gather3A_960 {strides = array<i32>} : memref<8x1024xf32, #tpu.memory_space<vmem>>, vector<16xf32>,
        %swap3A_979 = arith.index_cast %scan3A_628 : i32 to index
        %swap3A_980 = arith.constant 336 : index
        %swap3A_981 = tpu.vector_load %arg14[%swap3A_979, %swap3A_980] {strides = array<i32>} : memref<8x1024xf32, #tpu.memory_space<vmem>>, vector<16xf32>,
        tpu.vector_store %arg14[%swap3A_979, %swap3A_980], %gather3A_961 {strides = array<i32>} : memref<8x1024xf32, #tpu.memory_space<vmem>>, vector<16xf32>,
        %swap3A_982 = arith.index_cast %scan3A_628 : i32 to index
        %swap3A_983 = arith.constant 352 : index
        %swap3A_984 = tpu.vector_load %arg14[%swap3A_982, %swap3A_983] {strides = array<i32>} : memref<8x1024xf32, #tpu.memory_space<vmem>>, vector<16xf32>,
        tpu.vector_store %arg14[%swap3A_982, %swap3A_983], %gather3A_962 {strides = array<i32>} : memref<8x1024xf32, #tpu.memory_space<vmem>>, vector<16xf32>,
        %swap3A_985 = arith.index_cast %scan3A_628 : i32 to index
        %swap3A_986 = arith.constant 368 : index
        %swap3A_987 = tpu.vector_load %arg14[%swap3A_985, %swap3A_986] {strides = array<i32>} : memref<8x1024xf32, #tpu.memory_space<vmem>>, vector<16xf32>,
        tpu.vector_store %arg14[%swap3A_985, %swap3A_986], %gather3A_963 {strides = array<i32>} : memref<8x1024xf32, #tpu.memory_space<vmem>>, vector<16xf32>,
        %get3A_988 = arith.index_cast %scan3A_628 : i32 to index
        %get3A_989 = arith.constant 384 : index
        %get3A_990 = tpu.vector_load %arg10[%get3A_988, %get3A_989] {strides = array<i32>} : memref<8x1024xi32, #tpu.memory_space<vmem>>, vector<16xi32>,
        %get3A_991 = arith.index_cast %scan3A_628 : i32 to index
        %get3A_992 = arith.constant 400 : index
        %get3A_993 = tpu.vector_load %arg10[%get3A_991, %get3A_992] {strides = array<i32>} : memref<8x1024xi32, #tpu.memory_space<vmem>>, vector<16xi32>,
        %get3A_994 = arith.index_cast %scan3A_628 : i32 to index
        %get3A_995 = arith.constant 416 : index
        %get3A_996 = tpu.vector_load %arg10[%get3A_994, %get3A_995] {strides = array<i32>} : memref<8x1024xi32, #tpu.memory_space<vmem>>, vector<16xi32>,
        %get3A_997 = arith.index_cast %scan3A_628 : i32 to index
        %get3A_998 = arith.constant 432 : index
        %get3A_999 = tpu.vector_load %arg10[%get3A_997, %get3A_998] {strides = array<i32>} : memref<8x1024xi32, #tpu.memory_space<vmem>>, vector<16xi32>,
        %get3A_1000 = arith.index_cast %scan3A_628 : i32 to index
        %get3A_1001 = arith.constant 448 : index
        %get3A_1002 = tpu.vector_load %arg10[%get3A_1000, %get3A_1001] {strides = array<i32>} : memref<8x1024xi32, #tpu.memory_space<vmem>>, vector<16xi32>,
        %get3A_1003 = arith.index_cast %scan3A_628 : i32 to index
        %get3A_1004 = arith.constant 464 : index
        %get3A_1005 = tpu.vector_load %arg10[%get3A_1003, %get3A_1004] {strides = array<i32>} : memref<8x1024xi32, #tpu.memory_space<vmem>>, vector<16xi32>,
        %get3A_1006 = arith.index_cast %scan3A_628 : i32 to index
        %get3A_1007 = arith.constant 480 : index
        %get3A_1008 = tpu.vector_load %arg10[%get3A_1006, %get3A_1007] {strides = array<i32>} : memref<8x1024xi32, #tpu.memory_space<vmem>>, vector<16xi32>,
        %get3A_1009 = arith.index_cast %scan3A_628 : i32 to index
        %get3A_1010 = arith.constant 496 : index
        %get3A_1011 = tpu.vector_load %arg10[%get3A_1009, %get3A_1010] {strides = array<i32>} : memref<8x1024xi32, #tpu.memory_space<vmem>>, vector<16xi32>,
        %gather3A_1012 = tpu.vector_load_idx %arg6[%get3A_990] : memref<256xf32, #tpu.memory_space<vmem>>[vector<16xi32>], vector<16xf32>,
        %gather3A_1013 = tpu.vector_load_idx %arg6[%get3A_993] : memref<256xf32, #tpu.memory_space<vmem>>[vector<16xi32>], vector<16xf32>,
        %gather3A_1014 = tpu.vector_load_idx %arg6[%get3A_996] : memref<256xf32, #tpu.memory_space<vmem>>[vector<16xi32>], vector<16xf32>,
        %gather3A_1015 = tpu.vector_load_idx %arg6[%get3A_999] : memref<256xf32, #tpu.memory_space<vmem>>[vector<16xi32>], vector<16xf32>,
        %gather3A_1016 = tpu.vector_load_idx %arg6[%get3A_1002] : memref<256xf32, #tpu.memory_space<vmem>>[vector<16xi32>], vector<16xf32>,
        %gather3A_1017 = tpu.vector_load_idx %arg6[%get3A_1005] : memref<256xf32, #tpu.memory_space<vmem>>[vector<16xi32>], vector<16xf32>,
        %gather3A_1018 = tpu.vector_load_idx %arg6[%get3A_1008] : memref<256xf32, #tpu.memory_space<vmem>>[vector<16xi32>], vector<16xf32>,
        %gather3A_1019 = tpu.vector_load_idx %arg6[%get3A_1011] : memref<256xf32, #tpu.memory_space<vmem>>[vector<16xi32>], vector<16xf32>,
        %swap3A_1020 = arith.index_cast %scan3A_628 : i32 to index
        %swap3A_1021 = arith.constant 384 : index
        %swap3A_1022 = tpu.vector_load %arg14[%swap3A_1020, %swap3A_1021] {strides = array<i32>} : memref<8x1024xf32, #tpu.memory_space<vmem>>, vector<16xf32>,
        tpu.vector_store %arg14[%swap3A_1020, %swap3A_1021], %gather3A_1012 {strides = array<i32>} : memref<8x1024xf32, #tpu.memory_space<vmem>>, vector<16xf32>,
        %swap3A_1023 = arith.index_cast %scan3A_628 : i32 to index
        %swap3A_1024 = arith.constant 400 : index
        %swap3A_1025 = tpu.vector_load %arg14[%swap3A_1023, %swap3A_1024] {strides = array<i32>} : memref<8x1024xf32, #tpu.memory_space<vmem>>, vector<16xf32>,
        tpu.vector_store %arg14[%swap3A_1023, %swap3A_1024], %gather3A_1013 {strides = array<i32>} : memref<8x1024xf32, #tpu.memory_space<vmem>>, vector<16xf32>,
        %swap3A_1026 = arith.index_cast %scan3A_628 : i32 to index
        %swap3A_1027 = arith.constant 416 : index
        %swap3A_1028 = tpu.vector_load %arg14[%swap3A_1026, %swap3A_1027] {strides = array<i32>} : memref<8x1024xf32, #tpu.memory_space<vmem>>, vector<16xf32>,
        tpu.vector_store %arg14[%swap3A_1026, %swap3A_1027], %gather3A_1014 {strides = array<i32>} : memref<8x1024xf32, #tpu.memory_space<vmem>>, vector<16xf32>,
        %swap3A_1029 = arith.index_cast %scan3A_628 : i32 to index
        %swap3A_1030 = arith.constant 432 : index
        %swap3A_1031 = tpu.vector_load %arg14[%swap3A_1029, %swap3A_1030] {strides = array<i32>} : memref<8x1024xf32, #tpu.memory_space<vmem>>, vector<16xf32>,
        tpu.vector_store %arg14[%swap3A_1029, %swap3A_1030], %gather3A_1015 {strides = array<i32>} : memref<8x1024xf32, #tpu.memory_space<vmem>>, vector<16xf32>,
        %swap3A_1032 = arith.index_cast %scan3A_628 : i32 to index
        %swap3A_1033 = arith.constant 448 : index
        %swap3A_1034 = tpu.vector_load %arg14[%swap3A_1032, %swap3A_1033] {strides = array<i32>} : memref<8x1024xf32, #tpu.memory_space<vmem>>, vector<16xf32>,
        tpu.vector_store %arg14[%swap3A_1032, %swap3A_1033], %gather3A_1016 {strides = array<i32>} : memref<8x1024xf32, #tpu.memory_space<vmem>>, vector<16xf32>,
        %swap3A_1035 = arith.index_cast %scan3A_628 : i32 to index
        %swap3A_1036 = arith.constant 464 : index
        %swap3A_1037 = tpu.vector_load %arg14[%swap3A_1035, %swap3A_1036] {strides = array<i32>} : memref<8x1024xf32, #tpu.memory_space<vmem>>, vector<16xf32>,
        tpu.vector_store %arg14[%swap3A_1035, %swap3A_1036], %gather3A_1017 {strides = array<i32>} : memref<8x1024xf32, #tpu.memory_space<vmem>>, vector<16xf32>,
        %swap3A_1038 = arith.index_cast %scan3A_628 : i32 to index
        %swap3A_1039 = arith.constant 480 : index
        %swap3A_1040 = tpu.vector_load %arg14[%swap3A_1038, %swap3A_1039] {strides = array<i32>} : memref<8x1024xf32, #tpu.memory_space<vmem>>, vector<16xf32>,
        tpu.vector_store %arg14[%swap3A_1038, %swap3A_1039], %gather3A_1018 {strides = array<i32>} : memref<8x1024xf32, #tpu.memory_space<vmem>>, vector<16xf32>,
        %swap3A_1041 = arith.index_cast %scan3A_628 : i32 to index
        %swap3A_1042 = arith.constant 496 : index
        %swap3A_1043 = tpu.vector_load %arg14[%swap3A_1041, %swap3A_1042] {strides = array<i32>} : memref<8x1024xf32, #tpu.memory_space<vmem>>, vector<16xf32>,
        tpu.vector_store %arg14[%swap3A_1041, %swap3A_1042], %gather3A_1019 {strides = array<i32>} : memref<8x1024xf32, #tpu.memory_space<vmem>>, vector<16xf32>,
        %get3A_1044 = arith.index_cast %scan3A_628 : i32 to index
        %get3A_1045 = arith.constant 512 : index
        %get3A_1046 = tpu.vector_load %arg10[%get3A_1044, %get3A_1045] {strides = array<i32>} : memref<8x1024xi32, #tpu.memory_space<vmem>>, vector<16xi32>,
        %get3A_1047 = arith.index_cast %scan3A_628 : i32 to index
        %get3A_1048 = arith.constant 528 : index
        %get3A_1049 = tpu.vector_load %arg10[%get3A_1047, %get3A_1048] {strides = array<i32>} : memref<8x1024xi32, #tpu.memory_space<vmem>>, vector<16xi32>,
        %get3A_1050 = arith.index_cast %scan3A_628 : i32 to index
        %get3A_1051 = arith.constant 544 : index
        %get3A_1052 = tpu.vector_load %arg10[%get3A_1050, %get3A_1051] {strides = array<i32>} : memref<8x1024xi32, #tpu.memory_space<vmem>>, vector<16xi32>,
        %get3A_1053 = arith.index_cast %scan3A_628 : i32 to index
        %get3A_1054 = arith.constant 560 : index
        %get3A_1055 = tpu.vector_load %arg10[%get3A_1053, %get3A_1054] {strides = array<i32>} : memref<8x1024xi32, #tpu.memory_space<vmem>>, vector<16xi32>,
        %get3A_1056 = arith.index_cast %scan3A_628 : i32 to index
        %get3A_1057 = arith.constant 576 : index
        %get3A_1058 = tpu.vector_load %arg10[%get3A_1056, %get3A_1057] {strides = array<i32>} : memref<8x1024xi32, #tpu.memory_space<vmem>>, vector<16xi32>,
        %get3A_1059 = arith.index_cast %scan3A_628 : i32 to index
        %get3A_1060 = arith.constant 592 : index
        %get3A_1061 = tpu.vector_load %arg10[%get3A_1059, %get3A_1060] {strides = array<i32>} : memref<8x1024xi32, #tpu.memory_space<vmem>>, vector<16xi32>,
        %get3A_1062 = arith.index_cast %scan3A_628 : i32 to index
        %get3A_1063 = arith.constant 608 : index
        %get3A_1064 = tpu.vector_load %arg10[%get3A_1062, %get3A_1063] {strides = array<i32>} : memref<8x1024xi32, #tpu.memory_space<vmem>>, vector<16xi32>,
        %get3A_1065 = arith.index_cast %scan3A_628 : i32 to index
        %get3A_1066 = arith.constant 624 : index
        %get3A_1067 = tpu.vector_load %arg10[%get3A_1065, %get3A_1066] {strides = array<i32>} : memref<8x1024xi32, #tpu.memory_space<vmem>>, vector<16xi32>,
        %gather3A_1068 = tpu.vector_load_idx %arg6[%get3A_1046] : memref<256xf32, #tpu.memory_space<vmem>>[vector<16xi32>], vector<16xf32>,
        %gather3A_1069 = tpu.vector_load_idx %arg6[%get3A_1049] : memref<256xf32, #tpu.memory_space<vmem>>[vector<16xi32>], vector<16xf32>,
        %gather3A_1070 = tpu.vector_load_idx %arg6[%get3A_1052] : memref<256xf32, #tpu.memory_space<vmem>>[vector<16xi32>], vector<16xf32>,
        %gather3A_1071 = tpu.vector_load_idx %arg6[%get3A_1055] : memref<256xf32, #tpu.memory_space<vmem>>[vector<16xi32>], vector<16xf32>,
        %gather3A_1072 = tpu.vector_load_idx %arg6[%get3A_1058] : memref<256xf32, #tpu.memory_space<vmem>>[vector<16xi32>], vector<16xf32>,
        %gather3A_1073 = tpu.vector_load_idx %arg6[%get3A_1061] : memref<256xf32, #tpu.memory_space<vmem>>[vector<16xi32>], vector<16xf32>,
        %gather3A_1074 = tpu.vector_load_idx %arg6[%get3A_1064] : memref<256xf32, #tpu.memory_space<vmem>>[vector<16xi32>], vector<16xf32>,
        %gather3A_1075 = tpu.vector_load_idx %arg6[%get3A_1067] : memref<256xf32, #tpu.memory_space<vmem>>[vector<16xi32>], vector<16xf32>,
        %swap3A_1076 = arith.index_cast %scan3A_628 : i32 to index
        %swap3A_1077 = arith.constant 512 : index
        %swap3A_1078 = tpu.vector_load %arg14[%swap3A_1076, %swap3A_1077] {strides = array<i32>} : memref<8x1024xf32, #tpu.memory_space<vmem>>, vector<16xf32>,
        tpu.vector_store %arg14[%swap3A_1076, %swap3A_1077], %gather3A_1068 {strides = array<i32>} : memref<8x1024xf32, #tpu.memory_space<vmem>>, vector<16xf32>,
        %swap3A_1079 = arith.index_cast %scan3A_628 : i32 to index
        %swap3A_1080 = arith.constant 528 : index
        %swap3A_1081 = tpu.vector_load %arg14[%swap3A_1079, %swap3A_1080] {strides = array<i32>} : memref<8x1024xf32, #tpu.memory_space<vmem>>, vector<16xf32>,
        tpu.vector_store %arg14[%swap3A_1079, %swap3A_1080], %gather3A_1069 {strides = array<i32>} : memref<8x1024xf32, #tpu.memory_space<vmem>>, vector<16xf32>,
        %swap3A_1082 = arith.index_cast %scan3A_628 : i32 to index
        %swap3A_1083 = arith.constant 544 : index
        %swap3A_1084 = tpu.vector_load %arg14[%swap3A_1082, %swap3A_1083] {strides = array<i32>} : memref<8x1024xf32, #tpu.memory_space<vmem>>, vector<16xf32>,
        tpu.vector_store %arg14[%swap3A_1082, %swap3A_1083], %gather3A_1070 {strides = array<i32>} : memref<8x1024xf32, #tpu.memory_space<vmem>>, vector<16xf32>,
        %swap3A_1085 = arith.index_cast %scan3A_628 : i32 to index
        %swap3A_1086 = arith.constant 560 : index
        %swap3A_1087 = tpu.vector_load %arg14[%swap3A_1085, %swap3A_1086] {strides = array<i32>} : memref<8x1024xf32, #tpu.memory_space<vmem>>, vector<16xf32>,
        tpu.vector_store %arg14[%swap3A_1085, %swap3A_1086], %gather3A_1071 {strides = array<i32>} : memref<8x1024xf32, #tpu.memory_space<vmem>>, vector<16xf32>,
        %swap3A_1088 = arith.index_cast %scan3A_628 : i32 to index
        %swap3A_1089 = arith.constant 576 : index
        %swap3A_1090 = tpu.vector_load %arg14[%swap3A_1088, %swap3A_1089] {strides = array<i32>} : memref<8x1024xf32, #tpu.memory_space<vmem>>, vector<16xf32>,
        tpu.vector_store %arg14[%swap3A_1088, %swap3A_1089], %gather3A_1072 {strides = array<i32>} : memref<8x1024xf32, #tpu.memory_space<vmem>>, vector<16xf32>,
        %swap3A_1091 = arith.index_cast %scan3A_628 : i32 to index
        %swap3A_1092 = arith.constant 592 : index
        %swap3A_1093 = tpu.vector_load %arg14[%swap3A_1091, %swap3A_1092] {strides = array<i32>} : memref<8x1024xf32, #tpu.memory_space<vmem>>, vector<16xf32>,
        tpu.vector_store %arg14[%swap3A_1091, %swap3A_1092], %gather3A_1073 {strides = array<i32>} : memref<8x1024xf32, #tpu.memory_space<vmem>>, vector<16xf32>,
        %swap3A_1094 = arith.index_cast %scan3A_628 : i32 to index
        %swap3A_1095 = arith.constant 608 : index
        %swap3A_1096 = tpu.vector_load %arg14[%swap3A_1094, %swap3A_1095] {strides = array<i32>} : memref<8x1024xf32, #tpu.memory_space<vmem>>, vector<16xf32>,
        tpu.vector_store %arg14[%swap3A_1094, %swap3A_1095], %gather3A_1074 {strides = array<i32>} : memref<8x1024xf32, #tpu.memory_space<vmem>>, vector<16xf32>,
        %swap3A_1097 = arith.index_cast %scan3A_628 : i32 to index
        %swap3A_1098 = arith.constant 624 : index
        %swap3A_1099 = tpu.vector_load %arg14[%swap3A_1097, %swap3A_1098] {strides = array<i32>} : memref<8x1024xf32, #tpu.memory_space<vmem>>, vector<16xf32>,
        tpu.vector_store %arg14[%swap3A_1097, %swap3A_1098], %gather3A_1075 {strides = array<i32>} : memref<8x1024xf32, #tpu.memory_space<vmem>>, vector<16xf32>,
        %get3A_1100 = arith.index_cast %scan3A_628 : i32 to index
        %get3A_1101 = arith.constant 640 : index
        %get3A_1102 = tpu.vector_load %arg10[%get3A_1100, %get3A_1101] {strides = array<i32>} : memref<8x1024xi32, #tpu.memory_space<vmem>>, vector<16xi32>,
        %get3A_1103 = arith.index_cast %scan3A_628 : i32 to index
        %get3A_1104 = arith.constant 656 : index
        %get3A_1105 = tpu.vector_load %arg10[%get3A_1103, %get3A_1104] {strides = array<i32>} : memref<8x1024xi32, #tpu.memory_space<vmem>>, vector<16xi32>,
        %get3A_1106 = arith.index_cast %scan3A_628 : i32 to index
        %get3A_1107 = arith.constant 672 : index
        %get3A_1108 = tpu.vector_load %arg10[%get3A_1106, %get3A_1107] {strides = array<i32>} : memref<8x1024xi32, #tpu.memory_space<vmem>>, vector<16xi32>,
        %get3A_1109 = arith.index_cast %scan3A_628 : i32 to index
        %get3A_1110 = arith.constant 688 : index
        %get3A_1111 = tpu.vector_load %arg10[%get3A_1109, %get3A_1110] {strides = array<i32>} : memref<8x1024xi32, #tpu.memory_space<vmem>>, vector<16xi32>,
        %get3A_1112 = arith.index_cast %scan3A_628 : i32 to index
        %get3A_1113 = arith.constant 704 : index
        %get3A_1114 = tpu.vector_load %arg10[%get3A_1112, %get3A_1113] {strides = array<i32>} : memref<8x1024xi32, #tpu.memory_space<vmem>>, vector<16xi32>,
        %get3A_1115 = arith.index_cast %scan3A_628 : i32 to index
        %get3A_1116 = arith.constant 720 : index
        %get3A_1117 = tpu.vector_load %arg10[%get3A_1115, %get3A_1116] {strides = array<i32>} : memref<8x1024xi32, #tpu.memory_space<vmem>>, vector<16xi32>,
        %get3A_1118 = arith.index_cast %scan3A_628 : i32 to index
        %get3A_1119 = arith.constant 736 : index
        %get3A_1120 = tpu.vector_load %arg10[%get3A_1118, %get3A_1119] {strides = array<i32>} : memref<8x1024xi32, #tpu.memory_space<vmem>>, vector<16xi32>,
        %get3A_1121 = arith.index_cast %scan3A_628 : i32 to index
        %get3A_1122 = arith.constant 752 : index
        %get3A_1123 = tpu.vector_load %arg10[%get3A_1121, %get3A_1122] {strides = array<i32>} : memref<8x1024xi32, #tpu.memory_space<vmem>>, vector<16xi32>,
        %gather3A_1124 = tpu.vector_load_idx %arg6[%get3A_1102] : memref<256xf32, #tpu.memory_space<vmem>>[vector<16xi32>], vector<16xf32>,
        %gather3A_1125 = tpu.vector_load_idx %arg6[%get3A_1105] : memref<256xf32, #tpu.memory_space<vmem>>[vector<16xi32>], vector<16xf32>,
        %gather3A_1126 = tpu.vector_load_idx %arg6[%get3A_1108] : memref<256xf32, #tpu.memory_space<vmem>>[vector<16xi32>], vector<16xf32>,
        %gather3A_1127 = tpu.vector_load_idx %arg6[%get3A_1111] : memref<256xf32, #tpu.memory_space<vmem>>[vector<16xi32>], vector<16xf32>,
        %gather3A_1128 = tpu.vector_load_idx %arg6[%get3A_1114] : memref<256xf32, #tpu.memory_space<vmem>>[vector<16xi32>], vector<16xf32>,
        %gather3A_1129 = tpu.vector_load_idx %arg6[%get3A_1117] : memref<256xf32, #tpu.memory_space<vmem>>[vector<16xi32>], vector<16xf32>,
        %gather3A_1130 = tpu.vector_load_idx %arg6[%get3A_1120] : memref<256xf32, #tpu.memory_space<vmem>>[vector<16xi32>], vector<16xf32>,
        %gather3A_1131 = tpu.vector_load_idx %arg6[%get3A_1123] : memref<256xf32, #tpu.memory_space<vmem>>[vector<16xi32>], vector<16xf32>,
        %swap3A_1132 = arith.index_cast %scan3A_628 : i32 to index
        %swap3A_1133 = arith.constant 640 : index
        %swap3A_1134 = tpu.vector_load %arg14[%swap3A_1132, %swap3A_1133] {strides = array<i32>} : memref<8x1024xf32, #tpu.memory_space<vmem>>, vector<16xf32>,
        tpu.vector_store %arg14[%swap3A_1132, %swap3A_1133], %gather3A_1124 {strides = array<i32>} : memref<8x1024xf32, #tpu.memory_space<vmem>>, vector<16xf32>,
        %swap3A_1135 = arith.index_cast %scan3A_628 : i32 to index
        %swap3A_1136 = arith.constant 656 : index
        %swap3A_1137 = tpu.vector_load %arg14[%swap3A_1135, %swap3A_1136] {strides = array<i32>} : memref<8x1024xf32, #tpu.memory_space<vmem>>, vector<16xf32>,
        tpu.vector_store %arg14[%swap3A_1135, %swap3A_1136], %gather3A_1125 {strides = array<i32>} : memref<8x1024xf32, #tpu.memory_space<vmem>>, vector<16xf32>,
        %swap3A_1138 = arith.index_cast %scan3A_628 : i32 to index
        %swap3A_1139 = arith.constant 672 : index
        %swap3A_1140 = tpu.vector_load %arg14[%swap3A_1138, %swap3A_1139] {strides = array<i32>} : memref<8x1024xf32, #tpu.memory_space<vmem>>, vector<16xf32>,
        tpu.vector_store %arg14[%swap3A_1138, %swap3A_1139], %gather3A_1126 {strides = array<i32>} : memref<8x1024xf32, #tpu.memory_space<vmem>>, vector<16xf32>,
        %swap3A_1141 = arith.index_cast %scan3A_628 : i32 to index
        %swap3A_1142 = arith.constant 688 : index
        %swap3A_1143 = tpu.vector_load %arg14[%swap3A_1141, %swap3A_1142] {strides = array<i32>} : memref<8x1024xf32, #tpu.memory_space<vmem>>, vector<16xf32>,
        tpu.vector_store %arg14[%swap3A_1141, %swap3A_1142], %gather3A_1127 {strides = array<i32>} : memref<8x1024xf32, #tpu.memory_space<vmem>>, vector<16xf32>,
        %swap3A_1144 = arith.index_cast %scan3A_628 : i32 to index
        %swap3A_1145 = arith.constant 704 : index
        %swap3A_1146 = tpu.vector_load %arg14[%swap3A_1144, %swap3A_1145] {strides = array<i32>} : memref<8x1024xf32, #tpu.memory_space<vmem>>, vector<16xf32>,
        tpu.vector_store %arg14[%swap3A_1144, %swap3A_1145], %gather3A_1128 {strides = array<i32>} : memref<8x1024xf32, #tpu.memory_space<vmem>>, vector<16xf32>,
        %swap3A_1147 = arith.index_cast %scan3A_628 : i32 to index
        %swap3A_1148 = arith.constant 720 : index
        %swap3A_1149 = tpu.vector_load %arg14[%swap3A_1147, %swap3A_1148] {strides = array<i32>} : memref<8x1024xf32, #tpu.memory_space<vmem>>, vector<16xf32>,
        tpu.vector_store %arg14[%swap3A_1147, %swap3A_1148], %gather3A_1129 {strides = array<i32>} : memref<8x1024xf32, #tpu.memory_space<vmem>>, vector<16xf32>,
        %swap3A_1150 = arith.index_cast %scan3A_628 : i32 to index
        %swap3A_1151 = arith.constant 736 : index
        %swap3A_1152 = tpu.vector_load %arg14[%swap3A_1150, %swap3A_1151] {strides = array<i32>} : memref<8x1024xf32, #tpu.memory_space<vmem>>, vector<16xf32>,
        tpu.vector_store %arg14[%swap3A_1150, %swap3A_1151], %gather3A_1130 {strides = array<i32>} : memref<8x1024xf32, #tpu.memory_space<vmem>>, vector<16xf32>,
        %swap3A_1153 = arith.index_cast %scan3A_628 : i32 to index
        %swap3A_1154 = arith.constant 752 : index
        %swap3A_1155 = tpu.vector_load %arg14[%swap3A_1153, %swap3A_1154] {strides = array<i32>} : memref<8x1024xf32, #tpu.memory_space<vmem>>, vector<16xf32>,
        tpu.vector_store %arg14[%swap3A_1153, %swap3A_1154], %gather3A_1131 {strides = array<i32>} : memref<8x1024xf32, #tpu.memory_space<vmem>>, vector<16xf32>,
        %get3A_1156 = arith.index_cast %scan3A_628 : i32 to index
        %get3A_1157 = arith.constant 768 : index
        %get3A_1158 = tpu.vector_load %arg10[%get3A_1156, %get3A_1157] {strides = array<i32>} : memref<8x1024xi32, #tpu.memory_space<vmem>>, vector<16xi32>,
        %get3A_1159 = arith.index_cast %scan3A_628 : i32 to index
        %get3A_1160 = arith.constant 784 : index
        %get3A_1161 = tpu.vector_load %arg10[%get3A_1159, %get3A_1160] {strides = array<i32>} : memref<8x1024xi32, #tpu.memory_space<vmem>>, vector<16xi32>,
        %get3A_1162 = arith.index_cast %scan3A_628 : i32 to index
        %get3A_1163 = arith.constant 800 : index
        %get3A_1164 = tpu.vector_load %arg10[%get3A_1162, %get3A_1163] {strides = array<i32>} : memref<8x1024xi32, #tpu.memory_space<vmem>>, vector<16xi32>,
        %get3A_1165 = arith.index_cast %scan3A_628 : i32 to index
        %get3A_1166 = arith.constant 816 : index
        %get3A_1167 = tpu.vector_load %arg10[%get3A_1165, %get3A_1166] {strides = array<i32>} : memref<8x1024xi32, #tpu.memory_space<vmem>>, vector<16xi32>,
        %get3A_1168 = arith.index_cast %scan3A_628 : i32 to index
        %get3A_1169 = arith.constant 832 : index
        %get3A_1170 = tpu.vector_load %arg10[%get3A_1168, %get3A_1169] {strides = array<i32>} : memref<8x1024xi32, #tpu.memory_space<vmem>>, vector<16xi32>,
        %get3A_1171 = arith.index_cast %scan3A_628 : i32 to index
        %get3A_1172 = arith.constant 848 : index
        %get3A_1173 = tpu.vector_load %arg10[%get3A_1171, %get3A_1172] {strides = array<i32>} : memref<8x1024xi32, #tpu.memory_space<vmem>>, vector<16xi32>,
        %get3A_1174 = arith.index_cast %scan3A_628 : i32 to index
        %get3A_1175 = arith.constant 864 : index
        %get3A_1176 = tpu.vector_load %arg10[%get3A_1174, %get3A_1175] {strides = array<i32>} : memref<8x1024xi32, #tpu.memory_space<vmem>>, vector<16xi32>,
        %get3A_1177 = arith.index_cast %scan3A_628 : i32 to index
        %get3A_1178 = arith.constant 880 : index
        %get3A_1179 = tpu.vector_load %arg10[%get3A_1177, %get3A_1178] {strides = array<i32>} : memref<8x1024xi32, #tpu.memory_space<vmem>>, vector<16xi32>,
        %gather3A_1180 = tpu.vector_load_idx %arg6[%get3A_1158] : memref<256xf32, #tpu.memory_space<vmem>>[vector<16xi32>], vector<16xf32>,
        %gather3A_1181 = tpu.vector_load_idx %arg6[%get3A_1161] : memref<256xf32, #tpu.memory_space<vmem>>[vector<16xi32>], vector<16xf32>,
        %gather3A_1182 = tpu.vector_load_idx %arg6[%get3A_1164] : memref<256xf32, #tpu.memory_space<vmem>>[vector<16xi32>], vector<16xf32>,
        %gather3A_1183 = tpu.vector_load_idx %arg6[%get3A_1167] : memref<256xf32, #tpu.memory_space<vmem>>[vector<16xi32>], vector<16xf32>,
        %gather3A_1184 = tpu.vector_load_idx %arg6[%get3A_1170] : memref<256xf32, #tpu.memory_space<vmem>>[vector<16xi32>], vector<16xf32>,
        %gather3A_1185 = tpu.vector_load_idx %arg6[%get3A_1173] : memref<256xf32, #tpu.memory_space<vmem>>[vector<16xi32>], vector<16xf32>,
        %gather3A_1186 = tpu.vector_load_idx %arg6[%get3A_1176] : memref<256xf32, #tpu.memory_space<vmem>>[vector<16xi32>], vector<16xf32>,
        %gather3A_1187 = tpu.vector_load_idx %arg6[%get3A_1179] : memref<256xf32, #tpu.memory_space<vmem>>[vector<16xi32>], vector<16xf32>,
        %swap3A_1188 = arith.index_cast %scan3A_628 : i32 to index
        %swap3A_1189 = arith.constant 768 : index
        %swap3A_1190 = tpu.vector_load %arg14[%swap3A_1188, %swap3A_1189] {strides = array<i32>} : memref<8x1024xf32, #tpu.memory_space<vmem>>, vector<16xf32>,
        tpu.vector_store %arg14[%swap3A_1188, %swap3A_1189], %gather3A_1180 {strides = array<i32>} : memref<8x1024xf32, #tpu.memory_space<vmem>>, vector<16xf32>,
        %swap3A_1191 = arith.index_cast %scan3A_628 : i32 to index
        %swap3A_1192 = arith.constant 784 : index
        %swap3A_1193 = tpu.vector_load %arg14[%swap3A_1191, %swap3A_1192] {strides = array<i32>} : memref<8x1024xf32, #tpu.memory_space<vmem>>, vector<16xf32>,
        tpu.vector_store %arg14[%swap3A_1191, %swap3A_1192], %gather3A_1181 {strides = array<i32>} : memref<8x1024xf32, #tpu.memory_space<vmem>>, vector<16xf32>,
        %swap3A_1194 = arith.index_cast %scan3A_628 : i32 to index
        %swap3A_1195 = arith.constant 800 : index
        %swap3A_1196 = tpu.vector_load %arg14[%swap3A_1194, %swap3A_1195] {strides = array<i32>} : memref<8x1024xf32, #tpu.memory_space<vmem>>, vector<16xf32>,
        tpu.vector_store %arg14[%swap3A_1194, %swap3A_1195], %gather3A_1182 {strides = array<i32>} : memref<8x1024xf32, #tpu.memory_space<vmem>>, vector<16xf32>,
        %swap3A_1197 = arith.index_cast %scan3A_628 : i32 to index
        %swap3A_1198 = arith.constant 816 : index
        %swap3A_1199 = tpu.vector_load %arg14[%swap3A_1197, %swap3A_1198] {strides = array<i32>} : memref<8x1024xf32, #tpu.memory_space<vmem>>, vector<16xf32>,
        tpu.vector_store %arg14[%swap3A_1197, %swap3A_1198], %gather3A_1183 {strides = array<i32>} : memref<8x1024xf32, #tpu.memory_space<vmem>>, vector<16xf32>,
        %swap3A_1200 = arith.index_cast %scan3A_628 : i32 to index
        %swap3A_1201 = arith.constant 832 : index
        %swap3A_1202 = tpu.vector_load %arg14[%swap3A_1200, %swap3A_1201] {strides = array<i32>} : memref<8x1024xf32, #tpu.memory_space<vmem>>, vector<16xf32>,
        tpu.vector_store %arg14[%swap3A_1200, %swap3A_1201], %gather3A_1184 {strides = array<i32>} : memref<8x1024xf32, #tpu.memory_space<vmem>>, vector<16xf32>,
        %swap3A_1203 = arith.index_cast %scan3A_628 : i32 to index
        %swap3A_1204 = arith.constant 848 : index
        %swap3A_1205 = tpu.vector_load %arg14[%swap3A_1203, %swap3A_1204] {strides = array<i32>} : memref<8x1024xf32, #tpu.memory_space<vmem>>, vector<16xf32>,
        tpu.vector_store %arg14[%swap3A_1203, %swap3A_1204], %gather3A_1185 {strides = array<i32>} : memref<8x1024xf32, #tpu.memory_space<vmem>>, vector<16xf32>,
        %swap3A_1206 = arith.index_cast %scan3A_628 : i32 to index
        %swap3A_1207 = arith.constant 864 : index
        %swap3A_1208 = tpu.vector_load %arg14[%swap3A_1206, %swap3A_1207] {strides = array<i32>} : memref<8x1024xf32, #tpu.memory_space<vmem>>, vector<16xf32>,
        tpu.vector_store %arg14[%swap3A_1206, %swap3A_1207], %gather3A_1186 {strides = array<i32>} : memref<8x1024xf32, #tpu.memory_space<vmem>>, vector<16xf32>,
        %swap3A_1209 = arith.index_cast %scan3A_628 : i32 to index
        %swap3A_1210 = arith.constant 880 : index
        %swap3A_1211 = tpu.vector_load %arg14[%swap3A_1209, %swap3A_1210] {strides = array<i32>} : memref<8x1024xf32, #tpu.memory_space<vmem>>, vector<16xf32>,
        tpu.vector_store %arg14[%swap3A_1209, %swap3A_1210], %gather3A_1187 {strides = array<i32>} : memref<8x1024xf32, #tpu.memory_space<vmem>>, vector<16xf32>,
        %get3A_1212 = arith.index_cast %scan3A_628 : i32 to index
        %get3A_1213 = arith.constant 896 : index
        %get3A_1214 = tpu.vector_load %arg10[%get3A_1212, %get3A_1213] {strides = array<i32>} : memref<8x1024xi32, #tpu.memory_space<vmem>>, vector<16xi32>,
        %get3A_1215 = arith.index_cast %scan3A_628 : i32 to index
        %get3A_1216 = arith.constant 912 : index
        %get3A_1217 = tpu.vector_load %arg10[%get3A_1215, %get3A_1216] {strides = array<i32>} : memref<8x1024xi32, #tpu.memory_space<vmem>>, vector<16xi32>,
        %get3A_1218 = arith.index_cast %scan3A_628 : i32 to index
        %get3A_1219 = arith.constant 928 : index
        %get3A_1220 = tpu.vector_load %arg10[%get3A_1218, %get3A_1219] {strides = array<i32>} : memref<8x1024xi32, #tpu.memory_space<vmem>>, vector<16xi32>,
        %get3A_1221 = arith.index_cast %scan3A_628 : i32 to index
        %get3A_1222 = arith.constant 944 : index
        %get3A_1223 = tpu.vector_load %arg10[%get3A_1221, %get3A_1222] {strides = array<i32>} : memref<8x1024xi32, #tpu.memory_space<vmem>>, vector<16xi32>,
        %get3A_1224 = arith.index_cast %scan3A_628 : i32 to index
        %get3A_1225 = arith.constant 960 : index
        %get3A_1226 = tpu.vector_load %arg10[%get3A_1224, %get3A_1225] {strides = array<i32>} : memref<8x1024xi32, #tpu.memory_space<vmem>>, vector<16xi32>,
        %get3A_1227 = arith.index_cast %scan3A_628 : i32 to index
        %get3A_1228 = arith.constant 976 : index
        %get3A_1229 = tpu.vector_load %arg10[%get3A_1227, %get3A_1228] {strides = array<i32>} : memref<8x1024xi32, #tpu.memory_space<vmem>>, vector<16xi32>,
        %get3A_1230 = arith.index_cast %scan3A_628 : i32 to index
        %get3A_1231 = arith.constant 992 : index
        %get3A_1232 = tpu.vector_load %arg10[%get3A_1230, %get3A_1231] {strides = array<i32>} : memref<8x1024xi32, #tpu.memory_space<vmem>>, vector<16xi32>,
        %get3A_1233 = arith.index_cast %scan3A_628 : i32 to index
        %get3A_1234 = arith.constant 1008 : index
        %get3A_1235 = tpu.vector_load %arg10[%get3A_1233, %get3A_1234] {strides = array<i32>} : memref<8x1024xi32, #tpu.memory_space<vmem>>, vector<16xi32>,
        %gather3A_1236 = tpu.vector_load_idx %arg6[%get3A_1214] : memref<256xf32, #tpu.memory_space<vmem>>[vector<16xi32>], vector<16xf32>,
        %gather3A_1237 = tpu.vector_load_idx %arg6[%get3A_1217] : memref<256xf32, #tpu.memory_space<vmem>>[vector<16xi32>], vector<16xf32>,
        %gather3A_1238 = tpu.vector_load_idx %arg6[%get3A_1220] : memref<256xf32, #tpu.memory_space<vmem>>[vector<16xi32>], vector<16xf32>,
        %gather3A_1239 = tpu.vector_load_idx %arg6[%get3A_1223] : memref<256xf32, #tpu.memory_space<vmem>>[vector<16xi32>], vector<16xf32>,
        %gather3A_1240 = tpu.vector_load_idx %arg6[%get3A_1226] : memref<256xf32, #tpu.memory_space<vmem>>[vector<16xi32>], vector<16xf32>,
        %gather3A_1241 = tpu.vector_load_idx %arg6[%get3A_1229] : memref<256xf32, #tpu.memory_space<vmem>>[vector<16xi32>], vector<16xf32>,
        %gather3A_1242 = tpu.vector_load_idx %arg6[%get3A_1232] : memref<256xf32, #tpu.memory_space<vmem>>[vector<16xi32>], vector<16xf32>,
        %gather3A_1243 = tpu.vector_load_idx %arg6[%get3A_1235] : memref<256xf32, #tpu.memory_space<vmem>>[vector<16xi32>], vector<16xf32>,
        %swap3A_1244 = arith.index_cast %scan3A_628 : i32 to index
        %swap3A_1245 = arith.constant 896 : index
        %swap3A_1246 = tpu.vector_load %arg14[%swap3A_1244, %swap3A_1245] {strides = array<i32>} : memref<8x1024xf32, #tpu.memory_space<vmem>>, vector<16xf32>,
        tpu.vector_store %arg14[%swap3A_1244, %swap3A_1245], %gather3A_1236 {strides = array<i32>} : memref<8x1024xf32, #tpu.memory_space<vmem>>, vector<16xf32>,
        %swap3A_1247 = arith.index_cast %scan3A_628 : i32 to index
        %swap3A_1248 = arith.constant 912 : index
        %swap3A_1249 = tpu.vector_load %arg14[%swap3A_1247, %swap3A_1248] {strides = array<i32>} : memref<8x1024xf32, #tpu.memory_space<vmem>>, vector<16xf32>,
        tpu.vector_store %arg14[%swap3A_1247, %swap3A_1248], %gather3A_1237 {strides = array<i32>} : memref<8x1024xf32, #tpu.memory_space<vmem>>, vector<16xf32>,
        %swap3A_1250 = arith.index_cast %scan3A_628 : i32 to index
        %swap3A_1251 = arith.constant 928 : index
        %swap3A_1252 = tpu.vector_load %arg14[%swap3A_1250, %swap3A_1251] {strides = array<i32>} : memref<8x1024xf32, #tpu.memory_space<vmem>>, vector<16xf32>,
        tpu.vector_store %arg14[%swap3A_1250, %swap3A_1251], %gather3A_1238 {strides = array<i32>} : memref<8x1024xf32, #tpu.memory_space<vmem>>, vector<16xf32>,
        %swap3A_1253 = arith.index_cast %scan3A_628 : i32 to index
        %swap3A_1254 = arith.constant 944 : index
        %swap3A_1255 = tpu.vector_load %arg14[%swap3A_1253, %swap3A_1254] {strides = array<i32>} : memref<8x1024xf32, #tpu.memory_space<vmem>>, vector<16xf32>,
        tpu.vector_store %arg14[%swap3A_1253, %swap3A_1254], %gather3A_1239 {strides = array<i32>} : memref<8x1024xf32, #tpu.memory_space<vmem>>, vector<16xf32>,
        %swap3A_1256 = arith.index_cast %scan3A_628 : i32 to index
        %swap3A_1257 = arith.constant 960 : index
        %swap3A_1258 = tpu.vector_load %arg14[%swap3A_1256, %swap3A_1257] {strides = array<i32>} : memref<8x1024xf32, #tpu.memory_space<vmem>>, vector<16xf32>,
        tpu.vector_store %arg14[%swap3A_1256, %swap3A_1257], %gather3A_1240 {strides = array<i32>} : memref<8x1024xf32, #tpu.memory_space<vmem>>, vector<16xf32>,
        %swap3A_1259 = arith.index_cast %scan3A_628 : i32 to index
        %swap3A_1260 = arith.constant 976 : index
        %swap3A_1261 = tpu.vector_load %arg14[%swap3A_1259, %swap3A_1260] {strides = array<i32>} : memref<8x1024xf32, #tpu.memory_space<vmem>>, vector<16xf32>,
        tpu.vector_store %arg14[%swap3A_1259, %swap3A_1260], %gather3A_1241 {strides = array<i32>} : memref<8x1024xf32, #tpu.memory_space<vmem>>, vector<16xf32>,
        %swap3A_1262 = arith.index_cast %scan3A_628 : i32 to index
        %swap3A_1263 = arith.constant 992 : index
        %swap3A_1264 = tpu.vector_load %arg14[%swap3A_1262, %swap3A_1263] {strides = array<i32>} : memref<8x1024xf32, #tpu.memory_space<vmem>>, vector<16xf32>,
        tpu.vector_store %arg14[%swap3A_1262, %swap3A_1263], %gather3A_1242 {strides = array<i32>} : memref<8x1024xf32, #tpu.memory_space<vmem>>, vector<16xf32>,
        %swap3A_1265 = arith.index_cast %scan3A_628 : i32 to index
        %swap3A_1266 = arith.constant 1008 : index
        %swap3A_1267 = tpu.vector_load %arg14[%swap3A_1265, %swap3A_1266] {strides = array<i32>} : memref<8x1024xf32, #tpu.memory_space<vmem>>, vector<16xf32>,
        tpu.vector_store %arg14[%swap3A_1265, %swap3A_1266], %gather3A_1243 {strides = array<i32>} : memref<8x1024xf32, #tpu.memory_space<vmem>>, vector<16xf32>,
        %scan3A_1268 = arith.constant 0 : i32
        scf.yield %scan3A_1268 : i32
      }
      %scan3A_612 = arith.constant 8 : i32
      %mul3A_613 = arith.constant 8 : i32
      %mul3A_614 = arith.muli %add3A_594, %mul3A_613 : i32
      %add3A_615 = arith.addi %mul3A_2, %mul3A_614 : i32
      %dma_start3A_616 = arith.constant 0 : i32
      %dma_start3A_617 = tpu.memref_slice %arg5[%add3A_615, %dma_start3A_616] : memref<32768x1024xf32, #tpu.memory_space<hbm>> -> memref<8x1024xf32, #tpu.memory_space<hbm>>
      %dma_start3A_618 = arith.constant 0 : i32
      %dma_start3A_619 = tpu.memref_slice %arg5[%add3A_615, %dma_start3A_618] : memref<32768x1024xf32, #tpu.memory_space<hbm>> -> memref<8x1024xf32, #tpu.memory_space<hbm>>
      tpu.enqueue_dma source(%arg14 : memref<8x1024xf32, #tpu.memory_space<vmem>>) target(%dma_start3A_619 : memref<8x1024xf32, #tpu.memory_space<hbm>>) target_semaphore(%arg24 : memref<!tpu.dma_semaphore, #tpu.memory_space<semaphore_mem>>)
      %add3A_620 = arith.constant 4 : i32
      %add3A_621 = arith.addi %add3A_594, %add3A_620 : i32
      %lt3A_622 = arith.constant 128 : i32
      %lt3A_623 = arith.cmpi slt, %add3A_621, %lt3A_622 : i32
      %convert_element_type3A_624 = arith.extui %lt3A_623 : i1 to i32
      %cond3A_625 = arith.constant 0 : i32
      %cond3A_626 = arith.cmpi ne, %convert_element_type3A_624, %cond3A_625 : i32
      scf.if %cond3A_626 {
        %add3A_628 = arith.constant 4 : i32
        %add3A_629 = arith.addi %add3A_594, %add3A_628 : i32
        %mul3A_630 = arith.constant 8 : i32
        %mul3A_631 = arith.muli %add3A_629, %mul3A_630 : i32
        %add3A_632 = arith.addi %mul3A_2, %mul3A_631 : i32
        %dma_start3A_633 = arith.constant 0 : i32
        %dma_start3A_634 = tpu.memref_slice %arg2[%add3A_632, %dma_start3A_633] : memref<32768x1024xi32, #tpu.memory_space<hbm>> -> memref<8x1024xi32, #tpu.memory_space<hbm>>
        %dma_start3A_635 = arith.constant 0 : i32
        %dma_start3A_636 = tpu.memref_slice %arg2[%add3A_632, %dma_start3A_635] : memref<32768x1024xi32, #tpu.memory_space<hbm>> -> memref<8x1024xi32, #tpu.memory_space<hbm>>
        tpu.enqueue_dma source(%dma_start3A_636 : memref<8x1024xi32, #tpu.memory_space<hbm>>) target(%arg10 : memref<8x1024xi32, #tpu.memory_space<vmem>>) target_semaphore(%arg20 : memref<!tpu.dma_semaphore, #tpu.memory_space<semaphore_mem>>)
      } else {
      }
      %scan3A_627 = arith.constant 0 : i32
      scf.yield %scan3A_627 : i32
    }
    %scan3A_460 = arith.constant 32 : i32
    %dma_wait3A = arith.constant 0 : i32
    %dma_wait3A_461 = arith.constant 0 : i32
    %dma_wait3A_462 = tpu.memref_slice %arg5[%dma_wait3A, %dma_wait3A_461] : memref<32768x1024xf32, #tpu.memory_space<hbm>> -> memref<8x1024xf32, #tpu.memory_space<hbm>>
    %dma_wait3A_463 = arith.constant 0 : i32
    %dma_wait3A_464 = arith.constant 0 : i32
    %dma_wait3A_465 = tpu.memref_slice %arg5[%dma_wait3A_463, %dma_wait3A_464] : memref<32768x1024xf32, #tpu.memory_space<hbm>> -> memref<8x1024xf32, #tpu.memory_space<hbm>>
    tpu.wait_dma2 semaphore(%arg21 : memref<!tpu.dma_semaphore, #tpu.memory_space<semaphore_mem>>) src(%arg11 : memref<8x1024xf32, #tpu.memory_space<vmem>>) dst(%dma_wait3A_465 : memref<8x1024xf32, #tpu.memory_space<hbm>>)
    %dma_wait3A_466 = arith.constant 0 : i32
    %dma_wait3A_467 = arith.constant 0 : i32
    %dma_wait3A_468 = tpu.memref_slice %arg5[%dma_wait3A_466, %dma_wait3A_467] : memref<32768x1024xf32, #tpu.memory_space<hbm>> -> memref<8x1024xf32, #tpu.memory_space<hbm>>
    %dma_wait3A_469 = arith.constant 0 : i32
    %dma_wait3A_470 = arith.constant 0 : i32
    %dma_wait3A_471 = tpu.memref_slice %arg5[%dma_wait3A_469, %dma_wait3A_470] : memref<32768x1024xf32, #tpu.memory_space<hbm>> -> memref<8x1024xf32, #tpu.memory_space<hbm>>
    tpu.wait_dma2 semaphore(%arg22 : memref<!tpu.dma_semaphore, #tpu.memory_space<semaphore_mem>>) src(%arg12 : memref<8x1024xf32, #tpu.memory_space<vmem>>) dst(%dma_wait3A_471 : memref<8x1024xf32, #tpu.memory_space<hbm>>)
    %dma_wait3A_472 = arith.constant 0 : i32
    %dma_wait3A_473 = arith.constant 0 : i32
    %dma_wait3A_474 = tpu.memref_slice %arg5[%dma_wait3A_472, %dma_wait3A_473] : memref<32768x1024xf32, #tpu.memory_space<hbm>> -> memref<8x1024xf32, #tpu.memory_space<hbm>>
    %dma_wait3A_475 = arith.constant 0 : i32
    %dma_wait3A_476 = arith.constant 0 : i32
    %dma_wait3A_477 = tpu.memref_slice %arg5[%dma_wait3A_475, %dma_wait3A_476] : memref<32768x1024xf32, #tpu.memory_space<hbm>> -> memref<8x1024xf32, #tpu.memory_space<hbm>>
    tpu.wait_dma2 semaphore(%arg23 : memref<!tpu.dma_semaphore, #tpu.memory_space<semaphore_mem>>) src(%arg13 : memref<8x1024xf32, #tpu.memory_space<vmem>>) dst(%dma_wait3A_477 : memref<8x1024xf32, #tpu.memory_space<hbm>>)
    %dma_wait3A_478 = arith.constant 0 : i32
    %dma_wait3A_479 = arith.constant 0 : i32
    %dma_wait3A_480 = tpu.memref_slice %arg5[%dma_wait3A_478, %dma_wait3A_479] : memref<32768x1024xf32, #tpu.memory_space<hbm>> -> memref<8x1024xf32, #tpu.memory_space<hbm>>
    %dma_wait3A_481 = arith.constant 0 : i32
    %dma_wait3A_482 = arith.constant 0 : i32
    %dma_wait3A_483 = tpu.memref_slice %arg5[%dma_wait3A_481, %dma_wait3A_482] : memref<32768x1024xf32, #tpu.memory_space<hbm>> -> memref<8x1024xf32, #tpu.memory_space<hbm>>
    tpu.wait_dma2 semaphore(%arg24 : memref<!tpu.dma_semaphore, #tpu.memory_space<semaphore_mem>>) src(%arg14 : memref<8x1024xf32, #tpu.memory_space<vmem>>) dst(%dma_wait3A_483 : memref<8x1024xf32, #tpu.memory_space<hbm>>)
    return
  }
}

</mosaic_0001>

<sc_bundles>
// kernel: kernel.3.cloned.1.call-start
scs
__scs_entry_jumppad:
0x0: {  	(pc) =	sbr.rel $0x88, $3  }
0x1: {  	(tag) =	ssettag $0x0;
	lr =	simm.s32 $0x1  }
0x2: {  	[smem:$0x3F9E] =	sst lr;
	_ =	strace $0xD0000000  }
0x3: {  	_ = 	snop  }
0x4: {  	_ = 	snop  }
0x5: {  	_ = 	snop  }
0x6: {  	_ = 	snop  }
0x7: {  	_ = 	snop  }
__scs_overlays_trampoline_lowered:
0x8: {  	[smem:$0x3FAD] =	sst s0  }
0x9: {  	[smem:$0x3FAE] =	sst s1  }
0xa: {  	[smem:$0x3FAF] =	sst s2  }
0xb: {  	[smem:$0x3FB0] =	sst s3  }
0xc: {  	[smem:$0x3FB1] =	sst s4  }
0xd: {  	[smem:$0x3FB2] =	sst s5  }
0xe: {  	[smem:$0x3FB3] =	sst s6  }
0xf: {  	[smem:$0x3FB4] =	sst s7  }
0x10: {  	[smem:$0x3FB5] =	sst s8  }
0x11: {  	[smem:$0x3FB6] =	sst s9;
	s0 =	simm.s32 @!p0 $0x0  }
0x12: {  	s1 =	sld [smem:$0x3F9C];
	s0 =	simm.s32 @p0 $0x1  }
0x13: {  	[smem:$0x3FB7] =	sst s0;
	s0 =	simm.s32 @!p1 $0x0  }
0x14: {  	s2 =	sld [smem:$0x3F9B];
	s0 =	simm.s32 @p1 $0x1  }
0x15: {  	[smem:$0x3FB8] =	sst s0;
	s0 =	simm.s32 @!p2 $0x0  }
0x16: {  	s3 =	sld [smem:$0x3FDB];
	s0 =	simm.s32 @p2 $0x1  }
0x17: {  	s4 =	simm.s32 $0x1BF5;
	[smem:$0x3FBA] =	sst s0  }
0x18: {  	s0 =	sld [smem:$0x3F9D];
	_ =	swait.ge [sflag:s4], $0x0  }
0x19: {  	s7 =	sld [smem:$0x3F9E]  }
0x1a: {  	s8 =	sadd.s32 $0xFFFFE003, lr  }
0x1b: {  	s9 =	sadd.s32 $0xFFFFFEF7, lr;
	s5 =	simm.s32 $0xFFFFFFFF;
	p2 =	slt.u32 s8, $0xFFFFF086  }
0x1c: {  	p1 =	slt.u32 s9, $0xF7A;
	s5 =	simm.s32 @!p2 $0x0  }
0x1d: {  	s5 =	simm.s32 @p1 $0x1;
	p0 =	seq.s32 s7, s2  }
0x1e: {  	s7 =	smul.u32 @!p0 $0xF7A, s2;
	p2 =	seq.s32 @!p0 s5, $0x0  }
0x1f: {  	s9 =	smul.u32 $0xF7A, s1;
	s8 =	simm.s32 @!p0 $0x1BF5;
	p2 =	por !p2, p0  }
0x20: {  	[sflag:s8] =	ssyncset.s32 @!p0 $0xFFFFF086;
	s6 =	sadd.s32 @!p0 s3, s7;
	s7 =	simm.s32 @!p0 $0x108  }
0x21: {  	s3 =	sadd.s32 s3, s9;
	s6 =	sadd.s32 @!p0 $0x88, s6;
	s7 =	simm.s32 @p2 $0x1082  }
0x22: {  	[simem:s7], [sflag:s8] =	dma.local @!p0 [hbm:s6], $0xF7A  }
0x23: {  	s9 =	sor.u32 $0xD0000000, s2;
	s6 =	simm.s32 $0x108;
	_ =	swait.ge @!p0 [sflag:s8], $0x0  }
0x24: {  	s3 =	sadd.s32 $0x88, s3;
	s6 =	simm.s32 @!p1 $0x1082;
	[sflag:s4] =	ssyncset.s32 $0xFFFFF086  }
0x25: {  	[simem:s6], [sflag:s4] =	dma.local [hbm:s3], $0xF7A  }
0x26: {  	[smem:$0x3F9E] =	sst s1;
	(tag) =	ssettag s2;
	_ =	strace s9  }
0x27: {  	s1 =	sld [smem:$0x3FAE]  }
0x28: {  	s2 =	sld [smem:$0x3FAF]  }
0x29: {  	s4 =	sld [smem:$0x3FB1]  }
0x2a: {  	p0 =	seq.s32 s5, $0x0;
	s5 =	sld [smem:$0x3FB2]  }
0x2b: {  	s6 =	sld [smem:$0x3FB3]  }
0x2c: {  	s7 =	sld [smem:$0x3FB4]  }
0x2d: {  	s3 =	simm.s32 $0x108;
	s8 =	sld [smem:$0x3FB5]  }
0x2e: {  	s3 =	simm.s32 @!p0 $0x1082;
	s9 =	sld [smem:$0x3FB6]  }
0x2f: {  	lr =	sadd.s32 s0, s3;
	s0 =	sld [smem:$0x3FAD]  }
0x30: {  	s3 =	sld [smem:$0x3FB0]  }
0x31: {  	[smem:$0x3FB9] =	sst s10  }
0x32: {  	s10 =	sld [smem:$0x3FB7];
	_ =	sdelay $0x3  }
0x33: {  	p0 =	seq.s32 s10, $0x1;
	s10 =	sld [smem:$0x3FB9];
	_ =	sdelay $0x3  }
0x34: {  	[smem:$0x3FB9] =	sst s10  }
0x35: {  	s10 =	sld [smem:$0x3FB8];
	_ =	sdelay $0x3  }
0x36: {  	p1 =	seq.s32 s10, $0x1;
	s10 =	sld [smem:$0x3FB9];
	_ =	sdelay $0x3  }
0x37: {  	[smem:$0x3FB9] =	sst s10  }
0x38: {  	s10 =	sld [smem:$0x3FBA]  }
0x39: {  	_ = 	snop;
	(pc) =	sbr.ind lr, $3  }
0x3a: {  	_ = 	snop  }
0x3b: {  	_ = 	snop  }
0x3c: {  	p2 =	seq.s32 s10, $0x1;
	s10 =	sld [smem:$0x3FB9]  }
0x3d: {  	_ =	shalt  }
0x3e: {  	_ =	shalt  }
0x3f: {  	_ =	shalt  }
0x40: {  	_ =	shalt  }
0x41: {  	_ =	shalt  }
0x42: {  	_ =	shalt  }
0x43: {  	_ =	shalt  }
0x44: {  	_ =	shalt  }
0x45: {  	_ =	shalt  }
0x46: {  	_ =	shalt  }
0x47: {  	_ =	shalt  }
0x48: {  	_ =	shalt  }
0x49: {  	_ =	shalt  }
0x4a: {  	_ =	shalt  }
0x4b: {  	_ =	shalt  }
0x4c: {  	_ =	shalt  }
0x4d: {  	_ =	shalt  }
0x4e: {  	_ =	shalt  }
0x4f: {  	_ =	shalt  }
0x50: {  	_ =	shalt  }
0x51: {  	_ =	shalt  }
0x52: {  	_ =	shalt  }
0x53: {  	_ =	shalt  }
0x54: {  	_ =	shalt  }
0x55: {  	_ =	shalt  }
0x56: {  	_ =	shalt  }
0x57: {  	_ =	shalt  }
0x58: {  	_ =	shalt  }
0x59: {  	_ =	shalt  }
0x5a: {  	_ =	shalt  }
0x5b: {  	_ =	shalt  }
0x5c: {  	_ =	shalt  }
0x5d: {  	_ =	shalt  }
0x5e: {  	_ =	shalt  }
0x5f: {  	_ =	shalt  }
0x60: {  	_ =	shalt  }
0x61: {  	_ =	shalt  }
0x62: {  	_ =	shalt  }
0x63: {  	_ =	shalt  }
0x64: {  	_ =	shalt  }
0x65: {  	_ =	shalt  }
0x66: {  	_ =	shalt  }
0x67: {  	_ =	shalt  }
0x68: {  	_ =	shalt  }
0x69: {  	_ =	shalt  }
0x6a: {  	_ =	shalt  }
0x6b: {  	_ =	shalt  }
0x6c: {  	_ =	shalt  }
0x6d: {  	_ =	shalt  }
0x6e: {  	_ =	shalt  }
0x6f: {  	_ =	shalt  }
0x70: {  	_ =	shalt  }
0x71: {  	_ =	shalt  }
0x72: {  	_ =	shalt  }
0x73: {  	_ =	shalt  }
0x74: {  	_ =	shalt  }
0x75: {  	_ =	shalt  }
0x76: {  	_ =	shalt  }
0x77: {  	_ =	shalt  }
0x78: {  	_ =	shalt  }
0x79: {  	_ =	shalt  }
0x7a: {  	_ =	shalt  }
0x7b: {  	_ =	shalt  }
0x7c: {  	_ =	shalt  }
0x7d: {  	_ =	shalt  }
0x7e: {  	_ =	shalt  }
0x7f: {  	_ =	shalt  }
0x80: {  	_ =	shalt  }
0x81: {  	_ =	shalt  }
0x82: {  	_ =	shalt  }
0x83: {  	_ =	shalt  }
0x84: {  	_ =	shalt  }
0x85: {  	_ =	shalt  }
0x86: {  	_ =	shalt  }
0x87: {  	_ =	shalt  }
.Lfunc_end0:
.L_simem_size_0:
called_computation_lowered:
.L_overlay_start_0:
0x88: {  	s2 =	sld [smem:$0x3FD9]  }
0x89: {  	s3 =	sld [smem:$0x3FFE];
	_ =	sdelay $0x1  }
0x8a: {  	s1 =	srdreg.scid  }
0x8b: {  	s0 =	sand.u32 $0x1, s1  }
0x8c: {  	s17 =	sshll.u32 s0, $0xA;
	s2 =	sadd.s32 s3, s2  }
0x8d: {  	s2 =	sadd.s32 s2, s17  }
0x8e: {  	[smem:$0x3FC5] =	sst s2  }
0x8f: {  	_ = 	snop  }
0x90: {  	s2 =	sld [smem:$0x3FC9]  }
0x91: {  	s18 =	sld [smem:$0x3FD0];
	(tm) =	ssettm $0x1  }
0x92: {  	s4 =	sld [smem:$0x3FFB];
	_ =	sdelay $0x3  }
0x93: {  	_ =	strace s4  }
0x94: {  	s4 =	sld [smem:$0x3FFC];
	_ =	sdelay $0x3  }
0x95: {  	_ =	strace s4  }
0x96: {  	s4 =	sld [smem:$0x3FFD];
	_ =	sdelay $0x3  }
0x97: {  	_ =	strace s4  }
0x98: {  	_ =	strace $0x8FFFFFFF  }
0x99: {  	s19 =	sld [smem:$0x3FDB];
	_ =	sdelay $0x1  }
0x9a: {  	s5 =	simm.s32 $_scs_section_size  }
0x9b: {  	s6 =	simm.s32 $_size__tile_overlayer_lowered;
	s7 =	simm.s32 $_tile_overlayer_lowered  }
0x9c: {  	s22 =	simm.s32 $0x1BFF;
	s21 =	sshll.u32 s7, $0x1;
	s4 =	sadd.s32 s5, s19  }
0x9d: {  	s8 =	simm.s32 $0x0;
	s20 =	sshll.u32 s6, $0x1;
	s6 =	sadd.s32 s21, s4  }
0x9e: {  	[timem:s8], [sflag:s22] =	dma.local [hbm:s6], s20  }
0x9f: {  	_ =	swait.ge [sflag:s22], s20  }
0xa0: {  	s5 =	ssub.s32 $0x0, s20;
	[sflag:s22] =	ssyncset.done $0x0  }
0xa1: {  	[sflag:s22] =	ssyncadd.s32 s5;
	_ =	sdelay $0x1  }
0xa2: {  	s23 =	simm.s32 $0x1B8B  }
0xa3: {  	_ =	swait.ge [sflag:s23], $0x1  }
0xa4: {  	[sflag:s23] =	ssyncset.done $0x0  }
0xa5: {  	s25 =	simm.s32 $0x1B8E;
	s24 =	sld [smem:$0x3FFE];
	[sflag:s23] =	ssyncadd.s32 $0xFFFFFFFF  }
0xa6: {  	s26 =	simm.s32 $execute0_lowered;
	[smem:$0x3FD2] =	sst s25  }
0xa7: {  	s6 =	sshll.u32 s26, $0x1;
	_ =	strace $0x80000046;
	[dreg:$0x1] =	wrdreg $0xFFFFFFFF  }
0xa8: {  	s28 =	simm.s32 $_size_execute0_lowered;
	s4 =	sadd.s32 s4, s6;
	[dreg:$0x0] =	wrdreg $0x0  }
0xa9: {  	s6 =	sshll.u32 s28, $0x1;
	[dreg:$0x2] =	wrdreg s4  }
0xaa: {  	[dreg:$0x3] =	wrdreg s6  }
0xab: {  	[dreg:$0x4] =	wrdreg $0xC0  }
0xac: {  	_ =	task [dreg:s8], $0x5FFFF  }
0xad: {  	[dreg:$0x1] =	wrdreg $0xFFFFFFFF  }
0xae: {  	[dreg:$0x0] =	wrdreg $0x60  }
0xaf: {  	[dreg:$0x2] =	wrdreg s2  }
0xb0: {  	[dreg:$0x3] =	wrdreg s24  }
0xb1: {  	[dreg:$0x4] =	wrdreg s18  }
0xb2: {  	[dreg:$0x5] =	wrdreg $0x9  }
0xb3: {  	_ =	task.clear_ibuf [dreg:s8], $0x6FFFF;
	_ =	strace $0x90000046  }
0xb4: {  	s29 =	simm.s32 $0x9;
	_ =	strace $0x80000048  }
0xb5: {  	_ =	swait.ge [sflag:s29], $0x1  }
0xb6: {  	[sflag:s29] =	ssyncadd.s32 $0xFFFFFFFF  }
0xb7: {  	_ =	strace $0x90000048  }
0xb8: {  	_ =	sfence  }
0xb9: {  	s30 =	sld [smem:$0x0];
	_ =	sdelay $0x2  }
0xba: {  	s31 =	sshll.u32 s1, $0xD;
	s1 =	sshrl.u32 s1, $0x2  }
0xbb: {  	s3 =	sand.u32 $0x4000, s31;
	s1 =	sadd.s32 s1, s30  }
0xbc: {  	s0 =	sor.u32 s3, s0;
	s1 =	sshll.u32 s1, $0x11  }
0xbd: {  	s0 =	sor.u32 s1, s0  }
0xbe: {  	s0 =	sadd.s32 $0x8F2B, s0  }
0xbf: {  	[sflag:s0] =	ssyncadd.remote.s32 $0x1  }
0xc0: {  	_ =	sfence.sel $0xFFFF  }
0xc1: {  	[dreg:$0x0] =	wrdreg $0xFFFFFFFF;
	(pc) =	sbr.abs _section_cstart, $3  }
0xc2: {  	[dreg:$0x1] =	wrdreg $0xFFFFFFFF  }
0xc3: {  	_ =	task.clear_ibuf [dreg:s8], $0x2FFFF;
	_ =	strace $0x9FFFFFFF  }
0xc4: {  	(tm) =	ssettm $0x7FFFFFFF  }
0xc5: {  	_ =	shalt  }
tec
execute0_lowered:
.L_overlay_start_1:
0x0: {  	(tag) =	ssettag $0x1  }
0x1: {  	v0 =	vimm.f32 $1.130000000e+02  }
0x2: {  	vm14 =	vcmask $0x300;
	vm13 =	vcmask $0x704;
	vm12 =	vcmask $0xB08  }
0x3: {  	vm11 =	vcmask $0xF0C;
	vm10 =	vcmask $0x1310;
	vm9 =	vcmask $0x1714  }
0x4: {  	vm8 =	vcmask $0x1B18;
	vm7 =	vcmask $0x1F1C;
	vm6 =	vcmask $0x2320  }
0x5: {  	vm5 =	vcmask $0x2724;
	vm4 =	vcmask $0x2B28;
	vm3 =	vcmask $0x2F2C  }
0x6: {  	vm2 =	vcmask $0x3330;
	vm1 =	vcmask $0x3734;
	vm0 =	vcmask $0x3B38  }
0x7: {  	v1 =	vimm.f32 $9.700000000e+01;
	v2 =	vimm.f32 $8.100000000e+01;
	v3 =	vimm.f32 $6.500000000e+01  }
0x8: {  	v4 =	vimm.f32 $4.900000000e+01;
	v5 =	vimm.f32 $3.300000000e+01;
	v6 =	vimm.f32 $1.700000000e+01  }
0x9: {  	v7 =	vimm.f32 $1.000000000e+00;
	v8 =	vimm.f32 $-1.500000000e+01;
	v9 =	vimm.f32 $-3.100000000e+01  }
0xa: {  	v10 =	vimm.f32 $-4.700000000e+01;
	v11 =	vimm.f32 $-6.300000000e+01;
	v12 =	vimm.f32 $-7.900000000e+01  }
0xb: {  	v13 =	vimm.f32 $-9.500000000e+01;
	v14 =	vimm.f32 $-1.110000000e+02;
	v15 =	vimm.f32 $-1.270000000e+02  }
0xc: {  	v0 =	vsel vm14, $0x43000000, v0;
	v1 =	vsel vm14, $0x42E00000, v1;
	v2 =	vsel vm14, $0x42C00000, v2  }
0xd: {  	v3 =	vsel vm14, $0x42A00000, v3;
	v4 =	vsel vm14, $0x42800000, v4;
	v5 =	vsel vm14, $0x42400000, v5  }
0xe: {  	v6 =	vsel vm14, $0x42000000, v6;
	v7 =	vsel vm14, $0x41800000, v7;
	v8 =	vsel vm14, $0x80000000, v8  }
0xf: {  	v9 =	vsel vm14, $0xC1800000, v9;
	v10 =	vsel vm14, $0xC2000000, v10;
	v11 =	vsel vm14, $0xC2400000, v11  }
0x10: {  	v12 =	vsel vm14, $0xC2800000, v12;
	v13 =	vsel vm14, $0xC2A00000, v13;
	v14 =	vsel vm14, $0xC2C00000, v14  }
0x11: {  	v15 =	vsel vm14, $0xC2E00000, v15;
	v0 =	vsel vm13, $0x42FE0000, v0;
	v1 =	vsel vm13, $0x42DE0000, v1  }
0x12: {  	v2 =	vsel vm13, $0x42BE0000, v2;
	v3 =	vsel vm13, $0x429E0000, v3;
	v4 =	vsel vm13, $0x427C0000, v4  }
0x13: {  	v5 =	vsel vm13, $0x423C0000, v5;
	v6 =	vsel vm13, $0x41F80000, v6;
	v7 =	vsel vm13, $0x41700000, v7  }
0x14: {  	v8 =	vsel vm13, $0xBF800000, v8;
	v9 =	vsel vm13, $0xC1880000, v9;
	v10 =	vsel vm13, $0xC2040000, v10  }
0x15: {  	v11 =	vsel vm13, $0xC2440000, v11;
	v12 =	vsel vm13, $0xC2820000, v12;
	v13 =	vsel vm13, $0xC2A20000, v13  }
0x16: {  	v14 =	vsel vm13, $0xC2C20000, v14;
	v15 =	vsel vm13, $0xC2E20000, v15;
	v0 =	vsel vm12, $0x42FC0000, v0  }
0x17: {  	v1 =	vsel vm12, $0x42DC0000, v1;
	v2 =	vsel vm12, $0x42BC0000, v2;
	v3 =	vsel vm12, $0x429C0000, v3  }
0x18: {  	v4 =	vsel vm12, $0x42780000, v4;
	v5 =	vsel vm12, $0x42380000, v5;
	v6 =	vsel vm12, $0x41F00000, v6  }
0x19: {  	v7 =	vsel vm12, $0x41600000, v7;
	v8 =	vsel vm12, $0xC0000000, v8;
	v9 =	vsel vm12, $0xC1900000, v9  }
0x1a: {  	v10 =	vsel vm12, $0xC2080000, v10;
	v11 =	vsel vm12, $0xC2480000, v11;
	v12 =	vsel vm12, $0xC2840000, v12  }
0x1b: {  	v13 =	vsel vm12, $0xC2A40000, v13;
	v14 =	vsel vm12, $0xC2C40000, v14;
	v15 =	vsel vm12, $0xC2E40000, v15  }
0x1c: {  	v0 =	vsel vm11, $0x42FA0000, v0;
	v1 =	vsel vm11, $0x42DA0000, v1;
	v2 =	vsel vm11, $0x42BA0000, v2  }
0x1d: {  	v3 =	vsel vm11, $0x429A0000, v3;
	v4 =	vsel vm11, $0x42740000, v4;
	v5 =	vsel vm11, $0x42340000, v5  }
0x1e: {  	v6 =	vsel vm11, $0x41E80000, v6;
	v7 =	vsel vm11, $0x41500000, v7;
	v8 =	vsel vm11, $0xC0400000, v8  }
0x1f: {  	v9 =	vsel vm11, $0xC1980000, v9;
	v10 =	vsel vm11, $0xC20C0000, v10;
	v11 =	vsel vm11, $0xC24C0000, v11  }
0x20: {  	v12 =	vsel vm11, $0xC2860000, v12;
	v13 =	vsel vm11, $0xC2A60000, v13;
	v14 =	vsel vm11, $0xC2C60000, v14  }
0x21: {  	v15 =	vsel vm11, $0xC2E60000, v15;
	v0 =	vsel vm10, $0x42F80000, v0;
	v1 =	vsel vm10, $0x42D80000, v1  }
0x22: {  	v2 =	vsel vm10, $0x42B80000, v2;
	v3 =	vsel vm10, $0x42980000, v3;
	v4 =	vsel vm10, $0x42700000, v4  }
0x23: {  	v5 =	vsel vm10, $0x42300000, v5;
	v6 =	vsel vm10, $0x41E00000, v6;
	v7 =	vsel vm10, $0x41400000, v7  }
0x24: {  	v8 =	vsel vm10, $0xC0800000, v8;
	v9 =	vsel vm10, $0xC1A00000, v9;
	v10 =	vsel vm10, $0xC2100000, v10  }
0x25: {  	v11 =	vsel vm10, $0xC2500000, v11;
	v12 =	vsel vm10, $0xC2880000, v12;
	v13 =	vsel vm10, $0xC2A80000, v13  }
0x26: {  	v14 =	vsel vm10, $0xC2C80000, v14;
	v15 =	vsel vm10, $0xC2E80000, v15;
	v0 =	vsel vm9, $0x42F60000, v0  }
0x27: {  	v1 =	vsel vm9, $0x42D60000, v1;
	v2 =	vsel vm9, $0x42B60000, v2;
	v3 =	vsel vm9, $0x42960000, v3  }
0x28: {  	v4 =	vsel vm9, $0x426C0000, v4;
	v5 =	vsel vm9, $0x422C0000, v5;
	v6 =	vsel vm9, $0x41D80000, v6  }
0x29: {  	v7 =	vsel vm9, $0x41300000, v7;
	v8 =	vsel vm9, $0xC0A00000, v8;
	v9 =	vsel vm9, $0xC1A80000, v9  }
0x2a: {  	v10 =	vsel vm9, $0xC2140000, v10;
	v11 =	vsel vm9, $0xC2540000, v11;
	v12 =	vsel vm9, $0xC28A0000, v12  }
0x2b: {  	v13 =	vsel vm9, $0xC2AA0000, v13;
	v14 =	vsel vm9, $0xC2CA0000, v14;
	v15 =	vsel vm9, $0xC2EA0000, v15  }
0x2c: {  	v0 =	vsel vm8, $0x42F40000, v0;
	v1 =	vsel vm8, $0x42D40000, v1;
	v2 =	vsel vm8, $0x42B40000, v2  }
0x2d: {  	v3 =	vsel vm8, $0x42940000, v3;
	v4 =	vsel vm8, $0x42680000, v4;
	v5 =	vsel vm8, $0x42280000, v5  }
0x2e: {  	v6 =	vsel vm8, $0x41D00000, v6;
	v7 =	vsel vm8, $0x41200000, v7;
	v8 =	vsel vm8, $0xC0C00000, v8  }
0x2f: {  	v9 =	vsel vm8, $0xC1B00000, v9;
	v10 =	vsel vm8, $0xC2180000, v10;
	v11 =	vsel vm8, $0xC2580000, v11  }
0x30: {  	v12 =	vsel vm8, $0xC28C0000, v12;
	v13 =	vsel vm8, $0xC2AC0000, v13;
	v14 =	vsel vm8, $0xC2CC0000, v14  }
0x31: {  	v15 =	vsel vm8, $0xC2EC0000, v15;
	v0 =	vsel vm7, $0x42F20000, v0;
	v1 =	vsel vm7, $0x42D20000, v1  }
0x32: {  	v2 =	vsel vm7, $0x42B20000, v2;
	v3 =	vsel vm7, $0x42920000, v3;
	v4 =	vsel vm7, $0x42640000, v4  }
0x33: {  	v5 =	vsel vm7, $0x42240000, v5;
	v6 =	vsel vm7, $0x41C80000, v6;
	v7 =	vsel vm7, $0x41100000, v7  }
0x34: {  	v8 =	vsel vm7, $0xC0E00000, v8;
	v9 =	vsel vm7, $0xC1B80000, v9;
	v10 =	vsel vm7, $0xC21C0000, v10  }
0x35: {  	v11 =	vsel vm7, $0xC25C0000, v11;
	v12 =	vsel vm7, $0xC28E0000, v12;
	v13 =	vsel vm7, $0xC2AE0000, v13  }
0x36: {  	v14 =	vsel vm7, $0xC2CE0000, v14;
	v15 =	vsel vm7, $0xC2EE0000, v15;
	v0 =	vsel vm6, $0x42F00000, v0  }
0x37: {  	v1 =	vsel vm6, $0x42D00000, v1;
	v2 =	vsel vm6, $0x42B00000, v2;
	v3 =	vsel vm6, $0x42900000, v3  }
0x38: {  	v4 =	vsel vm6, $0x42600000, v4;
	v5 =	vsel vm6, $0x42200000, v5;
	v6 =	vsel vm6, $0x41C00000, v6  }
0x39: {  	v7 =	vsel vm6, $0x41000000, v7;
	v8 =	vsel vm6, $0xC1000000, v8;
	v9 =	vsel vm6, $0xC1C00000, v9  }
0x3a: {  	v10 =	vsel vm6, $0xC2200000, v10;
	v11 =	vsel vm6, $0xC2600000, v11;
	v12 =	vsel vm6, $0xC2900000, v12  }
0x3b: {  	v13 =	vsel vm6, $0xC2B00000, v13;
	v14 =	vsel vm6, $0xC2D00000, v14;
	v15 =	vsel vm6, $0xC2F00000, v15  }
0x3c: {  	v0 =	vsel vm5, $0x42EE0000, v0;
	v1 =	vsel vm5, $0x42CE0000, v1;
	v2 =	vsel vm5, $0x42AE0000, v2  }
0x3d: {  	v3 =	vsel vm5, $0x428E0000, v3;
	v4 =	vsel vm5, $0x425C0000, v4;
	v5 =	vsel vm5, $0x421C0000, v5  }
0x3e: {  	v6 =	vsel vm5, $0x41B80000, v6;
	v7 =	vsel vm5, $0x40E00000, v7;
	v8 =	vsel vm5, $0xC1100000, v8  }
0x3f: {  	v9 =	vsel vm5, $0xC1C80000, v9;
	v10 =	vsel vm5, $0xC2240000, v10;
	v11 =	vsel vm5, $0xC2640000, v11  }
0x40: {  	v12 =	vsel vm5, $0xC2920000, v12;
	v13 =	vsel vm5, $0xC2B20000, v13;
	v14 =	vsel vm5, $0xC2D20000, v14  }
0x41: {  	v15 =	vsel vm5, $0xC2F20000, v15;
	v0 =	vsel vm4, $0x42EC0000, v0;
	v1 =	vsel vm4, $0x42CC0000, v1  }
0x42: {  	v2 =	vsel vm4, $0x42AC0000, v2;
	v3 =	vsel vm4, $0x428C0000, v3;
	v4 =	vsel vm4, $0x42580000, v4  }
0x43: {  	v5 =	vsel vm4, $0x42180000, v5;
	v6 =	vsel vm4, $0x41B00000, v6;
	v7 =	vsel vm4, $0x40C00000, v7  }
0x44: {  	v8 =	vsel vm4, $0xC1200000, v8;
	v9 =	vsel vm4, $0xC1D00000, v9;
	v10 =	vsel vm4, $0xC2280000, v10  }
0x45: {  	v11 =	vsel vm4, $0xC2680000, v11;
	v12 =	vsel vm4, $0xC2940000, v12;
	v13 =	vsel vm4, $0xC2B40000, v13  }
0x46: {  	v14 =	vsel vm4, $0xC2D40000, v14;
	v15 =	vsel vm4, $0xC2F40000, v15;
	v0 =	vsel vm3, $0x42EA0000, v0  }
0x47: {  	v1 =	vsel vm3, $0x42CA0000, v1;
	v2 =	vsel vm3, $0x42AA0000, v2;
	v3 =	vsel vm3, $0x428A0000, v3  }
0x48: {  	v4 =	vsel vm3, $0x42540000, v4;
	v5 =	vsel vm3, $0x42140000, v5;
	v6 =	vsel vm3, $0x41A80000, v6  }
0x49: {  	s0 =	rddreg [dreg:$0x0];
	v7 =	vsel vm3, $0x40A00000, v7;
	v8 =	vsel vm3, $0xC1300000, v8;
	v9 =	vsel vm3, $0xC1D80000, v9  }
0x4a: {  	s1 =	rddreg [dreg:$0x1];
	v10 =	vsel vm3, $0xC22C0000, v10;
	v11 =	vsel vm3, $0xC26C0000, v11;
	v12 =	vsel vm3, $0xC2960000, v12  }
0x4b: {  	s2 =	rddreg [dreg:$0x2];
	v13 =	vsel vm3, $0xC2B60000, v13;
	v14 =	vsel vm3, $0xC2D60000, v14;
	v15 =	vsel vm3, $0xC2F60000, v15  }
0x4c: {  	s3 =	srdreg.scid;
	s4 =	simm.s32 $0x0;
	s5 =	stileid.u32;
	v0 =	vsel vm2, $0x42E80000, v0;
	v1 =	vsel vm2, $0x42C80000, v1;
	v2 =	vsel vm2, $0x42A80000, v2  }
0x4d: {  	s28 =	simm.s32 $0x8100;
	s29 =	simm.s32 $0x2;
	s30 =	simm.s32 $0x6;
	v3 =	vsel vm2, $0x42880000, v3;
	v4 =	vsel vm2, $0x42500000, v4;
	v5 =	vsel vm2, $0x42100000, v5  }
0x4e: {  	s31 =	simm.s32 $0xA100;
	s19 =	simm.s32 $0x4;
	s9 =	simm.s32 $0x0;
	v6 =	vsel vm2, $0x41A00000, v6;
	v7 =	vsel vm2, $0x40800000, v7;
	v8 =	vsel vm2, $0xC1400000, v8  }
0x4f: {  	s3 =	sand.u32 $0x1, s3;
	[smem:$0x7FF] =	sst s4;
	s5 =	sshll.u32 s5, $0xB;
	v9 =	vsel vm2, $0xC1E00000, v9;
	v10 =	vsel vm2, $0xC2300000, v10;
	v11 =	vsel vm2, $0xC2700000, v11  }
0x50: {  	s21 =	sadd.s32 $0x600, s1;
	s1 =	sadd.s32 $0x800, s1;
	s6 =	sshll.u32 s3, $0xA;
	v12 =	vsel vm2, $0xC2980000, v12;
	v13 =	vsel vm2, $0xC2B80000, v13;
	v14 =	vsel vm2, $0xC2D80000, v14  }
0x51: {  	_ =	strace $0x80000047;
	s3 =	ssub.s32 $0x2, s3;
	[dreg:$0x4] =	wrdreg s21;
	v15 =	vsel vm2, $0xC2F80000, v15;
	v0 =	vsel vm1, $0x42E60000, v0;
	v1 =	vsel vm1, $0x42C60000, v1  }
0x52: {  	[dreg:$0x5] =	wrdreg s1;
	s5 =	sor.u32 s6, s5;
	s22 =	sshrl.u32 s3, $0x1;
	v2 =	vsel vm1, $0x42A60000, v2;
	v3 =	vsel vm1, $0x42860000, v3;
	v4 =	vsel vm1, $0x424C0000, v4  }
0x53: {  	s21 =	simm.s32 $0x8;
	s7 =	sshll.u32 s5, $0x7;
	s23 =	ssub.s32 s3, s22;
	v5 =	vsel vm1, $0x420C0000, v5;
	v6 =	vsel vm1, $0x41980000, v6;
	v7 =	vsel vm1, $0x40400000, v7  }
0x54: {  	s11 =	sshrl.u32 s5, $0x3;
	s22 =	simm.s32 $0x100;
	s24 =	sadd.s32 s0, s7;
	v8 =	vsel vm1, $0xC1500000, v8;
	v9 =	vsel vm1, $0xC1E80000, v9;
	v10 =	vsel vm1, $0xC2340000, v10  }
0x55: {  	s13 =	sadd.s32 s2, s7;
	s14 =	sor.u32 $0x4, s11;
	s15 =	sor.u32 $0x5, s11;
	v11 =	vsel vm1, $0xC2740000, v11;
	v12 =	vsel vm1, $0xC29A0000, v12;
	v13 =	vsel vm1, $0xC2BA0000, v13  }
0x56: {  	s16 =	sor.u32 $0x6, s11;
	s1 =	smax.u32 s23, $0x1;
	[dreg:$0x6] =	wrdreg s24;
	v14 =	vsel vm1, $0xC2DA0000, v14;
	v15 =	vsel vm1, $0xC2FA0000, v15;
	v0 =	vsel vm0, $0x42E40000, v0  }
.Ltmp0:
0x57: {  	s25 =	sadd.s32 $0x400, s24;
	[dreg:$0xa] =	wrdreg s1;
	v1 =	vsel vm0, $0x42C40000, v1;
	v2 =	vsel vm0, $0x42A40000, v2;
	v3 =	vsel vm0, $0x42840000, v3;
	(pc) =	sbr.rel .LBB2_1-.Ltmp0, $4  }
0x58: {  	s17 =	sor.u32 $0x7, s11;
	s26 =	sadd.s32 $0x800, s24;
	[dreg:$0x7] =	wrdreg s25;
	v4 =	vsel vm0, $0x42480000, v4;
	v5 =	vsel vm0, $0x42080000, v5;
	v6 =	vsel vm0, $0x41900000, v6  }
0x59: {  	s23 =	simm.s32 $0xE100;
	s3 =	sadd.s32 $0xC00, s24;
	[dreg:$0x8] =	wrdreg s26;
	v7 =	vsel vm0, $0x40000000, v7;
	v8 =	vsel vm0, $0xC1600000, v8;
	v9 =	vsel vm0, $0xC1F00000, v9  }
0x5a: {  	s24 =	simm.s32 $0x4100;
	s1 =	simm.s32 $0x3;
	[dreg:$0x9] =	wrdreg s3;
	v10 =	vsel vm0, $0xC2380000, v10;
	v11 =	vsel vm0, $0xC2780000, v11;
	v12 =	vsel vm0, $0xC29C0000, v12  }
0x5b: {  	s25 =	simm.s32 $0x6100;
	s26 =	simm.s32 $0x1;
	s3 =	simm.s32 $0xC100;
	v13 =	vsel vm0, $0xC2BC0000, v13;
	v14 =	vsel vm0, $0xC2DC0000, v14;
	v15 =	vsel vm0, $0xC2FC0000, v15  }
.LBB2_20:
0x5c: {  	s6 =	simm.s32 $0x5  }
0x5d: {  	_ =	swait.ge [sflag:s6], $0x2000  }
0x5e: {  	[sflag:s6] =	ssyncset.done $0x0  }
0x5f: {  	[sflag:s6] =	ssyncadd.s32 $0xFFFFE000  }
0x60: {  	_ =	swait.ge [sflag:s30], $0x2000  }
0x61: {  	[sflag:s30] =	ssyncset.done $0x0  }
0x62: {  	s18 =	simm.s32 $0x7;
	[sflag:s30] =	ssyncadd.s32 $0xFFFFE000  }
0x63: {  	_ =	swait.ge [sflag:s18], $0x2000  }
0x64: {  	[sflag:s18] =	ssyncset.done $0x0  }
0x65: {  	[sflag:s18] =	ssyncadd.s32 $0xFFFFE000  }
0x66: {  	_ =	swait.ge [sflag:s21], $0x2000  }
0x67: {  	s9 =	sadd.s32 $0x1, s9;
	s20 =	rddreg [dreg:$0xa]  }
0x68: {  	p0 =	sne.s32 s9, s20  }
.Ltmp1:
0x69: {  	_ = 	snop;
	(pc) =	sbr.rel @!p0 .LBB2_21-.Ltmp1, $3  }
0x6a: {  	_ =	sdelay $0x1  }
0x6b: {  	[sflag:s21] =	ssyncset.done $0x0  }
0x6c: {  	[sflag:s21] =	ssyncadd.s32 $0xFFFFE000  }
.LBB2_1:
0x6d: {  	s6 =	rddreg [dreg:$0x4];
	s7 =	simm.s32 $0x10100;
	s18 =	simm.s32 $0x9  }
0x6e: {  	[tilespmem:s7], [sflag:$0x9] =	stream.linear.gather [hbm4b:s6+s4], $0x80, $0x38;
	[tilespmem:$0x10200] =	vst v63  }
0x6f: {  	_ =	swait.ge [sflag:s18], $0x80  }
0x70: {  	[sflag:s18] =	ssyncset.done $0x0  }
0x71: {  	s8 =	simm.s32 $0x10180;
	s20 =	rddreg [dreg:$0x5];
	[sflag:s18] =	ssyncadd.s32 $0xFFFFFF80  }
0x72: {  	[tilespmem:s8], [sflag:$0x9] =	stream.linear.gather [hbm4b:s20+s4], $0x80, $0x38;
	[tilespmem:$0x10200] =	vst v63  }
0x73: {  	_ =	swait.ge [sflag:s18], $0x80  }
0x74: {  	[sflag:s18] =	ssyncset.done $0x0  }
0x75: {  	[sflag:s18] =	ssyncadd.s32 $0xFFFFFF80  }
0x76: {  	v16 =	vld [tilespmem:$0x10180];
	_ =	sdelay $0x4  }
0x77: {  	v17 =	vmul.f32 v0, v16;
	_ =	sdelay $0x1  }
0x78: {  	v17 =	vadd.f32 $0.0e+00, v17;
	_ =	sdelay $0x1  }
0x79: {  	v17 =	vmul.f32 $1.442695020e+00, v17;
	_ =	sdelay $0x1  }
0x7a: {  	(erf) = vpow2.f32 v17;
	_ =	sdelay $0x7  }
0x7b: {  	v18 =	vmul.f32 v1, v16;
	v17 =	vld [tilespmem:$0x10100]  }
0x7c: {  	v19 =	vpop (erf)  }
0x7d: {  	v18 =	vadd.f32 $0.0e+00, v18;
	v19 =	vadd.f32 $1.000000000e+00, v19;
	_ =	sdelay $0x1  }
0x7e: {  	v18 =	vmul.f32 $1.442695020e+00, v18;
	(erf) = vrcp.f32 v19  }
0x7f: {  	(erf) = vrcp.f32 v17  }
0x80: {  	(erf) = vpow2.f32 v18;
	_ =	sdelay $0x6  }
0x81: {  	v20 =	vmul.f32 v2, v16;
	v19 =	vpop (erf)  }
0x82: {  	v18 =	vpop (erf)  }
0x83: {  	v20 =	vadd.f32 $0.0e+00, v20;
	v21 =	vpop (erf)  }
0x84: {  	v21 =	vadd.f32 $1.000000000e+00, v21  }
0x85: {  	v20 =	vmul.f32 $1.442695020e+00, v20  }
0x86: {  	(erf) = vrcp.f32 v21  }
0x87: {  	(erf) = vpow2.f32 v20;
	_ =	sdelay $0x6  }
0x88: {  	v20 =	vmul.f32 v3, v16  }
0x89: {  	v21 =	vpop (erf)  }
0x8a: {  	v20 =	vadd.f32 $0.0e+00, v20;
	v22 =	vpop (erf)  }
0x8b: {  	v22 =	vadd.f32 $1.000000000e+00, v22  }
0x8c: {  	v20 =	vmul.f32 $1.442695020e+00, v20  }
0x8d: {  	(erf) = vrcp.f32 v22  }
0x8e: {  	(erf) = vpow2.f32 v20;
	_ =	sdelay $0x6  }
0x8f: {  	v20 =	vmul.f32 v4, v16  }
0x90: {  	v22 =	vpop (erf)  }
0x91: {  	v20 =	vadd.f32 $0.0e+00, v20;
	v23 =	vpop (erf)  }
0x92: {  	v23 =	vadd.f32 $1.000000000e+00, v23  }
0x93: {  	v20 =	vmul.f32 $1.442695020e+00, v20  }
0x94: {  	(erf) = vrcp.f32 v23  }
0x95: {  	(erf) = vpow2.f32 v20;
	_ =	sdelay $0x6  }
0x96: {  	v20 =	vmul.f32 v5, v16  }
0x97: {  	v23 =	vpop (erf)  }
0x98: {  	v20 =	vadd.f32 $0.0e+00, v20;
	v24 =	vpop (erf)  }
0x99: {  	v24 =	vadd.f32 $1.000000000e+00, v24  }
0x9a: {  	v20 =	vmul.f32 $1.442695020e+00, v20  }
0x9b: {  	(erf) = vrcp.f32 v24  }
0x9c: {  	(erf) = vpow2.f32 v20;
	_ =	sdelay $0x6  }
0x9d: {  	v20 =	vmul.f32 v6, v16  }
0x9e: {  	v24 =	vpop (erf)  }
0x9f: {  	v20 =	vadd.f32 $0.0e+00, v20;
	v25 =	vpop (erf)  }
0xa0: {  	v25 =	vadd.f32 $1.000000000e+00, v25  }
0xa1: {  	v20 =	vmul.f32 $1.442695020e+00, v20  }
0xa2: {  	(erf) = vrcp.f32 v25  }
0xa3: {  	(erf) = vpow2.f32 v20;
	_ =	sdelay $0x6  }
0xa4: {  	v20 =	vmul.f32 v7, v16  }
0xa5: {  	v25 =	vpop (erf)  }
0xa6: {  	v20 =	vadd.f32 $0.0e+00, v20;
	v26 =	vpop (erf)  }
0xa7: {  	v26 =	vadd.f32 $1.000000000e+00, v26  }
0xa8: {  	v20 =	vmul.f32 $1.442695020e+00, v20  }
0xa9: {  	(erf) = vrcp.f32 v26  }
0xaa: {  	(erf) = vpow2.f32 v20;
	_ =	sdelay $0x6  }
0xab: {  	v20 =	vmul.f32 v8, v16  }
0xac: {  	v26 =	vpop (erf)  }
0xad: {  	v20 =	vadd.f32 $0.0e+00, v20;
	v27 =	vpop (erf)  }
0xae: {  	v27 =	vadd.f32 $1.000000000e+00, v27  }
0xaf: {  	v20 =	vmul.f32 $1.442695020e+00, v20  }
0xb0: {  	(erf) = vrcp.f32 v27  }
0xb1: {  	(erf) = vpow2.f32 v20;
	_ =	sdelay $0x6  }
0xb2: {  	v20 =	vmul.f32 v9, v16  }
0xb3: {  	v27 =	vpop (erf)  }
0xb4: {  	v20 =	vadd.f32 $0.0e+00, v20;
	v28 =	vpop (erf)  }
0xb5: {  	v28 =	vadd.f32 $1.000000000e+00, v28  }
0xb6: {  	v20 =	vmul.f32 $1.442695020e+00, v20  }
0xb7: {  	(erf) = vrcp.f32 v28  }
0xb8: {  	(erf) = vpow2.f32 v20;
	_ =	sdelay $0x6  }
0xb9: {  	v20 =	vmul.f32 v10, v16  }
0xba: {  	v28 =	vpop (erf)  }
0xbb: {  	v20 =	vadd.f32 $0.0e+00, v20;
	v29 =	vpop (erf)  }
0xbc: {  	v29 =	vadd.f32 $1.000000000e+00, v29  }
0xbd: {  	v20 =	vmul.f32 $1.442695020e+00, v20  }
0xbe: {  	(erf) = vrcp.f32 v29  }
0xbf: {  	(erf) = vpow2.f32 v20;
	_ =	sdelay $0x6  }
0xc0: {  	v20 =	vmul.f32 v11, v16  }
0xc1: {  	v29 =	vpop (erf)  }
0xc2: {  	v20 =	vadd.f32 $0.0e+00, v20;
	v30 =	vpop (erf)  }
0xc3: {  	v30 =	vadd.f32 $1.000000000e+00, v30  }
0xc4: {  	v20 =	vmul.f32 $1.442695020e+00, v20  }
0xc5: {  	(erf) = vrcp.f32 v30  }
0xc6: {  	(erf) = vpow2.f32 v20;
	_ =	sdelay $0x6  }
0xc7: {  	v20 =	vmul.f32 v12, v16  }
0xc8: {  	v30 =	vpop (erf)  }
0xc9: {  	v20 =	vadd.f32 $0.0e+00, v20;
	v31 =	vpop (erf)  }
0xca: {  	v31 =	vadd.f32 $1.000000000e+00, v31  }
0xcb: {  	v20 =	vmul.f32 $1.442695020e+00, v20  }
0xcc: {  	(erf) = vrcp.f32 v31  }
0xcd: {  	(erf) = vpow2.f32 v20;
	_ =	sdelay $0x6  }
0xce: {  	v20 =	vmul.f32 v13, v16  }
0xcf: {  	v31 =	vpop (erf)  }
0xd0: {  	v20 =	vadd.f32 $0.0e+00, v20;
	v32 =	vpop (erf)  }
0xd1: {  	v32 =	vadd.f32 $1.000000000e+00, v32  }
0xd2: {  	v20 =	vmul.f32 $1.442695020e+00, v20  }
0xd3: {  	(erf) = vrcp.f32 v32  }
0xd4: {  	(erf) = vpow2.f32 v20;
	_ =	sdelay $0x3  }
0xd5: {  	v19 =	vmul.f32 v19, v18;
	_ =	sdelay $0x1  }
0xd6: {  	v19 =	vadd.f32 $5.000000000e-01, v19;
	v22 =	vmul.f32 v22, v18  }
0xd7: {  	v20 =	vmul.f32 v14, v16  }
0xd8: {  	v19 =	vtrunc.f32 v19;
	v22 =	vadd.f32 $5.000000000e-01, v22;
	v32 =	vpop (erf)  }
0xd9: {  	v19 =	vcvt.f32.s32 v19;
	v20 =	vadd.f32 $0.0e+00, v20;
	v33 =	vpop (erf)  }
0xda: {  	v22 =	vtrunc.f32 v22;
	v23 =	vmul.f32 v23, v18;
	v33 =	vadd.f32 $1.000000000e+00, v33  }
0xdb: {  	vm0 =	vlt.s32 v19, $0x7F;
	v22 =	vcvt.f32.s32 v22;
	v20 =	vmul.f32 $1.442695020e+00, v20  }
0xdc: {  	v19 =	vnsel vm0, $0x7F, v19;
	v23 =	vadd.f32 $5.000000000e-01, v23;
	(erf) = vrcp.f32 v33  }
0xdd: {  	v19 =	vcvt.s32.f32 v19;
	vm14 =	vlt.s32 v22, $0x7F;
	(erf) = vpow2.f32 v20  }
0xde: {  	v22 =	vnsel vm14, $0x7F, v22;
	v23 =	vtrunc.f32 v23;
	v24 =	vmul.f32 v24, v18  }
0xdf: {  	v22 =	vcvt.s32.f32 v22;
	v23 =	vcvt.f32.s32 v23  }
0xe0: {  	v24 =	vadd.f32 $5.000000000e-01, v24;
	v25 =	vmul.f32 v25, v18  }
0xe1: {  	v19 =	vmul.f32 v19, v17;
	v22 =	vmul.f32 v22, v17;
	vm15 =	vlt.s32 v23, $0x7F  }
0xe2: {  	v23 =	vnsel vm15, $0x7F, v23;
	v24 =	vtrunc.f32 v24;
	v25 =	vadd.f32 $5.000000000e-01, v25  }
0xe3: {  	v23 =	vcvt.s32.f32 v23;
	v24 =	vcvt.f32.s32 v24  }
0xe4: {  	v25 =	vtrunc.f32 v25;
	v20 =	vmul.f32 v15, v16  }
0xe5: {  	v23 =	vmul.f32 v23, v17;
	v25 =	vcvt.f32.s32 v25;
	v33 =	vpop (erf)  }
0xe6: {  	vm4 =	vlt.s32 v24, $0x7F;
	v26 =	vmul.f32 v26, v18;
	v20 =	vadd.f32 $0.0e+00, v20;
	v34 =	vpop (erf)  }
0xe7: {  	v24 =	vnsel vm4, $0x7F, v24;
	vm5 =	vlt.s32 v25, $0x7F;
	v34 =	vadd.f32 $1.000000000e+00, v34  }
0xe8: {  	v26 =	vadd.f32 $5.000000000e-01, v26;
	v27 =	vmul.f32 v27, v18;
	v20 =	vmul.f32 $1.442695020e+00, v20  }
0xe9: {  	v24 =	vcvt.s32.f32 v24;
	v25 =	vnsel vm5, $0x7F, v25;
	(erf) = vrcp.f32 v34  }
0xea: {  	v26 =	vtrunc.f32 v26;
	v27 =	vadd.f32 $5.000000000e-01, v27;
	(erf) = vpow2.f32 v20  }
0xeb: {  	v25 =	vcvt.s32.f32 v25;
	v26 =	vcvt.f32.s32 v26  }
0xec: {  	v27 =	vtrunc.f32 v27;
	v28 =	vmul.f32 v28, v18  }
0xed: {  	v24 =	vmul.f32 v24, v17;
	v27 =	vcvt.f32.s32 v27  }
0xee: {  	v25 =	vmul.f32 v25, v17;
	vm6 =	vlt.s32 v26, $0x7F;
	v28 =	vadd.f32 $5.000000000e-01, v28  }
0xef: {  	v26 =	vnsel vm6, $0x7F, v26;
	vm7 =	vlt.s32 v27, $0x7F;
	v29 =	vmul.f32 v29, v18  }
0xf0: {  	v26 =	vcvt.s32.f32 v26;
	v27 =	vnsel vm7, $0x7F, v27;
	v28 =	vtrunc.f32 v28  }
0xf1: {  	v27 =	vcvt.s32.f32 v27;
	v28 =	vcvt.f32.s32 v28;
	v29 =	vadd.f32 $5.000000000e-01, v29  }
0xf2: {  	v26 =	vmul.f32 v26, v17;
	v20 =	vmul.f32 v21, v18;
	v54 =	vpop (erf)  }
0xf3: {  	v27 =	vmul.f32 v27, v17;
	vm8 =	vlt.s32 v28, $0x7F;
	v29 =	vtrunc.f32 v29;
	v55 =	vpop (erf)  }
0xf4: {  	v30 =	vmul.f32 v30, v18;
	v20 =	vadd.f32 $5.000000000e-01, v20;
	v34 =	vadd.f32 $1.000000000e+00, v55  }
0xf5: {  	v28 =	vnsel vm8, $0x7F, v28;
	v29 =	vcvt.f32.s32 v29;
	v31 =	vmul.f32 v31, v18  }
0xf6: {  	v30 =	vadd.f32 $5.000000000e-01, v30;
	v20 =	vtrunc.f32 v20;
	(erf) = vrcp.f32 v34  }
0xf7: {  	v28 =	vcvt.s32.f32 v28;
	v20 =	vcvt.f32.s32 v20  }
0xf8: {  	vm9 =	vlt.s32 v29, $0x7F;
	v30 =	vtrunc.f32 v30;
	v31 =	vadd.f32 $5.000000000e-01, v31  }
0xf9: {  	v29 =	vnsel vm9, $0x7F, v29;
	v30 =	vcvt.f32.s32 v30;
	vm13 =	vlt.s32 v20, $0x7F  }
0xfa: {  	v29 =	vcvt.s32.f32 v29;
	v31 =	vtrunc.f32 v31;
	v20 =	vnsel vm13, $0x7F, v20  }
0xfb: {  	vm10 =	vlt.s32 v30, $0x7F;
	v31 =	vcvt.f32.s32 v31;
	v20 =	vcvt.s32.f32 v20  }
0xfc: {  	v28 =	vmul.f32 v28, v17;
	v29 =	vmul.f32 v29, v17;
	v30 =	vnsel vm10, $0x7F, v30  }
0xfd: {  	vm11 =	vlt.s32 v31, $0x7F;
	v32 =	vmul.f32 v32, v18;
	v20 =	vmul.f32 v20, v17  }
0xfe: {  	[tilespmem:$0x0] =	vst v19;
	v30 =	vcvt.s32.f32 v30;
	v19 =	vnsel vm11, $0x7F, v31;
	v56 =	vmul.f32 v33, v18  }
0xff: {  	v19 =	vcvt.s32.f32 v19;
	v21 =	vmul.f32 v54, v18;
	[tilespmem:$0x10] =	vst v20;
	v20 =	vadd.f32 $5.000000000e-01, v32;
	v57 =	vpop (erf)  }
0x100: {  	[tilespmem:$0x20] =	vst v22;
	v58 =	vmul.f32 v30, v17;
	v59 =	vadd.f32 $5.000000000e-01, v56;
	v60 =	vmul.f32 v57, v18  }
0x101: {  	[tilespmem:$0x30] =	vst v23;
	v19 =	vmul.f32 v19, v17;
	v21 =	vadd.f32 $5.000000000e-01, v21;
	v20 =	vtrunc.f32 v20  }
0x102: {  	[tilespmem:$0x40] =	vst v24;
	v61 =	vtrunc.f32 v59;
	v20 =	vcvt.f32.s32 v20;
	v62 =	vadd.f32 $5.000000000e-01, v60  }
0x103: {  	[tilespmem:$0x50] =	vst v25;
	v23 =	vcvt.f32.s32 v61;
	v21 =	vtrunc.f32 v21  }
0x104: {  	[tilespmem:$0x60] =	vst v26;
	v21 =	vcvt.f32.s32 v21;
	vm12 =	vlt.s32 v20, $0x7F;
	v24 =	vtrunc.f32 v62  }
0x105: {  	[tilespmem:$0x70] =	vst v27;
	vm13 =	vlt.s32 v23, $0x7F;
	v20 =	vnsel vm12, $0x7F, v20;
	v24 =	vcvt.f32.s32 v24  }
0x106: {  	[tilespmem:$0x80] =	vst v28;
	v23 =	vnsel vm13, $0x7F, v23;
	vm14 =	vlt.s32 v21, $0x7F;
	v20 =	vcvt.s32.f32 v20  }
0x107: {  	[tilespmem:$0x90] =	vst v29;
	v23 =	vcvt.s32.f32 v23;
	v21 =	vnsel vm14, $0x7F, v21;
	vm15 =	vlt.s32 v24, $0x7F  }
0x108: {  	[tilespmem:$0xA0] =	vst v58;
	v21 =	vcvt.s32.f32 v21;
	v20 =	vmul.f32 v20, v17;
	v63 =	vnsel vm15, $0x7F, v24  }
0x109: {  	[tilespmem:$0xB0] =	vst v19;
	v19 =	vmul.f32 v23, v17;
	v22 =	vcvt.s32.f32 v63  }
0x10a: {  	[tilespmem:$0xC0] =	vst v20;
	v20 =	vmul.f32 v21, v17  }
0x10b: {  	[tilespmem:$0xD0] =	vst v19;
	v19 =	vmul.f32 v22, v17  }
0x10c: {  	[tilespmem:$0xE0] =	vst v20  }
0x10d: {  	s8 =	rddreg [dreg:$0x6];
	[tilespmem:$0xF0] =	vst v19  }
0x10e: {  	[tilespmem:s22], [sflag:$0x1] =	stream.linear.gather [hbm4b:s8+s4], $0x2000, $0x38;
	[tilespmem:$0x10200] =	vst v63  }
0x10f: {  	s12 =	simm.s32 $0x2100;
	s10 =	rddreg [dreg:$0x7]  }
0x110: {  	[tilespmem:s12], [sflag:$0x2] =	stream.linear.gather [hbm4b:s10+s4], $0x2000, $0x38;
	[tilespmem:$0x10200] =	vst v63  }
0x111: {  	s18 =	rddreg [dreg:$0x8]  }
0x112: {  	[tilespmem:s24], [sflag:$0x3] =	stream.linear.gather [hbm4b:s18+s4], $0x2000, $0x38;
	[tilespmem:$0x10200] =	vst v63  }
0x113: {  	s20 =	rddreg [dreg:$0x9];
	s10 =	simm.s32 $0x0  }
0x114: {  	[tilespmem:s25], [sflag:$0x4] =	stream.linear.gather [hbm4b:s20+s4], $0x2000, $0x38;
	[tilespmem:$0x10200] =	vst v63  }
.LBB2_2:
0x115: {  	_ =	swait.ge [sflag:s26], $0x2000  }
0x116: {  	p0 =	seq.s32 s10, $0x0;
	[sflag:s26] =	ssyncset.done $0x0  }
0x117: {  	s6 =	simm.s32 @!p0 $0x5;
	[sflag:s26] =	ssyncadd.s32 $0xFFFFE000  }
0x118: {  	_ =	swait.ge @!p0 [sflag:s6], $0x2000  }
0x119: {  	[sflag:s6] =	ssyncset.done @!p0 $0x0  }
0x11a: {  	s8 =	simm.s32 $0x0;
	[sflag:s6] =	ssyncadd.s32 @!p0 $0xFFFFE000  }
0x11b: {  	v19 =	vld [tilespmem:s8+$0x100]  }
0x11c: {  	v20 =	vld [tilespmem:s8+$0x110]  }
0x11d: {  	v21 =	vld [tilespmem:s8+$0x120]  }
0x11e: {  	v22 =	vld [tilespmem:s8+$0x130]  }
0x11f: {  	v23 =	vld [tilespmem:s8+$0x140]  }
0x120: {  	v24 =	vld [tilespmem:s8+$0x150]  }
0x121: {  	v25 =	vld [tilespmem:s8+$0x160]  }
0x122: {  	v26 =	vld [tilespmem:s8+$0x170];
	v19 =	vadd.s32 $0xFFFFFF80, v19;
	v20 =	vadd.s32 $0xFFFFFF80, v20  }
0x123: {  	v21 =	vadd.s32 $0xFFFFFF80, v21;
	v22 =	vadd.s32 $0xFFFFFF80, v22;
	v19 =	vcvt.s32.f32 v19  }
0x124: {  	v23 =	vadd.s32 $0xFFFFFF80, v23;
	v20 =	vcvt.s32.f32 v20;
	v21 =	vcvt.s32.f32 v21  }
0x125: {  	v24 =	vadd.s32 $0xFFFFFF80, v24;
	v22 =	vcvt.s32.f32 v22;
	v23 =	vcvt.s32.f32 v23  }
0x126: {  	v25 =	vadd.s32 $0xFFFFFF80, v25;
	v24 =	vcvt.s32.f32 v24;
	v19 =	vmul.f32 v19, v16  }
0x127: {  	v26 =	vadd.s32 $0xFFFFFF80, v26;
	v25 =	vcvt.s32.f32 v25;
	v20 =	vmul.f32 v20, v16  }
0x128: {  	v26 =	vcvt.s32.f32 v26;
	v21 =	vmul.f32 v21, v16;
	v19 =	vsub.f32 $0.0e+00, v19  }
0x129: {  	v22 =	vmul.f32 v22, v16;
	v23 =	vmul.f32 v23, v16;
	v20 =	vsub.f32 $0.0e+00, v20  }
0x12a: {  	v24 =	vmul.f32 v24, v16;
	v19 =	vmul.f32 $1.442695020e+00, v19  }
0x12b: {  	v25 =	vmul.f32 v25, v16;
	v20 =	vmul.f32 $1.442695020e+00, v20  }
0x12c: {  	v21 =	vsub.f32 $0.0e+00, v21;
	v22 =	vsub.f32 $0.0e+00, v22;
	(erf) = vpow2.f32 v19  }
0x12d: {  	v26 =	vmul.f32 v26, v16;
	v23 =	vsub.f32 $0.0e+00, v23;
	(erf) = vpow2.f32 v20  }
0x12e: {  	v21 =	vmul.f32 $1.442695020e+00, v21;
	v19 =	vmul.f32 $1.442695020e+00, v22;
	v22 =	vsub.f32 $0.0e+00, v24  }
0x12f: {  	v20 =	vmul.f32 $1.442695020e+00, v23;
	v23 =	vsub.f32 $0.0e+00, v25  }
0x130: {  	(erf) = vpow2.f32 v21;
	v21 =	vmul.f32 $1.442695020e+00, v22;
	v22 =	vsub.f32 $0.0e+00, v26  }
0x131: {  	(erf) = vpow2.f32 v19;
	v19 =	vmul.f32 $1.442695020e+00, v23  }
0x132: {  	(erf) = vpow2.f32 v20;
	v20 =	vmul.f32 $1.442695020e+00, v22;
	_ =	sdelay $0x1  }
0x133: {  	(erf) = vpow2.f32 v21  }
0x134: {  	(erf) = vpow2.f32 v19;
	v19 =	vpop (erf)  }
0x135: {  	(erf) = vpow2.f32 v20;
	v19 =	vadd.f32 $1.000000000e+00, v19;
	v20 =	vpop (erf)  }
0x136: {  	v20 =	vadd.f32 $1.000000000e+00, v20;
	_ =	sdelay $0x1  }
0x137: {  	v21 =	vpop (erf)  }
0x138: {  	v21 =	vadd.f32 $1.000000000e+00, v21;
	(erf) = vrcp.f32 v19;
	v19 =	vpop (erf)  }
0x139: {  	(erf) = vrcp.f32 v20;
	v19 =	vadd.f32 $1.000000000e+00, v19;
	v20 =	vpop (erf)  }
0x13a: {  	v20 =	vadd.f32 $1.000000000e+00, v20;
	_ =	sdelay $0x1  }
0x13b: {  	(erf) = vrcp.f32 v21;
	v21 =	vpop (erf)  }
0x13c: {  	v21 =	vadd.f32 $1.000000000e+00, v21;
	(erf) = vrcp.f32 v19;
	v19 =	vpop (erf)  }
0x13d: {  	(erf) = vrcp.f32 v20;
	v19 =	vadd.f32 $1.000000000e+00, v19;
	v20 =	vpop (erf)  }
0x13e: {  	(erf) = vrcp.f32 v21;
	v20 =	vadd.f32 $1.000000000e+00, v20  }
0x13f: {  	(erf) = vrcp.f32 v19  }
0x140: {  	(erf) = vrcp.f32 v20;
	_ =	sdelay $0x1  }
0x141: {  	v21 =	vpop (erf)  }
0x142: {  	v23 =	vpop (erf)  }
0x143: {  	v19 =	vpop (erf)  }
0x144: {  	v20 =	vpop (erf)  }
0x145: {  	v22 =	vpop (erf)  }
0x146: {  	v24 =	vpop (erf)  }
0x147: {  	v25 =	vpop (erf)  }
0x148: {  	v26 =	vpop (erf)  }
0x149: {  	v26 =	vmul.f32 v26, v18;
	_ =	sdelay $0x1  }
0x14a: {  	v26 =	vadd.f32 $5.000000000e-01, v26  }
0x14b: {  	v19 =	vmul.f32 v19, v18;
	v24 =	vmul.f32 v24, v18  }
0x14c: {  	v22 =	vmul.f32 v22, v18;
	v26 =	vtrunc.f32 v26  }
0x14d: {  	v27 =	vmul.f32 v23, v18;
	v24 =	vadd.f32 $5.000000000e-01, v24;
	v26 =	vcvt.f32.s32 v26  }
0x14e: {  	v20 =	vmul.f32 v20, v18;
	v19 =	vadd.f32 $5.000000000e-01, v19;
	v22 =	vadd.f32 $5.000000000e-01, v22  }
0x14f: {  	v25 =	vmul.f32 v25, v18;
	v24 =	vtrunc.f32 v24;
	vm0 =	vlt.s32 v26, $0x7F  }
0x150: {  	v20 =	vadd.f32 $5.000000000e-01, v20;
	v24 =	vcvt.f32.s32 v24;
	v26 =	vnsel vm0, $0x7F, v26  }
0x151: {  	v22 =	vtrunc.f32 v22;
	v25 =	vadd.f32 $5.000000000e-01, v25;
	v26 =	vcvt.s32.f32 v26  }
0x152: {  	v19 =	vtrunc.f32 v19;
	v22 =	vcvt.f32.s32 v22;
	vm10 =	vlt.s32 v24, $0x7F  }
0x153: {  	v25 =	vtrunc.f32 v25;
	v24 =	vnsel vm10, $0x7F, v24;
	v26 =	vmul.f32 v26, v17  }
0x154: {  	v25 =	vcvt.f32.s32 v25;
	v24 =	vcvt.s32.f32 v24  }
0x155: {  	v20 =	vtrunc.f32 v20;
	vm11 =	vlt.s32 v22, $0x7F;
	[tilespmem:s8+$0x8170] =	vst v26;
	v26 =	vcvt.f32.s32 v19  }
0x156: {  	v22 =	vnsel vm11, $0x7F, v22;
	vm9 =	vlt.s32 v25, $0x7F;
	v24 =	vmul.f32 v24, v17  }
0x157: {  	v35 =	vld [tilespmem:s8+$0x520];
	v22 =	vcvt.s32.f32 v22;
	v25 =	vnsel vm9, $0x7F, v25;
	vm13 =	vlt.s32 v26, $0x7F  }
0x158: {  	v36 =	vld [tilespmem:s8+$0x530];
	v25 =	vcvt.s32.f32 v25;
	[tilespmem:s8+$0x8150] =	vst v24;
	v24 =	vmul.f32 v21, v18;
	v26 =	vnsel vm13, $0x7F, v26  }
0x159: {  	v37 =	vld [tilespmem:s8+$0x540];
	v22 =	vmul.f32 v22, v17;
	v26 =	vcvt.s32.f32 v26  }
0x15a: {  	v38 =	vld [tilespmem:s8+$0x550];
	v20 =	vcvt.f32.s32 v20;
	v25 =	vmul.f32 v25, v17;
	v24 =	vadd.f32 $5.000000000e-01, v24  }
0x15b: {  	v39 =	vld [tilespmem:s8+$0x560];
	v27 =	vadd.f32 $5.000000000e-01, v27;
	[tilespmem:s8+$0x8140] =	vst v22;
	v26 =	vmul.f32 v26, v17  }
0x15c: {  	v23 =	vld [tilespmem:s8+$0x1110];
	vm12 =	vlt.s32 v20, $0x7F;
	[tilespmem:s8+$0x8160] =	vst v25;
	v24 =	vtrunc.f32 v24  }
0x15d: {  	v22 =	vld [tilespmem:s8+$0x1100];
	v25 =	vnsel vm12, $0x7F, v20;
	v28 =	vcvt.f32.s32 v24;
	[tilespmem:s8+$0x8120] =	vst v26;
	v26 =	vtrunc.f32 v27  }
0x15e: {  	v21 =	vld [tilespmem:s8+$0x1500];
	v25 =	vcvt.s32.f32 v25;
	v29 =	vcvt.f32.s32 v26  }
0x15f: {  	v20 =	vld [tilespmem:s8+$0x1900];
	vm14 =	vlt.s32 v28, $0x7F  }
0x160: {  	v19 =	vld [tilespmem:s8+$0x1D00];
	v25 =	vmul.f32 v25, v17;
	v28 =	vnsel vm14, $0x7F, v28;
	vm15 =	vlt.s32 v29, $0x7F  }
0x161: {  	v24 =	vld [tilespmem:s8+$0x1130];
	v30 =	vcvt.s32.f32 v28;
	v31 =	vnsel vm15, $0x7F, v29  }
0x162: {  	[tilespmem:s8+$0x8130] =	vst v25;
	v25 =	vld [tilespmem:s8+$0x1120];
	v32 =	vcvt.s32.f32 v31  }
0x163: {  	v28 =	vld [tilespmem:s8+$0x1160];
	v33 =	vmul.f32 v30, v17  }
0x164: {  	v30 =	vld [tilespmem:s8+$0xD00];
	v34 =	vmul.f32 v32, v17  }
0x165: {  	[tilespmem:s8+$0x8100] =	vst v33;
	v33 =	vld [tilespmem:s8+$0x500]  }
0x166: {  	[tilespmem:s8+$0x8110] =	vst v34;
	v34 =	vld [tilespmem:s8+$0x510]  }
0x167: {  	v27 =	vld [tilespmem:s8+$0x1150]  }
0x168: {  	v26 =	vld [tilespmem:s8+$0x1140]  }
0x169: {  	v29 =	vld [tilespmem:s8+$0x1170]  }
0x16a: {  	v31 =	vld [tilespmem:s8+$0xD10]  }
0x16b: {  	s12 =	sshll.u32 s10, $0x2;
	s6 =	simm.s32 $0x200;
	v32 =	vld [tilespmem:s8+$0x900]  }
.LBB2_3:
0x16c: {  	p1 =	sne.s32 s6, $0xE00;
	v40 =	vld [tilespmem:s8+$0x570]  }
0x16d: {  	v33 =	vld.idx.msk [tilespmem:v33+s4+$0x0], $0xffff  }
0x16e: {  	v34 =	vld.idx.msk [tilespmem:v34+s4+$0x0], $0xffff  }
0x16f: {  	v35 =	vld.idx.msk [tilespmem:v35+s4+$0x0], $0xffff  }
0x170: {  	v36 =	vld.idx.msk [tilespmem:v36+s4+$0x0], $0xffff  }
0x171: {  	v37 =	vld.idx.msk [tilespmem:v37+s4+$0x0], $0xffff  }
0x172: {  	v38 =	vld.idx.msk [tilespmem:v38+s4+$0x0], $0xffff  }
0x173: {  	v39 =	vld.idx.msk [tilespmem:v39+s4+$0x0], $0xffff  }
0x174: {  	v40 =	vld.idx.msk [tilespmem:v40+s4+$0x0], $0xffff;
	[tilespmem:s8+$0x8500] =	vst v33  }
0x175: {  	[tilespmem:s8+$0x8510] =	vst v34;
	v33 =	vld [tilespmem:s8+$0x910]  }
0x176: {  	[tilespmem:s8+$0x8520] =	vst v35;
	v34 =	vld [tilespmem:s8+$0x920]  }
0x177: {  	[tilespmem:s8+$0x8530] =	vst v36;
	v35 =	vld [tilespmem:s8+$0x930]  }
0x178: {  	[tilespmem:s8+$0x8540] =	vst v37;
	v36 =	vld [tilespmem:s8+$0x940]  }
0x179: {  	[tilespmem:s8+$0x8550] =	vst v38;
	v37 =	vld [tilespmem:s8+$0x950]  }
0x17a: {  	[tilespmem:s8+$0x8560] =	vst v39;
	v38 =	vld [tilespmem:s8+$0x960]  }
0x17b: {  	[tilespmem:s8+$0x8570] =	vst v40;
	v39 =	vld [tilespmem:s8+$0x970]  }
0x17c: {  	v32 =	vld.idx.msk [tilespmem:v32+s4+$0x0], $0xffff  }
0x17d: {  	v33 =	vld.idx.msk [tilespmem:v33+s4+$0x0], $0xffff  }
0x17e: {  	v34 =	vld.idx.msk [tilespmem:v34+s4+$0x0], $0xffff  }
0x17f: {  	v35 =	vld.idx.msk [tilespmem:v35+s4+$0x0], $0xffff  }
0x180: {  	v36 =	vld.idx.msk [tilespmem:v36+s4+$0x0], $0xffff  }
0x181: {  	v37 =	vld.idx.msk [tilespmem:v37+s4+$0x0], $0xffff  }
0x182: {  	v38 =	vld.idx.msk [tilespmem:v38+s4+$0x0], $0xffff  }
0x183: {  	v39 =	vld.idx.msk [tilespmem:v39+s4+$0x0], $0xffff;
	[tilespmem:s8+$0x8900] =	vst v32  }
0x184: {  	[tilespmem:s8+$0x8910] =	vst v33;
	v32 =	vld [tilespmem:s8+$0xD20]  }
0x185: {  	[tilespmem:s8+$0x8920] =	vst v34;
	v33 =	vld [tilespmem:s8+$0xD30]  }
0x186: {  	[tilespmem:s8+$0x8930] =	vst v35;
	v34 =	vld [tilespmem:s8+$0xD40]  }
0x187: {  	[tilespmem:s8+$0x8940] =	vst v36;
	v35 =	vld [tilespmem:s8+$0xD50]  }
0x188: {  	[tilespmem:s8+$0x8950] =	vst v37;
	v36 =	vld [tilespmem:s8+$0xD60]  }
0x189: {  	s7 =	sshra.s32 s6, $0x2;
	[tilespmem:s8+$0x8960] =	vst v38;
	v37 =	vld [tilespmem:s8+$0xD70]  }
0x18a: {  	v38 =	vld [tilespmem:s7+$0x100];
	[tilespmem:s8+$0x8970] =	vst v39  }
0x18b: {  	v30 =	vld.idx.msk [tilespmem:v30+s4+$0x0], $0xffff  }
0x18c: {  	v31 =	vld.idx.msk [tilespmem:v31+s4+$0x0], $0xffff  }
0x18d: {  	v32 =	vld.idx.msk [tilespmem:v32+s4+$0x0], $0xffff  }
0x18e: {  	v33 =	vld.idx.msk [tilespmem:v33+s4+$0x0], $0xffff  }
0x18f: {  	v34 =	vld.idx.msk [tilespmem:v34+s4+$0x0], $0xffff  }
0x190: {  	v35 =	vld.idx.msk [tilespmem:v35+s4+$0x0], $0xffff  }
0x191: {  	v36 =	vld.idx.msk [tilespmem:v36+s4+$0x0], $0xffff  }
0x192: {  	v37 =	vld.idx.msk [tilespmem:v37+s4+$0x0], $0xffff;
	[tilespmem:s8+$0x8D00] =	vst v30  }
0x193: {  	v30 =	vld [tilespmem:s7+$0x110];
	[tilespmem:s8+$0x8D10] =	vst v31  }
0x194: {  	v31 =	vld [tilespmem:s7+$0x120];
	[tilespmem:s8+$0x8D20] =	vst v32  }
0x195: {  	v32 =	vld [tilespmem:s7+$0x130];
	[tilespmem:s8+$0x8D30] =	vst v33  }
0x196: {  	v33 =	vld [tilespmem:s7+$0x140];
	[tilespmem:s8+$0x8D40] =	vst v34  }
0x197: {  	v34 =	vld [tilespmem:s7+$0x150];
	[tilespmem:s8+$0x8D50] =	vst v35  }
0x198: {  	v35 =	vld [tilespmem:s7+$0x160];
	[tilespmem:s8+$0x8D60] =	vst v36  }
0x199: {  	v36 =	vld [tilespmem:s7+$0x170];
	[tilespmem:s8+$0x8D70] =	vst v37  }
0x19a: {  	v37 =	vadd.s32 $0xFFFFFF80, v38;
	v22 =	vld.idx.msk [tilespmem:v22+s4+$0x0], $0xffff  }
0x19b: {  	v30 =	vadd.s32 $0xFFFFFF80, v30;
	v31 =	vadd.s32 $0xFFFFFF80, v31;
	v32 =	vadd.s32 $0xFFFFFF80, v32;
	v23 =	vld.idx.msk [tilespmem:v23+s4+$0x0], $0xffff  }
0x19c: {  	v30 =	vcvt.s32.f32 v30;
	v37 =	vcvt.s32.f32 v37;
	v33 =	vadd.s32 $0xFFFFFF80, v33;
	v25 =	vld.idx.msk [tilespmem:v25+s4+$0x0], $0xffff  }
0x19d: {  	v31 =	vcvt.s32.f32 v31;
	v32 =	vcvt.s32.f32 v32;
	v34 =	vadd.s32 $0xFFFFFF80, v34;
	v24 =	vld.idx.msk [tilespmem:v24+s4+$0x0], $0xffff  }
0x19e: {  	v33 =	vcvt.s32.f32 v33;
	v34 =	vcvt.s32.f32 v34;
	v35 =	vadd.s32 $0xFFFFFF80, v35;
	v26 =	vld.idx.msk [tilespmem:v26+s4+$0x0], $0xffff  }
0x19f: {  	v37 =	vmul.f32 v37, v16;
	v35 =	vcvt.s32.f32 v35;
	v36 =	vadd.s32 $0xFFFFFF80, v36;
	v27 =	vld.idx.msk [tilespmem:v27+s4+$0x0], $0xffff  }
0x1a0: {  	v30 =	vmul.f32 v30, v16;
	v36 =	vcvt.s32.f32 v36;
	v28 =	vld.idx.msk [tilespmem:v28+s4+$0x0], $0xffff  }
0x1a1: {  	v31 =	vmul.f32 v31, v16;
	v32 =	vmul.f32 v32, v16;
	v37 =	vsub.f32 $0.0e+00, v37;
	v29 =	vld.idx.msk [tilespmem:v29+s4+$0x0], $0xffff;
	[tilespmem:s8+$0x9100] =	vst v22  }
0x1a2: {  	v22 =	vsub.f32 $0.0e+00, v30;
	v30 =	vmul.f32 v33, v16;
	v33 =	vmul.f32 v34, v16;
	[tilespmem:s8+$0x9110] =	vst v23;
	v23 =	vld [tilespmem:s8+$0x1510]  }
0x1a3: {  	v31 =	vsub.f32 $0.0e+00, v31;
	v35 =	vmul.f32 v35, v16;
	v34 =	vmul.f32 $1.442695020e+00, v37;
	[tilespmem:s8+$0x9120] =	vst v25;
	v25 =	vld [tilespmem:s8+$0x1520]  }
0x1a4: {  	v32 =	vsub.f32 $0.0e+00, v32;
	v36 =	vmul.f32 v36, v16;
	v22 =	vmul.f32 $1.442695020e+00, v22;
	[tilespmem:s8+$0x9130] =	vst v24;
	v24 =	vld [tilespmem:s8+$0x1530]  }
0x1a5: {  	v31 =	vmul.f32 $1.442695020e+00, v31;
	v30 =	vsub.f32 $0.0e+00, v30;
	(erf) = vpow2.f32 v34;
	[tilespmem:s8+$0x9140] =	vst v26;
	v26 =	vld [tilespmem:s8+$0x1540]  }
0x1a6: {  	v32 =	vmul.f32 $1.442695020e+00, v32;
	v33 =	vsub.f32 $0.0e+00, v33;
	(erf) = vpow2.f32 v22;
	[tilespmem:s8+$0x9150] =	vst v27;
	v22 =	vld [tilespmem:s8+$0x1550]  }
0x1a7: {  	v27 =	vmul.f32 $1.442695020e+00, v30;
	v30 =	vsub.f32 $0.0e+00, v35;
	(erf) = vpow2.f32 v31;
	[tilespmem:s8+$0x9160] =	vst v28;
	v28 =	vld [tilespmem:s8+$0x1560]  }
0x1a8: {  	v31 =	vmul.f32 $1.442695020e+00, v33;
	v33 =	vsub.f32 $0.0e+00, v36;
	(erf) = vpow2.f32 v32;
	[tilespmem:s8+$0x9170] =	vst v29;
	v29 =	vld [tilespmem:s8+$0x1570]  }
0x1a9: {  	v30 =	vmul.f32 $1.442695020e+00, v30;
	(erf) = vpow2.f32 v27;
	v21 =	vld.idx.msk [tilespmem:v21+s4+$0x0], $0xffff  }
0x1aa: {  	v27 =	vmul.f32 $1.442695020e+00, v33;
	(erf) = vpow2.f32 v31;
	v23 =	vld.idx.msk [tilespmem:v23+s4+$0x0], $0xffff  }
0x1ab: {  	(erf) = vpow2.f32 v30;
	v25 =	vld.idx.msk [tilespmem:v25+s4+$0x0], $0xffff  }
0x1ac: {  	(erf) = vpow2.f32 v27;
	v24 =	vld.idx.msk [tilespmem:v24+s4+$0x0], $0xffff  }
0x1ad: {  	v26 =	vld.idx.msk [tilespmem:v26+s4+$0x0], $0xffff  }
0x1ae: {  	v27 =	vpop (erf);
	v22 =	vld.idx.msk [tilespmem:v22+s4+$0x0], $0xffff  }
0x1af: {  	v32 =	vadd.f32 $1.000000000e+00, v27;
	v30 =	vpop (erf);
	v28 =	vld.idx.msk [tilespmem:v28+s4+$0x0], $0xffff  }
0x1b0: {  	v33 =	vadd.f32 $1.000000000e+00, v30;
	v31 =	vpop (erf);
	v29 =	vld.idx.msk [tilespmem:v29+s4+$0x0], $0xffff;
	[tilespmem:s8+$0x9500] =	vst v21  }
0x1b1: {  	v31 =	vadd.f32 $1.000000000e+00, v31;
	(erf) = vrcp.f32 v32;
	v27 =	vpop (erf);
	[tilespmem:s8+$0x9510] =	vst v23;
	v23 =	vld [tilespmem:s8+$0x1910]  }
0x1b2: {  	v32 =	vadd.f32 $1.000000000e+00, v27;
	(erf) = vrcp.f32 v33;
	v30 =	vpop (erf);
	[tilespmem:s8+$0x9520] =	vst v25;
	v25 =	vld [tilespmem:s8+$0x1920]  }
0x1b3: {  	v33 =	vadd.f32 $1.000000000e+00, v30;
	(erf) = vrcp.f32 v31;
	v21 =	vpop (erf);
	[tilespmem:s8+$0x9530] =	vst v24;
	v24 =	vld [tilespmem:s8+$0x1930]  }
0x1b4: {  	v21 =	vadd.f32 $1.000000000e+00, v21;
	(erf) = vrcp.f32 v32;
	v27 =	vpop (erf);
	[tilespmem:s8+$0x9540] =	vst v26;
	v26 =	vld [tilespmem:s8+$0x1940]  }
0x1b5: {  	v27 =	vadd.f32 $1.000000000e+00, v27;
	(erf) = vrcp.f32 v33;
	v30 =	vpop (erf);
	[tilespmem:s8+$0x9550] =	vst v22;
	v22 =	vld [tilespmem:s8+$0x1950]  }
0x1b6: {  	v30 =	vadd.f32 $1.000000000e+00, v30;
	(erf) = vrcp.f32 v21;
	[tilespmem:s8+$0x9560] =	vst v28;
	v21 =	vld [tilespmem:s8+$0x1960]  }
0x1b7: {  	(erf) = vrcp.f32 v27;
	[tilespmem:s8+$0x9570] =	vst v29;
	v27 =	vld [tilespmem:s8+$0x1970]  }
0x1b8: {  	(erf) = vrcp.f32 v30;
	v20 =	vld.idx.msk [tilespmem:v20+s4+$0x0], $0xffff  }
0x1b9: {  	v23 =	vld.idx.msk [tilespmem:v23+s4+$0x0], $0xffff  }
0x1ba: {  	v28 =	vpop (erf);
	v25 =	vld.idx.msk [tilespmem:v25+s4+$0x0], $0xffff  }
0x1bb: {  	v29 =	vpop (erf);
	v24 =	vld.idx.msk [tilespmem:v24+s4+$0x0], $0xffff  }
0x1bc: {  	v30 =	vpop (erf);
	v26 =	vld.idx.msk [tilespmem:v26+s4+$0x0], $0xffff  }
0x1bd: {  	v31 =	vpop (erf);
	v22 =	vld.idx.msk [tilespmem:v22+s4+$0x0], $0xffff  }
0x1be: {  	v28 =	vmul.f32 v28, v18;
	v32 =	vpop (erf);
	v21 =	vld.idx.msk [tilespmem:v21+s4+$0x0], $0xffff  }
0x1bf: {  	v29 =	vmul.f32 v29, v18;
	v30 =	vmul.f32 v30, v18;
	v33 =	vpop (erf);
	v27 =	vld.idx.msk [tilespmem:v27+s4+$0x0], $0xffff;
	[tilespmem:s8+$0x9900] =	vst v20  }
0x1c0: {  	v20 =	vmul.f32 v31, v18;
	v31 =	vmul.f32 v32, v18;
	v32 =	vpop (erf);
	[tilespmem:s8+$0x9910] =	vst v23;
	v23 =	vld [tilespmem:s8+$0x1D70]  }
0x1c1: {  	v30 =	vadd.f32 $5.000000000e-01, v30;
	v33 =	vmul.f32 v33, v18;
	v32 =	vmul.f32 v32, v18;
	v34 =	vpop (erf);
	[tilespmem:s8+$0x9920] =	vst v25;
	v25 =	vld [tilespmem:s8+$0x1D10]  }
0x1c2: {  	v20 =	vadd.f32 $5.000000000e-01, v20;
	v31 =	vadd.f32 $5.000000000e-01, v31;
	v34 =	vmul.f32 v34, v18;
	[tilespmem:s8+$0x9930] =	vst v24;
	v24 =	vld [tilespmem:s8+$0x1D20]  }
0x1c3: {  	v30 =	vtrunc.f32 v30;
	v33 =	vadd.f32 $5.000000000e-01, v33;
	v32 =	vadd.f32 $5.000000000e-01, v32;
	[tilespmem:s8+$0x9940] =	vst v26;
	v26 =	vld [tilespmem:s8+$0x1D30]  }
0x1c4: {  	v20 =	vtrunc.f32 v20;
	v31 =	vtrunc.f32 v31;
	v34 =	vadd.f32 $5.000000000e-01, v34;
	[tilespmem:s8+$0x9950] =	vst v22;
	v22 =	vld [tilespmem:s8+$0x1D40]  }
0x1c5: {  	v33 =	vtrunc.f32 v33;
	v32 =	vtrunc.f32 v32;
	[tilespmem:s8+$0x9960] =	vst v21;
	v21 =	vld [tilespmem:s8+$0x1D50]  }
0x1c6: {  	v30 =	vcvt.f32.s32 v30;
	v34 =	vtrunc.f32 v34;
	[tilespmem:s8+$0x9970] =	vst v27;
	v27 =	vld [tilespmem:s8+$0x1D60]  }
0x1c7: {  	v20 =	vcvt.f32.s32 v20;
	v34 =	vcvt.f32.s32 v34;
	v35 =	vld.idx.msk [tilespmem:v19+s4+$0x0], $0xffff  }
0x1c8: {  	v19 =	vcvt.f32.s32 v31;
	v31 =	vcvt.f32.s32 v32;
	v23 =	vld.idx.msk [tilespmem:v23+s4+$0x0], $0xffff  }
0x1c9: {  	vm0 =	vlt.s32 v30, $0x7F;
	v32 =	vcvt.f32.s32 v33;
	vm1 =	vlt.s32 v34, $0x7F;
	v33 =	vld.idx.msk [tilespmem:v25+s4+$0x0], $0xffff  }
0x1ca: {  	vm2 =	vlt.s32 v20, $0x7F;
	vm3 =	vlt.s32 v31, $0x7F;
	v25 =	vnsel vm1, $0x7F, v34;
	v34 =	vld.idx.msk [tilespmem:v24+s4+$0x0], $0xffff  }
0x1cb: {  	vm1 =	vlt.s32 v32, $0x7F;
	v24 =	vnsel vm3, $0x7F, v31;
	v25 =	vcvt.s32.f32 v25;
	v31 =	vld.idx.msk [tilespmem:v26+s4+$0x0], $0xffff  }
0x1cc: {  	vm3 =	vlt.s32 v19, $0x7F;
	v26 =	vnsel vm1, $0x7F, v32;
	v24 =	vcvt.s32.f32 v24;
	v32 =	vld.idx.msk [tilespmem:v22+s4+$0x0], $0xffff  }
0x1cd: {  	v19 =	vnsel vm3, $0x7F, v19;
	v22 =	vcvt.s32.f32 v26;
	v25 =	vmul.f32 v25, v17;
	v36 =	vld.idx.msk [tilespmem:v21+s4+$0x0], $0xffff  }
0x1ce: {  	v20 =	vnsel vm2, $0x7F, v20;
	v21 =	vcvt.s32.f32 v19;
	v24 =	vmul.f32 v24, v17;
	v26 =	vld.idx.msk [tilespmem:v27+s4+$0x0], $0xffff;
	[tilespmem:s8+$0x9D70] =	vst v23  }
0x1cf: {  	v23 =	vnsel vm0, $0x7F, v30;
	v27 =	vcvt.s32.f32 v20;
	v22 =	vmul.f32 v22, v17;
	[tilespmem:s7+$0x8170] =	vst v25;
	v19 =	vld [tilespmem:s7+$0x1D00]  }
0x1d0: {  	v23 =	vcvt.s32.f32 v23;
	v25 =	vmul.f32 v21, v17;
	[tilespmem:s7+$0x8160] =	vst v24;
	v20 =	vld [tilespmem:s7+$0x1900]  }
0x1d1: {  	v24 =	vadd.f32 $5.000000000e-01, v28;
	v27 =	vmul.f32 v27, v17;
	[tilespmem:s7+$0x8150] =	vst v22;
	v21 =	vld [tilespmem:s7+$0x1500]  }
0x1d2: {  	v28 =	vadd.f32 $5.000000000e-01, v29;
	v29 =	vmul.f32 v23, v17;
	[tilespmem:s7+$0x8140] =	vst v25;
	v22 =	vld [tilespmem:s7+$0x1100]  }
0x1d3: {  	v24 =	vtrunc.f32 v24;
	[tilespmem:s7+$0x8130] =	vst v27;
	v23 =	vld [tilespmem:s7+$0x1110]  }
0x1d4: {  	v27 =	vcvt.f32.s32 v24;
	v24 =	vtrunc.f32 v28;
	[tilespmem:s7+$0x8120] =	vst v29;
	v25 =	vld [tilespmem:s7+$0x1120]  }
0x1d5: {  	v28 =	vcvt.f32.s32 v24;
	v24 =	vld [tilespmem:s7+$0x1130];
	[tilespmem:s8+$0x9D60] =	vst v26  }
0x1d6: {  	vm0 =	vlt.s32 v27, $0x7F;
	v26 =	vld [tilespmem:s7+$0x1140];
	[tilespmem:s8+$0x9D50] =	vst v36  }
0x1d7: {  	v29 =	vnsel vm0, $0x7F, v27;
	vm0 =	vlt.s32 v28, $0x7F;
	v27 =	vld [tilespmem:s7+$0x1150];
	[tilespmem:s8+$0x9D40] =	vst v32  }
0x1d8: {  	v30 =	vcvt.s32.f32 v29;
	v29 =	vnsel vm0, $0x7F, v28;
	v28 =	vld [tilespmem:s7+$0x1160];
	[tilespmem:s8+$0x9D30] =	vst v31  }
0x1d9: {  	v31 =	vcvt.s32.f32 v29;
	v29 =	vld [tilespmem:s7+$0x1170];
	[tilespmem:s8+$0x9D20] =	vst v34  }
0x1da: {  	v32 =	vmul.f32 v30, v17;
	v30 =	vld [tilespmem:s7+$0xD00];
	[tilespmem:s8+$0x9D10] =	vst v33  }
0x1db: {  	v33 =	vmul.f32 v31, v17;
	v31 =	vld [tilespmem:s7+$0xD10];
	[tilespmem:s8+$0x9D00] =	vst v35;
	s8 =	smov.u32 s7  }
0x1dc: {  	[tilespmem:s8+$0x8100] =	vst v32;
	v32 =	vld [tilespmem:s8+$0x900]  }
0x1dd: {  	[tilespmem:s8+$0x8110] =	vst v33;
	v33 =	vld [tilespmem:s8+$0x500]  }
0x1de: {  	v34 =	vld [tilespmem:s8+$0x510]  }
.Ltmp2:
0x1df: {  	v35 =	vld [tilespmem:s8+$0x520];
	(pc) =	sbr.rel @p1 .LBB2_3-.Ltmp2, $4  }
0x1e0: {  	v36 =	vld [tilespmem:s8+$0x530]  }
0x1e1: {  	v37 =	vld [tilespmem:s8+$0x540]  }
0x1e2: {  	v38 =	vld [tilespmem:s8+$0x550]  }
0x1e3: {  	s6 =	sadd.s32 $0x200, s6;
	v39 =	vld [tilespmem:s8+$0x560]  }
0x1e4: {  	_ =	sdelay $0x2  }
0x1e5: {  	v40 =	vld [tilespmem:s8+$0x570]  }
0x1e6: {  	v33 =	vld.idx.msk [tilespmem:v33+s4+$0x0], $0xffff  }
0x1e7: {  	v34 =	vld.idx.msk [tilespmem:v34+s4+$0x0], $0xffff  }
0x1e8: {  	v35 =	vld.idx.msk [tilespmem:v35+s4+$0x0], $0xffff  }
0x1e9: {  	v36 =	vld.idx.msk [tilespmem:v36+s4+$0x0], $0xffff  }
0x1ea: {  	v37 =	vld.idx.msk [tilespmem:v37+s4+$0x0], $0xffff  }
0x1eb: {  	v38 =	vld.idx.msk [tilespmem:v38+s4+$0x0], $0xffff  }
0x1ec: {  	v39 =	vld.idx.msk [tilespmem:v39+s4+$0x0], $0xffff  }
0x1ed: {  	v40 =	vld.idx.msk [tilespmem:v40+s4+$0x0], $0xffff;
	[tilespmem:s8+$0x8500] =	vst v33  }
0x1ee: {  	v55 =	vld [tilespmem:s8+$0x910];
	[tilespmem:s8+$0x8510] =	vst v34  }
0x1ef: {  	v56 =	vld [tilespmem:s8+$0x920];
	[tilespmem:s8+$0x8520] =	vst v35  }
0x1f0: {  	v57 =	vld [tilespmem:s8+$0x930];
	[tilespmem:s8+$0x8530] =	vst v36  }
0x1f1: {  	v58 =	vld [tilespmem:s8+$0x940];
	[tilespmem:s8+$0x8540] =	vst v37  }
0x1f2: {  	v59 =	vld [tilespmem:s8+$0x950];
	[tilespmem:s8+$0x8550] =	vst v38  }
0x1f3: {  	v60 =	vld [tilespmem:s8+$0x960];
	[tilespmem:s8+$0x8560] =	vst v39  }
0x1f4: {  	v61 =	vld [tilespmem:s8+$0x970];
	[tilespmem:s8+$0x8570] =	vst v40  }
0x1f5: {  	v32 =	vld.idx.msk [tilespmem:v32+s4+$0x0], $0xffff  }
0x1f6: {  	v33 =	vld.idx.msk [tilespmem:v55+s4+$0x0], $0xffff  }
0x1f7: {  	v34 =	vld.idx.msk [tilespmem:v56+s4+$0x0], $0xffff  }
0x1f8: {  	v35 =	vld.idx.msk [tilespmem:v57+s4+$0x0], $0xffff  }
0x1f9: {  	v36 =	vld.idx.msk [tilespmem:v58+s4+$0x0], $0xffff  }
0x1fa: {  	v37 =	vld.idx.msk [tilespmem:v59+s4+$0x0], $0xffff  }
0x1fb: {  	v38 =	vld.idx.msk [tilespmem:v60+s4+$0x0], $0xffff  }
0x1fc: {  	v39 =	vld.idx.msk [tilespmem:v61+s4+$0x0], $0xffff;
	[tilespmem:s8+$0x8900] =	vst v32  }
0x1fd: {  	[tilespmem:s8+$0x8910] =	vst v33  }
0x1fe: {  	v62 =	vld [tilespmem:s8+$0xD20];
	[tilespmem:s8+$0x8920] =	vst v34  }
0x1ff: {  	v63 =	vld [tilespmem:s8+$0xD30];
	[tilespmem:s8+$0x8930] =	vst v35  }
0x200: {  	v41 =	vld [tilespmem:s8+$0xD50];
	[tilespmem:s8+$0x8940] =	vst v36  }
0x201: {  	v42 =	vld [tilespmem:s8+$0xD60];
	[tilespmem:s8+$0x8950] =	vst v37  }
0x202: {  	v43 =	vld [tilespmem:s8+$0xD70];
	[tilespmem:s8+$0x8960] =	vst v38  }
0x203: {  	v40 =	vld [tilespmem:s8+$0xD40];
	[tilespmem:s8+$0x8970] =	vst v39  }
0x204: {  	v30 =	vld.idx.msk [tilespmem:v30+s4+$0x0], $0xffff  }
0x205: {  	v31 =	vld.idx.msk [tilespmem:v31+s4+$0x0], $0xffff  }
0x206: {  	v32 =	vld.idx.msk [tilespmem:v62+s4+$0x0], $0xffff  }
0x207: {  	v33 =	vld.idx.msk [tilespmem:v63+s4+$0x0], $0xffff  }
0x208: {  	v35 =	vld.idx.msk [tilespmem:v41+s4+$0x0], $0xffff  }
0x209: {  	v36 =	vld.idx.msk [tilespmem:v42+s4+$0x0], $0xffff  }
0x20a: {  	v37 =	vld.idx.msk [tilespmem:v43+s4+$0x0], $0xffff  }
0x20b: {  	v34 =	vld.idx.msk [tilespmem:v40+s4+$0x0], $0xffff;
	[tilespmem:s8+$0x8D00] =	vst v30  }
0x20c: {  	[tilespmem:s8+$0x8D10] =	vst v31  }
0x20d: {  	[tilespmem:s8+$0x8D20] =	vst v32  }
0x20e: {  	[tilespmem:s8+$0x8D30] =	vst v33  }
0x20f: {  	[tilespmem:s8+$0x8D50] =	vst v35  }
0x210: {  	[tilespmem:s8+$0x8D60] =	vst v36  }
0x211: {  	[tilespmem:s8+$0x8D70] =	vst v37  }
0x212: {  	[tilespmem:s8+$0x8D40] =	vst v34  }
0x213: {  	v22 =	vld.idx.msk [tilespmem:v22+s4+$0x0], $0xffff  }
0x214: {  	v23 =	vld.idx.msk [tilespmem:v23+s4+$0x0], $0xffff  }
0x215: {  	v25 =	vld.idx.msk [tilespmem:v25+s4+$0x0], $0xffff  }
0x216: {  	v24 =	vld.idx.msk [tilespmem:v24+s4+$0x0], $0xffff  }
0x217: {  	v26 =	vld.idx.msk [tilespmem:v26+s4+$0x0], $0xffff  }
0x218: {  	v27 =	vld.idx.msk [tilespmem:v27+s4+$0x0], $0xffff  }
0x219: {  	v28 =	vld.idx.msk [tilespmem:v28+s4+$0x0], $0xffff  }
0x21a: {  	v29 =	vld.idx.msk [tilespmem:v29+s4+$0x0], $0xffff;
	[tilespmem:s8+$0x9100] =	vst v22  }
0x21b: {  	v44 =	vld [tilespmem:s8+$0x1510];
	[tilespmem:s8+$0x9110] =	vst v23  }
0x21c: {  	v45 =	vld [tilespmem:s8+$0x1520];
	[tilespmem:s8+$0x9120] =	vst v25  }
0x21d: {  	v46 =	vld [tilespmem:s8+$0x1530];
	[tilespmem:s8+$0x9130] =	vst v24  }
0x21e: {  	v47 =	vld [tilespmem:s8+$0x1540];
	[tilespmem:s8+$0x9140] =	vst v26  }
0x21f: {  	v48 =	vld [tilespmem:s8+$0x1550];
	[tilespmem:s8+$0x9150] =	vst v27  }
0x220: {  	v49 =	vld [tilespmem:s8+$0x1560];
	[tilespmem:s8+$0x9160] =	vst v28  }
0x221: {  	v50 =	vld [tilespmem:s8+$0x1570];
	[tilespmem:s8+$0x9170] =	vst v29  }
0x222: {  	v21 =	vld.idx.msk [tilespmem:v21+s4+$0x0], $0xffff  }
0x223: {  	v22 =	vld.idx.msk [tilespmem:v44+s4+$0x0], $0xffff  }
0x224: {  	v23 =	vld.idx.msk [tilespmem:v45+s4+$0x0], $0xffff  }
0x225: {  	v24 =	vld.idx.msk [tilespmem:v46+s4+$0x0], $0xffff  }
0x226: {  	v25 =	vld.idx.msk [tilespmem:v47+s4+$0x0], $0xffff  }
0x227: {  	v26 =	vld.idx.msk [tilespmem:v48+s4+$0x0], $0xffff  }
0x228: {  	v27 =	vld.idx.msk [tilespmem:v49+s4+$0x0], $0xffff  }
0x229: {  	v28 =	vld.idx.msk [tilespmem:v50+s4+$0x0], $0xffff;
	[tilespmem:s8+$0x9500] =	vst v21  }
0x22a: {  	v51 =	vld [tilespmem:s8+$0x1910];
	[tilespmem:s8+$0x9510] =	vst v22  }
0x22b: {  	v52 =	vld [tilespmem:s8+$0x1920];
	[tilespmem:s8+$0x9520] =	vst v23  }
0x22c: {  	v53 =	vld [tilespmem:s8+$0x1930];
	[tilespmem:s8+$0x9530] =	vst v24  }
0x22d: {  	v54 =	vld [tilespmem:s8+$0x1940];
	[tilespmem:s8+$0x9540] =	vst v25  }
0x22e: {  	v55 =	vld [tilespmem:s8+$0x1950];
	[tilespmem:s8+$0x9550] =	vst v26  }
0x22f: {  	v56 =	vld [tilespmem:s8+$0x1960];
	[tilespmem:s8+$0x9560] =	vst v27  }
0x230: {  	v57 =	vld [tilespmem:s8+$0x1970];
	[tilespmem:s8+$0x9570] =	vst v28  }
0x231: {  	v20 =	vld.idx.msk [tilespmem:v20+s4+$0x0], $0xffff  }
0x232: {  	v21 =	vld.idx.msk [tilespmem:v51+s4+$0x0], $0xffff  }
0x233: {  	v22 =	vld.idx.msk [tilespmem:v52+s4+$0x0], $0xffff  }
0x234: {  	v23 =	vld.idx.msk [tilespmem:v53+s4+$0x0], $0xffff  }
0x235: {  	v24 =	vld.idx.msk [tilespmem:v54+s4+$0x0], $0xffff  }
0x236: {  	v25 =	vld.idx.msk [tilespmem:v55+s4+$0x0], $0xffff  }
0x237: {  	v26 =	vld.idx.msk [tilespmem:v56+s4+$0x0], $0xffff  }
0x238: {  	v27 =	vld.idx.msk [tilespmem:v57+s4+$0x0], $0xffff;
	[tilespmem:s8+$0x9900] =	vst v20  }
0x239: {  	v58 =	vld [tilespmem:s8+$0x1D10];
	[tilespmem:s8+$0x9910] =	vst v21  }
0x23a: {  	v63 =	vld [tilespmem:s8+$0x1D60];
	[tilespmem:s8+$0x9920] =	vst v22  }
0x23b: {  	v62 =	vld [tilespmem:s8+$0x1D50];
	[tilespmem:s8+$0x9930] =	vst v23  }
0x23c: {  	v61 =	vld [tilespmem:s8+$0x1D40];
	[tilespmem:s8+$0x9940] =	vst v24  }
0x23d: {  	v60 =	vld [tilespmem:s8+$0x1D30];
	[tilespmem:s8+$0x9950] =	vst v25  }
0x23e: {  	v59 =	vld [tilespmem:s8+$0x1D20];
	[tilespmem:s8+$0x9960] =	vst v26  }
0x23f: {  	v20 =	vld [tilespmem:s8+$0x1D70];
	[tilespmem:s8+$0x9970] =	vst v27  }
0x240: {  	v19 =	vld.idx.msk [tilespmem:v19+s4+$0x0], $0xffff  }
0x241: {  	v21 =	vld.idx.msk [tilespmem:v58+s4+$0x0], $0xffff  }
0x242: {  	v26 =	vld.idx.msk [tilespmem:v63+s4+$0x0], $0xffff  }
0x243: {  	v25 =	vld.idx.msk [tilespmem:v62+s4+$0x0], $0xffff  }
0x244: {  	v24 =	vld.idx.msk [tilespmem:v61+s4+$0x0], $0xffff  }
0x245: {  	v23 =	vld.idx.msk [tilespmem:v60+s4+$0x0], $0xffff  }
0x246: {  	v22 =	vld.idx.msk [tilespmem:v59+s4+$0x0], $0xffff  }
0x247: {  	v20 =	vld.idx.msk [tilespmem:v20+s4+$0x0], $0xffff;
	[tilespmem:s8+$0x9D60] =	vst v26  }
0x248: {  	[tilespmem:s8+$0x9D50] =	vst v25  }
0x249: {  	[tilespmem:s8+$0x9D40] =	vst v24  }
0x24a: {  	p1 =	sne.s32 s10, $0x1F;
	[tilespmem:s8+$0x9D30] =	vst v23  }
.Ltmp3:
0x24b: {  	[tilespmem:s8+$0x9D20] =	vst v22;
	(pc) =	sbr.rel @p1 .LBB2_6-.Ltmp3, $4  }
0x24c: {  	[tilespmem:s8+$0x9D10] =	vst v21  }
0x24d: {  	s6 =	sshll.u32 s10, $0xC;
	[tilespmem:s8+$0x9D00] =	vst v19  }
0x24e: {  	s6 =	sadd.s32 s6, s13;
	[tilespmem:s8+$0x9D70] =	vst v20  }
0x24f: {  	[hbm4b:s6+s4] =	stream.linear.scatter [tilespmem:s28], [sflag:$0x5], $0x2000, $0x38;
	[tilespmem:$0x10200] =	vst v63  }
.Ltmp4:
0x250: {  	(pc) =	sbr.rel .LBB2_7-.Ltmp4, $4  }
0x251: {  	_ = 	snop  }
0x252: {  	_ =	swait.ge [sflag:s29], $0x2000  }
0x253: {  	[sflag:s29] =	ssyncset.done $0x0  }
0x254: {  	[sflag:s29] =	ssyncadd.s32 $0xFFFFE000  }
.LBB2_6:
0x255: {  	s6 =	sadd.s32 s12, s14  }
0x256: {  	s6 =	sshll.u32 s6, $0xA  }
.Ltmp5:
0x257: {  	s6 =	sadd.s32 s0, s6;
	(pc) =	sbr.rel @p0 .LBB2_8-.Ltmp5, $4  }
0x258: {  	[tilespmem:s22], [sflag:$0x1] =	stream.linear.gather [hbm4b:s6+s4], $0x2000, $0x38;
	[tilespmem:$0x10200] =	vst v63  }
0x259: {  	_ =	swait.ge [sflag:s29], $0x2000  }
0x25a: {  	[sflag:s29] =	ssyncset.done $0x0  }
0x25b: {  	[sflag:s29] =	ssyncadd.s32 $0xFFFFE000  }
.LBB2_7:
0x25c: {  	_ =	swait.ge [sflag:s30], $0x2000  }
0x25d: {  	[sflag:s30] =	ssyncset.done $0x0  }
0x25e: {  	[sflag:s30] =	ssyncadd.s32 $0xFFFFE000  }
.LBB2_8:
0x25f: {  	s8 =	simm.s32 $0x0  }
0x260: {  	v19 =	vld [tilespmem:s8+$0x2100]  }
0x261: {  	v20 =	vld [tilespmem:s8+$0x2110]  }
0x262: {  	v21 =	vld [tilespmem:s8+$0x2120]  }
0x263: {  	v22 =	vld [tilespmem:s8+$0x2130]  }
0x264: {  	v23 =	vld [tilespmem:s8+$0x2140]  }
0x265: {  	v24 =	vld [tilespmem:s8+$0x2150]  }
0x266: {  	v25 =	vld [tilespmem:s8+$0x2160]  }
0x267: {  	v26 =	vld [tilespmem:s8+$0x2170];
	v19 =	vadd.s32 $0xFFFFFF80, v19;
	v20 =	vadd.s32 $0xFFFFFF80, v20  }
0x268: {  	v21 =	vadd.s32 $0xFFFFFF80, v21;
	v22 =	vadd.s32 $0xFFFFFF80, v22;
	v19 =	vcvt.s32.f32 v19  }
0x269: {  	v23 =	vadd.s32 $0xFFFFFF80, v23;
	v20 =	vcvt.s32.f32 v20;
	v21 =	vcvt.s32.f32 v21  }
0x26a: {  	v24 =	vadd.s32 $0xFFFFFF80, v24;
	v22 =	vcvt.s32.f32 v22;
	v23 =	vcvt.s32.f32 v23  }
0x26b: {  	v25 =	vadd.s32 $0xFFFFFF80, v25;
	v24 =	vcvt.s32.f32 v24;
	v19 =	vmul.f32 v19, v16  }
0x26c: {  	v26 =	vadd.s32 $0xFFFFFF80, v26;
	v25 =	vcvt.s32.f32 v25;
	v20 =	vmul.f32 v20, v16  }
0x26d: {  	v26 =	vcvt.s32.f32 v26;
	v21 =	vmul.f32 v21, v16;
	v19 =	vsub.f32 $0.0e+00, v19  }
0x26e: {  	v22 =	vmul.f32 v22, v16;
	v23 =	vmul.f32 v23, v16;
	v20 =	vsub.f32 $0.0e+00, v20  }
0x26f: {  	v24 =	vmul.f32 v24, v16;
	v19 =	vmul.f32 $1.442695020e+00, v19  }
0x270: {  	v25 =	vmul.f32 v25, v16;
	v20 =	vmul.f32 $1.442695020e+00, v20  }
0x271: {  	v21 =	vsub.f32 $0.0e+00, v21;
	v22 =	vsub.f32 $0.0e+00, v22;
	(erf) = vpow2.f32 v19  }
0x272: {  	v26 =	vmul.f32 v26, v16;
	v23 =	vsub.f32 $0.0e+00, v23;
	(erf) = vpow2.f32 v20  }
0x273: {  	v21 =	vmul.f32 $1.442695020e+00, v21;
	v19 =	vmul.f32 $1.442695020e+00, v22;
	v22 =	vsub.f32 $0.0e+00, v24  }
0x274: {  	v20 =	vmul.f32 $1.442695020e+00, v23;
	v23 =	vsub.f32 $0.0e+00, v25  }
0x275: {  	(erf) = vpow2.f32 v21;
	v21 =	vmul.f32 $1.442695020e+00, v22;
	v22 =	vsub.f32 $0.0e+00, v26  }
0x276: {  	(erf) = vpow2.f32 v19;
	v19 =	vmul.f32 $1.442695020e+00, v23  }
0x277: {  	(erf) = vpow2.f32 v20;
	v20 =	vmul.f32 $1.442695020e+00, v22;
	_ =	sdelay $0x1  }
0x278: {  	(erf) = vpow2.f32 v21  }
0x279: {  	(erf) = vpow2.f32 v19;
	v19 =	vpop (erf)  }
0x27a: {  	(erf) = vpow2.f32 v20;
	v19 =	vadd.f32 $1.000000000e+00, v19;
	v20 =	vpop (erf)  }
0x27b: {  	v20 =	vadd.f32 $1.000000000e+00, v20;
	_ =	sdelay $0x1  }
0x27c: {  	v21 =	vpop (erf)  }
0x27d: {  	v21 =	vadd.f32 $1.000000000e+00, v21;
	(erf) = vrcp.f32 v19;
	v19 =	vpop (erf)  }
0x27e: {  	(erf) = vrcp.f32 v20;
	v19 =	vadd.f32 $1.000000000e+00, v19;
	v20 =	vpop (erf)  }
0x27f: {  	v20 =	vadd.f32 $1.000000000e+00, v20;
	_ =	sdelay $0x1  }
0x280: {  	(erf) = vrcp.f32 v21;
	v21 =	vpop (erf)  }
0x281: {  	v21 =	vadd.f32 $1.000000000e+00, v21;
	(erf) = vrcp.f32 v19;
	v19 =	vpop (erf)  }
0x282: {  	(erf) = vrcp.f32 v20;
	v19 =	vadd.f32 $1.000000000e+00, v19;
	v20 =	vpop (erf)  }
0x283: {  	(erf) = vrcp.f32 v21;
	v20 =	vadd.f32 $1.000000000e+00, v20  }
0x284: {  	(erf) = vrcp.f32 v19  }
0x285: {  	(erf) = vrcp.f32 v20;
	_ =	sdelay $0x1  }
0x286: {  	v21 =	vpop (erf)  }
0x287: {  	v23 =	vpop (erf)  }
0x288: {  	v19 =	vpop (erf)  }
0x289: {  	v20 =	vpop (erf)  }
0x28a: {  	v22 =	vpop (erf)  }
0x28b: {  	v24 =	vpop (erf)  }
0x28c: {  	v25 =	vpop (erf)  }
0x28d: {  	v26 =	vpop (erf)  }
0x28e: {  	v26 =	vmul.f32 v26, v18;
	_ =	sdelay $0x1  }
0x28f: {  	v26 =	vadd.f32 $5.000000000e-01, v26  }
0x290: {  	v19 =	vmul.f32 v19, v18;
	v24 =	vmul.f32 v24, v18  }
0x291: {  	v22 =	vmul.f32 v22, v18;
	v26 =	vtrunc.f32 v26  }
0x292: {  	v27 =	vmul.f32 v23, v18;
	v24 =	vadd.f32 $5.000000000e-01, v24;
	v26 =	vcvt.f32.s32 v26  }
0x293: {  	v20 =	vmul.f32 v20, v18;
	v19 =	vadd.f32 $5.000000000e-01, v19;
	v22 =	vadd.f32 $5.000000000e-01, v22  }
0x294: {  	v25 =	vmul.f32 v25, v18;
	v24 =	vtrunc.f32 v24;
	vm0 =	vlt.s32 v26, $0x7F  }
0x295: {  	v20 =	vadd.f32 $5.000000000e-01, v20;
	v24 =	vcvt.f32.s32 v24;
	v26 =	vnsel vm0, $0x7F, v26  }
0x296: {  	v22 =	vtrunc.f32 v22;
	v25 =	vadd.f32 $5.000000000e-01, v25;
	v26 =	vcvt.s32.f32 v26  }
0x297: {  	v19 =	vtrunc.f32 v19;
	v22 =	vcvt.f32.s32 v22;
	vm10 =	vlt.s32 v24, $0x7F  }
0x298: {  	v25 =	vtrunc.f32 v25;
	v24 =	vnsel vm10, $0x7F, v24;
	v26 =	vmul.f32 v26, v17  }
0x299: {  	v25 =	vcvt.f32.s32 v25;
	v24 =	vcvt.s32.f32 v24  }
0x29a: {  	v20 =	vtrunc.f32 v20;
	vm11 =	vlt.s32 v22, $0x7F;
	[tilespmem:s8+$0xA170] =	vst v26;
	v26 =	vcvt.f32.s32 v19  }
0x29b: {  	v22 =	vnsel vm11, $0x7F, v22;
	vm9 =	vlt.s32 v25, $0x7F;
	v24 =	vmul.f32 v24, v17  }
0x29c: {  	v35 =	vld [tilespmem:s8+$0x2520];
	v22 =	vcvt.s32.f32 v22;
	v25 =	vnsel vm9, $0x7F, v25;
	vm13 =	vlt.s32 v26, $0x7F  }
0x29d: {  	v36 =	vld [tilespmem:s8+$0x2530];
	v25 =	vcvt.s32.f32 v25;
	[tilespmem:s8+$0xA150] =	vst v24;
	v24 =	vmul.f32 v21, v18;
	v26 =	vnsel vm13, $0x7F, v26  }
0x29e: {  	v37 =	vld [tilespmem:s8+$0x2540];
	v22 =	vmul.f32 v22, v17;
	v26 =	vcvt.s32.f32 v26  }
0x29f: {  	v38 =	vld [tilespmem:s8+$0x2550];
	v20 =	vcvt.f32.s32 v20;
	v25 =	vmul.f32 v25, v17;
	v24 =	vadd.f32 $5.000000000e-01, v24  }
0x2a0: {  	v39 =	vld [tilespmem:s8+$0x2560];
	v27 =	vadd.f32 $5.000000000e-01, v27;
	[tilespmem:s8+$0xA140] =	vst v22;
	v26 =	vmul.f32 v26, v17  }
0x2a1: {  	v23 =	vld [tilespmem:s8+$0x3110];
	vm12 =	vlt.s32 v20, $0x7F;
	[tilespmem:s8+$0xA160] =	vst v25;
	v24 =	vtrunc.f32 v24  }
0x2a2: {  	v22 =	vld [tilespmem:s8+$0x3100];
	v25 =	vnsel vm12, $0x7F, v20;
	v28 =	vcvt.f32.s32 v24;
	[tilespmem:s8+$0xA120] =	vst v26;
	v26 =	vtrunc.f32 v27  }
0x2a3: {  	v21 =	vld [tilespmem:s8+$0x3500];
	v25 =	vcvt.s32.f32 v25;
	v29 =	vcvt.f32.s32 v26  }
0x2a4: {  	v20 =	vld [tilespmem:s8+$0x3900];
	vm14 =	vlt.s32 v28, $0x7F  }
0x2a5: {  	v19 =	vld [tilespmem:s8+$0x3D00];
	v25 =	vmul.f32 v25, v17;
	v28 =	vnsel vm14, $0x7F, v28;
	vm15 =	vlt.s32 v29, $0x7F  }
0x2a6: {  	v24 =	vld [tilespmem:s8+$0x3130];
	v30 =	vcvt.s32.f32 v28;
	v31 =	vnsel vm15, $0x7F, v29  }
0x2a7: {  	[tilespmem:s8+$0xA130] =	vst v25;
	v25 =	vld [tilespmem:s8+$0x3120];
	v32 =	vcvt.s32.f32 v31  }
0x2a8: {  	v28 =	vld [tilespmem:s8+$0x3160];
	v33 =	vmul.f32 v30, v17  }
0x2a9: {  	v30 =	vld [tilespmem:s8+$0x2D00];
	v34 =	vmul.f32 v32, v17  }
0x2aa: {  	[tilespmem:s8+$0xA100] =	vst v33;
	v33 =	vld [tilespmem:s8+$0x2500]  }
0x2ab: {  	[tilespmem:s8+$0xA110] =	vst v34;
	v34 =	vld [tilespmem:s8+$0x2510]  }
0x2ac: {  	v27 =	vld [tilespmem:s8+$0x3150]  }
0x2ad: {  	v26 =	vld [tilespmem:s8+$0x3140]  }
0x2ae: {  	v29 =	vld [tilespmem:s8+$0x3170]  }
0x2af: {  	v31 =	vld [tilespmem:s8+$0x2D10]  }
0x2b0: {  	s6 =	simm.s32 $0x200;
	v32 =	vld [tilespmem:s8+$0x2900]  }
.LBB2_9:
0x2b1: {  	p2 =	sne.s32 s6, $0xE00;
	v40 =	vld [tilespmem:s8+$0x2570]  }
0x2b2: {  	v33 =	vld.idx.msk [tilespmem:v33+s4+$0x0], $0xffff  }
0x2b3: {  	v34 =	vld.idx.msk [tilespmem:v34+s4+$0x0], $0xffff  }
0x2b4: {  	v35 =	vld.idx.msk [tilespmem:v35+s4+$0x0], $0xffff  }
0x2b5: {  	v36 =	vld.idx.msk [tilespmem:v36+s4+$0x0], $0xffff  }
0x2b6: {  	v37 =	vld.idx.msk [tilespmem:v37+s4+$0x0], $0xffff  }
0x2b7: {  	v38 =	vld.idx.msk [tilespmem:v38+s4+$0x0], $0xffff  }
0x2b8: {  	v39 =	vld.idx.msk [tilespmem:v39+s4+$0x0], $0xffff  }
0x2b9: {  	v40 =	vld.idx.msk [tilespmem:v40+s4+$0x0], $0xffff;
	[tilespmem:s8+$0xA500] =	vst v33  }
0x2ba: {  	[tilespmem:s8+$0xA510] =	vst v34;
	v33 =	vld [tilespmem:s8+$0x2910]  }
0x2bb: {  	[tilespmem:s8+$0xA520] =	vst v35;
	v34 =	vld [tilespmem:s8+$0x2920]  }
0x2bc: {  	[tilespmem:s8+$0xA530] =	vst v36;
	v35 =	vld [tilespmem:s8+$0x2930]  }
0x2bd: {  	[tilespmem:s8+$0xA540] =	vst v37;
	v36 =	vld [tilespmem:s8+$0x2940]  }
0x2be: {  	[tilespmem:s8+$0xA550] =	vst v38;
	v37 =	vld [tilespmem:s8+$0x2950]  }
0x2bf: {  	[tilespmem:s8+$0xA560] =	vst v39;
	v38 =	vld [tilespmem:s8+$0x2960]  }
0x2c0: {  	[tilespmem:s8+$0xA570] =	vst v40;
	v39 =	vld [tilespmem:s8+$0x2970]  }
0x2c1: {  	v32 =	vld.idx.msk [tilespmem:v32+s4+$0x0], $0xffff  }
0x2c2: {  	v33 =	vld.idx.msk [tilespmem:v33+s4+$0x0], $0xffff  }
0x2c3: {  	v34 =	vld.idx.msk [tilespmem:v34+s4+$0x0], $0xffff  }
0x2c4: {  	v35 =	vld.idx.msk [tilespmem:v35+s4+$0x0], $0xffff  }
0x2c5: {  	v36 =	vld.idx.msk [tilespmem:v36+s4+$0x0], $0xffff  }
0x2c6: {  	v37 =	vld.idx.msk [tilespmem:v37+s4+$0x0], $0xffff  }
0x2c7: {  	v38 =	vld.idx.msk [tilespmem:v38+s4+$0x0], $0xffff  }
0x2c8: {  	v39 =	vld.idx.msk [tilespmem:v39+s4+$0x0], $0xffff;
	[tilespmem:s8+$0xA900] =	vst v32  }
0x2c9: {  	[tilespmem:s8+$0xA910] =	vst v33;
	v32 =	vld [tilespmem:s8+$0x2D20]  }
0x2ca: {  	[tilespmem:s8+$0xA920] =	vst v34;
	v33 =	vld [tilespmem:s8+$0x2D30]  }
0x2cb: {  	[tilespmem:s8+$0xA930] =	vst v35;
	v34 =	vld [tilespmem:s8+$0x2D40]  }
0x2cc: {  	[tilespmem:s8+$0xA940] =	vst v36;
	v35 =	vld [tilespmem:s8+$0x2D50]  }
0x2cd: {  	[tilespmem:s8+$0xA950] =	vst v37;
	v36 =	vld [tilespmem:s8+$0x2D60]  }
0x2ce: {  	s7 =	sshra.s32 s6, $0x2;
	[tilespmem:s8+$0xA960] =	vst v38;
	v37 =	vld [tilespmem:s8+$0x2D70]  }
0x2cf: {  	v38 =	vld [tilespmem:s7+$0x2100];
	[tilespmem:s8+$0xA970] =	vst v39  }
0x2d0: {  	v30 =	vld.idx.msk [tilespmem:v30+s4+$0x0], $0xffff  }
0x2d1: {  	v31 =	vld.idx.msk [tilespmem:v31+s4+$0x0], $0xffff  }
0x2d2: {  	v32 =	vld.idx.msk [tilespmem:v32+s4+$0x0], $0xffff  }
0x2d3: {  	v33 =	vld.idx.msk [tilespmem:v33+s4+$0x0], $0xffff  }
0x2d4: {  	v34 =	vld.idx.msk [tilespmem:v34+s4+$0x0], $0xffff  }
0x2d5: {  	v35 =	vld.idx.msk [tilespmem:v35+s4+$0x0], $0xffff  }
0x2d6: {  	v36 =	vld.idx.msk [tilespmem:v36+s4+$0x0], $0xffff  }
0x2d7: {  	v37 =	vld.idx.msk [tilespmem:v37+s4+$0x0], $0xffff;
	[tilespmem:s8+$0xAD00] =	vst v30  }
0x2d8: {  	v30 =	vld [tilespmem:s7+$0x2110];
	[tilespmem:s8+$0xAD10] =	vst v31  }
0x2d9: {  	v31 =	vld [tilespmem:s7+$0x2120];
	[tilespmem:s8+$0xAD20] =	vst v32  }
0x2da: {  	v32 =	vld [tilespmem:s7+$0x2130];
	[tilespmem:s8+$0xAD30] =	vst v33  }
0x2db: {  	v33 =	vld [tilespmem:s7+$0x2140];
	[tilespmem:s8+$0xAD40] =	vst v34  }
0x2dc: {  	v34 =	vld [tilespmem:s7+$0x2150];
	[tilespmem:s8+$0xAD50] =	vst v35  }
0x2dd: {  	v35 =	vld [tilespmem:s7+$0x2160];
	[tilespmem:s8+$0xAD60] =	vst v36  }
0x2de: {  	v36 =	vld [tilespmem:s7+$0x2170];
	[tilespmem:s8+$0xAD70] =	vst v37  }
0x2df: {  	v37 =	vadd.s32 $0xFFFFFF80, v38;
	v22 =	vld.idx.msk [tilespmem:v22+s4+$0x0], $0xffff  }
0x2e0: {  	v30 =	vadd.s32 $0xFFFFFF80, v30;
	v31 =	vadd.s32 $0xFFFFFF80, v31;
	v32 =	vadd.s32 $0xFFFFFF80, v32;
	v23 =	vld.idx.msk [tilespmem:v23+s4+$0x0], $0xffff  }
0x2e1: {  	v30 =	vcvt.s32.f32 v30;
	v37 =	vcvt.s32.f32 v37;
	v33 =	vadd.s32 $0xFFFFFF80, v33;
	v25 =	vld.idx.msk [tilespmem:v25+s4+$0x0], $0xffff  }
0x2e2: {  	v31 =	vcvt.s32.f32 v31;
	v32 =	vcvt.s32.f32 v32;
	v34 =	vadd.s32 $0xFFFFFF80, v34;
	v24 =	vld.idx.msk [tilespmem:v24+s4+$0x0], $0xffff  }
0x2e3: {  	v33 =	vcvt.s32.f32 v33;
	v34 =	vcvt.s32.f32 v34;
	v35 =	vadd.s32 $0xFFFFFF80, v35;
	v26 =	vld.idx.msk [tilespmem:v26+s4+$0x0], $0xffff  }
0x2e4: {  	v37 =	vmul.f32 v37, v16;
	v35 =	vcvt.s32.f32 v35;
	v36 =	vadd.s32 $0xFFFFFF80, v36;
	v27 =	vld.idx.msk [tilespmem:v27+s4+$0x0], $0xffff  }
0x2e5: {  	v30 =	vmul.f32 v30, v16;
	v36 =	vcvt.s32.f32 v36;
	v28 =	vld.idx.msk [tilespmem:v28+s4+$0x0], $0xffff  }
0x2e6: {  	v31 =	vmul.f32 v31, v16;
	v32 =	vmul.f32 v32, v16;
	v37 =	vsub.f32 $0.0e+00, v37;
	v29 =	vld.idx.msk [tilespmem:v29+s4+$0x0], $0xffff;
	[tilespmem:s8+$0xB100] =	vst v22  }
0x2e7: {  	v22 =	vsub.f32 $0.0e+00, v30;
	v30 =	vmul.f32 v33, v16;
	v33 =	vmul.f32 v34, v16;
	[tilespmem:s8+$0xB110] =	vst v23;
	v23 =	vld [tilespmem:s8+$0x3510]  }
0x2e8: {  	v31 =	vsub.f32 $0.0e+00, v31;
	v35 =	vmul.f32 v35, v16;
	v34 =	vmul.f32 $1.442695020e+00, v37;
	[tilespmem:s8+$0xB120] =	vst v25;
	v25 =	vld [tilespmem:s8+$0x3520]  }
0x2e9: {  	v32 =	vsub.f32 $0.0e+00, v32;
	v36 =	vmul.f32 v36, v16;
	v22 =	vmul.f32 $1.442695020e+00, v22;
	[tilespmem:s8+$0xB130] =	vst v24;
	v24 =	vld [tilespmem:s8+$0x3530]  }
0x2ea: {  	v31 =	vmul.f32 $1.442695020e+00, v31;
	v30 =	vsub.f32 $0.0e+00, v30;
	(erf) = vpow2.f32 v34;
	[tilespmem:s8+$0xB140] =	vst v26;
	v26 =	vld [tilespmem:s8+$0x3540]  }
0x2eb: {  	v32 =	vmul.f32 $1.442695020e+00, v32;
	v33 =	vsub.f32 $0.0e+00, v33;
	(erf) = vpow2.f32 v22;
	[tilespmem:s8+$0xB150] =	vst v27;
	v22 =	vld [tilespmem:s8+$0x3550]  }
0x2ec: {  	v27 =	vmul.f32 $1.442695020e+00, v30;
	v30 =	vsub.f32 $0.0e+00, v35;
	(erf) = vpow2.f32 v31;
	[tilespmem:s8+$0xB160] =	vst v28;
	v28 =	vld [tilespmem:s8+$0x3560]  }
0x2ed: {  	v31 =	vmul.f32 $1.442695020e+00, v33;
	v33 =	vsub.f32 $0.0e+00, v36;
	(erf) = vpow2.f32 v32;
	[tilespmem:s8+$0xB170] =	vst v29;
	v29 =	vld [tilespmem:s8+$0x3570]  }
0x2ee: {  	v30 =	vmul.f32 $1.442695020e+00, v30;
	(erf) = vpow2.f32 v27;
	v21 =	vld.idx.msk [tilespmem:v21+s4+$0x0], $0xffff  }
0x2ef: {  	v27 =	vmul.f32 $1.442695020e+00, v33;
	(erf) = vpow2.f32 v31;
	v23 =	vld.idx.msk [tilespmem:v23+s4+$0x0], $0xffff  }
0x2f0: {  	(erf) = vpow2.f32 v30;
	v25 =	vld.idx.msk [tilespmem:v25+s4+$0x0], $0xffff  }
0x2f1: {  	(erf) = vpow2.f32 v27;
	v24 =	vld.idx.msk [tilespmem:v24+s4+$0x0], $0xffff  }
0x2f2: {  	v26 =	vld.idx.msk [tilespmem:v26+s4+$0x0], $0xffff  }
0x2f3: {  	v27 =	vpop (erf);
	v22 =	vld.idx.msk [tilespmem:v22+s4+$0x0], $0xffff  }
0x2f4: {  	v32 =	vadd.f32 $1.000000000e+00, v27;
	v30 =	vpop (erf);
	v28 =	vld.idx.msk [tilespmem:v28+s4+$0x0], $0xffff  }
0x2f5: {  	v33 =	vadd.f32 $1.000000000e+00, v30;
	v31 =	vpop (erf);
	v29 =	vld.idx.msk [tilespmem:v29+s4+$0x0], $0xffff;
	[tilespmem:s8+$0xB500] =	vst v21  }
0x2f6: {  	v31 =	vadd.f32 $1.000000000e+00, v31;
	(erf) = vrcp.f32 v32;
	v27 =	vpop (erf);
	[tilespmem:s8+$0xB510] =	vst v23;
	v23 =	vld [tilespmem:s8+$0x3910]  }
0x2f7: {  	v32 =	vadd.f32 $1.000000000e+00, v27;
	(erf) = vrcp.f32 v33;
	v30 =	vpop (erf);
	[tilespmem:s8+$0xB520] =	vst v25;
	v25 =	vld [tilespmem:s8+$0x3920]  }
0x2f8: {  	v33 =	vadd.f32 $1.000000000e+00, v30;
	(erf) = vrcp.f32 v31;
	v21 =	vpop (erf);
	[tilespmem:s8+$0xB530] =	vst v24;
	v24 =	vld [tilespmem:s8+$0x3930]  }
0x2f9: {  	v21 =	vadd.f32 $1.000000000e+00, v21;
	(erf) = vrcp.f32 v32;
	v27 =	vpop (erf);
	[tilespmem:s8+$0xB540] =	vst v26;
	v26 =	vld [tilespmem:s8+$0x3940]  }
0x2fa: {  	v27 =	vadd.f32 $1.000000000e+00, v27;
	(erf) = vrcp.f32 v33;
	v30 =	vpop (erf);
	[tilespmem:s8+$0xB550] =	vst v22;
	v22 =	vld [tilespmem:s8+$0x3950]  }
0x2fb: {  	v30 =	vadd.f32 $1.000000000e+00, v30;
	(erf) = vrcp.f32 v21;
	[tilespmem:s8+$0xB560] =	vst v28;
	v21 =	vld [tilespmem:s8+$0x3960]  }
0x2fc: {  	(erf) = vrcp.f32 v27;
	[tilespmem:s8+$0xB570] =	vst v29;
	v27 =	vld [tilespmem:s8+$0x3970]  }
0x2fd: {  	(erf) = vrcp.f32 v30;
	v20 =	vld.idx.msk [tilespmem:v20+s4+$0x0], $0xffff  }
0x2fe: {  	v23 =	vld.idx.msk [tilespmem:v23+s4+$0x0], $0xffff  }
0x2ff: {  	v28 =	vpop (erf);
	v25 =	vld.idx.msk [tilespmem:v25+s4+$0x0], $0xffff  }
0x300: {  	v29 =	vpop (erf);
	v24 =	vld.idx.msk [tilespmem:v24+s4+$0x0], $0xffff  }
0x301: {  	v30 =	vpop (erf);
	v26 =	vld.idx.msk [tilespmem:v26+s4+$0x0], $0xffff  }
0x302: {  	v31 =	vpop (erf);
	v22 =	vld.idx.msk [tilespmem:v22+s4+$0x0], $0xffff  }
0x303: {  	v28 =	vmul.f32 v28, v18;
	v32 =	vpop (erf);
	v21 =	vld.idx.msk [tilespmem:v21+s4+$0x0], $0xffff  }
0x304: {  	v29 =	vmul.f32 v29, v18;
	v30 =	vmul.f32 v30, v18;
	v33 =	vpop (erf);
	v27 =	vld.idx.msk [tilespmem:v27+s4+$0x0], $0xffff;
	[tilespmem:s8+$0xB900] =	vst v20  }
0x305: {  	v20 =	vmul.f32 v31, v18;
	v31 =	vmul.f32 v32, v18;
	v32 =	vpop (erf);
	[tilespmem:s8+$0xB910] =	vst v23;
	v23 =	vld [tilespmem:s8+$0x3D70]  }
0x306: {  	v30 =	vadd.f32 $5.000000000e-01, v30;
	v33 =	vmul.f32 v33, v18;
	v32 =	vmul.f32 v32, v18;
	v34 =	vpop (erf);
	[tilespmem:s8+$0xB920] =	vst v25;
	v25 =	vld [tilespmem:s8+$0x3D10]  }
0x307: {  	v20 =	vadd.f32 $5.000000000e-01, v20;
	v31 =	vadd.f32 $5.000000000e-01, v31;
	v34 =	vmul.f32 v34, v18;
	[tilespmem:s8+$0xB930] =	vst v24;
	v24 =	vld [tilespmem:s8+$0x3D20]  }
0x308: {  	v30 =	vtrunc.f32 v30;
	v33 =	vadd.f32 $5.000000000e-01, v33;
	v32 =	vadd.f32 $5.000000000e-01, v32;
	[tilespmem:s8+$0xB940] =	vst v26;
	v26 =	vld [tilespmem:s8+$0x3D30]  }
0x309: {  	v20 =	vtrunc.f32 v20;
	v31 =	vtrunc.f32 v31;
	v34 =	vadd.f32 $5.000000000e-01, v34;
	[tilespmem:s8+$0xB950] =	vst v22;
	v22 =	vld [tilespmem:s8+$0x3D40]  }
0x30a: {  	v33 =	vtrunc.f32 v33;
	v32 =	vtrunc.f32 v32;
	[tilespmem:s8+$0xB960] =	vst v21;
	v21 =	vld [tilespmem:s8+$0x3D50]  }
0x30b: {  	v30 =	vcvt.f32.s32 v30;
	v34 =	vtrunc.f32 v34;
	[tilespmem:s8+$0xB970] =	vst v27;
	v27 =	vld [tilespmem:s8+$0x3D60]  }
0x30c: {  	v20 =	vcvt.f32.s32 v20;
	v34 =	vcvt.f32.s32 v34;
	v35 =	vld.idx.msk [tilespmem:v19+s4+$0x0], $0xffff  }
0x30d: {  	v19 =	vcvt.f32.s32 v31;
	v31 =	vcvt.f32.s32 v32;
	v23 =	vld.idx.msk [tilespmem:v23+s4+$0x0], $0xffff  }
0x30e: {  	vm0 =	vlt.s32 v30, $0x7F;
	v32 =	vcvt.f32.s32 v33;
	vm1 =	vlt.s32 v34, $0x7F;
	v33 =	vld.idx.msk [tilespmem:v25+s4+$0x0], $0xffff  }
0x30f: {  	vm2 =	vlt.s32 v20, $0x7F;
	vm3 =	vlt.s32 v31, $0x7F;
	v25 =	vnsel vm1, $0x7F, v34;
	v34 =	vld.idx.msk [tilespmem:v24+s4+$0x0], $0xffff  }
0x310: {  	vm1 =	vlt.s32 v32, $0x7F;
	v24 =	vnsel vm3, $0x7F, v31;
	v25 =	vcvt.s32.f32 v25;
	v31 =	vld.idx.msk [tilespmem:v26+s4+$0x0], $0xffff  }
0x311: {  	vm3 =	vlt.s32 v19, $0x7F;
	v26 =	vnsel vm1, $0x7F, v32;
	v24 =	vcvt.s32.f32 v24;
	v32 =	vld.idx.msk [tilespmem:v22+s4+$0x0], $0xffff  }
0x312: {  	v19 =	vnsel vm3, $0x7F, v19;
	v22 =	vcvt.s32.f32 v26;
	v25 =	vmul.f32 v25, v17;
	v36 =	vld.idx.msk [tilespmem:v21+s4+$0x0], $0xffff  }
0x313: {  	v20 =	vnsel vm2, $0x7F, v20;
	v21 =	vcvt.s32.f32 v19;
	v24 =	vmul.f32 v24, v17;
	v26 =	vld.idx.msk [tilespmem:v27+s4+$0x0], $0xffff;
	[tilespmem:s8+$0xBD70] =	vst v23  }
0x314: {  	v23 =	vnsel vm0, $0x7F, v30;
	v27 =	vcvt.s32.f32 v20;
	v22 =	vmul.f32 v22, v17;
	[tilespmem:s7+$0xA170] =	vst v25;
	v19 =	vld [tilespmem:s7+$0x3D00]  }
0x315: {  	v23 =	vcvt.s32.f32 v23;
	v25 =	vmul.f32 v21, v17;
	[tilespmem:s7+$0xA160] =	vst v24;
	v20 =	vld [tilespmem:s7+$0x3900]  }
0x316: {  	v24 =	vadd.f32 $5.000000000e-01, v28;
	v27 =	vmul.f32 v27, v17;
	[tilespmem:s7+$0xA150] =	vst v22;
	v21 =	vld [tilespmem:s7+$0x3500]  }
0x317: {  	v28 =	vadd.f32 $5.000000000e-01, v29;
	v29 =	vmul.f32 v23, v17;
	[tilespmem:s7+$0xA140] =	vst v25;
	v22 =	vld [tilespmem:s7+$0x3100]  }
0x318: {  	v24 =	vtrunc.f32 v24;
	[tilespmem:s7+$0xA130] =	vst v27;
	v23 =	vld [tilespmem:s7+$0x3110]  }
0x319: {  	v27 =	vcvt.f32.s32 v24;
	v24 =	vtrunc.f32 v28;
	[tilespmem:s7+$0xA120] =	vst v29;
	v25 =	vld [tilespmem:s7+$0x3120]  }
0x31a: {  	v28 =	vcvt.f32.s32 v24;
	v24 =	vld [tilespmem:s7+$0x3130];
	[tilespmem:s8+$0xBD60] =	vst v26  }
0x31b: {  	vm0 =	vlt.s32 v27, $0x7F;
	v26 =	vld [tilespmem:s7+$0x3140];
	[tilespmem:s8+$0xBD50] =	vst v36  }
0x31c: {  	v29 =	vnsel vm0, $0x7F, v27;
	vm0 =	vlt.s32 v28, $0x7F;
	v27 =	vld [tilespmem:s7+$0x3150];
	[tilespmem:s8+$0xBD40] =	vst v32  }
0x31d: {  	v30 =	vcvt.s32.f32 v29;
	v29 =	vnsel vm0, $0x7F, v28;
	v28 =	vld [tilespmem:s7+$0x3160];
	[tilespmem:s8+$0xBD30] =	vst v31  }
0x31e: {  	v31 =	vcvt.s32.f32 v29;
	v29 =	vld [tilespmem:s7+$0x3170];
	[tilespmem:s8+$0xBD20] =	vst v34  }
0x31f: {  	v32 =	vmul.f32 v30, v17;
	v30 =	vld [tilespmem:s7+$0x2D00];
	[tilespmem:s8+$0xBD10] =	vst v33  }
0x320: {  	v33 =	vmul.f32 v31, v17;
	v31 =	vld [tilespmem:s7+$0x2D10];
	[tilespmem:s8+$0xBD00] =	vst v35;
	s8 =	smov.u32 s7  }
0x321: {  	[tilespmem:s8+$0xA100] =	vst v32;
	v32 =	vld [tilespmem:s8+$0x2900]  }
0x322: {  	[tilespmem:s8+$0xA110] =	vst v33;
	v33 =	vld [tilespmem:s8+$0x2500]  }
0x323: {  	v34 =	vld [tilespmem:s8+$0x2510]  }
.Ltmp6:
0x324: {  	v35 =	vld [tilespmem:s8+$0x2520];
	(pc) =	sbr.rel @p2 .LBB2_9-.Ltmp6, $4  }
0x325: {  	v36 =	vld [tilespmem:s8+$0x2530]  }
0x326: {  	v37 =	vld [tilespmem:s8+$0x2540]  }
0x327: {  	v38 =	vld [tilespmem:s8+$0x2550]  }
0x328: {  	s6 =	sadd.s32 $0x200, s6;
	v39 =	vld [tilespmem:s8+$0x2560]  }
0x329: {  	_ =	sdelay $0x2  }
0x32a: {  	v40 =	vld [tilespmem:s8+$0x2570]  }
0x32b: {  	v33 =	vld.idx.msk [tilespmem:v33+s4+$0x0], $0xffff  }
0x32c: {  	v34 =	vld.idx.msk [tilespmem:v34+s4+$0x0], $0xffff  }
0x32d: {  	v35 =	vld.idx.msk [tilespmem:v35+s4+$0x0], $0xffff  }
0x32e: {  	v36 =	vld.idx.msk [tilespmem:v36+s4+$0x0], $0xffff  }
0x32f: {  	v37 =	vld.idx.msk [tilespmem:v37+s4+$0x0], $0xffff  }
0x330: {  	v38 =	vld.idx.msk [tilespmem:v38+s4+$0x0], $0xffff  }
0x331: {  	v39 =	vld.idx.msk [tilespmem:v39+s4+$0x0], $0xffff  }
0x332: {  	v40 =	vld.idx.msk [tilespmem:v40+s4+$0x0], $0xffff;
	[tilespmem:s8+$0xA500] =	vst v33  }
0x333: {  	v48 =	vld [tilespmem:s8+$0x2910];
	[tilespmem:s8+$0xA510] =	vst v34  }
0x334: {  	v49 =	vld [tilespmem:s8+$0x2920];
	[tilespmem:s8+$0xA520] =	vst v35  }
0x335: {  	v50 =	vld [tilespmem:s8+$0x2930];
	[tilespmem:s8+$0xA530] =	vst v36  }
0x336: {  	v51 =	vld [tilespmem:s8+$0x2940];
	[tilespmem:s8+$0xA540] =	vst v37  }
0x337: {  	v52 =	vld [tilespmem:s8+$0x2950];
	[tilespmem:s8+$0xA550] =	vst v38  }
0x338: {  	v53 =	vld [tilespmem:s8+$0x2960];
	[tilespmem:s8+$0xA560] =	vst v39  }
0x339: {  	v54 =	vld [tilespmem:s8+$0x2970];
	[tilespmem:s8+$0xA570] =	vst v40  }
0x33a: {  	v32 =	vld.idx.msk [tilespmem:v32+s4+$0x0], $0xffff  }
0x33b: {  	v33 =	vld.idx.msk [tilespmem:v48+s4+$0x0], $0xffff  }
0x33c: {  	v34 =	vld.idx.msk [tilespmem:v49+s4+$0x0], $0xffff  }
0x33d: {  	v35 =	vld.idx.msk [tilespmem:v50+s4+$0x0], $0xffff  }
0x33e: {  	v36 =	vld.idx.msk [tilespmem:v51+s4+$0x0], $0xffff  }
0x33f: {  	v37 =	vld.idx.msk [tilespmem:v52+s4+$0x0], $0xffff  }
0x340: {  	v38 =	vld.idx.msk [tilespmem:v53+s4+$0x0], $0xffff  }
0x341: {  	v39 =	vld.idx.msk [tilespmem:v54+s4+$0x0], $0xffff;
	[tilespmem:s8+$0xA900] =	vst v32  }
0x342: {  	[tilespmem:s8+$0xA910] =	vst v33  }
0x343: {  	v55 =	vld [tilespmem:s8+$0x2D20];
	[tilespmem:s8+$0xA920] =	vst v34  }
0x344: {  	v56 =	vld [tilespmem:s8+$0x2D30];
	[tilespmem:s8+$0xA930] =	vst v35  }
0x345: {  	v57 =	vld [tilespmem:s8+$0x2D40];
	[tilespmem:s8+$0xA940] =	vst v36  }
0x346: {  	v58 =	vld [tilespmem:s8+$0x2D50];
	[tilespmem:s8+$0xA950] =	vst v37  }
0x347: {  	v59 =	vld [tilespmem:s8+$0x2D60];
	[tilespmem:s8+$0xA960] =	vst v38  }
0x348: {  	v60 =	vld [tilespmem:s8+$0x2D70];
	[tilespmem:s8+$0xA970] =	vst v39  }
0x349: {  	v30 =	vld.idx.msk [tilespmem:v30+s4+$0x0], $0xffff  }
0x34a: {  	v31 =	vld.idx.msk [tilespmem:v31+s4+$0x0], $0xffff  }
0x34b: {  	v32 =	vld.idx.msk [tilespmem:v55+s4+$0x0], $0xffff  }
0x34c: {  	v33 =	vld.idx.msk [tilespmem:v56+s4+$0x0], $0xffff  }
0x34d: {  	v34 =	vld.idx.msk [tilespmem:v57+s4+$0x0], $0xffff  }
0x34e: {  	v35 =	vld.idx.msk [tilespmem:v58+s4+$0x0], $0xffff  }
0x34f: {  	v36 =	vld.idx.msk [tilespmem:v59+s4+$0x0], $0xffff  }
0x350: {  	v37 =	vld.idx.msk [tilespmem:v60+s4+$0x0], $0xffff;
	[tilespmem:s8+$0xAD00] =	vst v30  }
0x351: {  	[tilespmem:s8+$0xAD10] =	vst v31  }
0x352: {  	[tilespmem:s8+$0xAD20] =	vst v32  }
0x353: {  	[tilespmem:s8+$0xAD30] =	vst v33  }
0x354: {  	[tilespmem:s8+$0xAD40] =	vst v34  }
0x355: {  	[tilespmem:s8+$0xAD50] =	vst v35  }
0x356: {  	[tilespmem:s8+$0xAD60] =	vst v36  }
0x357: {  	[tilespmem:s8+$0xAD70] =	vst v37  }
0x358: {  	v22 =	vld.idx.msk [tilespmem:v22+s4+$0x0], $0xffff  }
0x359: {  	v23 =	vld.idx.msk [tilespmem:v23+s4+$0x0], $0xffff  }
0x35a: {  	v25 =	vld.idx.msk [tilespmem:v25+s4+$0x0], $0xffff  }
0x35b: {  	v24 =	vld.idx.msk [tilespmem:v24+s4+$0x0], $0xffff  }
0x35c: {  	v26 =	vld.idx.msk [tilespmem:v26+s4+$0x0], $0xffff  }
0x35d: {  	v27 =	vld.idx.msk [tilespmem:v27+s4+$0x0], $0xffff  }
0x35e: {  	v28 =	vld.idx.msk [tilespmem:v28+s4+$0x0], $0xffff  }
0x35f: {  	v29 =	vld.idx.msk [tilespmem:v29+s4+$0x0], $0xffff;
	[tilespmem:s8+$0xB100] =	vst v22  }
0x360: {  	[tilespmem:s8+$0xB110] =	vst v23;
	v22 =	vld [tilespmem:s8+$0x3510]  }
0x361: {  	[tilespmem:s8+$0xB120] =	vst v25;
	v23 =	vld [tilespmem:s8+$0x3520]  }
0x362: {  	[tilespmem:s8+$0xB130] =	vst v24;
	v24 =	vld [tilespmem:s8+$0x3530]  }
0x363: {  	[tilespmem:s8+$0xB140] =	vst v26;
	v25 =	vld [tilespmem:s8+$0x3540]  }
0x364: {  	[tilespmem:s8+$0xB150] =	vst v27;
	v26 =	vld [tilespmem:s8+$0x3550]  }
0x365: {  	[tilespmem:s8+$0xB160] =	vst v28;
	v27 =	vld [tilespmem:s8+$0x3560]  }
0x366: {  	[tilespmem:s8+$0xB170] =	vst v29;
	v28 =	vld [tilespmem:s8+$0x3570]  }
0x367: {  	v21 =	vld.idx.msk [tilespmem:v21+s4+$0x0], $0xffff  }
0x368: {  	v22 =	vld.idx.msk [tilespmem:v22+s4+$0x0], $0xffff  }
0x369: {  	v23 =	vld.idx.msk [tilespmem:v23+s4+$0x0], $0xffff  }
0x36a: {  	v24 =	vld.idx.msk [tilespmem:v24+s4+$0x0], $0xffff  }
0x36b: {  	v25 =	vld.idx.msk [tilespmem:v25+s4+$0x0], $0xffff  }
0x36c: {  	v26 =	vld.idx.msk [tilespmem:v26+s4+$0x0], $0xffff  }
0x36d: {  	v27 =	vld.idx.msk [tilespmem:v27+s4+$0x0], $0xffff  }
0x36e: {  	v28 =	vld.idx.msk [tilespmem:v28+s4+$0x0], $0xffff;
	[tilespmem:s8+$0xB500] =	vst v21  }
0x36f: {  	v21 =	vld [tilespmem:s8+$0x3910];
	[tilespmem:s8+$0xB510] =	vst v22  }
0x370: {  	[tilespmem:s8+$0xB520] =	vst v23;
	v22 =	vld [tilespmem:s8+$0x3920]  }
0x371: {  	[tilespmem:s8+$0xB530] =	vst v24;
	v23 =	vld [tilespmem:s8+$0x3930]  }
0x372: {  	[tilespmem:s8+$0xB540] =	vst v25;
	v24 =	vld [tilespmem:s8+$0x3940]  }
0x373: {  	[tilespmem:s8+$0xB550] =	vst v26;
	v25 =	vld [tilespmem:s8+$0x3950]  }
0x374: {  	[tilespmem:s8+$0xB560] =	vst v27;
	v26 =	vld [tilespmem:s8+$0x3960]  }
0x375: {  	[tilespmem:s8+$0xB570] =	vst v28;
	v27 =	vld [tilespmem:s8+$0x3970]  }
0x376: {  	v20 =	vld.idx.msk [tilespmem:v20+s4+$0x0], $0xffff  }
0x377: {  	v21 =	vld.idx.msk [tilespmem:v21+s4+$0x0], $0xffff  }
0x378: {  	v22 =	vld.idx.msk [tilespmem:v22+s4+$0x0], $0xffff  }
0x379: {  	v23 =	vld.idx.msk [tilespmem:v23+s4+$0x0], $0xffff  }
0x37a: {  	v24 =	vld.idx.msk [tilespmem:v24+s4+$0x0], $0xffff  }
0x37b: {  	v25 =	vld.idx.msk [tilespmem:v25+s4+$0x0], $0xffff  }
0x37c: {  	v26 =	vld.idx.msk [tilespmem:v26+s4+$0x0], $0xffff  }
0x37d: {  	v27 =	vld.idx.msk [tilespmem:v27+s4+$0x0], $0xffff;
	[tilespmem:s8+$0xB900] =	vst v20  }
0x37e: {  	[tilespmem:s8+$0xB910] =	vst v21;
	v20 =	vld [tilespmem:s8+$0x3D70]  }
0x37f: {  	v21 =	vld [tilespmem:s8+$0x3D10];
	[tilespmem:s8+$0xB920] =	vst v22  }
0x380: {  	[tilespmem:s8+$0xB930] =	vst v23;
	v22 =	vld [tilespmem:s8+$0x3D20]  }
0x381: {  	[tilespmem:s8+$0xB960] =	vst v26;
	v26 =	vld [tilespmem:s8+$0x3D60]  }
0x382: {  	[tilespmem:s8+$0xB950] =	vst v25;
	v25 =	vld [tilespmem:s8+$0x3D50]  }
0x383: {  	[tilespmem:s8+$0xB940] =	vst v24;
	v24 =	vld [tilespmem:s8+$0x3D40]  }
0x384: {  	v23 =	vld [tilespmem:s8+$0x3D30];
	[tilespmem:s8+$0xB970] =	vst v27  }
0x385: {  	v19 =	vld.idx.msk [tilespmem:v19+s4+$0x0], $0xffff  }
0x386: {  	v20 =	vld.idx.msk [tilespmem:v20+s4+$0x0], $0xffff  }
0x387: {  	v21 =	vld.idx.msk [tilespmem:v21+s4+$0x0], $0xffff  }
0x388: {  	v22 =	vld.idx.msk [tilespmem:v22+s4+$0x0], $0xffff  }
0x389: {  	v26 =	vld.idx.msk [tilespmem:v26+s4+$0x0], $0xffff  }
0x38a: {  	v25 =	vld.idx.msk [tilespmem:v25+s4+$0x0], $0xffff  }
0x38b: {  	v24 =	vld.idx.msk [tilespmem:v24+s4+$0x0], $0xffff  }
0x38c: {  	v23 =	vld.idx.msk [tilespmem:v23+s4+$0x0], $0xffff;
	[tilespmem:s8+$0xBD70] =	vst v20  }
0x38d: {  	[tilespmem:s8+$0xBD10] =	vst v21  }
0x38e: {  	[tilespmem:s8+$0xBD00] =	vst v19  }
0x38f: {  	s6 =	sshll.u32 s10, $0x5;
	[tilespmem:s8+$0xBD60] =	vst v26  }
0x390: {  	s6 =	sadd.s32 s6, s5;
	[tilespmem:s8+$0xBD50] =	vst v25  }
0x391: {  	s6 =	sshll.u32 s6, $0x7;
	[tilespmem:s8+$0xBD40] =	vst v24  }
0x392: {  	s18 =	sadd.s32 s2, s6;
	[tilespmem:s8+$0xBD30] =	vst v23  }
0x393: {  	p2 =	seq.s32 s10, $0x1F;
	s6 =	sadd.s32 $0x400, s18;
	[tilespmem:s8+$0xBD20] =	vst v22  }
0x394: {  	[hbm4b:s6+s4] =	stream.linear.scatter [tilespmem:s31], [sflag:$0x6], $0x2000, $0x38;
	[tilespmem:$0x10200] =	vst v63  }
0x395: {  	s6 =	sadd.s32 @!p2 s12, s15  }
0x396: {  	s6 =	sshll.u32 @!p2 s6, $0xA  }
0x397: {  	s7 =	simm.s32 @!p2 $0x0;
	s8 =	simm.s32 @!p2 $0x2100;
	s6 =	sadd.s32 @!p2 s0, s6  }
0x398: {  	[tilespmem:s8], [sflag:$0x2] =	stream.linear.gather @!p2 [hbm4b:s6+s7], $0x2000, $0x38;
	[tilespmem:$0x10200] =	vst v63  }
0x399: {  	_ =	swait.ge [sflag:s1], $0x2000  }
0x39a: {  	[sflag:s1] =	ssyncset.done $0x0  }
0x39b: {  	s6 =	simm.s32 @!p0 $0x7;
	[sflag:s1] =	ssyncadd.s32 $0xFFFFE000  }
0x39c: {  	_ =	swait.ge @!p0 [sflag:s6], $0x2000  }
0x39d: {  	[sflag:s6] =	ssyncset.done @!p0 $0x0  }
0x39e: {  	s8 =	simm.s32 $0x0;
	[sflag:s6] =	ssyncadd.s32 @!p0 $0xFFFFE000  }
0x39f: {  	v19 =	vld [tilespmem:s8+$0x4100]  }
0x3a0: {  	v20 =	vld [tilespmem:s8+$0x4110]  }
0x3a1: {  	v21 =	vld [tilespmem:s8+$0x4120]  }
0x3a2: {  	v22 =	vld [tilespmem:s8+$0x4130]  }
0x3a3: {  	v23 =	vld [tilespmem:s8+$0x4140]  }
0x3a4: {  	v24 =	vld [tilespmem:s8+$0x4150]  }
0x3a5: {  	v25 =	vld [tilespmem:s8+$0x4160]  }
0x3a6: {  	v26 =	vld [tilespmem:s8+$0x4170];
	v19 =	vadd.s32 $0xFFFFFF80, v19;
	v20 =	vadd.s32 $0xFFFFFF80, v20  }
0x3a7: {  	v21 =	vadd.s32 $0xFFFFFF80, v21;
	v22 =	vadd.s32 $0xFFFFFF80, v22;
	v19 =	vcvt.s32.f32 v19  }
0x3a8: {  	v23 =	vadd.s32 $0xFFFFFF80, v23;
	v20 =	vcvt.s32.f32 v20;
	v21 =	vcvt.s32.f32 v21  }
0x3a9: {  	v24 =	vadd.s32 $0xFFFFFF80, v24;
	v22 =	vcvt.s32.f32 v22;
	v23 =	vcvt.s32.f32 v23  }
0x3aa: {  	v25 =	vadd.s32 $0xFFFFFF80, v25;
	v24 =	vcvt.s32.f32 v24;
	v19 =	vmul.f32 v19, v16  }
0x3ab: {  	v26 =	vadd.s32 $0xFFFFFF80, v26;
	v25 =	vcvt.s32.f32 v25;
	v20 =	vmul.f32 v20, v16  }
0x3ac: {  	v26 =	vcvt.s32.f32 v26;
	v21 =	vmul.f32 v21, v16;
	v19 =	vsub.f32 $0.0e+00, v19  }
0x3ad: {  	v22 =	vmul.f32 v22, v16;
	v23 =	vmul.f32 v23, v16;
	v20 =	vsub.f32 $0.0e+00, v20  }
0x3ae: {  	v24 =	vmul.f32 v24, v16;
	v19 =	vmul.f32 $1.442695020e+00, v19  }
0x3af: {  	v25 =	vmul.f32 v25, v16;
	v20 =	vmul.f32 $1.442695020e+00, v20  }
0x3b0: {  	v21 =	vsub.f32 $0.0e+00, v21;
	v22 =	vsub.f32 $0.0e+00, v22;
	(erf) = vpow2.f32 v19  }
0x3b1: {  	v26 =	vmul.f32 v26, v16;
	v23 =	vsub.f32 $0.0e+00, v23;
	(erf) = vpow2.f32 v20  }
0x3b2: {  	v21 =	vmul.f32 $1.442695020e+00, v21;
	v19 =	vmul.f32 $1.442695020e+00, v22;
	v22 =	vsub.f32 $0.0e+00, v24  }
0x3b3: {  	v20 =	vmul.f32 $1.442695020e+00, v23;
	v23 =	vsub.f32 $0.0e+00, v25  }
0x3b4: {  	(erf) = vpow2.f32 v21;
	v21 =	vmul.f32 $1.442695020e+00, v22;
	v22 =	vsub.f32 $0.0e+00, v26  }
0x3b5: {  	(erf) = vpow2.f32 v19;
	v19 =	vmul.f32 $1.442695020e+00, v23  }
0x3b6: {  	(erf) = vpow2.f32 v20;
	v20 =	vmul.f32 $1.442695020e+00, v22;
	_ =	sdelay $0x1  }
0x3b7: {  	(erf) = vpow2.f32 v21  }
0x3b8: {  	(erf) = vpow2.f32 v19;
	v19 =	vpop (erf)  }
0x3b9: {  	(erf) = vpow2.f32 v20;
	v19 =	vadd.f32 $1.000000000e+00, v19;
	v20 =	vpop (erf)  }
0x3ba: {  	v20 =	vadd.f32 $1.000000000e+00, v20;
	_ =	sdelay $0x1  }
0x3bb: {  	v21 =	vpop (erf)  }
0x3bc: {  	v21 =	vadd.f32 $1.000000000e+00, v21;
	(erf) = vrcp.f32 v19;
	v19 =	vpop (erf)  }
0x3bd: {  	(erf) = vrcp.f32 v20;
	v19 =	vadd.f32 $1.000000000e+00, v19;
	v20 =	vpop (erf)  }
0x3be: {  	v20 =	vadd.f32 $1.000000000e+00, v20;
	_ =	sdelay $0x1  }
0x3bf: {  	(erf) = vrcp.f32 v21;
	v21 =	vpop (erf)  }
0x3c0: {  	v21 =	vadd.f32 $1.000000000e+00, v21;
	(erf) = vrcp.f32 v19;
	v19 =	vpop (erf)  }
0x3c1: {  	(erf) = vrcp.f32 v20;
	v19 =	vadd.f32 $1.000000000e+00, v19;
	v20 =	vpop (erf)  }
0x3c2: {  	(erf) = vrcp.f32 v21;
	v20 =	vadd.f32 $1.000000000e+00, v20  }
0x3c3: {  	(erf) = vrcp.f32 v19  }
0x3c4: {  	(erf) = vrcp.f32 v20;
	_ =	sdelay $0x1  }
0x3c5: {  	v21 =	vpop (erf)  }
0x3c6: {  	v23 =	vpop (erf)  }
0x3c7: {  	v19 =	vpop (erf)  }
0x3c8: {  	v20 =	vpop (erf)  }
0x3c9: {  	v22 =	vpop (erf)  }
0x3ca: {  	v24 =	vpop (erf)  }
0x3cb: {  	v25 =	vpop (erf)  }
0x3cc: {  	v26 =	vpop (erf)  }
0x3cd: {  	v26 =	vmul.f32 v26, v18;
	_ =	sdelay $0x1  }
0x3ce: {  	v22 =	vmul.f32 v22, v18;
	v24 =	vmul.f32 v24, v18;
	v26 =	vadd.f32 $5.000000000e-01, v26  }
0x3cf: {  	v27 =	vmul.f32 v23, v18;
	v19 =	vmul.f32 v19, v18  }
0x3d0: {  	v22 =	vadd.f32 $5.000000000e-01, v22;
	v24 =	vadd.f32 $5.000000000e-01, v24;
	v26 =	vtrunc.f32 v26  }
0x3d1: {  	v25 =	vmul.f32 v25, v18;
	v26 =	vcvt.f32.s32 v26  }
0x3d2: {  	v22 =	vtrunc.f32 v22;
	v24 =	vtrunc.f32 v24  }
0x3d3: {  	v25 =	vadd.f32 $5.000000000e-01, v25;
	v24 =	vcvt.f32.s32 v24;
	vm0 =	vlt.s32 v26, $0x7F  }
0x3d4: {  	v20 =	vmul.f32 v20, v18;
	v22 =	vcvt.f32.s32 v22;
	v26 =	vnsel vm0, $0x7F, v26  }
0x3d5: {  	v25 =	vtrunc.f32 v25;
	vm10 =	vlt.s32 v24, $0x7F;
	v26 =	vcvt.s32.f32 v26  }
0x3d6: {  	v32 =	vld [tilespmem:s8+$0x4900];
	v19 =	vadd.f32 $5.000000000e-01, v19;
	v25 =	vcvt.f32.s32 v25;
	v24 =	vnsel vm10, $0x7F, v24  }
0x3d7: {  	v33 =	vld [tilespmem:s8+$0x4500];
	vm11 =	vlt.s32 v22, $0x7F;
	v24 =	vcvt.s32.f32 v24;
	v26 =	vmul.f32 v26, v17  }
0x3d8: {  	v34 =	vld [tilespmem:s8+$0x4510];
	v20 =	vadd.f32 $5.000000000e-01, v20;
	v19 =	vtrunc.f32 v19;
	v22 =	vnsel vm11, $0x7F, v22  }
0x3d9: {  	v35 =	vld [tilespmem:s8+$0x4520];
	vm9 =	vlt.s32 v25, $0x7F;
	v24 =	vmul.f32 v24, v17;
	[tilespmem:s8+$0xC170] =	vst v26;
	v26 =	vcvt.f32.s32 v19  }
0x3da: {  	v36 =	vld [tilespmem:s8+$0x4530];
	v20 =	vtrunc.f32 v20;
	v22 =	vcvt.s32.f32 v22;
	v25 =	vnsel vm9, $0x7F, v25  }
0x3db: {  	v37 =	vld [tilespmem:s8+$0x4540];
	v25 =	vcvt.s32.f32 v25;
	[tilespmem:s8+$0xC150] =	vst v24;
	v24 =	vmul.f32 v21, v18;
	vm13 =	vlt.s32 v26, $0x7F  }
0x3dc: {  	v38 =	vld [tilespmem:s8+$0x4550];
	v20 =	vcvt.f32.s32 v20;
	v22 =	vmul.f32 v22, v17;
	v26 =	vnsel vm13, $0x7F, v26  }
0x3dd: {  	v39 =	vld [tilespmem:s8+$0x4560];
	v25 =	vmul.f32 v25, v17;
	v24 =	vadd.f32 $5.000000000e-01, v24;
	v26 =	vcvt.s32.f32 v26  }
0x3de: {  	v23 =	vld [tilespmem:s8+$0x5110];
	v27 =	vadd.f32 $5.000000000e-01, v27;
	vm12 =	vlt.s32 v20, $0x7F;
	[tilespmem:s8+$0xC140] =	vst v22  }
0x3df: {  	v22 =	vld [tilespmem:s8+$0x5100];
	[tilespmem:s8+$0xC160] =	vst v25;
	v25 =	vnsel vm12, $0x7F, v20;
	v24 =	vtrunc.f32 v24;
	v26 =	vmul.f32 v26, v17  }
0x3e0: {  	v21 =	vld [tilespmem:s8+$0x5500];
	v25 =	vcvt.s32.f32 v25;
	v28 =	vcvt.f32.s32 v24  }
0x3e1: {  	v20 =	vld [tilespmem:s8+$0x5900];
	[tilespmem:s8+$0xC120] =	vst v26;
	v26 =	vtrunc.f32 v27  }
0x3e2: {  	v19 =	vld [tilespmem:s8+$0x5D00];
	v25 =	vmul.f32 v25, v17;
	vm14 =	vlt.s32 v28, $0x7F;
	v29 =	vcvt.f32.s32 v26  }
0x3e3: {  	v24 =	vld [tilespmem:s8+$0x5130];
	v28 =	vnsel vm14, $0x7F, v28  }
0x3e4: {  	[tilespmem:s8+$0xC130] =	vst v25;
	v25 =	vld [tilespmem:s8+$0x5120];
	v30 =	vcvt.s32.f32 v28;
	vm15 =	vlt.s32 v29, $0x7F  }
0x3e5: {  	v28 =	vld [tilespmem:s8+$0x5160];
	v31 =	vnsel vm15, $0x7F, v29  }
0x3e6: {  	v62 =	vmul.f32 v30, v17;
	v30 =	vld [tilespmem:s8+$0x4D00];
	v61 =	vcvt.s32.f32 v31  }
0x3e7: {  	v27 =	vld [tilespmem:s8+$0x5150]  }
0x3e8: {  	v26 =	vld [tilespmem:s8+$0x5140];
	v63 =	vmul.f32 v61, v17  }
0x3e9: {  	[tilespmem:s8+$0xC100] =	vst v62;
	v29 =	vld [tilespmem:s8+$0x5170]  }
0x3ea: {  	s7 =	simm.s32 $0x200;
	s6 =	sor.u32 $0x2, s12;
	v31 =	vld [tilespmem:s8+$0x4D10];
	[tilespmem:s8+$0xC110] =	vst v63  }
.LBB2_11:
0x3eb: {  	p3 =	sne.s32 s7, $0xE00;
	v40 =	vld [tilespmem:s8+$0x4570]  }
0x3ec: {  	v33 =	vld.idx.msk [tilespmem:v33+s4+$0x0], $0xffff  }
0x3ed: {  	v34 =	vld.idx.msk [tilespmem:v34+s4+$0x0], $0xffff  }
0x3ee: {  	v35 =	vld.idx.msk [tilespmem:v35+s4+$0x0], $0xffff  }
0x3ef: {  	v36 =	vld.idx.msk [tilespmem:v36+s4+$0x0], $0xffff  }
0x3f0: {  	v37 =	vld.idx.msk [tilespmem:v37+s4+$0x0], $0xffff  }
0x3f1: {  	v38 =	vld.idx.msk [tilespmem:v38+s4+$0x0], $0xffff  }
0x3f2: {  	v39 =	vld.idx.msk [tilespmem:v39+s4+$0x0], $0xffff  }
0x3f3: {  	v40 =	vld.idx.msk [tilespmem:v40+s4+$0x0], $0xffff;
	[tilespmem:s8+$0xC500] =	vst v33  }
0x3f4: {  	[tilespmem:s8+$0xC510] =	vst v34;
	v33 =	vld [tilespmem:s8+$0x4910]  }
0x3f5: {  	[tilespmem:s8+$0xC520] =	vst v35;
	v34 =	vld [tilespmem:s8+$0x4920]  }
0x3f6: {  	[tilespmem:s8+$0xC530] =	vst v36;
	v35 =	vld [tilespmem:s8+$0x4930]  }
0x3f7: {  	[tilespmem:s8+$0xC540] =	vst v37;
	v36 =	vld [tilespmem:s8+$0x4940]  }
0x3f8: {  	[tilespmem:s8+$0xC550] =	vst v38;
	v37 =	vld [tilespmem:s8+$0x4950]  }
0x3f9: {  	[tilespmem:s8+$0xC560] =	vst v39;
	v38 =	vld [tilespmem:s8+$0x4960]  }
0x3fa: {  	[tilespmem:s8+$0xC570] =	vst v40;
	v39 =	vld [tilespmem:s8+$0x4970]  }
0x3fb: {  	v32 =	vld.idx.msk [tilespmem:v32+s4+$0x0], $0xffff  }
0x3fc: {  	v33 =	vld.idx.msk [tilespmem:v33+s4+$0x0], $0xffff  }
0x3fd: {  	v34 =	vld.idx.msk [tilespmem:v34+s4+$0x0], $0xffff  }
0x3fe: {  	v35 =	vld.idx.msk [tilespmem:v35+s4+$0x0], $0xffff  }
0x3ff: {  	v36 =	vld.idx.msk [tilespmem:v36+s4+$0x0], $0xffff  }
0x400: {  	v37 =	vld.idx.msk [tilespmem:v37+s4+$0x0], $0xffff  }
0x401: {  	v38 =	vld.idx.msk [tilespmem:v38+s4+$0x0], $0xffff  }
0x402: {  	v39 =	vld.idx.msk [tilespmem:v39+s4+$0x0], $0xffff;
	[tilespmem:s8+$0xC900] =	vst v32  }
0x403: {  	[tilespmem:s8+$0xC910] =	vst v33;
	v32 =	vld [tilespmem:s8+$0x4D20]  }
0x404: {  	[tilespmem:s8+$0xC920] =	vst v34;
	v33 =	vld [tilespmem:s8+$0x4D30]  }
0x405: {  	[tilespmem:s8+$0xC930] =	vst v35;
	v34 =	vld [tilespmem:s8+$0x4D40]  }
0x406: {  	[tilespmem:s8+$0xC940] =	vst v36;
	v35 =	vld [tilespmem:s8+$0x4D50]  }
0x407: {  	[tilespmem:s8+$0xC950] =	vst v37;
	v36 =	vld [tilespmem:s8+$0x4D60]  }
0x408: {  	s20 =	sshra.s32 s7, $0x2;
	[tilespmem:s8+$0xC960] =	vst v38;
	v37 =	vld [tilespmem:s8+$0x4D70]  }
0x409: {  	v38 =	vld [tilespmem:s20+$0x4100];
	[tilespmem:s8+$0xC970] =	vst v39  }
0x40a: {  	v30 =	vld.idx.msk [tilespmem:v30+s4+$0x0], $0xffff  }
0x40b: {  	v31 =	vld.idx.msk [tilespmem:v31+s4+$0x0], $0xffff  }
0x40c: {  	v32 =	vld.idx.msk [tilespmem:v32+s4+$0x0], $0xffff  }
0x40d: {  	v33 =	vld.idx.msk [tilespmem:v33+s4+$0x0], $0xffff  }
0x40e: {  	v34 =	vld.idx.msk [tilespmem:v34+s4+$0x0], $0xffff  }
0x40f: {  	v35 =	vld.idx.msk [tilespmem:v35+s4+$0x0], $0xffff  }
0x410: {  	v36 =	vld.idx.msk [tilespmem:v36+s4+$0x0], $0xffff  }
0x411: {  	v37 =	vld.idx.msk [tilespmem:v37+s4+$0x0], $0xffff;
	[tilespmem:s8+$0xCD00] =	vst v30  }
0x412: {  	v30 =	vld [tilespmem:s20+$0x4110];
	[tilespmem:s8+$0xCD10] =	vst v31  }
0x413: {  	v31 =	vld [tilespmem:s20+$0x4120];
	[tilespmem:s8+$0xCD20] =	vst v32  }
0x414: {  	v32 =	vld [tilespmem:s20+$0x4130];
	[tilespmem:s8+$0xCD30] =	vst v33  }
0x415: {  	v33 =	vld [tilespmem:s20+$0x4140];
	[tilespmem:s8+$0xCD40] =	vst v34  }
0x416: {  	v34 =	vld [tilespmem:s20+$0x4150];
	[tilespmem:s8+$0xCD50] =	vst v35  }
0x417: {  	v35 =	vld [tilespmem:s20+$0x4160];
	[tilespmem:s8+$0xCD60] =	vst v36  }
0x418: {  	v36 =	vld [tilespmem:s20+$0x4170];
	[tilespmem:s8+$0xCD70] =	vst v37  }
0x419: {  	v37 =	vadd.s32 $0xFFFFFF80, v38;
	v22 =	vld.idx.msk [tilespmem:v22+s4+$0x0], $0xffff  }
0x41a: {  	v30 =	vadd.s32 $0xFFFFFF80, v30;
	v31 =	vadd.s32 $0xFFFFFF80, v31;
	v32 =	vadd.s32 $0xFFFFFF80, v32;
	v23 =	vld.idx.msk [tilespmem:v23+s4+$0x0], $0xffff  }
0x41b: {  	v30 =	vcvt.s32.f32 v30;
	v37 =	vcvt.s32.f32 v37;
	v33 =	vadd.s32 $0xFFFFFF80, v33;
	v25 =	vld.idx.msk [tilespmem:v25+s4+$0x0], $0xffff  }
0x41c: {  	v31 =	vcvt.s32.f32 v31;
	v32 =	vcvt.s32.f32 v32;
	v34 =	vadd.s32 $0xFFFFFF80, v34;
	v24 =	vld.idx.msk [tilespmem:v24+s4+$0x0], $0xffff  }
0x41d: {  	v33 =	vcvt.s32.f32 v33;
	v34 =	vcvt.s32.f32 v34;
	v35 =	vadd.s32 $0xFFFFFF80, v35;
	v26 =	vld.idx.msk [tilespmem:v26+s4+$0x0], $0xffff  }
0x41e: {  	v37 =	vmul.f32 v37, v16;
	v35 =	vcvt.s32.f32 v35;
	v36 =	vadd.s32 $0xFFFFFF80, v36;
	v27 =	vld.idx.msk [tilespmem:v27+s4+$0x0], $0xffff  }
0x41f: {  	v30 =	vmul.f32 v30, v16;
	v36 =	vcvt.s32.f32 v36;
	v28 =	vld.idx.msk [tilespmem:v28+s4+$0x0], $0xffff  }
0x420: {  	v31 =	vmul.f32 v31, v16;
	v32 =	vmul.f32 v32, v16;
	v37 =	vsub.f32 $0.0e+00, v37;
	v29 =	vld.idx.msk [tilespmem:v29+s4+$0x0], $0xffff;
	[tilespmem:s8+$0xD100] =	vst v22  }
0x421: {  	v22 =	vsub.f32 $0.0e+00, v30;
	v30 =	vmul.f32 v33, v16;
	v33 =	vmul.f32 v34, v16;
	[tilespmem:s8+$0xD110] =	vst v23;
	v23 =	vld [tilespmem:s8+$0x5510]  }
0x422: {  	v31 =	vsub.f32 $0.0e+00, v31;
	v35 =	vmul.f32 v35, v16;
	v34 =	vmul.f32 $1.442695020e+00, v37;
	[tilespmem:s8+$0xD120] =	vst v25;
	v25 =	vld [tilespmem:s8+$0x5520]  }
0x423: {  	v32 =	vsub.f32 $0.0e+00, v32;
	v36 =	vmul.f32 v36, v16;
	v22 =	vmul.f32 $1.442695020e+00, v22;
	[tilespmem:s8+$0xD130] =	vst v24;
	v24 =	vld [tilespmem:s8+$0x5530]  }
0x424: {  	v31 =	vmul.f32 $1.442695020e+00, v31;
	v30 =	vsub.f32 $0.0e+00, v30;
	(erf) = vpow2.f32 v34;
	[tilespmem:s8+$0xD140] =	vst v26;
	v26 =	vld [tilespmem:s8+$0x5540]  }
0x425: {  	v32 =	vmul.f32 $1.442695020e+00, v32;
	v33 =	vsub.f32 $0.0e+00, v33;
	(erf) = vpow2.f32 v22;
	[tilespmem:s8+$0xD150] =	vst v27;
	v22 =	vld [tilespmem:s8+$0x5550]  }
0x426: {  	v27 =	vmul.f32 $1.442695020e+00, v30;
	v30 =	vsub.f32 $0.0e+00, v35;
	(erf) = vpow2.f32 v31;
	[tilespmem:s8+$0xD160] =	vst v28;
	v28 =	vld [tilespmem:s8+$0x5560]  }
0x427: {  	v31 =	vmul.f32 $1.442695020e+00, v33;
	v33 =	vsub.f32 $0.0e+00, v36;
	(erf) = vpow2.f32 v32;
	[tilespmem:s8+$0xD170] =	vst v29;
	v29 =	vld [tilespmem:s8+$0x5570]  }
0x428: {  	v30 =	vmul.f32 $1.442695020e+00, v30;
	(erf) = vpow2.f32 v27;
	v21 =	vld.idx.msk [tilespmem:v21+s4+$0x0], $0xffff  }
0x429: {  	v27 =	vmul.f32 $1.442695020e+00, v33;
	(erf) = vpow2.f32 v31;
	v23 =	vld.idx.msk [tilespmem:v23+s4+$0x0], $0xffff  }
0x42a: {  	(erf) = vpow2.f32 v30;
	v25 =	vld.idx.msk [tilespmem:v25+s4+$0x0], $0xffff  }
0x42b: {  	(erf) = vpow2.f32 v27;
	v24 =	vld.idx.msk [tilespmem:v24+s4+$0x0], $0xffff  }
0x42c: {  	v26 =	vld.idx.msk [tilespmem:v26+s4+$0x0], $0xffff  }
0x42d: {  	v27 =	vpop (erf);
	v22 =	vld.idx.msk [tilespmem:v22+s4+$0x0], $0xffff  }
0x42e: {  	v32 =	vadd.f32 $1.000000000e+00, v27;
	v30 =	vpop (erf);
	v28 =	vld.idx.msk [tilespmem:v28+s4+$0x0], $0xffff  }
0x42f: {  	v33 =	vadd.f32 $1.000000000e+00, v30;
	v31 =	vpop (erf);
	v29 =	vld.idx.msk [tilespmem:v29+s4+$0x0], $0xffff;
	[tilespmem:s8+$0xD500] =	vst v21  }
0x430: {  	v31 =	vadd.f32 $1.000000000e+00, v31;
	(erf) = vrcp.f32 v32;
	v27 =	vpop (erf);
	[tilespmem:s8+$0xD510] =	vst v23;
	v23 =	vld [tilespmem:s8+$0x5910]  }
0x431: {  	v32 =	vadd.f32 $1.000000000e+00, v27;
	(erf) = vrcp.f32 v33;
	v30 =	vpop (erf);
	[tilespmem:s8+$0xD520] =	vst v25;
	v25 =	vld [tilespmem:s8+$0x5920]  }
0x432: {  	v33 =	vadd.f32 $1.000000000e+00, v30;
	(erf) = vrcp.f32 v31;
	v21 =	vpop (erf);
	[tilespmem:s8+$0xD530] =	vst v24;
	v24 =	vld [tilespmem:s8+$0x5930]  }
0x433: {  	v21 =	vadd.f32 $1.000000000e+00, v21;
	(erf) = vrcp.f32 v32;
	v27 =	vpop (erf);
	[tilespmem:s8+$0xD540] =	vst v26;
	v26 =	vld [tilespmem:s8+$0x5940]  }
0x434: {  	v27 =	vadd.f32 $1.000000000e+00, v27;
	(erf) = vrcp.f32 v33;
	v30 =	vpop (erf);
	[tilespmem:s8+$0xD550] =	vst v22;
	v22 =	vld [tilespmem:s8+$0x5950]  }
0x435: {  	v30 =	vadd.f32 $1.000000000e+00, v30;
	(erf) = vrcp.f32 v21;
	[tilespmem:s8+$0xD560] =	vst v28;
	v21 =	vld [tilespmem:s8+$0x5960]  }
0x436: {  	(erf) = vrcp.f32 v27;
	[tilespmem:s8+$0xD570] =	vst v29;
	v27 =	vld [tilespmem:s8+$0x5970]  }
0x437: {  	(erf) = vrcp.f32 v30;
	v20 =	vld.idx.msk [tilespmem:v20+s4+$0x0], $0xffff  }
0x438: {  	v23 =	vld.idx.msk [tilespmem:v23+s4+$0x0], $0xffff  }
0x439: {  	v28 =	vpop (erf);
	v25 =	vld.idx.msk [tilespmem:v25+s4+$0x0], $0xffff  }
0x43a: {  	v29 =	vpop (erf);
	v24 =	vld.idx.msk [tilespmem:v24+s4+$0x0], $0xffff  }
0x43b: {  	v30 =	vpop (erf);
	v26 =	vld.idx.msk [tilespmem:v26+s4+$0x0], $0xffff  }
0x43c: {  	v31 =	vpop (erf);
	v22 =	vld.idx.msk [tilespmem:v22+s4+$0x0], $0xffff  }
0x43d: {  	v28 =	vmul.f32 v28, v18;
	v32 =	vpop (erf);
	v21 =	vld.idx.msk [tilespmem:v21+s4+$0x0], $0xffff  }
0x43e: {  	v29 =	vmul.f32 v29, v18;
	v30 =	vmul.f32 v30, v18;
	v33 =	vpop (erf);
	v27 =	vld.idx.msk [tilespmem:v27+s4+$0x0], $0xffff;
	[tilespmem:s8+$0xD900] =	vst v20  }
0x43f: {  	v20 =	vmul.f32 v31, v18;
	v31 =	vmul.f32 v32, v18;
	v32 =	vpop (erf);
	[tilespmem:s8+$0xD910] =	vst v23;
	v23 =	vld [tilespmem:s8+$0x5D70]  }
0x440: {  	v30 =	vadd.f32 $5.000000000e-01, v30;
	v33 =	vmul.f32 v33, v18;
	v32 =	vmul.f32 v32, v18;
	v34 =	vpop (erf);
	[tilespmem:s8+$0xD920] =	vst v25;
	v25 =	vld [tilespmem:s8+$0x5D10]  }
0x441: {  	v20 =	vadd.f32 $5.000000000e-01, v20;
	v31 =	vadd.f32 $5.000000000e-01, v31;
	v34 =	vmul.f32 v34, v18;
	[tilespmem:s8+$0xD930] =	vst v24;
	v24 =	vld [tilespmem:s8+$0x5D20]  }
0x442: {  	v30 =	vtrunc.f32 v30;
	v33 =	vadd.f32 $5.000000000e-01, v33;
	v32 =	vadd.f32 $5.000000000e-01, v32;
	[tilespmem:s8+$0xD940] =	vst v26;
	v26 =	vld [tilespmem:s8+$0x5D30]  }
0x443: {  	v20 =	vtrunc.f32 v20;
	v31 =	vtrunc.f32 v31;
	v34 =	vadd.f32 $5.000000000e-01, v34;
	[tilespmem:s8+$0xD950] =	vst v22;
	v22 =	vld [tilespmem:s8+$0x5D40]  }
0x444: {  	v33 =	vtrunc.f32 v33;
	v32 =	vtrunc.f32 v32;
	[tilespmem:s8+$0xD960] =	vst v21;
	v21 =	vld [tilespmem:s8+$0x5D50]  }
0x445: {  	v30 =	vcvt.f32.s32 v30;
	v34 =	vtrunc.f32 v34;
	[tilespmem:s8+$0xD970] =	vst v27;
	v27 =	vld [tilespmem:s8+$0x5D60]  }
0x446: {  	v20 =	vcvt.f32.s32 v20;
	v34 =	vcvt.f32.s32 v34;
	v35 =	vld.idx.msk [tilespmem:v19+s4+$0x0], $0xffff  }
0x447: {  	v19 =	vcvt.f32.s32 v31;
	v31 =	vcvt.f32.s32 v32;
	v23 =	vld.idx.msk [tilespmem:v23+s4+$0x0], $0xffff  }
0x448: {  	vm0 =	vlt.s32 v30, $0x7F;
	v32 =	vcvt.f32.s32 v33;
	vm1 =	vlt.s32 v34, $0x7F;
	v33 =	vld.idx.msk [tilespmem:v25+s4+$0x0], $0xffff  }
0x449: {  	vm2 =	vlt.s32 v20, $0x7F;
	vm3 =	vlt.s32 v31, $0x7F;
	v25 =	vnsel vm1, $0x7F, v34;
	v34 =	vld.idx.msk [tilespmem:v24+s4+$0x0], $0xffff  }
0x44a: {  	vm1 =	vlt.s32 v32, $0x7F;
	v24 =	vnsel vm3, $0x7F, v31;
	v25 =	vcvt.s32.f32 v25;
	v31 =	vld.idx.msk [tilespmem:v26+s4+$0x0], $0xffff  }
0x44b: {  	vm3 =	vlt.s32 v19, $0x7F;
	v26 =	vnsel vm1, $0x7F, v32;
	v24 =	vcvt.s32.f32 v24;
	v32 =	vld.idx.msk [tilespmem:v22+s4+$0x0], $0xffff  }
0x44c: {  	v19 =	vnsel vm3, $0x7F, v19;
	v22 =	vcvt.s32.f32 v26;
	v25 =	vmul.f32 v25, v17;
	v36 =	vld.idx.msk [tilespmem:v21+s4+$0x0], $0xffff  }
0x44d: {  	v20 =	vnsel vm2, $0x7F, v20;
	v21 =	vcvt.s32.f32 v19;
	v24 =	vmul.f32 v24, v17;
	v26 =	vld.idx.msk [tilespmem:v27+s4+$0x0], $0xffff;
	[tilespmem:s8+$0xDD70] =	vst v23  }
0x44e: {  	v23 =	vnsel vm0, $0x7F, v30;
	v27 =	vcvt.s32.f32 v20;
	v22 =	vmul.f32 v22, v17;
	[tilespmem:s20+$0xC170] =	vst v25;
	v19 =	vld [tilespmem:s20+$0x5D00]  }
0x44f: {  	v23 =	vcvt.s32.f32 v23;
	v25 =	vmul.f32 v21, v17;
	[tilespmem:s20+$0xC160] =	vst v24;
	v20 =	vld [tilespmem:s20+$0x5900]  }
0x450: {  	v24 =	vadd.f32 $5.000000000e-01, v28;
	v27 =	vmul.f32 v27, v17;
	[tilespmem:s20+$0xC150] =	vst v22;
	v21 =	vld [tilespmem:s20+$0x5500]  }
0x451: {  	v28 =	vadd.f32 $5.000000000e-01, v29;
	v29 =	vmul.f32 v23, v17;
	[tilespmem:s20+$0xC140] =	vst v25;
	v22 =	vld [tilespmem:s20+$0x5100]  }
0x452: {  	v24 =	vtrunc.f32 v24;
	[tilespmem:s20+$0xC130] =	vst v27;
	v23 =	vld [tilespmem:s20+$0x5110]  }
0x453: {  	v27 =	vcvt.f32.s32 v24;
	v24 =	vtrunc.f32 v28;
	[tilespmem:s20+$0xC120] =	vst v29;
	v25 =	vld [tilespmem:s20+$0x5120]  }
0x454: {  	v28 =	vcvt.f32.s32 v24;
	v24 =	vld [tilespmem:s20+$0x5130];
	[tilespmem:s8+$0xDD60] =	vst v26  }
0x455: {  	vm0 =	vlt.s32 v27, $0x7F;
	v26 =	vld [tilespmem:s20+$0x5140];
	[tilespmem:s8+$0xDD50] =	vst v36  }
0x456: {  	v29 =	vnsel vm0, $0x7F, v27;
	vm0 =	vlt.s32 v28, $0x7F;
	v27 =	vld [tilespmem:s20+$0x5150];
	[tilespmem:s8+$0xDD40] =	vst v32  }
0x457: {  	v30 =	vcvt.s32.f32 v29;
	v29 =	vnsel vm0, $0x7F, v28;
	v28 =	vld [tilespmem:s20+$0x5160];
	[tilespmem:s8+$0xDD30] =	vst v31  }
0x458: {  	v31 =	vcvt.s32.f32 v29;
	v29 =	vld [tilespmem:s20+$0x5170];
	[tilespmem:s8+$0xDD20] =	vst v34  }
0x459: {  	v32 =	vmul.f32 v30, v17;
	v30 =	vld [tilespmem:s20+$0x4D00];
	[tilespmem:s8+$0xDD10] =	vst v33  }
0x45a: {  	v33 =	vmul.f32 v31, v17;
	v31 =	vld [tilespmem:s20+$0x4D10];
	[tilespmem:s8+$0xDD00] =	vst v35;
	s8 =	smov.u32 s20  }
0x45b: {  	[tilespmem:s8+$0xC100] =	vst v32;
	v32 =	vld [tilespmem:s8+$0x4900]  }
0x45c: {  	[tilespmem:s8+$0xC110] =	vst v33;
	v33 =	vld [tilespmem:s8+$0x4500]  }
0x45d: {  	v34 =	vld [tilespmem:s8+$0x4510]  }
.Ltmp7:
0x45e: {  	v35 =	vld [tilespmem:s8+$0x4520];
	(pc) =	sbr.rel @p3 .LBB2_11-.Ltmp7, $4  }
0x45f: {  	v36 =	vld [tilespmem:s8+$0x4530]  }
0x460: {  	v37 =	vld [tilespmem:s8+$0x4540]  }
0x461: {  	v38 =	vld [tilespmem:s8+$0x4550]  }
0x462: {  	s7 =	sadd.s32 $0x200, s7;
	v39 =	vld [tilespmem:s8+$0x4560]  }
0x463: {  	_ =	sdelay $0x2  }
0x464: {  	v40 =	vld [tilespmem:s8+$0x4570]  }
0x465: {  	v33 =	vld.idx.msk [tilespmem:v33+s4+$0x0], $0xffff  }
0x466: {  	v34 =	vld.idx.msk [tilespmem:v34+s4+$0x0], $0xffff  }
0x467: {  	v35 =	vld.idx.msk [tilespmem:v35+s4+$0x0], $0xffff  }
0x468: {  	v36 =	vld.idx.msk [tilespmem:v36+s4+$0x0], $0xffff  }
0x469: {  	v37 =	vld.idx.msk [tilespmem:v37+s4+$0x0], $0xffff  }
0x46a: {  	v38 =	vld.idx.msk [tilespmem:v38+s4+$0x0], $0xffff  }
0x46b: {  	v39 =	vld.idx.msk [tilespmem:v39+s4+$0x0], $0xffff  }
0x46c: {  	v40 =	vld.idx.msk [tilespmem:v40+s4+$0x0], $0xffff;
	[tilespmem:s8+$0xC500] =	vst v33  }
0x46d: {  	v55 =	vld [tilespmem:s8+$0x4910];
	[tilespmem:s8+$0xC510] =	vst v34  }
0x46e: {  	v56 =	vld [tilespmem:s8+$0x4920];
	[tilespmem:s8+$0xC520] =	vst v35  }
0x46f: {  	v57 =	vld [tilespmem:s8+$0x4930];
	[tilespmem:s8+$0xC530] =	vst v36  }
0x470: {  	v58 =	vld [tilespmem:s8+$0x4940];
	[tilespmem:s8+$0xC540] =	vst v37  }
0x471: {  	v59 =	vld [tilespmem:s8+$0x4950];
	[tilespmem:s8+$0xC550] =	vst v38  }
0x472: {  	v60 =	vld [tilespmem:s8+$0x4960];
	[tilespmem:s8+$0xC560] =	vst v39  }
0x473: {  	v61 =	vld [tilespmem:s8+$0x4970];
	[tilespmem:s8+$0xC570] =	vst v40  }
0x474: {  	v32 =	vld.idx.msk [tilespmem:v32+s4+$0x0], $0xffff  }
0x475: {  	v33 =	vld.idx.msk [tilespmem:v55+s4+$0x0], $0xffff  }
0x476: {  	v34 =	vld.idx.msk [tilespmem:v56+s4+$0x0], $0xffff  }
0x477: {  	v35 =	vld.idx.msk [tilespmem:v57+s4+$0x0], $0xffff  }
0x478: {  	v36 =	vld.idx.msk [tilespmem:v58+s4+$0x0], $0xffff  }
0x479: {  	v37 =	vld.idx.msk [tilespmem:v59+s4+$0x0], $0xffff  }
0x47a: {  	v38 =	vld.idx.msk [tilespmem:v60+s4+$0x0], $0xffff  }
0x47b: {  	v39 =	vld.idx.msk [tilespmem:v61+s4+$0x0], $0xffff;
	[tilespmem:s8+$0xC900] =	vst v32  }
0x47c: {  	[tilespmem:s8+$0xC910] =	vst v33  }
0x47d: {  	v62 =	vld [tilespmem:s8+$0x4D20];
	[tilespmem:s8+$0xC920] =	vst v34  }
0x47e: {  	v63 =	vld [tilespmem:s8+$0x4D30];
	[tilespmem:s8+$0xC930] =	vst v35  }
0x47f: {  	v41 =	vld [tilespmem:s8+$0x4D50];
	[tilespmem:s8+$0xC940] =	vst v36  }
0x480: {  	v42 =	vld [tilespmem:s8+$0x4D60];
	[tilespmem:s8+$0xC950] =	vst v37  }
0x481: {  	v43 =	vld [tilespmem:s8+$0x4D70];
	[tilespmem:s8+$0xC960] =	vst v38  }
0x482: {  	v40 =	vld [tilespmem:s8+$0x4D40];
	[tilespmem:s8+$0xC970] =	vst v39  }
0x483: {  	v30 =	vld.idx.msk [tilespmem:v30+s4+$0x0], $0xffff  }
0x484: {  	v31 =	vld.idx.msk [tilespmem:v31+s4+$0x0], $0xffff  }
0x485: {  	v32 =	vld.idx.msk [tilespmem:v62+s4+$0x0], $0xffff  }
0x486: {  	v33 =	vld.idx.msk [tilespmem:v63+s4+$0x0], $0xffff  }
0x487: {  	v35 =	vld.idx.msk [tilespmem:v41+s4+$0x0], $0xffff  }
0x488: {  	v36 =	vld.idx.msk [tilespmem:v42+s4+$0x0], $0xffff  }
0x489: {  	v37 =	vld.idx.msk [tilespmem:v43+s4+$0x0], $0xffff  }
0x48a: {  	v34 =	vld.idx.msk [tilespmem:v40+s4+$0x0], $0xffff;
	[tilespmem:s8+$0xCD00] =	vst v30  }
0x48b: {  	[tilespmem:s8+$0xCD10] =	vst v31  }
0x48c: {  	[tilespmem:s8+$0xCD20] =	vst v32  }
0x48d: {  	[tilespmem:s8+$0xCD30] =	vst v33  }
0x48e: {  	[tilespmem:s8+$0xCD50] =	vst v35  }
0x48f: {  	[tilespmem:s8+$0xCD60] =	vst v36  }
0x490: {  	[tilespmem:s8+$0xCD70] =	vst v37  }
0x491: {  	[tilespmem:s8+$0xCD40] =	vst v34  }
0x492: {  	v22 =	vld.idx.msk [tilespmem:v22+s4+$0x0], $0xffff  }
0x493: {  	v23 =	vld.idx.msk [tilespmem:v23+s4+$0x0], $0xffff  }
0x494: {  	v25 =	vld.idx.msk [tilespmem:v25+s4+$0x0], $0xffff  }
0x495: {  	v24 =	vld.idx.msk [tilespmem:v24+s4+$0x0], $0xffff  }
0x496: {  	v26 =	vld.idx.msk [tilespmem:v26+s4+$0x0], $0xffff  }
0x497: {  	v27 =	vld.idx.msk [tilespmem:v27+s4+$0x0], $0xffff  }
0x498: {  	v28 =	vld.idx.msk [tilespmem:v28+s4+$0x0], $0xffff  }
0x499: {  	v29 =	vld.idx.msk [tilespmem:v29+s4+$0x0], $0xffff;
	[tilespmem:s8+$0xD100] =	vst v22  }
0x49a: {  	v44 =	vld [tilespmem:s8+$0x5510];
	[tilespmem:s8+$0xD110] =	vst v23  }
0x49b: {  	v45 =	vld [tilespmem:s8+$0x5520];
	[tilespmem:s8+$0xD120] =	vst v25  }
0x49c: {  	v46 =	vld [tilespmem:s8+$0x5530];
	[tilespmem:s8+$0xD130] =	vst v24  }
0x49d: {  	v47 =	vld [tilespmem:s8+$0x5540];
	[tilespmem:s8+$0xD140] =	vst v26  }
0x49e: {  	v48 =	vld [tilespmem:s8+$0x5550];
	[tilespmem:s8+$0xD150] =	vst v27  }
0x49f: {  	v49 =	vld [tilespmem:s8+$0x5560];
	[tilespmem:s8+$0xD160] =	vst v28  }
0x4a0: {  	v50 =	vld [tilespmem:s8+$0x5570];
	[tilespmem:s8+$0xD170] =	vst v29  }
0x4a1: {  	v21 =	vld.idx.msk [tilespmem:v21+s4+$0x0], $0xffff  }
0x4a2: {  	v22 =	vld.idx.msk [tilespmem:v44+s4+$0x0], $0xffff  }
0x4a3: {  	v23 =	vld.idx.msk [tilespmem:v45+s4+$0x0], $0xffff  }
0x4a4: {  	v24 =	vld.idx.msk [tilespmem:v46+s4+$0x0], $0xffff  }
0x4a5: {  	v25 =	vld.idx.msk [tilespmem:v47+s4+$0x0], $0xffff  }
0x4a6: {  	v26 =	vld.idx.msk [tilespmem:v48+s4+$0x0], $0xffff  }
0x4a7: {  	v27 =	vld.idx.msk [tilespmem:v49+s4+$0x0], $0xffff  }
0x4a8: {  	v28 =	vld.idx.msk [tilespmem:v50+s4+$0x0], $0xffff;
	[tilespmem:s8+$0xD500] =	vst v21  }
0x4a9: {  	v51 =	vld [tilespmem:s8+$0x5910];
	[tilespmem:s8+$0xD510] =	vst v22  }
0x4aa: {  	v52 =	vld [tilespmem:s8+$0x5920];
	[tilespmem:s8+$0xD520] =	vst v23  }
0x4ab: {  	v53 =	vld [tilespmem:s8+$0x5930];
	[tilespmem:s8+$0xD530] =	vst v24  }
0x4ac: {  	v54 =	vld [tilespmem:s8+$0x5940];
	[tilespmem:s8+$0xD540] =	vst v25  }
0x4ad: {  	v55 =	vld [tilespmem:s8+$0x5950];
	[tilespmem:s8+$0xD550] =	vst v26  }
0x4ae: {  	v56 =	vld [tilespmem:s8+$0x5960];
	[tilespmem:s8+$0xD560] =	vst v27  }
0x4af: {  	v57 =	vld [tilespmem:s8+$0x5970];
	[tilespmem:s8+$0xD570] =	vst v28  }
0x4b0: {  	v20 =	vld.idx.msk [tilespmem:v20+s4+$0x0], $0xffff  }
0x4b1: {  	v21 =	vld.idx.msk [tilespmem:v51+s4+$0x0], $0xffff  }
0x4b2: {  	v22 =	vld.idx.msk [tilespmem:v52+s4+$0x0], $0xffff  }
0x4b3: {  	v23 =	vld.idx.msk [tilespmem:v53+s4+$0x0], $0xffff  }
0x4b4: {  	v24 =	vld.idx.msk [tilespmem:v54+s4+$0x0], $0xffff  }
0x4b5: {  	v25 =	vld.idx.msk [tilespmem:v55+s4+$0x0], $0xffff  }
0x4b6: {  	v26 =	vld.idx.msk [tilespmem:v56+s4+$0x0], $0xffff  }
0x4b7: {  	v27 =	vld.idx.msk [tilespmem:v57+s4+$0x0], $0xffff;
	[tilespmem:s8+$0xD900] =	vst v20  }
0x4b8: {  	v58 =	vld [tilespmem:s8+$0x5D10];
	[tilespmem:s8+$0xD910] =	vst v21  }
0x4b9: {  	v63 =	vld [tilespmem:s8+$0x5D60];
	[tilespmem:s8+$0xD920] =	vst v22  }
0x4ba: {  	v62 =	vld [tilespmem:s8+$0x5D50];
	[tilespmem:s8+$0xD930] =	vst v23  }
0x4bb: {  	v61 =	vld [tilespmem:s8+$0x5D40];
	[tilespmem:s8+$0xD940] =	vst v24  }
0x4bc: {  	v60 =	vld [tilespmem:s8+$0x5D30];
	[tilespmem:s8+$0xD950] =	vst v25  }
0x4bd: {  	v59 =	vld [tilespmem:s8+$0x5D20];
	[tilespmem:s8+$0xD960] =	vst v26  }
0x4be: {  	v20 =	vld [tilespmem:s8+$0x5D70];
	[tilespmem:s8+$0xD970] =	vst v27  }
0x4bf: {  	v19 =	vld.idx.msk [tilespmem:v19+s4+$0x0], $0xffff  }
0x4c0: {  	v21 =	vld.idx.msk [tilespmem:v58+s4+$0x0], $0xffff  }
0x4c1: {  	v26 =	vld.idx.msk [tilespmem:v63+s4+$0x0], $0xffff  }
0x4c2: {  	v25 =	vld.idx.msk [tilespmem:v62+s4+$0x0], $0xffff  }
0x4c3: {  	v24 =	vld.idx.msk [tilespmem:v61+s4+$0x0], $0xffff  }
0x4c4: {  	v23 =	vld.idx.msk [tilespmem:v60+s4+$0x0], $0xffff  }
0x4c5: {  	v22 =	vld.idx.msk [tilespmem:v59+s4+$0x0], $0xffff  }
0x4c6: {  	v20 =	vld.idx.msk [tilespmem:v20+s4+$0x0], $0xffff;
	[tilespmem:s8+$0xDD60] =	vst v26  }
0x4c7: {  	[tilespmem:s8+$0xDD50] =	vst v25  }
0x4c8: {  	[tilespmem:s8+$0xDD40] =	vst v24  }
0x4c9: {  	[tilespmem:s8+$0xDD30] =	vst v23  }
.Ltmp8:
0x4ca: {  	[tilespmem:s8+$0xDD20] =	vst v22;
	(pc) =	sbr.rel @p1 .LBB2_14-.Ltmp8, $4  }
0x4cb: {  	s6 =	sadd.s32 s11, s6;
	[tilespmem:s8+$0xDD10] =	vst v21  }
0x4cc: {  	s6 =	sshll.u32 s6, $0xA;
	[tilespmem:s8+$0xDD00] =	vst v19  }
0x4cd: {  	s6 =	sadd.s32 s2, s6;
	[tilespmem:s8+$0xDD70] =	vst v20  }
0x4ce: {  	[hbm4b:s6+s4] =	stream.linear.scatter [tilespmem:s3], [sflag:$0x7], $0x2000, $0x38;
	[tilespmem:$0x10200] =	vst v63  }
.Ltmp9:
0x4cf: {  	(pc) =	sbr.rel .LBB2_15-.Ltmp9, $4  }
0x4d0: {  	_ = 	snop  }
0x4d1: {  	_ =	swait.ge [sflag:s19], $0x2000  }
0x4d2: {  	[sflag:s19] =	ssyncset.done $0x0  }
0x4d3: {  	[sflag:s19] =	ssyncadd.s32 $0xFFFFE000  }
.LBB2_14:
0x4d4: {  	s6 =	sadd.s32 s12, s16  }
0x4d5: {  	s6 =	sshll.u32 s6, $0xA  }
.Ltmp10:
0x4d6: {  	s6 =	sadd.s32 s0, s6;
	(pc) =	sbr.rel @p0 .LBB2_16-.Ltmp10, $4  }
0x4d7: {  	[tilespmem:s24], [sflag:$0x3] =	stream.linear.gather [hbm4b:s6+s4], $0x2000, $0x38;
	[tilespmem:$0x10200] =	vst v63  }
0x4d8: {  	_ =	swait.ge [sflag:s19], $0x2000  }
0x4d9: {  	[sflag:s19] =	ssyncset.done $0x0  }
0x4da: {  	[sflag:s19] =	ssyncadd.s32 $0xFFFFE000  }
.LBB2_15:
0x4db: {  	_ =	swait.ge [sflag:s21], $0x2000  }
0x4dc: {  	[sflag:s21] =	ssyncset.done $0x0  }
0x4dd: {  	[sflag:s21] =	ssyncadd.s32 $0xFFFFE000  }
.LBB2_16:
0x4de: {  	s8 =	simm.s32 $0x0  }
0x4df: {  	v19 =	vld [tilespmem:s8+$0x6100]  }
0x4e0: {  	v20 =	vld [tilespmem:s8+$0x6110]  }
0x4e1: {  	v21 =	vld [tilespmem:s8+$0x6120]  }
0x4e2: {  	v22 =	vld [tilespmem:s8+$0x6130]  }
0x4e3: {  	v23 =	vld [tilespmem:s8+$0x6140]  }
0x4e4: {  	v24 =	vld [tilespmem:s8+$0x6150]  }
0x4e5: {  	v25 =	vld [tilespmem:s8+$0x6160]  }
0x4e6: {  	v26 =	vld [tilespmem:s8+$0x6170];
	v19 =	vadd.s32 $0xFFFFFF80, v19;
	v20 =	vadd.s32 $0xFFFFFF80, v20  }
0x4e7: {  	v21 =	vadd.s32 $0xFFFFFF80, v21;
	v22 =	vadd.s32 $0xFFFFFF80, v22;
	v19 =	vcvt.s32.f32 v19  }
0x4e8: {  	v23 =	vadd.s32 $0xFFFFFF80, v23;
	v20 =	vcvt.s32.f32 v20;
	v21 =	vcvt.s32.f32 v21  }
0x4e9: {  	v24 =	vadd.s32 $0xFFFFFF80, v24;
	v22 =	vcvt.s32.f32 v22;
	v23 =	vcvt.s32.f32 v23  }
0x4ea: {  	v25 =	vadd.s32 $0xFFFFFF80, v25;
	v24 =	vcvt.s32.f32 v24;
	v19 =	vmul.f32 v19, v16  }
0x4eb: {  	v26 =	vadd.s32 $0xFFFFFF80, v26;
	v25 =	vcvt.s32.f32 v25;
	v20 =	vmul.f32 v20, v16  }
0x4ec: {  	v26 =	vcvt.s32.f32 v26;
	v21 =	vmul.f32 v21, v16;
	v19 =	vsub.f32 $0.0e+00, v19  }
0x4ed: {  	v22 =	vmul.f32 v22, v16;
	v23 =	vmul.f32 v23, v16;
	v20 =	vsub.f32 $0.0e+00, v20  }
0x4ee: {  	v24 =	vmul.f32 v24, v16;
	v19 =	vmul.f32 $1.442695020e+00, v19  }
0x4ef: {  	v25 =	vmul.f32 v25, v16;
	v20 =	vmul.f32 $1.442695020e+00, v20  }
0x4f0: {  	v21 =	vsub.f32 $0.0e+00, v21;
	v22 =	vsub.f32 $0.0e+00, v22;
	(erf) = vpow2.f32 v19  }
0x4f1: {  	v26 =	vmul.f32 v26, v16;
	v23 =	vsub.f32 $0.0e+00, v23;
	(erf) = vpow2.f32 v20  }
0x4f2: {  	v21 =	vmul.f32 $1.442695020e+00, v21;
	v19 =	vmul.f32 $1.442695020e+00, v22;
	v22 =	vsub.f32 $0.0e+00, v24  }
0x4f3: {  	v20 =	vmul.f32 $1.442695020e+00, v23;
	v23 =	vsub.f32 $0.0e+00, v25  }
0x4f4: {  	(erf) = vpow2.f32 v21;
	v21 =	vmul.f32 $1.442695020e+00, v22;
	v22 =	vsub.f32 $0.0e+00, v26  }
0x4f5: {  	(erf) = vpow2.f32 v19;
	v19 =	vmul.f32 $1.442695020e+00, v23  }
0x4f6: {  	(erf) = vpow2.f32 v20;
	v20 =	vmul.f32 $1.442695020e+00, v22;
	_ =	sdelay $0x1  }
0x4f7: {  	(erf) = vpow2.f32 v21  }
0x4f8: {  	(erf) = vpow2.f32 v19;
	v19 =	vpop (erf)  }
0x4f9: {  	(erf) = vpow2.f32 v20;
	v19 =	vadd.f32 $1.000000000e+00, v19;
	v20 =	vpop (erf)  }
0x4fa: {  	v20 =	vadd.f32 $1.000000000e+00, v20;
	_ =	sdelay $0x1  }
0x4fb: {  	v21 =	vpop (erf)  }
0x4fc: {  	v21 =	vadd.f32 $1.000000000e+00, v21;
	(erf) = vrcp.f32 v19;
	v19 =	vpop (erf)  }
0x4fd: {  	(erf) = vrcp.f32 v20;
	v19 =	vadd.f32 $1.000000000e+00, v19;
	v20 =	vpop (erf)  }
0x4fe: {  	v20 =	vadd.f32 $1.000000000e+00, v20;
	_ =	sdelay $0x1  }
0x4ff: {  	(erf) = vrcp.f32 v21;
	v21 =	vpop (erf)  }
0x500: {  	v21 =	vadd.f32 $1.000000000e+00, v21;
	(erf) = vrcp.f32 v19;
	v19 =	vpop (erf)  }
0x501: {  	(erf) = vrcp.f32 v20;
	v19 =	vadd.f32 $1.000000000e+00, v19;
	v20 =	vpop (erf)  }
0x502: {  	(erf) = vrcp.f32 v21;
	v20 =	vadd.f32 $1.000000000e+00, v20  }
0x503: {  	(erf) = vrcp.f32 v19  }
0x504: {  	(erf) = vrcp.f32 v20;
	_ =	sdelay $0x1  }
0x505: {  	v21 =	vpop (erf)  }
0x506: {  	v23 =	vpop (erf)  }
0x507: {  	v19 =	vpop (erf)  }
0x508: {  	v20 =	vpop (erf)  }
0x509: {  	v22 =	vpop (erf)  }
0x50a: {  	v24 =	vpop (erf)  }
0x50b: {  	v25 =	vpop (erf)  }
0x50c: {  	v26 =	vpop (erf)  }
0x50d: {  	v26 =	vmul.f32 v26, v18;
	_ =	sdelay $0x1  }
0x50e: {  	v26 =	vadd.f32 $5.000000000e-01, v26  }
0x50f: {  	v19 =	vmul.f32 v19, v18;
	v24 =	vmul.f32 v24, v18  }
0x510: {  	v22 =	vmul.f32 v22, v18;
	v26 =	vtrunc.f32 v26  }
0x511: {  	v27 =	vmul.f32 v23, v18;
	v24 =	vadd.f32 $5.000000000e-01, v24;
	v26 =	vcvt.f32.s32 v26  }
0x512: {  	v20 =	vmul.f32 v20, v18;
	v19 =	vadd.f32 $5.000000000e-01, v19;
	v22 =	vadd.f32 $5.000000000e-01, v22  }
0x513: {  	v25 =	vmul.f32 v25, v18;
	v24 =	vtrunc.f32 v24;
	vm0 =	vlt.s32 v26, $0x7F  }
0x514: {  	v20 =	vadd.f32 $5.000000000e-01, v20;
	v24 =	vcvt.f32.s32 v24;
	v26 =	vnsel vm0, $0x7F, v26  }
0x515: {  	v22 =	vtrunc.f32 v22;
	v25 =	vadd.f32 $5.000000000e-01, v25;
	v26 =	vcvt.s32.f32 v26  }
0x516: {  	v19 =	vtrunc.f32 v19;
	v22 =	vcvt.f32.s32 v22;
	vm10 =	vlt.s32 v24, $0x7F  }
0x517: {  	v25 =	vtrunc.f32 v25;
	v24 =	vnsel vm10, $0x7F, v24;
	v26 =	vmul.f32 v26, v17  }
0x518: {  	v25 =	vcvt.f32.s32 v25;
	v24 =	vcvt.s32.f32 v24  }
0x519: {  	v20 =	vtrunc.f32 v20;
	vm11 =	vlt.s32 v22, $0x7F;
	[tilespmem:s8+$0xE170] =	vst v26;
	v26 =	vcvt.f32.s32 v19  }
0x51a: {  	v22 =	vnsel vm11, $0x7F, v22;
	vm9 =	vlt.s32 v25, $0x7F;
	v24 =	vmul.f32 v24, v17  }
0x51b: {  	v35 =	vld [tilespmem:s8+$0x6520];
	v22 =	vcvt.s32.f32 v22;
	v25 =	vnsel vm9, $0x7F, v25;
	vm13 =	vlt.s32 v26, $0x7F  }
0x51c: {  	v36 =	vld [tilespmem:s8+$0x6530];
	v25 =	vcvt.s32.f32 v25;
	[tilespmem:s8+$0xE150] =	vst v24;
	v24 =	vmul.f32 v21, v18;
	v26 =	vnsel vm13, $0x7F, v26  }
0x51d: {  	v37 =	vld [tilespmem:s8+$0x6540];
	v22 =	vmul.f32 v22, v17;
	v26 =	vcvt.s32.f32 v26  }
0x51e: {  	v38 =	vld [tilespmem:s8+$0x6550];
	v20 =	vcvt.f32.s32 v20;
	v25 =	vmul.f32 v25, v17;
	v24 =	vadd.f32 $5.000000000e-01, v24  }
0x51f: {  	v39 =	vld [tilespmem:s8+$0x6560];
	v27 =	vadd.f32 $5.000000000e-01, v27;
	[tilespmem:s8+$0xE140] =	vst v22;
	v26 =	vmul.f32 v26, v17  }
0x520: {  	v23 =	vld [tilespmem:s8+$0x7110];
	vm12 =	vlt.s32 v20, $0x7F;
	[tilespmem:s8+$0xE160] =	vst v25;
	v24 =	vtrunc.f32 v24  }
0x521: {  	v22 =	vld [tilespmem:s8+$0x7100];
	v25 =	vnsel vm12, $0x7F, v20;
	v28 =	vcvt.f32.s32 v24;
	[tilespmem:s8+$0xE120] =	vst v26;
	v26 =	vtrunc.f32 v27  }
0x522: {  	v21 =	vld [tilespmem:s8+$0x7500];
	v25 =	vcvt.s32.f32 v25;
	v29 =	vcvt.f32.s32 v26  }
0x523: {  	v20 =	vld [tilespmem:s8+$0x7900];
	vm14 =	vlt.s32 v28, $0x7F  }
0x524: {  	v19 =	vld [tilespmem:s8+$0x7D00];
	v25 =	vmul.f32 v25, v17;
	v28 =	vnsel vm14, $0x7F, v28;
	vm15 =	vlt.s32 v29, $0x7F  }
0x525: {  	v24 =	vld [tilespmem:s8+$0x7130];
	v30 =	vcvt.s32.f32 v28;
	v31 =	vnsel vm15, $0x7F, v29  }
0x526: {  	[tilespmem:s8+$0xE130] =	vst v25;
	v25 =	vld [tilespmem:s8+$0x7120];
	v32 =	vcvt.s32.f32 v31  }
0x527: {  	v28 =	vld [tilespmem:s8+$0x7160];
	v33 =	vmul.f32 v30, v17  }
0x528: {  	v30 =	vld [tilespmem:s8+$0x6D00];
	v34 =	vmul.f32 v32, v17  }
0x529: {  	[tilespmem:s8+$0xE100] =	vst v33;
	v33 =	vld [tilespmem:s8+$0x6500]  }
0x52a: {  	[tilespmem:s8+$0xE110] =	vst v34;
	v34 =	vld [tilespmem:s8+$0x6510]  }
0x52b: {  	v27 =	vld [tilespmem:s8+$0x7150]  }
0x52c: {  	v26 =	vld [tilespmem:s8+$0x7140]  }
0x52d: {  	v29 =	vld [tilespmem:s8+$0x7170]  }
0x52e: {  	v31 =	vld [tilespmem:s8+$0x6D10]  }
0x52f: {  	s6 =	simm.s32 $0x200;
	v32 =	vld [tilespmem:s8+$0x6900]  }
.LBB2_17:
0x530: {  	p0 =	sne.s32 s6, $0xE00;
	v40 =	vld [tilespmem:s8+$0x6570]  }
0x531: {  	v33 =	vld.idx.msk [tilespmem:v33+s4+$0x0], $0xffff  }
0x532: {  	v34 =	vld.idx.msk [tilespmem:v34+s4+$0x0], $0xffff  }
0x533: {  	v35 =	vld.idx.msk [tilespmem:v35+s4+$0x0], $0xffff  }
0x534: {  	v36 =	vld.idx.msk [tilespmem:v36+s4+$0x0], $0xffff  }
0x535: {  	v37 =	vld.idx.msk [tilespmem:v37+s4+$0x0], $0xffff  }
0x536: {  	v38 =	vld.idx.msk [tilespmem:v38+s4+$0x0], $0xffff  }
0x537: {  	v39 =	vld.idx.msk [tilespmem:v39+s4+$0x0], $0xffff  }
0x538: {  	v40 =	vld.idx.msk [tilespmem:v40+s4+$0x0], $0xffff;
	[tilespmem:s8+$0xE500] =	vst v33  }
0x539: {  	[tilespmem:s8+$0xE510] =	vst v34;
	v33 =	vld [tilespmem:s8+$0x6910]  }
0x53a: {  	[tilespmem:s8+$0xE520] =	vst v35;
	v34 =	vld [tilespmem:s8+$0x6920]  }
0x53b: {  	[tilespmem:s8+$0xE530] =	vst v36;
	v35 =	vld [tilespmem:s8+$0x6930]  }
0x53c: {  	[tilespmem:s8+$0xE540] =	vst v37;
	v36 =	vld [tilespmem:s8+$0x6940]  }
0x53d: {  	[tilespmem:s8+$0xE550] =	vst v38;
	v37 =	vld [tilespmem:s8+$0x6950]  }
0x53e: {  	[tilespmem:s8+$0xE560] =	vst v39;
	v38 =	vld [tilespmem:s8+$0x6960]  }
0x53f: {  	[tilespmem:s8+$0xE570] =	vst v40;
	v39 =	vld [tilespmem:s8+$0x6970]  }
0x540: {  	v32 =	vld.idx.msk [tilespmem:v32+s4+$0x0], $0xffff  }
0x541: {  	v33 =	vld.idx.msk [tilespmem:v33+s4+$0x0], $0xffff  }
0x542: {  	v34 =	vld.idx.msk [tilespmem:v34+s4+$0x0], $0xffff  }
0x543: {  	v35 =	vld.idx.msk [tilespmem:v35+s4+$0x0], $0xffff  }
0x544: {  	v36 =	vld.idx.msk [tilespmem:v36+s4+$0x0], $0xffff  }
0x545: {  	v37 =	vld.idx.msk [tilespmem:v37+s4+$0x0], $0xffff  }
0x546: {  	v38 =	vld.idx.msk [tilespmem:v38+s4+$0x0], $0xffff  }
0x547: {  	v39 =	vld.idx.msk [tilespmem:v39+s4+$0x0], $0xffff;
	[tilespmem:s8+$0xE900] =	vst v32  }
0x548: {  	[tilespmem:s8+$0xE910] =	vst v33;
	v32 =	vld [tilespmem:s8+$0x6D20]  }
0x549: {  	[tilespmem:s8+$0xE920] =	vst v34;
	v33 =	vld [tilespmem:s8+$0x6D30]  }
0x54a: {  	[tilespmem:s8+$0xE930] =	vst v35;
	v34 =	vld [tilespmem:s8+$0x6D40]  }
0x54b: {  	[tilespmem:s8+$0xE940] =	vst v36;
	v35 =	vld [tilespmem:s8+$0x6D50]  }
0x54c: {  	[tilespmem:s8+$0xE950] =	vst v37;
	v36 =	vld [tilespmem:s8+$0x6D60]  }
0x54d: {  	s7 =	sshra.s32 s6, $0x2;
	[tilespmem:s8+$0xE960] =	vst v38;
	v37 =	vld [tilespmem:s8+$0x6D70]  }
0x54e: {  	v38 =	vld [tilespmem:s7+$0x6100];
	[tilespmem:s8+$0xE970] =	vst v39  }
0x54f: {  	v30 =	vld.idx.msk [tilespmem:v30+s4+$0x0], $0xffff  }
0x550: {  	v31 =	vld.idx.msk [tilespmem:v31+s4+$0x0], $0xffff  }
0x551: {  	v32 =	vld.idx.msk [tilespmem:v32+s4+$0x0], $0xffff  }
0x552: {  	v33 =	vld.idx.msk [tilespmem:v33+s4+$0x0], $0xffff  }
0x553: {  	v34 =	vld.idx.msk [tilespmem:v34+s4+$0x0], $0xffff  }
0x554: {  	v35 =	vld.idx.msk [tilespmem:v35+s4+$0x0], $0xffff  }
0x555: {  	v36 =	vld.idx.msk [tilespmem:v36+s4+$0x0], $0xffff  }
0x556: {  	v37 =	vld.idx.msk [tilespmem:v37+s4+$0x0], $0xffff;
	[tilespmem:s8+$0xED00] =	vst v30  }
0x557: {  	v30 =	vld [tilespmem:s7+$0x6110];
	[tilespmem:s8+$0xED10] =	vst v31  }
0x558: {  	v31 =	vld [tilespmem:s7+$0x6120];
	[tilespmem:s8+$0xED20] =	vst v32  }
0x559: {  	v32 =	vld [tilespmem:s7+$0x6130];
	[tilespmem:s8+$0xED30] =	vst v33  }
0x55a: {  	v33 =	vld [tilespmem:s7+$0x6140];
	[tilespmem:s8+$0xED40] =	vst v34  }
0x55b: {  	v34 =	vld [tilespmem:s7+$0x6150];
	[tilespmem:s8+$0xED50] =	vst v35  }
0x55c: {  	v35 =	vld [tilespmem:s7+$0x6160];
	[tilespmem:s8+$0xED60] =	vst v36  }
0x55d: {  	v36 =	vld [tilespmem:s7+$0x6170];
	[tilespmem:s8+$0xED70] =	vst v37  }
0x55e: {  	v37 =	vadd.s32 $0xFFFFFF80, v38;
	v22 =	vld.idx.msk [tilespmem:v22+s4+$0x0], $0xffff  }
0x55f: {  	v30 =	vadd.s32 $0xFFFFFF80, v30;
	v31 =	vadd.s32 $0xFFFFFF80, v31;
	v32 =	vadd.s32 $0xFFFFFF80, v32;
	v23 =	vld.idx.msk [tilespmem:v23+s4+$0x0], $0xffff  }
0x560: {  	v30 =	vcvt.s32.f32 v30;
	v37 =	vcvt.s32.f32 v37;
	v33 =	vadd.s32 $0xFFFFFF80, v33;
	v25 =	vld.idx.msk [tilespmem:v25+s4+$0x0], $0xffff  }
0x561: {  	v31 =	vcvt.s32.f32 v31;
	v32 =	vcvt.s32.f32 v32;
	v34 =	vadd.s32 $0xFFFFFF80, v34;
	v24 =	vld.idx.msk [tilespmem:v24+s4+$0x0], $0xffff  }
0x562: {  	v33 =	vcvt.s32.f32 v33;
	v34 =	vcvt.s32.f32 v34;
	v35 =	vadd.s32 $0xFFFFFF80, v35;
	v26 =	vld.idx.msk [tilespmem:v26+s4+$0x0], $0xffff  }
0x563: {  	v37 =	vmul.f32 v37, v16;
	v35 =	vcvt.s32.f32 v35;
	v36 =	vadd.s32 $0xFFFFFF80, v36;
	v27 =	vld.idx.msk [tilespmem:v27+s4+$0x0], $0xffff  }
0x564: {  	v30 =	vmul.f32 v30, v16;
	v36 =	vcvt.s32.f32 v36;
	v28 =	vld.idx.msk [tilespmem:v28+s4+$0x0], $0xffff  }
0x565: {  	v31 =	vmul.f32 v31, v16;
	v32 =	vmul.f32 v32, v16;
	v37 =	vsub.f32 $0.0e+00, v37;
	v29 =	vld.idx.msk [tilespmem:v29+s4+$0x0], $0xffff;
	[tilespmem:s8+$0xF100] =	vst v22  }
0x566: {  	v22 =	vsub.f32 $0.0e+00, v30;
	v30 =	vmul.f32 v33, v16;
	v33 =	vmul.f32 v34, v16;
	[tilespmem:s8+$0xF110] =	vst v23;
	v23 =	vld [tilespmem:s8+$0x7510]  }
0x567: {  	v31 =	vsub.f32 $0.0e+00, v31;
	v35 =	vmul.f32 v35, v16;
	v34 =	vmul.f32 $1.442695020e+00, v37;
	[tilespmem:s8+$0xF120] =	vst v25;
	v25 =	vld [tilespmem:s8+$0x7520]  }
0x568: {  	v32 =	vsub.f32 $0.0e+00, v32;
	v36 =	vmul.f32 v36, v16;
	v22 =	vmul.f32 $1.442695020e+00, v22;
	[tilespmem:s8+$0xF130] =	vst v24;
	v24 =	vld [tilespmem:s8+$0x7530]  }
0x569: {  	v31 =	vmul.f32 $1.442695020e+00, v31;
	v30 =	vsub.f32 $0.0e+00, v30;
	(erf) = vpow2.f32 v34;
	[tilespmem:s8+$0xF140] =	vst v26;
	v26 =	vld [tilespmem:s8+$0x7540]  }
0x56a: {  	v32 =	vmul.f32 $1.442695020e+00, v32;
	v33 =	vsub.f32 $0.0e+00, v33;
	(erf) = vpow2.f32 v22;
	[tilespmem:s8+$0xF150] =	vst v27;
	v22 =	vld [tilespmem:s8+$0x7550]  }
0x56b: {  	v27 =	vmul.f32 $1.442695020e+00, v30;
	v30 =	vsub.f32 $0.0e+00, v35;
	(erf) = vpow2.f32 v31;
	[tilespmem:s8+$0xF160] =	vst v28;
	v28 =	vld [tilespmem:s8+$0x7560]  }
0x56c: {  	v31 =	vmul.f32 $1.442695020e+00, v33;
	v33 =	vsub.f32 $0.0e+00, v36;
	(erf) = vpow2.f32 v32;
	[tilespmem:s8+$0xF170] =	vst v29;
	v29 =	vld [tilespmem:s8+$0x7570]  }
0x56d: {  	v30 =	vmul.f32 $1.442695020e+00, v30;
	(erf) = vpow2.f32 v27;
	v21 =	vld.idx.msk [tilespmem:v21+s4+$0x0], $0xffff  }
0x56e: {  	v27 =	vmul.f32 $1.442695020e+00, v33;
	(erf) = vpow2.f32 v31;
	v23 =	vld.idx.msk [tilespmem:v23+s4+$0x0], $0xffff  }
0x56f: {  	(erf) = vpow2.f32 v30;
	v25 =	vld.idx.msk [tilespmem:v25+s4+$0x0], $0xffff  }
0x570: {  	(erf) = vpow2.f32 v27;
	v24 =	vld.idx.msk [tilespmem:v24+s4+$0x0], $0xffff  }
0x571: {  	v26 =	vld.idx.msk [tilespmem:v26+s4+$0x0], $0xffff  }
0x572: {  	v27 =	vpop (erf);
	v22 =	vld.idx.msk [tilespmem:v22+s4+$0x0], $0xffff  }
0x573: {  	v32 =	vadd.f32 $1.000000000e+00, v27;
	v30 =	vpop (erf);
	v28 =	vld.idx.msk [tilespmem:v28+s4+$0x0], $0xffff  }
0x574: {  	v33 =	vadd.f32 $1.000000000e+00, v30;
	v31 =	vpop (erf);
	v29 =	vld.idx.msk [tilespmem:v29+s4+$0x0], $0xffff;
	[tilespmem:s8+$0xF500] =	vst v21  }
0x575: {  	v31 =	vadd.f32 $1.000000000e+00, v31;
	(erf) = vrcp.f32 v32;
	v27 =	vpop (erf);
	[tilespmem:s8+$0xF510] =	vst v23;
	v23 =	vld [tilespmem:s8+$0x7910]  }
0x576: {  	v32 =	vadd.f32 $1.000000000e+00, v27;
	(erf) = vrcp.f32 v33;
	v30 =	vpop (erf);
	[tilespmem:s8+$0xF520] =	vst v25;
	v25 =	vld [tilespmem:s8+$0x7920]  }
0x577: {  	v33 =	vadd.f32 $1.000000000e+00, v30;
	(erf) = vrcp.f32 v31;
	v21 =	vpop (erf);
	[tilespmem:s8+$0xF530] =	vst v24;
	v24 =	vld [tilespmem:s8+$0x7930]  }
0x578: {  	v21 =	vadd.f32 $1.000000000e+00, v21;
	(erf) = vrcp.f32 v32;
	v27 =	vpop (erf);
	[tilespmem:s8+$0xF540] =	vst v26;
	v26 =	vld [tilespmem:s8+$0x7940]  }
0x579: {  	v27 =	vadd.f32 $1.000000000e+00, v27;
	(erf) = vrcp.f32 v33;
	v30 =	vpop (erf);
	[tilespmem:s8+$0xF550] =	vst v22;
	v22 =	vld [tilespmem:s8+$0x7950]  }
0x57a: {  	v30 =	vadd.f32 $1.000000000e+00, v30;
	(erf) = vrcp.f32 v21;
	[tilespmem:s8+$0xF560] =	vst v28;
	v21 =	vld [tilespmem:s8+$0x7960]  }
0x57b: {  	(erf) = vrcp.f32 v27;
	[tilespmem:s8+$0xF570] =	vst v29;
	v27 =	vld [tilespmem:s8+$0x7970]  }
0x57c: {  	(erf) = vrcp.f32 v30;
	v20 =	vld.idx.msk [tilespmem:v20+s4+$0x0], $0xffff  }
0x57d: {  	v23 =	vld.idx.msk [tilespmem:v23+s4+$0x0], $0xffff  }
0x57e: {  	v28 =	vpop (erf);
	v25 =	vld.idx.msk [tilespmem:v25+s4+$0x0], $0xffff  }
0x57f: {  	v29 =	vpop (erf);
	v24 =	vld.idx.msk [tilespmem:v24+s4+$0x0], $0xffff  }
0x580: {  	v30 =	vpop (erf);
	v26 =	vld.idx.msk [tilespmem:v26+s4+$0x0], $0xffff  }
0x581: {  	v31 =	vpop (erf);
	v22 =	vld.idx.msk [tilespmem:v22+s4+$0x0], $0xffff  }
0x582: {  	v28 =	vmul.f32 v28, v18;
	v32 =	vpop (erf);
	v21 =	vld.idx.msk [tilespmem:v21+s4+$0x0], $0xffff  }
0x583: {  	v29 =	vmul.f32 v29, v18;
	v30 =	vmul.f32 v30, v18;
	v33 =	vpop (erf);
	v27 =	vld.idx.msk [tilespmem:v27+s4+$0x0], $0xffff;
	[tilespmem:s8+$0xF900] =	vst v20  }
0x584: {  	v20 =	vmul.f32 v31, v18;
	v31 =	vmul.f32 v32, v18;
	v32 =	vpop (erf);
	[tilespmem:s8+$0xF910] =	vst v23;
	v23 =	vld [tilespmem:s8+$0x7D70]  }
0x585: {  	v30 =	vadd.f32 $5.000000000e-01, v30;
	v33 =	vmul.f32 v33, v18;
	v32 =	vmul.f32 v32, v18;
	v34 =	vpop (erf);
	[tilespmem:s8+$0xF920] =	vst v25;
	v25 =	vld [tilespmem:s8+$0x7D10]  }
0x586: {  	v20 =	vadd.f32 $5.000000000e-01, v20;
	v31 =	vadd.f32 $5.000000000e-01, v31;
	v34 =	vmul.f32 v34, v18;
	[tilespmem:s8+$0xF930] =	vst v24;
	v24 =	vld [tilespmem:s8+$0x7D20]  }
0x587: {  	v30 =	vtrunc.f32 v30;
	v33 =	vadd.f32 $5.000000000e-01, v33;
	v32 =	vadd.f32 $5.000000000e-01, v32;
	[tilespmem:s8+$0xF940] =	vst v26;
	v26 =	vld [tilespmem:s8+$0x7D30]  }
0x588: {  	v20 =	vtrunc.f32 v20;
	v31 =	vtrunc.f32 v31;
	v34 =	vadd.f32 $5.000000000e-01, v34;
	[tilespmem:s8+$0xF950] =	vst v22;
	v22 =	vld [tilespmem:s8+$0x7D40]  }
0x589: {  	v33 =	vtrunc.f32 v33;
	v32 =	vtrunc.f32 v32;
	[tilespmem:s8+$0xF960] =	vst v21;
	v21 =	vld [tilespmem:s8+$0x7D50]  }
0x58a: {  	v30 =	vcvt.f32.s32 v30;
	v34 =	vtrunc.f32 v34;
	[tilespmem:s8+$0xF970] =	vst v27;
	v27 =	vld [tilespmem:s8+$0x7D60]  }
0x58b: {  	v20 =	vcvt.f32.s32 v20;
	v34 =	vcvt.f32.s32 v34;
	v35 =	vld.idx.msk [tilespmem:v19+s4+$0x0], $0xffff  }
0x58c: {  	v19 =	vcvt.f32.s32 v31;
	v31 =	vcvt.f32.s32 v32;
	v23 =	vld.idx.msk [tilespmem:v23+s4+$0x0], $0xffff  }
0x58d: {  	vm0 =	vlt.s32 v30, $0x7F;
	v32 =	vcvt.f32.s32 v33;
	vm1 =	vlt.s32 v34, $0x7F;
	v33 =	vld.idx.msk [tilespmem:v25+s4+$0x0], $0xffff  }
0x58e: {  	vm2 =	vlt.s32 v20, $0x7F;
	vm3 =	vlt.s32 v31, $0x7F;
	v25 =	vnsel vm1, $0x7F, v34;
	v34 =	vld.idx.msk [tilespmem:v24+s4+$0x0], $0xffff  }
0x58f: {  	vm1 =	vlt.s32 v32, $0x7F;
	v24 =	vnsel vm3, $0x7F, v31;
	v25 =	vcvt.s32.f32 v25;
	v31 =	vld.idx.msk [tilespmem:v26+s4+$0x0], $0xffff  }
0x590: {  	vm3 =	vlt.s32 v19, $0x7F;
	v26 =	vnsel vm1, $0x7F, v32;
	v24 =	vcvt.s32.f32 v24;
	v32 =	vld.idx.msk [tilespmem:v22+s4+$0x0], $0xffff  }
0x591: {  	v19 =	vnsel vm3, $0x7F, v19;
	v22 =	vcvt.s32.f32 v26;
	v25 =	vmul.f32 v25, v17;
	v36 =	vld.idx.msk [tilespmem:v21+s4+$0x0], $0xffff  }
0x592: {  	v20 =	vnsel vm2, $0x7F, v20;
	v21 =	vcvt.s32.f32 v19;
	v24 =	vmul.f32 v24, v17;
	v26 =	vld.idx.msk [tilespmem:v27+s4+$0x0], $0xffff;
	[tilespmem:s8+$0xFD70] =	vst v23  }
0x593: {  	v23 =	vnsel vm0, $0x7F, v30;
	v27 =	vcvt.s32.f32 v20;
	v22 =	vmul.f32 v22, v17;
	[tilespmem:s7+$0xE170] =	vst v25;
	v19 =	vld [tilespmem:s7+$0x7D00]  }
0x594: {  	v23 =	vcvt.s32.f32 v23;
	v25 =	vmul.f32 v21, v17;
	[tilespmem:s7+$0xE160] =	vst v24;
	v20 =	vld [tilespmem:s7+$0x7900]  }
0x595: {  	v24 =	vadd.f32 $5.000000000e-01, v28;
	v27 =	vmul.f32 v27, v17;
	[tilespmem:s7+$0xE150] =	vst v22;
	v21 =	vld [tilespmem:s7+$0x7500]  }
0x596: {  	v28 =	vadd.f32 $5.000000000e-01, v29;
	v29 =	vmul.f32 v23, v17;
	[tilespmem:s7+$0xE140] =	vst v25;
	v22 =	vld [tilespmem:s7+$0x7100]  }
0x597: {  	v24 =	vtrunc.f32 v24;
	[tilespmem:s7+$0xE130] =	vst v27;
	v23 =	vld [tilespmem:s7+$0x7110]  }
0x598: {  	v27 =	vcvt.f32.s32 v24;
	v24 =	vtrunc.f32 v28;
	[tilespmem:s7+$0xE120] =	vst v29;
	v25 =	vld [tilespmem:s7+$0x7120]  }
0x599: {  	v28 =	vcvt.f32.s32 v24;
	v24 =	vld [tilespmem:s7+$0x7130];
	[tilespmem:s8+$0xFD60] =	vst v26  }
0x59a: {  	vm0 =	vlt.s32 v27, $0x7F;
	v26 =	vld [tilespmem:s7+$0x7140];
	[tilespmem:s8+$0xFD50] =	vst v36  }
0x59b: {  	v29 =	vnsel vm0, $0x7F, v27;
	vm0 =	vlt.s32 v28, $0x7F;
	v27 =	vld [tilespmem:s7+$0x7150];
	[tilespmem:s8+$0xFD40] =	vst v32  }
0x59c: {  	v30 =	vcvt.s32.f32 v29;
	v29 =	vnsel vm0, $0x7F, v28;
	v28 =	vld [tilespmem:s7+$0x7160];
	[tilespmem:s8+$0xFD30] =	vst v31  }
0x59d: {  	v31 =	vcvt.s32.f32 v29;
	v29 =	vld [tilespmem:s7+$0x7170];
	[tilespmem:s8+$0xFD20] =	vst v34  }
0x59e: {  	v32 =	vmul.f32 v30, v17;
	v30 =	vld [tilespmem:s7+$0x6D00];
	[tilespmem:s8+$0xFD10] =	vst v33  }
0x59f: {  	v33 =	vmul.f32 v31, v17;
	v31 =	vld [tilespmem:s7+$0x6D10];
	[tilespmem:s8+$0xFD00] =	vst v35;
	s8 =	smov.u32 s7  }
0x5a0: {  	[tilespmem:s8+$0xE100] =	vst v32;
	v32 =	vld [tilespmem:s8+$0x6900]  }
0x5a1: {  	[tilespmem:s8+$0xE110] =	vst v33;
	v33 =	vld [tilespmem:s8+$0x6500]  }
0x5a2: {  	v34 =	vld [tilespmem:s8+$0x6510]  }
.Ltmp11:
0x5a3: {  	v35 =	vld [tilespmem:s8+$0x6520];
	(pc) =	sbr.rel @p0 .LBB2_17-.Ltmp11, $4  }
0x5a4: {  	v36 =	vld [tilespmem:s8+$0x6530]  }
0x5a5: {  	v37 =	vld [tilespmem:s8+$0x6540]  }
0x5a6: {  	v38 =	vld [tilespmem:s8+$0x6550]  }
0x5a7: {  	s6 =	sadd.s32 $0x200, s6;
	v39 =	vld [tilespmem:s8+$0x6560]  }
0x5a8: {  	_ =	sdelay $0x2  }
0x5a9: {  	v40 =	vld [tilespmem:s8+$0x6570]  }
0x5aa: {  	v33 =	vld.idx.msk [tilespmem:v33+s4+$0x0], $0xffff  }
0x5ab: {  	v34 =	vld.idx.msk [tilespmem:v34+s4+$0x0], $0xffff  }
0x5ac: {  	v35 =	vld.idx.msk [tilespmem:v35+s4+$0x0], $0xffff  }
0x5ad: {  	v36 =	vld.idx.msk [tilespmem:v36+s4+$0x0], $0xffff  }
0x5ae: {  	v37 =	vld.idx.msk [tilespmem:v37+s4+$0x0], $0xffff  }
0x5af: {  	v38 =	vld.idx.msk [tilespmem:v38+s4+$0x0], $0xffff  }
0x5b0: {  	v39 =	vld.idx.msk [tilespmem:v39+s4+$0x0], $0xffff  }
0x5b1: {  	v40 =	vld.idx.msk [tilespmem:v40+s4+$0x0], $0xffff;
	[tilespmem:s8+$0xE500] =	vst v33  }
0x5b2: {  	v55 =	vld [tilespmem:s8+$0x6910];
	[tilespmem:s8+$0xE510] =	vst v34  }
0x5b3: {  	v56 =	vld [tilespmem:s8+$0x6920];
	[tilespmem:s8+$0xE520] =	vst v35  }
0x5b4: {  	v57 =	vld [tilespmem:s8+$0x6930];
	[tilespmem:s8+$0xE530] =	vst v36  }
0x5b5: {  	v58 =	vld [tilespmem:s8+$0x6940];
	[tilespmem:s8+$0xE540] =	vst v37  }
0x5b6: {  	v59 =	vld [tilespmem:s8+$0x6950];
	[tilespmem:s8+$0xE550] =	vst v38  }
0x5b7: {  	v60 =	vld [tilespmem:s8+$0x6960];
	[tilespmem:s8+$0xE560] =	vst v39  }
0x5b8: {  	v61 =	vld [tilespmem:s8+$0x6970];
	[tilespmem:s8+$0xE570] =	vst v40  }
0x5b9: {  	v32 =	vld.idx.msk [tilespmem:v32+s4+$0x0], $0xffff  }
0x5ba: {  	v33 =	vld.idx.msk [tilespmem:v55+s4+$0x0], $0xffff  }
0x5bb: {  	v34 =	vld.idx.msk [tilespmem:v56+s4+$0x0], $0xffff  }
0x5bc: {  	v35 =	vld.idx.msk [tilespmem:v57+s4+$0x0], $0xffff  }
0x5bd: {  	v36 =	vld.idx.msk [tilespmem:v58+s4+$0x0], $0xffff  }
0x5be: {  	v37 =	vld.idx.msk [tilespmem:v59+s4+$0x0], $0xffff  }
0x5bf: {  	v38 =	vld.idx.msk [tilespmem:v60+s4+$0x0], $0xffff  }
0x5c0: {  	v39 =	vld.idx.msk [tilespmem:v61+s4+$0x0], $0xffff;
	[tilespmem:s8+$0xE900] =	vst v32  }
0x5c1: {  	[tilespmem:s8+$0xE910] =	vst v33  }
0x5c2: {  	v62 =	vld [tilespmem:s8+$0x6D20];
	[tilespmem:s8+$0xE920] =	vst v34  }
0x5c3: {  	v63 =	vld [tilespmem:s8+$0x6D30];
	[tilespmem:s8+$0xE930] =	vst v35  }
0x5c4: {  	v41 =	vld [tilespmem:s8+$0x6D50];
	[tilespmem:s8+$0xE940] =	vst v36  }
0x5c5: {  	v42 =	vld [tilespmem:s8+$0x6D60];
	[tilespmem:s8+$0xE950] =	vst v37  }
0x5c6: {  	v43 =	vld [tilespmem:s8+$0x6D70];
	[tilespmem:s8+$0xE960] =	vst v38  }
0x5c7: {  	v40 =	vld [tilespmem:s8+$0x6D40];
	[tilespmem:s8+$0xE970] =	vst v39  }
0x5c8: {  	v30 =	vld.idx.msk [tilespmem:v30+s4+$0x0], $0xffff  }
0x5c9: {  	v31 =	vld.idx.msk [tilespmem:v31+s4+$0x0], $0xffff  }
0x5ca: {  	v32 =	vld.idx.msk [tilespmem:v62+s4+$0x0], $0xffff  }
0x5cb: {  	v33 =	vld.idx.msk [tilespmem:v63+s4+$0x0], $0xffff  }
0x5cc: {  	v35 =	vld.idx.msk [tilespmem:v41+s4+$0x0], $0xffff  }
0x5cd: {  	v36 =	vld.idx.msk [tilespmem:v42+s4+$0x0], $0xffff  }
0x5ce: {  	v37 =	vld.idx.msk [tilespmem:v43+s4+$0x0], $0xffff  }
0x5cf: {  	v34 =	vld.idx.msk [tilespmem:v40+s4+$0x0], $0xffff;
	[tilespmem:s8+$0xED00] =	vst v30  }
0x5d0: {  	[tilespmem:s8+$0xED10] =	vst v31  }
0x5d1: {  	[tilespmem:s8+$0xED20] =	vst v32  }
0x5d2: {  	[tilespmem:s8+$0xED30] =	vst v33  }
0x5d3: {  	[tilespmem:s8+$0xED50] =	vst v35  }
0x5d4: {  	[tilespmem:s8+$0xED60] =	vst v36  }
0x5d5: {  	[tilespmem:s8+$0xED70] =	vst v37  }
0x5d6: {  	[tilespmem:s8+$0xED40] =	vst v34  }
0x5d7: {  	v22 =	vld.idx.msk [tilespmem:v22+s4+$0x0], $0xffff  }
0x5d8: {  	v23 =	vld.idx.msk [tilespmem:v23+s4+$0x0], $0xffff  }
0x5d9: {  	v25 =	vld.idx.msk [tilespmem:v25+s4+$0x0], $0xffff  }
0x5da: {  	v24 =	vld.idx.msk [tilespmem:v24+s4+$0x0], $0xffff  }
0x5db: {  	v26 =	vld.idx.msk [tilespmem:v26+s4+$0x0], $0xffff  }
0x5dc: {  	v27 =	vld.idx.msk [tilespmem:v27+s4+$0x0], $0xffff  }
0x5dd: {  	v28 =	vld.idx.msk [tilespmem:v28+s4+$0x0], $0xffff  }
0x5de: {  	v29 =	vld.idx.msk [tilespmem:v29+s4+$0x0], $0xffff;
	[tilespmem:s8+$0xF100] =	vst v22  }
0x5df: {  	v44 =	vld [tilespmem:s8+$0x7510];
	[tilespmem:s8+$0xF110] =	vst v23  }
0x5e0: {  	v45 =	vld [tilespmem:s8+$0x7520];
	[tilespmem:s8+$0xF120] =	vst v25  }
0x5e1: {  	v46 =	vld [tilespmem:s8+$0x7530];
	[tilespmem:s8+$0xF130] =	vst v24  }
0x5e2: {  	v47 =	vld [tilespmem:s8+$0x7540];
	[tilespmem:s8+$0xF140] =	vst v26  }
0x5e3: {  	v48 =	vld [tilespmem:s8+$0x7550];
	[tilespmem:s8+$0xF150] =	vst v27  }
0x5e4: {  	v49 =	vld [tilespmem:s8+$0x7560];
	[tilespmem:s8+$0xF160] =	vst v28  }
0x5e5: {  	v50 =	vld [tilespmem:s8+$0x7570];
	[tilespmem:s8+$0xF170] =	vst v29  }
0x5e6: {  	v21 =	vld.idx.msk [tilespmem:v21+s4+$0x0], $0xffff  }
0x5e7: {  	v22 =	vld.idx.msk [tilespmem:v44+s4+$0x0], $0xffff  }
0x5e8: {  	v23 =	vld.idx.msk [tilespmem:v45+s4+$0x0], $0xffff  }
0x5e9: {  	v24 =	vld.idx.msk [tilespmem:v46+s4+$0x0], $0xffff  }
0x5ea: {  	v25 =	vld.idx.msk [tilespmem:v47+s4+$0x0], $0xffff  }
0x5eb: {  	v26 =	vld.idx.msk [tilespmem:v48+s4+$0x0], $0xffff  }
0x5ec: {  	v27 =	vld.idx.msk [tilespmem:v49+s4+$0x0], $0xffff  }
0x5ed: {  	v28 =	vld.idx.msk [tilespmem:v50+s4+$0x0], $0xffff;
	[tilespmem:s8+$0xF500] =	vst v21  }
0x5ee: {  	v51 =	vld [tilespmem:s8+$0x7910];
	[tilespmem:s8+$0xF510] =	vst v22  }
0x5ef: {  	v52 =	vld [tilespmem:s8+$0x7920];
	[tilespmem:s8+$0xF520] =	vst v23  }
0x5f0: {  	v53 =	vld [tilespmem:s8+$0x7930];
	[tilespmem:s8+$0xF530] =	vst v24  }
0x5f1: {  	v54 =	vld [tilespmem:s8+$0x7940];
	[tilespmem:s8+$0xF540] =	vst v25  }
0x5f2: {  	v55 =	vld [tilespmem:s8+$0x7950];
	[tilespmem:s8+$0xF550] =	vst v26  }
0x5f3: {  	v56 =	vld [tilespmem:s8+$0x7960];
	[tilespmem:s8+$0xF560] =	vst v27  }
0x5f4: {  	v57 =	vld [tilespmem:s8+$0x7970];
	[tilespmem:s8+$0xF570] =	vst v28  }
0x5f5: {  	v20 =	vld.idx.msk [tilespmem:v20+s4+$0x0], $0xffff  }
0x5f6: {  	v21 =	vld.idx.msk [tilespmem:v51+s4+$0x0], $0xffff  }
0x5f7: {  	v22 =	vld.idx.msk [tilespmem:v52+s4+$0x0], $0xffff  }
0x5f8: {  	v23 =	vld.idx.msk [tilespmem:v53+s4+$0x0], $0xffff  }
0x5f9: {  	v24 =	vld.idx.msk [tilespmem:v54+s4+$0x0], $0xffff  }
0x5fa: {  	v25 =	vld.idx.msk [tilespmem:v55+s4+$0x0], $0xffff  }
0x5fb: {  	v26 =	vld.idx.msk [tilespmem:v56+s4+$0x0], $0xffff  }
0x5fc: {  	v27 =	vld.idx.msk [tilespmem:v57+s4+$0x0], $0xffff;
	[tilespmem:s8+$0xF900] =	vst v20  }
0x5fd: {  	v58 =	vld [tilespmem:s8+$0x7D10];
	[tilespmem:s8+$0xF910] =	vst v21  }
0x5fe: {  	v63 =	vld [tilespmem:s8+$0x7D60];
	[tilespmem:s8+$0xF920] =	vst v22  }
0x5ff: {  	v62 =	vld [tilespmem:s8+$0x7D50];
	[tilespmem:s8+$0xF930] =	vst v23  }
0x600: {  	v61 =	vld [tilespmem:s8+$0x7D40];
	[tilespmem:s8+$0xF940] =	vst v24  }
0x601: {  	v60 =	vld [tilespmem:s8+$0x7D30];
	[tilespmem:s8+$0xF950] =	vst v25  }
0x602: {  	v59 =	vld [tilespmem:s8+$0x7D20];
	[tilespmem:s8+$0xF960] =	vst v26  }
0x603: {  	v20 =	vld [tilespmem:s8+$0x7D70];
	[tilespmem:s8+$0xF970] =	vst v27  }
0x604: {  	v19 =	vld.idx.msk [tilespmem:v19+s4+$0x0], $0xffff  }
0x605: {  	v21 =	vld.idx.msk [tilespmem:v58+s4+$0x0], $0xffff  }
0x606: {  	v26 =	vld.idx.msk [tilespmem:v63+s4+$0x0], $0xffff  }
0x607: {  	v25 =	vld.idx.msk [tilespmem:v62+s4+$0x0], $0xffff  }
0x608: {  	v24 =	vld.idx.msk [tilespmem:v61+s4+$0x0], $0xffff  }
0x609: {  	v23 =	vld.idx.msk [tilespmem:v60+s4+$0x0], $0xffff  }
0x60a: {  	v22 =	vld.idx.msk [tilespmem:v59+s4+$0x0], $0xffff  }
0x60b: {  	v20 =	vld.idx.msk [tilespmem:v20+s4+$0x0], $0xffff;
	[tilespmem:s8+$0xFD60] =	vst v26  }
0x60c: {  	[tilespmem:s8+$0xFD50] =	vst v25  }
0x60d: {  	[tilespmem:s8+$0xFD40] =	vst v24  }
0x60e: {  	[tilespmem:s8+$0xFD30] =	vst v23  }
.Ltmp12:
0x60f: {  	[tilespmem:s8+$0xFD20] =	vst v22;
	(pc) =	sbr.rel @p2 .LBB2_20-.Ltmp12, $4  }
0x610: {  	[tilespmem:s8+$0xFD10] =	vst v21  }
0x611: {  	[tilespmem:s8+$0xFD00] =	vst v19  }
0x612: {  	s6 =	sadd.s32 $0xC00, s18;
	[tilespmem:s8+$0xFD70] =	vst v20  }
0x613: {  	[hbm4b:s6+s4] =	stream.linear.scatter [tilespmem:s23], [sflag:$0x8], $0x2000, $0x38;
	[tilespmem:$0x10200] =	vst v63  }
.Ltmp13:
0x614: {  	(pc) =	sbr.rel .LBB2_2-.Ltmp13, $4  }
0x615: {  	s6 =	sadd.s32 s12, s17  }
0x616: {  	s6 =	sshll.u32 s6, $0xA  }
0x617: {  	s10 =	sadd.s32 $0x1, s10;
	s6 =	sadd.s32 s0, s6  }
0x618: {  	[tilespmem:s25], [sflag:$0x4] =	stream.linear.gather [hbm4b:s6+s4], $0x2000, $0x38;
	[tilespmem:$0x10200] =	vst v63  }
.LBB2_21:
0x619: {  	_ =	sfence.sel $0x180000  }
0x61a: {  	[bflag:$0x0] =	sbarrier.arrive $0xFFFF  }
0x61b: {  	_ =	strace $0x90000047  }
0x61c: {  	s0 =	stileid.u32;
	[bflag:$0x2] =	sbarrier.arrive $0xFFFF  }
0x61d: {  	p0 =	sne.s32 s0, $0x0;
	s0 =	rddreg [dreg:$0x3]  }
0x61e: {  	s0 =	sadd.s32 @!p0 $0x100000, s0  }
0x61f: {  	[sflag:s0] =	ssyncadd.tile.s32 @!p0 $0x1;
	_ =	shalt  }
.Lfunc_end2:
_tile_overlayer_lowered:
.L_overlay_start_2:
0x620: {  	(tag) =	ssettag $0x2  }
0x621: {  	s0 =	rddreg [dreg:$0x0];
	s2 =	stileid.u32  }
0x622: {  	s1 =	rddreg [dreg:$0x1];
	p0 =	sne.s32 s2, $0x0  }
0x623: {  	s3 =	rddreg [dreg:$0x2];
	[bflag:$0x3] =	sbarrier.arrive $0xFFFF;
	s2 =	simm.s32 @!p0 $0x1C09  }
0x624: {  	[timem:s3], [sflag:s2] =	dma.local @!p0 [hbm:s0], s1  }
0x625: {  	s0 =	simm.s32 @!p0 $0x9  }
0x626: {  	_ =	swait.ge @!p0 [sflag:s0], s1  }
0x627: {  	s1 =	ssub.s32 @!p0 $0x0, s1;
	[sflag:s0] =	ssyncset.done @!p0 $0x0  }
0x628: {  	[sflag:s0] =	ssyncadd.s32 @!p0 s1  }
0x629: {  	[bflag:$0x3] =	sbarrier.arrive $0xFFFF  }
0x62a: {  	_ =	shalt  }

</sc_bundles>
